<compile_context>
chip_gen: v7x
topology: tpu7x:2x2x1
jax: 0.10.2.dev20260603
libtpu: 0.0.44.dev20260713+nightly
codegen_flags: <defaults>
</compile_context>

<pallas_src>
import functools

import jax
import jax.numpy as jnp
from jax import lax
from jax.experimental import pallas as pl
from jax.experimental.pallas import tpu as pltpu
from jax.experimental.pallas import tpu_sc as plsc

_T, _D, _E, _H = 2048, 768, 8, 768
_P = 2 * _T
_BLK = 512
_NB = 15
_PP = _NB * _BLK
_NW = 32


def _route_body(x_ref, wg_ref, g0_ref, g1_ref, d0_ref, d1_ref, be_ref,
                loss_ref):
    x = x_ref[...]
    wg = wg_ref[...]
    logits = jnp.dot(x, wg, preferred_element_type=jnp.float32)
    eidx = lax.broadcasted_iota(jnp.int32, logits.shape, 1)
    m1 = jnp.max(logits, axis=1, keepdims=True)
    e1 = jnp.min(jnp.where(logits == m1, eidx, _E), axis=1, keepdims=True)
    oh1 = eidx == e1
    masked = jnp.where(oh1, -jnp.inf, logits)
    m2 = jnp.max(masked, axis=1, keepdims=True)
    e2 = jnp.min(jnp.where(masked == m2, eidx, _E), axis=1, keepdims=True)
    oh2 = eidx == e2
    b = jnp.exp(m2 - m1)
    ga = 1.0 / (1.0 + b)
    gb = b / (1.0 + b)
    g0_ref[...] = ga
    g1_ref[...] = gb
    gates = jnp.where(oh1, ga, 0.0) + jnp.where(oh2, gb, 0.0)
    imp = jnp.sum(gates, axis=0, keepdims=True)
    lod = jnp.sum((gates > 0).astype(jnp.float32), axis=0, keepdims=True)

    def cv_sq(v):
        m = jnp.sum(v) * (1.0 / _E)
        var = jnp.sum((v - m) ** 2) * (1.0 / _E)
        return var / (m * m + 1e-10)

    loss_ref[...] = jnp.full((1, 1), cv_sq(imp) + cv_sq(lod),
                             dtype=jnp.float32)

    oh_all = jnp.concatenate([oh1.astype(jnp.float32),
                              oh2.astype(jnp.float32)], axis=0)
    rtri = lax.broadcasted_iota(jnp.int32, (_BLK, _BLK), 0)
    ctri = lax.broadcasted_iota(jnp.int32, (_BLK, _BLK), 1)
    ltri = (rtri > ctri).astype(jnp.float32)
    ranks = []
    carry = jnp.zeros((1, _E), jnp.float32)
    for c in range(_P // _BLK):
        blk = lax.slice_in_dim(oh_all, c * _BLK, (c + 1) * _BLK, axis=0)
        ranks.append(jnp.dot(ltri, blk, preferred_element_type=jnp.float32)
                     + carry)
        carry = carry + jnp.sum(blk, axis=0, keepdims=True)
    rank = jnp.concatenate(ranks, axis=0)
    counts = carry
    nblk = jnp.floor((counts + (_BLK - 1)) * (1.0 / _BLK))
    er = lax.broadcasted_iota(jnp.int32, (_E, _E), 0)
    ec = lax.broadcasted_iota(jnp.int32, (_E, _E), 1)
    before = (er < ec).astype(jnp.float32)
    blkoff = jnp.dot(nblk, before, preferred_element_type=jnp.float32)
    padoff = _BLK * blkoff
    dest = jnp.sum((rank + padoff) * oh_all, axis=1, keepdims=True)
    d0_ref[...] = dest[:_T].astype(jnp.int32)
    d1_ref[...] = dest[_T:].astype(jnp.int32)
    cumblk = (blkoff + nblk).astype(jnp.int32)
    bi = lax.broadcasted_iota(jnp.int32, (_NB, _E), 0)
    be = jnp.sum((bi >= cumblk).astype(jnp.int32), axis=1)
    be_ref[...] = be.astype(jnp.int32)[None, :]


def _dispatch_body(x_hbm, d0_hbm, d1_hbm, xg_hbm, idx_v, rows_v, sem1):
    wid = lax.axis_index("s") * 2 + lax.axis_index("c")
    slot = wid // 16
    t0 = (wid % 16) * 128

    @pl.when(slot == 0)
    def _():
        pltpu.sync_copy(d0_hbm.at[pl.ds(t0, 128)], idx_v)

    @pl.when(slot == 1)
    def _():
        pltpu.sync_copy(d1_hbm.at[pl.ds(t0, 128)], idx_v)

    pltpu.sync_copy(x_hbm.at[pl.ds(t0, 128)], rows_v)
    pltpu.async_copy(rows_v, xg_hbm.at[idx_v], sem1).wait()


def _combine_body(yw_hbm, d0_hbm, d1_hbm, g0_hbm, g1_hbm, out_hbm,
                  i0_v, i1_v, g0_v, g1_v, r0_v, r1_v, sem0, sem1,
                  sem2, sem3):
    wid = lax.axis_index("s") * 2 + lax.axis_index("c")
    t0 = wid * 64
    pltpu.sync_copy(d0_hbm.at[pl.ds(t0, 64)], i0_v)
    pltpu.sync_copy(d1_hbm.at[pl.ds(t0, 64)], i1_v)
    pltpu.sync_copy(g0_hbm.at[pl.ds(t0, 64)], g0_v.at[pl.ds(0, 64)])
    pltpu.sync_copy(g1_hbm.at[pl.ds(t0, 64)], g1_v.at[pl.ds(0, 64)])
    cps = []
    for half, sems in ((0, (sem0, sem1)), (1, (sem2, sem3))):
        rs = pl.ds(half * 32, 32)
        cps.append(pltpu.async_copy(yw_hbm.at[i0_v.at[rs]], r0_v.at[rs],
                                    sems[0]))
        cps.append(pltpu.async_copy(yw_hbm.at[i1_v.at[rs]], r1_v.at[rs],
                                    sems[1]))

    def row(i, _):
        g0 = g0_v[pl.ds(i, 16)][0]
        g1 = g1_v[pl.ds(i, 16)][0]
        for c in range(_D // 16):
            sl = pl.ds(c * 16, 16)
            r0_v[i, sl] = g0 * r0_v[i, sl] + g1 * r1_v[i, sl]
        return 0

    cps[0].wait()
    cps[1].wait()
    lax.fori_loop(0, 32, row, 0)
    cps[2].wait()
    cps[3].wait()
    lax.fori_loop(32, 64, row, 0)
    pltpu.sync_copy(r0_v, out_hbm.at[pl.ds(t0, 64)])


def _ffn_body(be_ref, xg_ref, w1_ref, b1_ref, w2_ref, b2_ref, yw_ref):
    i = pl.program_id(0)

    @pl.when(be_ref[i] < _E)
    def _():
        h = jnp.dot(xg_ref[...], w1_ref[0],
                    preferred_element_type=jnp.float32)
        h = jnp.maximum(h + b1_ref[0], 0.0)
        y = jnp.dot(h, w2_ref[0], preferred_element_type=jnp.float32)
        yw_ref[...] = y + b2_ref[0]


def kernel(x, w_gate, W1, b1, W2, b2):
    g0, g1, d0, d1, be, loss = pl.pallas_call(
        _route_body,
        grid=(1,),
        in_specs=[
            pl.BlockSpec((_T, _D), lambda i: (0, 0)),
            pl.BlockSpec((_D, _E), lambda i: (0, 0)),
        ],
        out_specs=[
            pl.BlockSpec((_T, 1), lambda i: (0, 0)),
            pl.BlockSpec((_T, 1), lambda i: (0, 0)),
            pl.BlockSpec((_T, 1), lambda i: (0, 0)),
            pl.BlockSpec((_T, 1), lambda i: (0, 0)),
            pl.BlockSpec((1, _NB), lambda i: (0, 0)),
            pl.BlockSpec((1, 1), lambda i: (0, 0)),
        ],
        out_shape=[
            jax.ShapeDtypeStruct((_T, 1), jnp.float32),
            jax.ShapeDtypeStruct((_T, 1), jnp.float32),
            jax.ShapeDtypeStruct((_T, 1), jnp.int32),
            jax.ShapeDtypeStruct((_T, 1), jnp.int32),
            jax.ShapeDtypeStruct((1, _NB), jnp.int32),
            jax.ShapeDtypeStruct((1, 1), jnp.float32),
        ],
    )(x, w_gate)

    d0f, d1f = d0.reshape(_T), d1.reshape(_T)
    g0f, g1f = g0.reshape(_T), g1.reshape(_T)

    mesh = plsc.VectorSubcoreMesh(core_axis_name="c", subcore_axis_name="s")

    dispatch = functools.partial(
        pl.kernel,
        mesh=mesh,
        out_type=jax.ShapeDtypeStruct((_PP, _D), jnp.float32),
        scratch_types=[
            pltpu.VMEM((128,), jnp.int32),
            pltpu.VMEM((128, _D), jnp.float32),
            pltpu.SemaphoreType.DMA,
        ],
    )(_dispatch_body)
    xg = dispatch(x, d0f, d1f)

    grid_spec = pltpu.PrefetchScalarGridSpec(
        num_scalar_prefetch=1,
        grid=(_NB,),
        in_specs=[
            pl.BlockSpec((_BLK, _D), lambda i, be: (i, 0)),
            pl.BlockSpec((1, _D, _H),
                         lambda i, be: (jnp.minimum(be[i], _E - 1), 0, 0)),
            pl.BlockSpec((1, 1, _H),
                         lambda i, be: (jnp.minimum(be[i], _E - 1), 0, 0)),
            pl.BlockSpec((1, _H, _D),
                         lambda i, be: (jnp.minimum(be[i], _E - 1), 0, 0)),
            pl.BlockSpec((1, 1, _D),
                         lambda i, be: (jnp.minimum(be[i], _E - 1), 0, 0)),
        ],
        out_specs=pl.BlockSpec((_BLK, _D), lambda i, be: (i, 0)),
    )
    yw = pl.pallas_call(
        _ffn_body,
        grid_spec=grid_spec,
        out_shape=jax.ShapeDtypeStruct((_PP, _D), jnp.float32),
    )(be.reshape(_NB), xg, W1,
      b1.reshape(_E, 1, _H), W2, b2.reshape(_E, 1, _D))

    combine = functools.partial(
        pl.kernel,
        mesh=mesh,
        out_type=jax.ShapeDtypeStruct((_T, _D), jnp.float32),
        scratch_types=[
            pltpu.VMEM((64,), jnp.int32),
            pltpu.VMEM((64,), jnp.int32),
            pltpu.VMEM((80,), jnp.float32),
            pltpu.VMEM((80,), jnp.float32),
            pltpu.VMEM((64, _D), jnp.float32),
            pltpu.VMEM((64, _D), jnp.float32),
            pltpu.SemaphoreType.DMA,
            pltpu.SemaphoreType.DMA,
            pltpu.SemaphoreType.DMA,
            pltpu.SemaphoreType.DMA,
        ],
    )(_combine_body)
    out = combine(yw, d0f, d1f, g0f, g1f)

    return out, loss[0, 0]

# --- scband reference (transcript-rebuilt; emitter-appended) ---
"""Pipeline reference for scband-moemodel-39865886442142 (READ-ONLY COPY).

The authoritative reference and input builder live on the scoring server;
editing this copy changes nothing except your own understanding.
"""

import jax, jax.numpy as jnp
import numpy as np

T, D, E, H, TOPK = 2048, 768, 8, 768, 2

def setup_inputs(seed: int = 0) -> dict:
    key = jax.random.key(seed)
    ks = jax.random.split(key, 6)
    x = jax.random.normal(ks[0], (T, D), dtype=jnp.float32)
    w_gate = jax.random.normal(ks[1], (D, E), dtype=jnp.float32) * 0.02
    W1 = jax.random.normal(ks[2], (E, D, H), dtype=jnp.float32) * (1.0 / np.sqrt(D))
    b1 = jnp.zeros((E, H), dtype=jnp.float32)
    W2 = jax.random.normal(ks[3], (E, H, D), dtype=jnp.float32) * (1.0 / np.sqrt(H))
    b2 = jnp.zeros((E, D), dtype=jnp.float32)
    return {"x": x, "w_gate": w_gate, "W1": W1, "b1": b1, "W2": W2, "b2": b2}

def _cv_squared(v):
    eps = 1e-10
    return jnp.var(v) / (jnp.mean(v) ** 2 + eps)

def reference(x, w_gate, W1, b1, W2, b2):
    # Noisy top-k gating (eval mode: noise disabled), Shazeer-style MoE.
    logits = x @ w_gate                                   # [T, E]
    top_vals, top_idx = jax.lax.top_k(logits, TOPK)       # [T, k]
    top_gates = jax.nn.softmax(top_vals, axis=-1)         # softmax over selected experts
    gates = jnp.zeros((x.shape[0], w_gate.shape[1]), dtype=x.dtype)
    gates = gates.at[jnp.arange(x.shape[0])[:, None], top_idx].set(top_gates)  # sparse [T, E]
    # Expert MLPs; non-selected experts contribute 0 via zero gate (math identical to sparse dispatch).
    h = jnp.einsum('td,edh->teh', x, W1) + b1[None, :, :]
    h = jax.nn.relu(h)
    y = jnp.einsum('teh,ehd->ted', h, W2) + b2[None, :, :]
    out = jnp.einsum('te,ted->td', gates, y)              # [T, D]
    importance = gates.sum(axis=0)
    load = (gates > 0).astype(x.dtype).sum(axis=0)
    moe_loss = _cv_squared(importance) + _cv_squared(load)
    return out, moe_loss

if __name__ == "__main__":
    import jax
    _d = setup_inputs()
    print(jax.jit(kernel)(*tuple(_d.values())))

</pallas_src>

<mosaic_0001>
#map = affine_map<(d0, d1) -> (0, 0)>
#map1 = affine_map<(d0, d1) -> (0)>
module attributes {stable_mosaic.version = 14 : i64} {
  func.func @_combine_body(%arg0: i32, %arg1: i32, %arg2: memref<7680x768xf32, #tpu.memory_space<hbm>>, %arg3: memref<2048xi32, #tpu.memory_space<hbm>>, %arg4: memref<2048xi32, #tpu.memory_space<hbm>>, %arg5: memref<2048xf32, #tpu.memory_space<hbm>>, %arg6: memref<2048xf32, #tpu.memory_space<hbm>>, %arg7: memref<2048x768xf32, #tpu.memory_space<hbm>>, %arg8: memref<64xi32, #tpu.memory_space<vmem>>, %arg9: memref<64xi32, #tpu.memory_space<vmem>>, %arg10: memref<80xf32, #tpu.memory_space<vmem>>, %arg11: memref<80xf32, #tpu.memory_space<vmem>>, %arg12: memref<64x768xf32, #tpu.memory_space<vmem>>, %arg13: memref<64x768xf32, #tpu.memory_space<vmem>>, %arg14: memref<!tpu.dma_semaphore, #tpu.memory_space<semaphore_mem>>, %arg15: memref<!tpu.dma_semaphore, #tpu.memory_space<semaphore_mem>>, %arg16: memref<!tpu.dma_semaphore, #tpu.memory_space<semaphore_mem>>, %arg17: memref<!tpu.dma_semaphore, #tpu.memory_space<semaphore_mem>>) attributes {dimension_semantics = [#tpu.dimension_semantics<core_parallel>, #tpu.dimension_semantics<subcore_parallel>], iteration_bounds = array<i64: 2, 16>, scalar_prefetch = 0 : i64, scratch_operands = 10 : i64, tpu.core_type = #tpu.core_type<sc_vector_subcore>, window_params = [{transform_indices = #map}, {transform_indices = #map1}, {transform_indices = #map1}, {transform_indices = #map1}, {transform_indices = #map1}, {transform_indices = #map}]} {
    %mul3A = arith.constant 2 : i32
    %mul3A_0 = arith.muli %arg1, %mul3A : i32
    %add3A = arith.addi %mul3A_0, %arg0 : i32
    %mul3A_1 = arith.constant 64 : i32
    %mul3A_2 = arith.muli %add3A, %mul3A_1 : i32
    "tpu.region"() ({
      %run_scoped3A = tpu.sem_alloc : memref<!tpu.dma_semaphore, #tpu.memory_space<semaphore_mem>>
      %dma_start3A_78 = tpu.memref_slice %arg3[%mul3A_2] : memref<2048xi32, #tpu.memory_space<hbm>> -> memref<64xi32, #tpu.memory_space<hbm>>
      %dma_start3A_79 = tpu.memref_slice %arg3[%mul3A_2] : memref<2048xi32, #tpu.memory_space<hbm>> -> memref<64xi32, #tpu.memory_space<hbm>>
      tpu.enqueue_dma source(%dma_start3A_79 : memref<64xi32, #tpu.memory_space<hbm>>) target(%arg8 : memref<64xi32, #tpu.memory_space<vmem>>) target_semaphore(%run_scoped3A : memref<!tpu.dma_semaphore, #tpu.memory_space<semaphore_mem>>)
      %dma_wait3A_80 = tpu.memref_slice %arg3[%mul3A_2] : memref<2048xi32, #tpu.memory_space<hbm>> -> memref<64xi32, #tpu.memory_space<hbm>>
      %dma_wait3A_81 = tpu.memref_slice %arg3[%mul3A_2] : memref<2048xi32, #tpu.memory_space<hbm>> -> memref<64xi32, #tpu.memory_space<hbm>>
      tpu.wait_dma2 semaphore(%run_scoped3A : memref<!tpu.dma_semaphore, #tpu.memory_space<semaphore_mem>>) src(%dma_wait3A_81 : memref<64xi32, #tpu.memory_space<hbm>>) dst(%arg8 : memref<64xi32, #tpu.memory_space<vmem>>)
      tpu.yield
    }) : () -> ()
    "tpu.region"() ({
      %run_scoped3A = tpu.sem_alloc : memref<!tpu.dma_semaphore, #tpu.memory_space<semaphore_mem>>
      %dma_start3A_78 = tpu.memref_slice %arg4[%mul3A_2] : memref<2048xi32, #tpu.memory_space<hbm>> -> memref<64xi32, #tpu.memory_space<hbm>>
      %dma_start3A_79 = tpu.memref_slice %arg4[%mul3A_2] : memref<2048xi32, #tpu.memory_space<hbm>> -> memref<64xi32, #tpu.memory_space<hbm>>
      tpu.enqueue_dma source(%dma_start3A_79 : memref<64xi32, #tpu.memory_space<hbm>>) target(%arg9 : memref<64xi32, #tpu.memory_space<vmem>>) target_semaphore(%run_scoped3A : memref<!tpu.dma_semaphore, #tpu.memory_space<semaphore_mem>>)
      %dma_wait3A_80 = tpu.memref_slice %arg4[%mul3A_2] : memref<2048xi32, #tpu.memory_space<hbm>> -> memref<64xi32, #tpu.memory_space<hbm>>
      %dma_wait3A_81 = tpu.memref_slice %arg4[%mul3A_2] : memref<2048xi32, #tpu.memory_space<hbm>> -> memref<64xi32, #tpu.memory_space<hbm>>
      tpu.wait_dma2 semaphore(%run_scoped3A : memref<!tpu.dma_semaphore, #tpu.memory_space<semaphore_mem>>) src(%dma_wait3A_81 : memref<64xi32, #tpu.memory_space<hbm>>) dst(%arg9 : memref<64xi32, #tpu.memory_space<vmem>>)
      tpu.yield
    }) : () -> ()
    "tpu.region"() ({
      %run_scoped3A = tpu.sem_alloc : memref<!tpu.dma_semaphore, #tpu.memory_space<semaphore_mem>>
      %dma_start3A_78 = arith.constant 0 : i32
      %dma_start3A_79 = tpu.memref_slice %arg10[%dma_start3A_78] : memref<80xf32, #tpu.memory_space<vmem>> -> memref<64xf32, #tpu.memory_space<vmem>>
      %dma_start3A_80 = tpu.memref_slice %arg5[%mul3A_2] : memref<2048xf32, #tpu.memory_space<hbm>> -> memref<64xf32, #tpu.memory_space<hbm>>
      %dma_start3A_81 = arith.constant 0 : i32
      %dma_start3A_82 = tpu.memref_slice %arg10[%dma_start3A_81] : memref<80xf32, #tpu.memory_space<vmem>> -> memref<64xf32, #tpu.memory_space<vmem>>
      %dma_start3A_83 = tpu.memref_slice %arg5[%mul3A_2] : memref<2048xf32, #tpu.memory_space<hbm>> -> memref<64xf32, #tpu.memory_space<hbm>>
      tpu.enqueue_dma source(%dma_start3A_83 : memref<64xf32, #tpu.memory_space<hbm>>) target(%dma_start3A_82 : memref<64xf32, #tpu.memory_space<vmem>>) target_semaphore(%run_scoped3A : memref<!tpu.dma_semaphore, #tpu.memory_space<semaphore_mem>>)
      %dma_wait3A_84 = arith.constant 0 : i32
      %dma_wait3A_85 = tpu.memref_slice %arg10[%dma_wait3A_84] : memref<80xf32, #tpu.memory_space<vmem>> -> memref<64xf32, #tpu.memory_space<vmem>>
      %dma_wait3A_86 = tpu.memref_slice %arg5[%mul3A_2] : memref<2048xf32, #tpu.memory_space<hbm>> -> memref<64xf32, #tpu.memory_space<hbm>>
      %dma_wait3A_87 = arith.constant 0 : i32
      %dma_wait3A_88 = tpu.memref_slice %arg10[%dma_wait3A_87] : memref<80xf32, #tpu.memory_space<vmem>> -> memref<64xf32, #tpu.memory_space<vmem>>
      %dma_wait3A_89 = tpu.memref_slice %arg5[%mul3A_2] : memref<2048xf32, #tpu.memory_space<hbm>> -> memref<64xf32, #tpu.memory_space<hbm>>
      tpu.wait_dma2 semaphore(%run_scoped3A : memref<!tpu.dma_semaphore, #tpu.memory_space<semaphore_mem>>) src(%dma_wait3A_89 : memref<64xf32, #tpu.memory_space<hbm>>) dst(%dma_wait3A_88 : memref<64xf32, #tpu.memory_space<vmem>>)
      tpu.yield
    }) : () -> ()
    "tpu.region"() ({
      %run_scoped3A = tpu.sem_alloc : memref<!tpu.dma_semaphore, #tpu.memory_space<semaphore_mem>>
      %dma_start3A_78 = arith.constant 0 : i32
      %dma_start3A_79 = tpu.memref_slice %arg11[%dma_start3A_78] : memref<80xf32, #tpu.memory_space<vmem>> -> memref<64xf32, #tpu.memory_space<vmem>>
      %dma_start3A_80 = tpu.memref_slice %arg6[%mul3A_2] : memref<2048xf32, #tpu.memory_space<hbm>> -> memref<64xf32, #tpu.memory_space<hbm>>
      %dma_start3A_81 = arith.constant 0 : i32
      %dma_start3A_82 = tpu.memref_slice %arg11[%dma_start3A_81] : memref<80xf32, #tpu.memory_space<vmem>> -> memref<64xf32, #tpu.memory_space<vmem>>
      %dma_start3A_83 = tpu.memref_slice %arg6[%mul3A_2] : memref<2048xf32, #tpu.memory_space<hbm>> -> memref<64xf32, #tpu.memory_space<hbm>>
      tpu.enqueue_dma source(%dma_start3A_83 : memref<64xf32, #tpu.memory_space<hbm>>) target(%dma_start3A_82 : memref<64xf32, #tpu.memory_space<vmem>>) target_semaphore(%run_scoped3A : memref<!tpu.dma_semaphore, #tpu.memory_space<semaphore_mem>>)
      %dma_wait3A_84 = arith.constant 0 : i32
      %dma_wait3A_85 = tpu.memref_slice %arg11[%dma_wait3A_84] : memref<80xf32, #tpu.memory_space<vmem>> -> memref<64xf32, #tpu.memory_space<vmem>>
      %dma_wait3A_86 = tpu.memref_slice %arg6[%mul3A_2] : memref<2048xf32, #tpu.memory_space<hbm>> -> memref<64xf32, #tpu.memory_space<hbm>>
      %dma_wait3A_87 = arith.constant 0 : i32
      %dma_wait3A_88 = tpu.memref_slice %arg11[%dma_wait3A_87] : memref<80xf32, #tpu.memory_space<vmem>> -> memref<64xf32, #tpu.memory_space<vmem>>
      %dma_wait3A_89 = tpu.memref_slice %arg6[%mul3A_2] : memref<2048xf32, #tpu.memory_space<hbm>> -> memref<64xf32, #tpu.memory_space<hbm>>
      tpu.wait_dma2 semaphore(%run_scoped3A : memref<!tpu.dma_semaphore, #tpu.memory_space<semaphore_mem>>) src(%dma_wait3A_89 : memref<64xf32, #tpu.memory_space<hbm>>) dst(%dma_wait3A_88 : memref<64xf32, #tpu.memory_space<vmem>>)
      tpu.yield
    }) : () -> ()
    %dma_start3A = arith.constant 0 : i32
    %dma_start3A_3 = arith.constant 0 : i32
    %dma_start3A_4 = tpu.memref_slice %arg12[%dma_start3A, %dma_start3A_3] : memref<64x768xf32, #tpu.memory_space<vmem>> -> memref<32x768xf32, #tpu.memory_space<vmem>>
    %dma_start3A_5 = arith.constant 0 : i32
    %dma_start3A_6 = tpu.memref_slice %arg8[%dma_start3A_5] : memref<64xi32, #tpu.memory_space<vmem>> -> memref<32xi32, #tpu.memory_space<vmem>>
    %dma_start3A_7 = arith.constant 0 : i32
    %dma_start3A_8 = arith.constant 0 : i32
    %dma_start3A_9 = tpu.memref_slice %arg2[%dma_start3A_7, %dma_start3A_8] : memref<7680x768xf32, #tpu.memory_space<hbm>> -> memref<7680x768xf32, #tpu.memory_space<hbm>>
    tpu.enqueue_indirect_dma source(%dma_start3A_9 : memref<7680x768xf32, #tpu.memory_space<hbm>>) target(%dma_start3A_4 : memref<32x768xf32, #tpu.memory_space<vmem>>) offsets(%dma_start3A_6 : memref<32xi32, #tpu.memory_space<vmem>>) semaphore(%arg14 : memref<!tpu.dma_semaphore, #tpu.memory_space<semaphore_mem>>)
    %dma_start3A_10 = arith.constant 0 : i32
    %dma_start3A_11 = arith.constant 0 : i32
    %dma_start3A_12 = tpu.memref_slice %arg13[%dma_start3A_10, %dma_start3A_11] : memref<64x768xf32, #tpu.memory_space<vmem>> -> memref<32x768xf32, #tpu.memory_space<vmem>>
    %dma_start3A_13 = arith.constant 0 : i32
    %dma_start3A_14 = tpu.memref_slice %arg9[%dma_start3A_13] : memref<64xi32, #tpu.memory_space<vmem>> -> memref<32xi32, #tpu.memory_space<vmem>>
    %dma_start3A_15 = arith.constant 0 : i32
    %dma_start3A_16 = arith.constant 0 : i32
    %dma_start3A_17 = tpu.memref_slice %arg2[%dma_start3A_15, %dma_start3A_16] : memref<7680x768xf32, #tpu.memory_space<hbm>> -> memref<7680x768xf32, #tpu.memory_space<hbm>>
    tpu.enqueue_indirect_dma source(%dma_start3A_17 : memref<7680x768xf32, #tpu.memory_space<hbm>>) target(%dma_start3A_12 : memref<32x768xf32, #tpu.memory_space<vmem>>) offsets(%dma_start3A_14 : memref<32xi32, #tpu.memory_space<vmem>>) semaphore(%arg15 : memref<!tpu.dma_semaphore, #tpu.memory_space<semaphore_mem>>)
    %dma_start3A_18 = arith.constant 32 : i32
    %dma_start3A_19 = arith.constant 0 : i32
    %dma_start3A_20 = tpu.memref_slice %arg12[%dma_start3A_18, %dma_start3A_19] : memref<64x768xf32, #tpu.memory_space<vmem>> -> memref<32x768xf32, #tpu.memory_space<vmem>>
    %dma_start3A_21 = arith.constant 32 : i32
    %dma_start3A_22 = tpu.memref_slice %arg8[%dma_start3A_21] : memref<64xi32, #tpu.memory_space<vmem>> -> memref<32xi32, #tpu.memory_space<vmem>>
    %dma_start3A_23 = arith.constant 0 : i32
    %dma_start3A_24 = arith.constant 0 : i32
    %dma_start3A_25 = tpu.memref_slice %arg2[%dma_start3A_23, %dma_start3A_24] : memref<7680x768xf32, #tpu.memory_space<hbm>> -> memref<7680x768xf32, #tpu.memory_space<hbm>>
    tpu.enqueue_indirect_dma source(%dma_start3A_25 : memref<7680x768xf32, #tpu.memory_space<hbm>>) target(%dma_start3A_20 : memref<32x768xf32, #tpu.memory_space<vmem>>) offsets(%dma_start3A_22 : memref<32xi32, #tpu.memory_space<vmem>>) semaphore(%arg16 : memref<!tpu.dma_semaphore, #tpu.memory_space<semaphore_mem>>)
    %dma_start3A_26 = arith.constant 32 : i32
    %dma_start3A_27 = arith.constant 0 : i32
    %dma_start3A_28 = tpu.memref_slice %arg13[%dma_start3A_26, %dma_start3A_27] : memref<64x768xf32, #tpu.memory_space<vmem>> -> memref<32x768xf32, #tpu.memory_space<vmem>>
    %dma_start3A_29 = arith.constant 32 : i32
    %dma_start3A_30 = tpu.memref_slice %arg9[%dma_start3A_29] : memref<64xi32, #tpu.memory_space<vmem>> -> memref<32xi32, #tpu.memory_space<vmem>>
    %dma_start3A_31 = arith.constant 0 : i32
    %dma_start3A_32 = arith.constant 0 : i32
    %dma_start3A_33 = tpu.memref_slice %arg2[%dma_start3A_31, %dma_start3A_32] : memref<7680x768xf32, #tpu.memory_space<hbm>> -> memref<7680x768xf32, #tpu.memory_space<hbm>>
    tpu.enqueue_indirect_dma source(%dma_start3A_33 : memref<7680x768xf32, #tpu.memory_space<hbm>>) target(%dma_start3A_28 : memref<32x768xf32, #tpu.memory_space<vmem>>) offsets(%dma_start3A_30 : memref<32xi32, #tpu.memory_space<vmem>>) semaphore(%arg17 : memref<!tpu.dma_semaphore, #tpu.memory_space<semaphore_mem>>)
    %dma_wait3A = arith.constant 0 : i32
    %dma_wait3A_34 = arith.constant 0 : i32
    %dma_wait3A_35 = tpu.memref_slice %arg12[%dma_wait3A, %dma_wait3A_34] : memref<64x768xf32, #tpu.memory_space<vmem>> -> memref<32x768xf32, #tpu.memory_space<vmem>>
    %dma_wait3A_36 = arith.constant 0 : i32
    %dma_wait3A_37 = tpu.memref_slice %arg8[%dma_wait3A_36] : memref<64xi32, #tpu.memory_space<vmem>> -> memref<32xi32, #tpu.memory_space<vmem>>
    %dma_wait3A_38 = arith.constant 0 : i32
    %dma_wait3A_39 = arith.constant 0 : i32
    %dma_wait3A_40 = tpu.memref_slice %arg2[%dma_wait3A_38, %dma_wait3A_39] : memref<7680x768xf32, #tpu.memory_space<hbm>> -> memref<7680x768xf32, #tpu.memory_space<hbm>>
    tpu.wait_indirect_dma semaphore(%arg14 : memref<!tpu.dma_semaphore, #tpu.memory_space<semaphore_mem>>) src(%dma_wait3A_40 : memref<7680x768xf32, #tpu.memory_space<hbm>>) dst(%dma_wait3A_35 : memref<32x768xf32, #tpu.memory_space<vmem>>)
    %dma_wait3A_41 = arith.constant 0 : i32
    %dma_wait3A_42 = arith.constant 0 : i32
    %dma_wait3A_43 = tpu.memref_slice %arg13[%dma_wait3A_41, %dma_wait3A_42] : memref<64x768xf32, #tpu.memory_space<vmem>> -> memref<32x768xf32, #tpu.memory_space<vmem>>
    %dma_wait3A_44 = arith.constant 0 : i32
    %dma_wait3A_45 = tpu.memref_slice %arg9[%dma_wait3A_44] : memref<64xi32, #tpu.memory_space<vmem>> -> memref<32xi32, #tpu.memory_space<vmem>>
    %dma_wait3A_46 = arith.constant 0 : i32
    %dma_wait3A_47 = arith.constant 0 : i32
    %dma_wait3A_48 = tpu.memref_slice %arg2[%dma_wait3A_46, %dma_wait3A_47] : memref<7680x768xf32, #tpu.memory_space<hbm>> -> memref<7680x768xf32, #tpu.memory_space<hbm>>
    tpu.wait_indirect_dma semaphore(%arg15 : memref<!tpu.dma_semaphore, #tpu.memory_space<semaphore_mem>>) src(%dma_wait3A_48 : memref<7680x768xf32, #tpu.memory_space<hbm>>) dst(%dma_wait3A_43 : memref<32x768xf32, #tpu.memory_space<vmem>>)
    %scan3A = arith.constant 0 : i32
    %scan3A_49 = arith.constant 0 : i32
    %scan3A_50 = arith.constant 32 : i32
    %scan3A_51 = arith.addi %scan3A_49, %scan3A_50 : i32
    %scan3A_52 = arith.constant 1 : i32
    %scan3A_53 = scf.for %scan3A_78 = %scan3A_49 to %scan3A_51 step %scan3A_52 iter_args(%scan3A_79 = %scan3A) -> (i32)  : i32 {
      %get3A = arith.index_cast %scan3A_78 : i32 to index
      %get3A_80 = tpu.vector_load %arg10[%get3A] {strides = array<i32>} : memref<80xf32, #tpu.memory_space<vmem>>, vector<16xf32>,
      %get3A_81 = vector.shape_cast %get3A_80 : vector<16xf32> to vector<16xf32>
      %slice3A = vector.extract_strided_slice %get3A_81 {offsets = [0], sizes = [1], strides = [1]} : vector<16xf32> to vector<1xf32>
      %squeeze3A = vector.extract %slice3A[0] : f32 from vector<1xf32>
      %get3A_82 = arith.index_cast %scan3A_78 : i32 to index
      %get3A_83 = tpu.vector_load %arg11[%get3A_82] {strides = array<i32>} : memref<80xf32, #tpu.memory_space<vmem>>, vector<16xf32>,
      %get3A_84 = vector.shape_cast %get3A_83 : vector<16xf32> to vector<16xf32>
      %slice3A_85 = vector.extract_strided_slice %get3A_84 {offsets = [0], sizes = [1], strides = [1]} : vector<16xf32> to vector<1xf32>
      %squeeze3A_86 = vector.extract %slice3A_85[0] : f32 from vector<1xf32>
      %get3A_87 = arith.index_cast %scan3A_78 : i32 to index
      %get3A_88 = arith.constant 0 : index
      %get3A_89 = tpu.vector_load %arg12[%get3A_87, %get3A_88] {strides = array<i32>} : memref<64x768xf32, #tpu.memory_space<vmem>>, vector<1x16xf32>,
      %get3A_90 = vector.shape_cast %get3A_89 : vector<1x16xf32> to vector<16xf32>
      %mul3A_91 = vector.broadcast %squeeze3A : f32 to vector<16xf32>
      %mul3A_92 = arith.mulf %mul3A_91, %get3A_90 : vector<16xf32>
      %get3A_93 = arith.index_cast %scan3A_78 : i32 to index
      %get3A_94 = arith.constant 0 : index
      %get3A_95 = tpu.vector_load %arg13[%get3A_93, %get3A_94] {strides = array<i32>} : memref<64x768xf32, #tpu.memory_space<vmem>>, vector<1x16xf32>,
      %get3A_96 = vector.shape_cast %get3A_95 : vector<1x16xf32> to vector<16xf32>
      %mul3A_97 = vector.broadcast %squeeze3A_86 : f32 to vector<16xf32>
      %mul3A_98 = arith.mulf %mul3A_97, %get3A_96 : vector<16xf32>
      %add3A_99 = arith.addf %mul3A_92, %mul3A_98 : vector<16xf32>
      %swap3A = arith.index_cast %scan3A_78 : i32 to index
      %swap3A_100 = arith.constant 0 : index
      %swap3A_101 = tpu.vector_load %arg12[%swap3A, %swap3A_100] {strides = array<i32>} : memref<64x768xf32, #tpu.memory_space<vmem>>, vector<1x16xf32>,
      %swap3A_102 = vector.shape_cast %swap3A_101 : vector<1x16xf32> to vector<16xf32>
      %swap3A_103 = vector.shape_cast %add3A_99 : vector<16xf32> to vector<1x16xf32>
      tpu.vector_store %arg12[%swap3A, %swap3A_100], %swap3A_103 {strides = array<i32>} : memref<64x768xf32, #tpu.memory_space<vmem>>, vector<1x16xf32>,
      %get3A_104 = arith.index_cast %scan3A_78 : i32 to index
      %get3A_105 = arith.constant 16 : index
      %get3A_106 = tpu.vector_load %arg12[%get3A_104, %get3A_105] {strides = array<i32>} : memref<64x768xf32, #tpu.memory_space<vmem>>, vector<1x16xf32>,
      %get3A_107 = vector.shape_cast %get3A_106 : vector<1x16xf32> to vector<16xf32>
      %mul3A_108 = vector.broadcast %squeeze3A : f32 to vector<16xf32>
      %mul3A_109 = arith.mulf %mul3A_108, %get3A_107 : vector<16xf32>
      %get3A_110 = arith.index_cast %scan3A_78 : i32 to index
      %get3A_111 = arith.constant 16 : index
      %get3A_112 = tpu.vector_load %arg13[%get3A_110, %get3A_111] {strides = array<i32>} : memref<64x768xf32, #tpu.memory_space<vmem>>, vector<1x16xf32>,
      %get3A_113 = vector.shape_cast %get3A_112 : vector<1x16xf32> to vector<16xf32>
      %mul3A_114 = vector.broadcast %squeeze3A_86 : f32 to vector<16xf32>
      %mul3A_115 = arith.mulf %mul3A_114, %get3A_113 : vector<16xf32>
      %add3A_116 = arith.addf %mul3A_109, %mul3A_115 : vector<16xf32>
      %swap3A_117 = arith.index_cast %scan3A_78 : i32 to index
      %swap3A_118 = arith.constant 16 : index
      %swap3A_119 = tpu.vector_load %arg12[%swap3A_117, %swap3A_118] {strides = array<i32>} : memref<64x768xf32, #tpu.memory_space<vmem>>, vector<1x16xf32>,
      %swap3A_120 = vector.shape_cast %swap3A_119 : vector<1x16xf32> to vector<16xf32>
      %swap3A_121 = vector.shape_cast %add3A_116 : vector<16xf32> to vector<1x16xf32>
      tpu.vector_store %arg12[%swap3A_117, %swap3A_118], %swap3A_121 {strides = array<i32>} : memref<64x768xf32, #tpu.memory_space<vmem>>, vector<1x16xf32>,
      %get3A_122 = arith.index_cast %scan3A_78 : i32 to index
      %get3A_123 = arith.constant 32 : index
      %get3A_124 = tpu.vector_load %arg12[%get3A_122, %get3A_123] {strides = array<i32>} : memref<64x768xf32, #tpu.memory_space<vmem>>, vector<1x16xf32>,
      %get3A_125 = vector.shape_cast %get3A_124 : vector<1x16xf32> to vector<16xf32>
      %mul3A_126 = vector.broadcast %squeeze3A : f32 to vector<16xf32>
      %mul3A_127 = arith.mulf %mul3A_126, %get3A_125 : vector<16xf32>
      %get3A_128 = arith.index_cast %scan3A_78 : i32 to index
      %get3A_129 = arith.constant 32 : index
      %get3A_130 = tpu.vector_load %arg13[%get3A_128, %get3A_129] {strides = array<i32>} : memref<64x768xf32, #tpu.memory_space<vmem>>, vector<1x16xf32>,
      %get3A_131 = vector.shape_cast %get3A_130 : vector<1x16xf32> to vector<16xf32>
      %mul3A_132 = vector.broadcast %squeeze3A_86 : f32 to vector<16xf32>
      %mul3A_133 = arith.mulf %mul3A_132, %get3A_131 : vector<16xf32>
      %add3A_134 = arith.addf %mul3A_127, %mul3A_133 : vector<16xf32>
      %swap3A_135 = arith.index_cast %scan3A_78 : i32 to index
      %swap3A_136 = arith.constant 32 : index
      %swap3A_137 = tpu.vector_load %arg12[%swap3A_135, %swap3A_136] {strides = array<i32>} : memref<64x768xf32, #tpu.memory_space<vmem>>, vector<1x16xf32>,
      %swap3A_138 = vector.shape_cast %swap3A_137 : vector<1x16xf32> to vector<16xf32>
      %swap3A_139 = vector.shape_cast %add3A_134 : vector<16xf32> to vector<1x16xf32>
      tpu.vector_store %arg12[%swap3A_135, %swap3A_136], %swap3A_139 {strides = array<i32>} : memref<64x768xf32, #tpu.memory_space<vmem>>, vector<1x16xf32>,
      %get3A_140 = arith.index_cast %scan3A_78 : i32 to index
      %get3A_141 = arith.constant 48 : index
      %get3A_142 = tpu.vector_load %arg12[%get3A_140, %get3A_141] {strides = array<i32>} : memref<64x768xf32, #tpu.memory_space<vmem>>, vector<1x16xf32>,
      %get3A_143 = vector.shape_cast %get3A_142 : vector<1x16xf32> to vector<16xf32>
      %mul3A_144 = vector.broadcast %squeeze3A : f32 to vector<16xf32>
      %mul3A_145 = arith.mulf %mul3A_144, %get3A_143 : vector<16xf32>
      %get3A_146 = arith.index_cast %scan3A_78 : i32 to index
      %get3A_147 = arith.constant 48 : index
      %get3A_148 = tpu.vector_load %arg13[%get3A_146, %get3A_147] {strides = array<i32>} : memref<64x768xf32, #tpu.memory_space<vmem>>, vector<1x16xf32>,
      %get3A_149 = vector.shape_cast %get3A_148 : vector<1x16xf32> to vector<16xf32>
      %mul3A_150 = vector.broadcast %squeeze3A_86 : f32 to vector<16xf32>
      %mul3A_151 = arith.mulf %mul3A_150, %get3A_149 : vector<16xf32>
      %add3A_152 = arith.addf %mul3A_145, %mul3A_151 : vector<16xf32>
      %swap3A_153 = arith.index_cast %scan3A_78 : i32 to index
      %swap3A_154 = arith.constant 48 : index
      %swap3A_155 = tpu.vector_load %arg12[%swap3A_153, %swap3A_154] {strides = array<i32>} : memref<64x768xf32, #tpu.memory_space<vmem>>, vector<1x16xf32>,
      %swap3A_156 = vector.shape_cast %swap3A_155 : vector<1x16xf32> to vector<16xf32>
      %swap3A_157 = vector.shape_cast %add3A_152 : vector<16xf32> to vector<1x16xf32>
      tpu.vector_store %arg12[%swap3A_153, %swap3A_154], %swap3A_157 {strides = array<i32>} : memref<64x768xf32, #tpu.memory_space<vmem>>, vector<1x16xf32>,
      %get3A_158 = arith.index_cast %scan3A_78 : i32 to index
      %get3A_159 = arith.constant 64 : index
      %get3A_160 = tpu.vector_load %arg12[%get3A_158, %get3A_159] {strides = array<i32>} : memref<64x768xf32, #tpu.memory_space<vmem>>, vector<1x16xf32>,
      %get3A_161 = vector.shape_cast %get3A_160 : vector<1x16xf32> to vector<16xf32>
      %mul3A_162 = vector.broadcast %squeeze3A : f32 to vector<16xf32>
      %mul3A_163 = arith.mulf %mul3A_162, %get3A_161 : vector<16xf32>
      %get3A_164 = arith.index_cast %scan3A_78 : i32 to index
      %get3A_165 = arith.constant 64 : index
      %get3A_166 = tpu.vector_load %arg13[%get3A_164, %get3A_165] {strides = array<i32>} : memref<64x768xf32, #tpu.memory_space<vmem>>, vector<1x16xf32>,
      %get3A_167 = vector.shape_cast %get3A_166 : vector<1x16xf32> to vector<16xf32>
      %mul3A_168 = vector.broadcast %squeeze3A_86 : f32 to vector<16xf32>
      %mul3A_169 = arith.mulf %mul3A_168, %get3A_167 : vector<16xf32>
      %add3A_170 = arith.addf %mul3A_163, %mul3A_169 : vector<16xf32>
      %swap3A_171 = arith.index_cast %scan3A_78 : i32 to index
      %swap3A_172 = arith.constant 64 : index
      %swap3A_173 = tpu.vector_load %arg12[%swap3A_171, %swap3A_172] {strides = array<i32>} : memref<64x768xf32, #tpu.memory_space<vmem>>, vector<1x16xf32>,
      %swap3A_174 = vector.shape_cast %swap3A_173 : vector<1x16xf32> to vector<16xf32>
      %swap3A_175 = vector.shape_cast %add3A_170 : vector<16xf32> to vector<1x16xf32>
      tpu.vector_store %arg12[%swap3A_171, %swap3A_172], %swap3A_175 {strides = array<i32>} : memref<64x768xf32, #tpu.memory_space<vmem>>, vector<1x16xf32>,
      %get3A_176 = arith.index_cast %scan3A_78 : i32 to index
      %get3A_177 = arith.constant 80 : index
      %get3A_178 = tpu.vector_load %arg12[%get3A_176, %get3A_177] {strides = array<i32>} : memref<64x768xf32, #tpu.memory_space<vmem>>, vector<1x16xf32>,
      %get3A_179 = vector.shape_cast %get3A_178 : vector<1x16xf32> to vector<16xf32>
      %mul3A_180 = vector.broadcast %squeeze3A : f32 to vector<16xf32>
      %mul3A_181 = arith.mulf %mul3A_180, %get3A_179 : vector<16xf32>
      %get3A_182 = arith.index_cast %scan3A_78 : i32 to index
      %get3A_183 = arith.constant 80 : index
      %get3A_184 = tpu.vector_load %arg13[%get3A_182, %get3A_183] {strides = array<i32>} : memref<64x768xf32, #tpu.memory_space<vmem>>, vector<1x16xf32>,
      %get3A_185 = vector.shape_cast %get3A_184 : vector<1x16xf32> to vector<16xf32>
      %mul3A_186 = vector.broadcast %squeeze3A_86 : f32 to vector<16xf32>
      %mul3A_187 = arith.mulf %mul3A_186, %get3A_185 : vector<16xf32>
      %add3A_188 = arith.addf %mul3A_181, %mul3A_187 : vector<16xf32>
      %swap3A_189 = arith.index_cast %scan3A_78 : i32 to index
      %swap3A_190 = arith.constant 80 : index
      %swap3A_191 = tpu.vector_load %arg12[%swap3A_189, %swap3A_190] {strides = array<i32>} : memref<64x768xf32, #tpu.memory_space<vmem>>, vector<1x16xf32>,
      %swap3A_192 = vector.shape_cast %swap3A_191 : vector<1x16xf32> to vector<16xf32>
      %swap3A_193 = vector.shape_cast %add3A_188 : vector<16xf32> to vector<1x16xf32>
      tpu.vector_store %arg12[%swap3A_189, %swap3A_190], %swap3A_193 {strides = array<i32>} : memref<64x768xf32, #tpu.memory_space<vmem>>, vector<1x16xf32>,
      %get3A_194 = arith.index_cast %scan3A_78 : i32 to index
      %get3A_195 = arith.constant 96 : index
      %get3A_196 = tpu.vector_load %arg12[%get3A_194, %get3A_195] {strides = array<i32>} : memref<64x768xf32, #tpu.memory_space<vmem>>, vector<1x16xf32>,
      %get3A_197 = vector.shape_cast %get3A_196 : vector<1x16xf32> to vector<16xf32>
      %mul3A_198 = vector.broadcast %squeeze3A : f32 to vector<16xf32>
      %mul3A_199 = arith.mulf %mul3A_198, %get3A_197 : vector<16xf32>
      %get3A_200 = arith.index_cast %scan3A_78 : i32 to index
      %get3A_201 = arith.constant 96 : index
      %get3A_202 = tpu.vector_load %arg13[%get3A_200, %get3A_201] {strides = array<i32>} : memref<64x768xf32, #tpu.memory_space<vmem>>, vector<1x16xf32>,
      %get3A_203 = vector.shape_cast %get3A_202 : vector<1x16xf32> to vector<16xf32>
      %mul3A_204 = vector.broadcast %squeeze3A_86 : f32 to vector<16xf32>
      %mul3A_205 = arith.mulf %mul3A_204, %get3A_203 : vector<16xf32>
      %add3A_206 = arith.addf %mul3A_199, %mul3A_205 : vector<16xf32>
      %swap3A_207 = arith.index_cast %scan3A_78 : i32 to index
      %swap3A_208 = arith.constant 96 : index
      %swap3A_209 = tpu.vector_load %arg12[%swap3A_207, %swap3A_208] {strides = array<i32>} : memref<64x768xf32, #tpu.memory_space<vmem>>, vector<1x16xf32>,
      %swap3A_210 = vector.shape_cast %swap3A_209 : vector<1x16xf32> to vector<16xf32>
      %swap3A_211 = vector.shape_cast %add3A_206 : vector<16xf32> to vector<1x16xf32>
      tpu.vector_store %arg12[%swap3A_207, %swap3A_208], %swap3A_211 {strides = array<i32>} : memref<64x768xf32, #tpu.memory_space<vmem>>, vector<1x16xf32>,
      %get3A_212 = arith.index_cast %scan3A_78 : i32 to index
      %get3A_213 = arith.constant 112 : index
      %get3A_214 = tpu.vector_load %arg12[%get3A_212, %get3A_213] {strides = array<i32>} : memref<64x768xf32, #tpu.memory_space<vmem>>, vector<1x16xf32>,
      %get3A_215 = vector.shape_cast %get3A_214 : vector<1x16xf32> to vector<16xf32>
      %mul3A_216 = vector.broadcast %squeeze3A : f32 to vector<16xf32>
      %mul3A_217 = arith.mulf %mul3A_216, %get3A_215 : vector<16xf32>
      %get3A_218 = arith.index_cast %scan3A_78 : i32 to index
      %get3A_219 = arith.constant 112 : index
      %get3A_220 = tpu.vector_load %arg13[%get3A_218, %get3A_219] {strides = array<i32>} : memref<64x768xf32, #tpu.memory_space<vmem>>, vector<1x16xf32>,
      %get3A_221 = vector.shape_cast %get3A_220 : vector<1x16xf32> to vector<16xf32>
      %mul3A_222 = vector.broadcast %squeeze3A_86 : f32 to vector<16xf32>
      %mul3A_223 = arith.mulf %mul3A_222, %get3A_221 : vector<16xf32>
      %add3A_224 = arith.addf %mul3A_217, %mul3A_223 : vector<16xf32>
      %swap3A_225 = arith.index_cast %scan3A_78 : i32 to index
      %swap3A_226 = arith.constant 112 : index
      %swap3A_227 = tpu.vector_load %arg12[%swap3A_225, %swap3A_226] {strides = array<i32>} : memref<64x768xf32, #tpu.memory_space<vmem>>, vector<1x16xf32>,
      %swap3A_228 = vector.shape_cast %swap3A_227 : vector<1x16xf32> to vector<16xf32>
      %swap3A_229 = vector.shape_cast %add3A_224 : vector<16xf32> to vector<1x16xf32>
      tpu.vector_store %arg12[%swap3A_225, %swap3A_226], %swap3A_229 {strides = array<i32>} : memref<64x768xf32, #tpu.memory_space<vmem>>, vector<1x16xf32>,
      %get3A_230 = arith.index_cast %scan3A_78 : i32 to index
      %get3A_231 = arith.constant 128 : index
      %get3A_232 = tpu.vector_load %arg12[%get3A_230, %get3A_231] {strides = array<i32>} : memref<64x768xf32, #tpu.memory_space<vmem>>, vector<1x16xf32>,
      %get3A_233 = vector.shape_cast %get3A_232 : vector<1x16xf32> to vector<16xf32>
      %mul3A_234 = vector.broadcast %squeeze3A : f32 to vector<16xf32>
      %mul3A_235 = arith.mulf %mul3A_234, %get3A_233 : vector<16xf32>
      %get3A_236 = arith.index_cast %scan3A_78 : i32 to index
      %get3A_237 = arith.constant 128 : index
      %get3A_238 = tpu.vector_load %arg13[%get3A_236, %get3A_237] {strides = array<i32>} : memref<64x768xf32, #tpu.memory_space<vmem>>, vector<1x16xf32>,
      %get3A_239 = vector.shape_cast %get3A_238 : vector<1x16xf32> to vector<16xf32>
      %mul3A_240 = vector.broadcast %squeeze3A_86 : f32 to vector<16xf32>
      %mul3A_241 = arith.mulf %mul3A_240, %get3A_239 : vector<16xf32>
      %add3A_242 = arith.addf %mul3A_235, %mul3A_241 : vector<16xf32>
      %swap3A_243 = arith.index_cast %scan3A_78 : i32 to index
      %swap3A_244 = arith.constant 128 : index
      %swap3A_245 = tpu.vector_load %arg12[%swap3A_243, %swap3A_244] {strides = array<i32>} : memref<64x768xf32, #tpu.memory_space<vmem>>, vector<1x16xf32>,
      %swap3A_246 = vector.shape_cast %swap3A_245 : vector<1x16xf32> to vector<16xf32>
      %swap3A_247 = vector.shape_cast %add3A_242 : vector<16xf32> to vector<1x16xf32>
      tpu.vector_store %arg12[%swap3A_243, %swap3A_244], %swap3A_247 {strides = array<i32>} : memref<64x768xf32, #tpu.memory_space<vmem>>, vector<1x16xf32>,
      %get3A_248 = arith.index_cast %scan3A_78 : i32 to index
      %get3A_249 = arith.constant 144 : index
      %get3A_250 = tpu.vector_load %arg12[%get3A_248, %get3A_249] {strides = array<i32>} : memref<64x768xf32, #tpu.memory_space<vmem>>, vector<1x16xf32>,
      %get3A_251 = vector.shape_cast %get3A_250 : vector<1x16xf32> to vector<16xf32>
      %mul3A_252 = vector.broadcast %squeeze3A : f32 to vector<16xf32>
      %mul3A_253 = arith.mulf %mul3A_252, %get3A_251 : vector<16xf32>
      %get3A_254 = arith.index_cast %scan3A_78 : i32 to index
      %get3A_255 = arith.constant 144 : index
      %get3A_256 = tpu.vector_load %arg13[%get3A_254, %get3A_255] {strides = array<i32>} : memref<64x768xf32, #tpu.memory_space<vmem>>, vector<1x16xf32>,
      %get3A_257 = vector.shape_cast %get3A_256 : vector<1x16xf32> to vector<16xf32>
      %mul3A_258 = vector.broadcast %squeeze3A_86 : f32 to vector<16xf32>
      %mul3A_259 = arith.mulf %mul3A_258, %get3A_257 : vector<16xf32>
      %add3A_260 = arith.addf %mul3A_253, %mul3A_259 : vector<16xf32>
      %swap3A_261 = arith.index_cast %scan3A_78 : i32 to index
      %swap3A_262 = arith.constant 144 : index
      %swap3A_263 = tpu.vector_load %arg12[%swap3A_261, %swap3A_262] {strides = array<i32>} : memref<64x768xf32, #tpu.memory_space<vmem>>, vector<1x16xf32>,
      %swap3A_264 = vector.shape_cast %swap3A_263 : vector<1x16xf32> to vector<16xf32>
      %swap3A_265 = vector.shape_cast %add3A_260 : vector<16xf32> to vector<1x16xf32>
      tpu.vector_store %arg12[%swap3A_261, %swap3A_262], %swap3A_265 {strides = array<i32>} : memref<64x768xf32, #tpu.memory_space<vmem>>, vector<1x16xf32>,
      %get3A_266 = arith.index_cast %scan3A_78 : i32 to index
      %get3A_267 = arith.constant 160 : index
      %get3A_268 = tpu.vector_load %arg12[%get3A_266, %get3A_267] {strides = array<i32>} : memref<64x768xf32, #tpu.memory_space<vmem>>, vector<1x16xf32>,
      %get3A_269 = vector.shape_cast %get3A_268 : vector<1x16xf32> to vector<16xf32>
      %mul3A_270 = vector.broadcast %squeeze3A : f32 to vector<16xf32>
      %mul3A_271 = arith.mulf %mul3A_270, %get3A_269 : vector<16xf32>
      %get3A_272 = arith.index_cast %scan3A_78 : i32 to index
      %get3A_273 = arith.constant 160 : index
      %get3A_274 = tpu.vector_load %arg13[%get3A_272, %get3A_273] {strides = array<i32>} : memref<64x768xf32, #tpu.memory_space<vmem>>, vector<1x16xf32>,
      %get3A_275 = vector.shape_cast %get3A_274 : vector<1x16xf32> to vector<16xf32>
      %mul3A_276 = vector.broadcast %squeeze3A_86 : f32 to vector<16xf32>
      %mul3A_277 = arith.mulf %mul3A_276, %get3A_275 : vector<16xf32>
      %add3A_278 = arith.addf %mul3A_271, %mul3A_277 : vector<16xf32>
      %swap3A_279 = arith.index_cast %scan3A_78 : i32 to index
      %swap3A_280 = arith.constant 160 : index
      %swap3A_281 = tpu.vector_load %arg12[%swap3A_279, %swap3A_280] {strides = array<i32>} : memref<64x768xf32, #tpu.memory_space<vmem>>, vector<1x16xf32>,
      %swap3A_282 = vector.shape_cast %swap3A_281 : vector<1x16xf32> to vector<16xf32>
      %swap3A_283 = vector.shape_cast %add3A_278 : vector<16xf32> to vector<1x16xf32>
      tpu.vector_store %arg12[%swap3A_279, %swap3A_280], %swap3A_283 {strides = array<i32>} : memref<64x768xf32, #tpu.memory_space<vmem>>, vector<1x16xf32>,
      %get3A_284 = arith.index_cast %scan3A_78 : i32 to index
      %get3A_285 = arith.constant 176 : index
      %get3A_286 = tpu.vector_load %arg12[%get3A_284, %get3A_285] {strides = array<i32>} : memref<64x768xf32, #tpu.memory_space<vmem>>, vector<1x16xf32>,
      %get3A_287 = vector.shape_cast %get3A_286 : vector<1x16xf32> to vector<16xf32>
      %mul3A_288 = vector.broadcast %squeeze3A : f32 to vector<16xf32>
      %mul3A_289 = arith.mulf %mul3A_288, %get3A_287 : vector<16xf32>
      %get3A_290 = arith.index_cast %scan3A_78 : i32 to index
      %get3A_291 = arith.constant 176 : index
      %get3A_292 = tpu.vector_load %arg13[%get3A_290, %get3A_291] {strides = array<i32>} : memref<64x768xf32, #tpu.memory_space<vmem>>, vector<1x16xf32>,
      %get3A_293 = vector.shape_cast %get3A_292 : vector<1x16xf32> to vector<16xf32>
      %mul3A_294 = vector.broadcast %squeeze3A_86 : f32 to vector<16xf32>
      %mul3A_295 = arith.mulf %mul3A_294, %get3A_293 : vector<16xf32>
      %add3A_296 = arith.addf %mul3A_289, %mul3A_295 : vector<16xf32>
      %swap3A_297 = arith.index_cast %scan3A_78 : i32 to index
      %swap3A_298 = arith.constant 176 : index
      %swap3A_299 = tpu.vector_load %arg12[%swap3A_297, %swap3A_298] {strides = array<i32>} : memref<64x768xf32, #tpu.memory_space<vmem>>, vector<1x16xf32>,
      %swap3A_300 = vector.shape_cast %swap3A_299 : vector<1x16xf32> to vector<16xf32>
      %swap3A_301 = vector.shape_cast %add3A_296 : vector<16xf32> to vector<1x16xf32>
      tpu.vector_store %arg12[%swap3A_297, %swap3A_298], %swap3A_301 {strides = array<i32>} : memref<64x768xf32, #tpu.memory_space<vmem>>, vector<1x16xf32>,
      %get3A_302 = arith.index_cast %scan3A_78 : i32 to index
      %get3A_303 = arith.constant 192 : index
      %get3A_304 = tpu.vector_load %arg12[%get3A_302, %get3A_303] {strides = array<i32>} : memref<64x768xf32, #tpu.memory_space<vmem>>, vector<1x16xf32>,
      %get3A_305 = vector.shape_cast %get3A_304 : vector<1x16xf32> to vector<16xf32>
      %mul3A_306 = vector.broadcast %squeeze3A : f32 to vector<16xf32>
      %mul3A_307 = arith.mulf %mul3A_306, %get3A_305 : vector<16xf32>
      %get3A_308 = arith.index_cast %scan3A_78 : i32 to index
      %get3A_309 = arith.constant 192 : index
      %get3A_310 = tpu.vector_load %arg13[%get3A_308, %get3A_309] {strides = array<i32>} : memref<64x768xf32, #tpu.memory_space<vmem>>, vector<1x16xf32>,
      %get3A_311 = vector.shape_cast %get3A_310 : vector<1x16xf32> to vector<16xf32>
      %mul3A_312 = vector.broadcast %squeeze3A_86 : f32 to vector<16xf32>
      %mul3A_313 = arith.mulf %mul3A_312, %get3A_311 : vector<16xf32>
      %add3A_314 = arith.addf %mul3A_307, %mul3A_313 : vector<16xf32>
      %swap3A_315 = arith.index_cast %scan3A_78 : i32 to index
      %swap3A_316 = arith.constant 192 : index
      %swap3A_317 = tpu.vector_load %arg12[%swap3A_315, %swap3A_316] {strides = array<i32>} : memref<64x768xf32, #tpu.memory_space<vmem>>, vector<1x16xf32>,
      %swap3A_318 = vector.shape_cast %swap3A_317 : vector<1x16xf32> to vector<16xf32>
      %swap3A_319 = vector.shape_cast %add3A_314 : vector<16xf32> to vector<1x16xf32>
      tpu.vector_store %arg12[%swap3A_315, %swap3A_316], %swap3A_319 {strides = array<i32>} : memref<64x768xf32, #tpu.memory_space<vmem>>, vector<1x16xf32>,
      %get3A_320 = arith.index_cast %scan3A_78 : i32 to index
      %get3A_321 = arith.constant 208 : index
      %get3A_322 = tpu.vector_load %arg12[%get3A_320, %get3A_321] {strides = array<i32>} : memref<64x768xf32, #tpu.memory_space<vmem>>, vector<1x16xf32>,
      %get3A_323 = vector.shape_cast %get3A_322 : vector<1x16xf32> to vector<16xf32>
      %mul3A_324 = vector.broadcast %squeeze3A : f32 to vector<16xf32>
      %mul3A_325 = arith.mulf %mul3A_324, %get3A_323 : vector<16xf32>
      %get3A_326 = arith.index_cast %scan3A_78 : i32 to index
      %get3A_327 = arith.constant 208 : index
      %get3A_328 = tpu.vector_load %arg13[%get3A_326, %get3A_327] {strides = array<i32>} : memref<64x768xf32, #tpu.memory_space<vmem>>, vector<1x16xf32>,
      %get3A_329 = vector.shape_cast %get3A_328 : vector<1x16xf32> to vector<16xf32>
      %mul3A_330 = vector.broadcast %squeeze3A_86 : f32 to vector<16xf32>
      %mul3A_331 = arith.mulf %mul3A_330, %get3A_329 : vector<16xf32>
      %add3A_332 = arith.addf %mul3A_325, %mul3A_331 : vector<16xf32>
      %swap3A_333 = arith.index_cast %scan3A_78 : i32 to index
      %swap3A_334 = arith.constant 208 : index
      %swap3A_335 = tpu.vector_load %arg12[%swap3A_333, %swap3A_334] {strides = array<i32>} : memref<64x768xf32, #tpu.memory_space<vmem>>, vector<1x16xf32>,
      %swap3A_336 = vector.shape_cast %swap3A_335 : vector<1x16xf32> to vector<16xf32>
      %swap3A_337 = vector.shape_cast %add3A_332 : vector<16xf32> to vector<1x16xf32>
      tpu.vector_store %arg12[%swap3A_333, %swap3A_334], %swap3A_337 {strides = array<i32>} : memref<64x768xf32, #tpu.memory_space<vmem>>, vector<1x16xf32>,
      %get3A_338 = arith.index_cast %scan3A_78 : i32 to index
      %get3A_339 = arith.constant 224 : index
      %get3A_340 = tpu.vector_load %arg12[%get3A_338, %get3A_339] {strides = array<i32>} : memref<64x768xf32, #tpu.memory_space<vmem>>, vector<1x16xf32>,
      %get3A_341 = vector.shape_cast %get3A_340 : vector<1x16xf32> to vector<16xf32>
      %mul3A_342 = vector.broadcast %squeeze3A : f32 to vector<16xf32>
      %mul3A_343 = arith.mulf %mul3A_342, %get3A_341 : vector<16xf32>
      %get3A_344 = arith.index_cast %scan3A_78 : i32 to index
      %get3A_345 = arith.constant 224 : index
      %get3A_346 = tpu.vector_load %arg13[%get3A_344, %get3A_345] {strides = array<i32>} : memref<64x768xf32, #tpu.memory_space<vmem>>, vector<1x16xf32>,
      %get3A_347 = vector.shape_cast %get3A_346 : vector<1x16xf32> to vector<16xf32>
      %mul3A_348 = vector.broadcast %squeeze3A_86 : f32 to vector<16xf32>
      %mul3A_349 = arith.mulf %mul3A_348, %get3A_347 : vector<16xf32>
      %add3A_350 = arith.addf %mul3A_343, %mul3A_349 : vector<16xf32>
      %swap3A_351 = arith.index_cast %scan3A_78 : i32 to index
      %swap3A_352 = arith.constant 224 : index
      %swap3A_353 = tpu.vector_load %arg12[%swap3A_351, %swap3A_352] {strides = array<i32>} : memref<64x768xf32, #tpu.memory_space<vmem>>, vector<1x16xf32>,
      %swap3A_354 = vector.shape_cast %swap3A_353 : vector<1x16xf32> to vector<16xf32>
      %swap3A_355 = vector.shape_cast %add3A_350 : vector<16xf32> to vector<1x16xf32>
      tpu.vector_store %arg12[%swap3A_351, %swap3A_352], %swap3A_355 {strides = array<i32>} : memref<64x768xf32, #tpu.memory_space<vmem>>, vector<1x16xf32>,
      %get3A_356 = arith.index_cast %scan3A_78 : i32 to index
      %get3A_357 = arith.constant 240 : index
      %get3A_358 = tpu.vector_load %arg12[%get3A_356, %get3A_357] {strides = array<i32>} : memref<64x768xf32, #tpu.memory_space<vmem>>, vector<1x16xf32>,
      %get3A_359 = vector.shape_cast %get3A_358 : vector<1x16xf32> to vector<16xf32>
      %mul3A_360 = vector.broadcast %squeeze3A : f32 to vector<16xf32>
      %mul3A_361 = arith.mulf %mul3A_360, %get3A_359 : vector<16xf32>
      %get3A_362 = arith.index_cast %scan3A_78 : i32 to index
      %get3A_363 = arith.constant 240 : index
      %get3A_364 = tpu.vector_load %arg13[%get3A_362, %get3A_363] {strides = array<i32>} : memref<64x768xf32, #tpu.memory_space<vmem>>, vector<1x16xf32>,
      %get3A_365 = vector.shape_cast %get3A_364 : vector<1x16xf32> to vector<16xf32>
      %mul3A_366 = vector.broadcast %squeeze3A_86 : f32 to vector<16xf32>
      %mul3A_367 = arith.mulf %mul3A_366, %get3A_365 : vector<16xf32>
      %add3A_368 = arith.addf %mul3A_361, %mul3A_367 : vector<16xf32>
      %swap3A_369 = arith.index_cast %scan3A_78 : i32 to index
      %swap3A_370 = arith.constant 240 : index
      %swap3A_371 = tpu.vector_load %arg12[%swap3A_369, %swap3A_370] {strides = array<i32>} : memref<64x768xf32, #tpu.memory_space<vmem>>, vector<1x16xf32>,
      %swap3A_372 = vector.shape_cast %swap3A_371 : vector<1x16xf32> to vector<16xf32>
      %swap3A_373 = vector.shape_cast %add3A_368 : vector<16xf32> to vector<1x16xf32>
      tpu.vector_store %arg12[%swap3A_369, %swap3A_370], %swap3A_373 {strides = array<i32>} : memref<64x768xf32, #tpu.memory_space<vmem>>, vector<1x16xf32>,
      %get3A_374 = arith.index_cast %scan3A_78 : i32 to index
      %get3A_375 = arith.constant 256 : index
      %get3A_376 = tpu.vector_load %arg12[%get3A_374, %get3A_375] {strides = array<i32>} : memref<64x768xf32, #tpu.memory_space<vmem>>, vector<1x16xf32>,
      %get3A_377 = vector.shape_cast %get3A_376 : vector<1x16xf32> to vector<16xf32>
      %mul3A_378 = vector.broadcast %squeeze3A : f32 to vector<16xf32>
      %mul3A_379 = arith.mulf %mul3A_378, %get3A_377 : vector<16xf32>
      %get3A_380 = arith.index_cast %scan3A_78 : i32 to index
      %get3A_381 = arith.constant 256 : index
      %get3A_382 = tpu.vector_load %arg13[%get3A_380, %get3A_381] {strides = array<i32>} : memref<64x768xf32, #tpu.memory_space<vmem>>, vector<1x16xf32>,
      %get3A_383 = vector.shape_cast %get3A_382 : vector<1x16xf32> to vector<16xf32>
      %mul3A_384 = vector.broadcast %squeeze3A_86 : f32 to vector<16xf32>
      %mul3A_385 = arith.mulf %mul3A_384, %get3A_383 : vector<16xf32>
      %add3A_386 = arith.addf %mul3A_379, %mul3A_385 : vector<16xf32>
      %swap3A_387 = arith.index_cast %scan3A_78 : i32 to index
      %swap3A_388 = arith.constant 256 : index
      %swap3A_389 = tpu.vector_load %arg12[%swap3A_387, %swap3A_388] {strides = array<i32>} : memref<64x768xf32, #tpu.memory_space<vmem>>, vector<1x16xf32>,
      %swap3A_390 = vector.shape_cast %swap3A_389 : vector<1x16xf32> to vector<16xf32>
      %swap3A_391 = vector.shape_cast %add3A_386 : vector<16xf32> to vector<1x16xf32>
      tpu.vector_store %arg12[%swap3A_387, %swap3A_388], %swap3A_391 {strides = array<i32>} : memref<64x768xf32, #tpu.memory_space<vmem>>, vector<1x16xf32>,
      %get3A_392 = arith.index_cast %scan3A_78 : i32 to index
      %get3A_393 = arith.constant 272 : index
      %get3A_394 = tpu.vector_load %arg12[%get3A_392, %get3A_393] {strides = array<i32>} : memref<64x768xf32, #tpu.memory_space<vmem>>, vector<1x16xf32>,
      %get3A_395 = vector.shape_cast %get3A_394 : vector<1x16xf32> to vector<16xf32>
      %mul3A_396 = vector.broadcast %squeeze3A : f32 to vector<16xf32>
      %mul3A_397 = arith.mulf %mul3A_396, %get3A_395 : vector<16xf32>
      %get3A_398 = arith.index_cast %scan3A_78 : i32 to index
      %get3A_399 = arith.constant 272 : index
      %get3A_400 = tpu.vector_load %arg13[%get3A_398, %get3A_399] {strides = array<i32>} : memref<64x768xf32, #tpu.memory_space<vmem>>, vector<1x16xf32>,
      %get3A_401 = vector.shape_cast %get3A_400 : vector<1x16xf32> to vector<16xf32>
      %mul3A_402 = vector.broadcast %squeeze3A_86 : f32 to vector<16xf32>
      %mul3A_403 = arith.mulf %mul3A_402, %get3A_401 : vector<16xf32>
      %add3A_404 = arith.addf %mul3A_397, %mul3A_403 : vector<16xf32>
      %swap3A_405 = arith.index_cast %scan3A_78 : i32 to index
      %swap3A_406 = arith.constant 272 : index
      %swap3A_407 = tpu.vector_load %arg12[%swap3A_405, %swap3A_406] {strides = array<i32>} : memref<64x768xf32, #tpu.memory_space<vmem>>, vector<1x16xf32>,
      %swap3A_408 = vector.shape_cast %swap3A_407 : vector<1x16xf32> to vector<16xf32>
      %swap3A_409 = vector.shape_cast %add3A_404 : vector<16xf32> to vector<1x16xf32>
      tpu.vector_store %arg12[%swap3A_405, %swap3A_406], %swap3A_409 {strides = array<i32>} : memref<64x768xf32, #tpu.memory_space<vmem>>, vector<1x16xf32>,
      %get3A_410 = arith.index_cast %scan3A_78 : i32 to index
      %get3A_411 = arith.constant 288 : index
      %get3A_412 = tpu.vector_load %arg12[%get3A_410, %get3A_411] {strides = array<i32>} : memref<64x768xf32, #tpu.memory_space<vmem>>, vector<1x16xf32>,
      %get3A_413 = vector.shape_cast %get3A_412 : vector<1x16xf32> to vector<16xf32>
      %mul3A_414 = vector.broadcast %squeeze3A : f32 to vector<16xf32>
      %mul3A_415 = arith.mulf %mul3A_414, %get3A_413 : vector<16xf32>
      %get3A_416 = arith.index_cast %scan3A_78 : i32 to index
      %get3A_417 = arith.constant 288 : index
      %get3A_418 = tpu.vector_load %arg13[%get3A_416, %get3A_417] {strides = array<i32>} : memref<64x768xf32, #tpu.memory_space<vmem>>, vector<1x16xf32>,
      %get3A_419 = vector.shape_cast %get3A_418 : vector<1x16xf32> to vector<16xf32>
      %mul3A_420 = vector.broadcast %squeeze3A_86 : f32 to vector<16xf32>
      %mul3A_421 = arith.mulf %mul3A_420, %get3A_419 : vector<16xf32>
      %add3A_422 = arith.addf %mul3A_415, %mul3A_421 : vector<16xf32>
      %swap3A_423 = arith.index_cast %scan3A_78 : i32 to index
      %swap3A_424 = arith.constant 288 : index
      %swap3A_425 = tpu.vector_load %arg12[%swap3A_423, %swap3A_424] {strides = array<i32>} : memref<64x768xf32, #tpu.memory_space<vmem>>, vector<1x16xf32>,
      %swap3A_426 = vector.shape_cast %swap3A_425 : vector<1x16xf32> to vector<16xf32>
      %swap3A_427 = vector.shape_cast %add3A_422 : vector<16xf32> to vector<1x16xf32>
      tpu.vector_store %arg12[%swap3A_423, %swap3A_424], %swap3A_427 {strides = array<i32>} : memref<64x768xf32, #tpu.memory_space<vmem>>, vector<1x16xf32>,
      %get3A_428 = arith.index_cast %scan3A_78 : i32 to index
      %get3A_429 = arith.constant 304 : index
      %get3A_430 = tpu.vector_load %arg12[%get3A_428, %get3A_429] {strides = array<i32>} : memref<64x768xf32, #tpu.memory_space<vmem>>, vector<1x16xf32>,
      %get3A_431 = vector.shape_cast %get3A_430 : vector<1x16xf32> to vector<16xf32>
      %mul3A_432 = vector.broadcast %squeeze3A : f32 to vector<16xf32>
      %mul3A_433 = arith.mulf %mul3A_432, %get3A_431 : vector<16xf32>
      %get3A_434 = arith.index_cast %scan3A_78 : i32 to index
      %get3A_435 = arith.constant 304 : index
      %get3A_436 = tpu.vector_load %arg13[%get3A_434, %get3A_435] {strides = array<i32>} : memref<64x768xf32, #tpu.memory_space<vmem>>, vector<1x16xf32>,
      %get3A_437 = vector.shape_cast %get3A_436 : vector<1x16xf32> to vector<16xf32>
      %mul3A_438 = vector.broadcast %squeeze3A_86 : f32 to vector<16xf32>
      %mul3A_439 = arith.mulf %mul3A_438, %get3A_437 : vector<16xf32>
      %add3A_440 = arith.addf %mul3A_433, %mul3A_439 : vector<16xf32>
      %swap3A_441 = arith.index_cast %scan3A_78 : i32 to index
      %swap3A_442 = arith.constant 304 : index
      %swap3A_443 = tpu.vector_load %arg12[%swap3A_441, %swap3A_442] {strides = array<i32>} : memref<64x768xf32, #tpu.memory_space<vmem>>, vector<1x16xf32>,
      %swap3A_444 = vector.shape_cast %swap3A_443 : vector<1x16xf32> to vector<16xf32>
      %swap3A_445 = vector.shape_cast %add3A_440 : vector<16xf32> to vector<1x16xf32>
      tpu.vector_store %arg12[%swap3A_441, %swap3A_442], %swap3A_445 {strides = array<i32>} : memref<64x768xf32, #tpu.memory_space<vmem>>, vector<1x16xf32>,
      %get3A_446 = arith.index_cast %scan3A_78 : i32 to index
      %get3A_447 = arith.constant 320 : index
      %get3A_448 = tpu.vector_load %arg12[%get3A_446, %get3A_447] {strides = array<i32>} : memref<64x768xf32, #tpu.memory_space<vmem>>, vector<1x16xf32>,
      %get3A_449 = vector.shape_cast %get3A_448 : vector<1x16xf32> to vector<16xf32>
      %mul3A_450 = vector.broadcast %squeeze3A : f32 to vector<16xf32>
      %mul3A_451 = arith.mulf %mul3A_450, %get3A_449 : vector<16xf32>
      %get3A_452 = arith.index_cast %scan3A_78 : i32 to index
      %get3A_453 = arith.constant 320 : index
      %get3A_454 = tpu.vector_load %arg13[%get3A_452, %get3A_453] {strides = array<i32>} : memref<64x768xf32, #tpu.memory_space<vmem>>, vector<1x16xf32>,
      %get3A_455 = vector.shape_cast %get3A_454 : vector<1x16xf32> to vector<16xf32>
      %mul3A_456 = vector.broadcast %squeeze3A_86 : f32 to vector<16xf32>
      %mul3A_457 = arith.mulf %mul3A_456, %get3A_455 : vector<16xf32>
      %add3A_458 = arith.addf %mul3A_451, %mul3A_457 : vector<16xf32>
      %swap3A_459 = arith.index_cast %scan3A_78 : i32 to index
      %swap3A_460 = arith.constant 320 : index
      %swap3A_461 = tpu.vector_load %arg12[%swap3A_459, %swap3A_460] {strides = array<i32>} : memref<64x768xf32, #tpu.memory_space<vmem>>, vector<1x16xf32>,
      %swap3A_462 = vector.shape_cast %swap3A_461 : vector<1x16xf32> to vector<16xf32>
      %swap3A_463 = vector.shape_cast %add3A_458 : vector<16xf32> to vector<1x16xf32>
      tpu.vector_store %arg12[%swap3A_459, %swap3A_460], %swap3A_463 {strides = array<i32>} : memref<64x768xf32, #tpu.memory_space<vmem>>, vector<1x16xf32>,
      %get3A_464 = arith.index_cast %scan3A_78 : i32 to index
      %get3A_465 = arith.constant 336 : index
      %get3A_466 = tpu.vector_load %arg12[%get3A_464, %get3A_465] {strides = array<i32>} : memref<64x768xf32, #tpu.memory_space<vmem>>, vector<1x16xf32>,
      %get3A_467 = vector.shape_cast %get3A_466 : vector<1x16xf32> to vector<16xf32>
      %mul3A_468 = vector.broadcast %squeeze3A : f32 to vector<16xf32>
      %mul3A_469 = arith.mulf %mul3A_468, %get3A_467 : vector<16xf32>
      %get3A_470 = arith.index_cast %scan3A_78 : i32 to index
      %get3A_471 = arith.constant 336 : index
      %get3A_472 = tpu.vector_load %arg13[%get3A_470, %get3A_471] {strides = array<i32>} : memref<64x768xf32, #tpu.memory_space<vmem>>, vector<1x16xf32>,
      %get3A_473 = vector.shape_cast %get3A_472 : vector<1x16xf32> to vector<16xf32>
      %mul3A_474 = vector.broadcast %squeeze3A_86 : f32 to vector<16xf32>
      %mul3A_475 = arith.mulf %mul3A_474, %get3A_473 : vector<16xf32>
      %add3A_476 = arith.addf %mul3A_469, %mul3A_475 : vector<16xf32>
      %swap3A_477 = arith.index_cast %scan3A_78 : i32 to index
      %swap3A_478 = arith.constant 336 : index
      %swap3A_479 = tpu.vector_load %arg12[%swap3A_477, %swap3A_478] {strides = array<i32>} : memref<64x768xf32, #tpu.memory_space<vmem>>, vector<1x16xf32>,
      %swap3A_480 = vector.shape_cast %swap3A_479 : vector<1x16xf32> to vector<16xf32>
      %swap3A_481 = vector.shape_cast %add3A_476 : vector<16xf32> to vector<1x16xf32>
      tpu.vector_store %arg12[%swap3A_477, %swap3A_478], %swap3A_481 {strides = array<i32>} : memref<64x768xf32, #tpu.memory_space<vmem>>, vector<1x16xf32>,
      %get3A_482 = arith.index_cast %scan3A_78 : i32 to index
      %get3A_483 = arith.constant 352 : index
      %get3A_484 = tpu.vector_load %arg12[%get3A_482, %get3A_483] {strides = array<i32>} : memref<64x768xf32, #tpu.memory_space<vmem>>, vector<1x16xf32>,
      %get3A_485 = vector.shape_cast %get3A_484 : vector<1x16xf32> to vector<16xf32>
      %mul3A_486 = vector.broadcast %squeeze3A : f32 to vector<16xf32>
      %mul3A_487 = arith.mulf %mul3A_486, %get3A_485 : vector<16xf32>
      %get3A_488 = arith.index_cast %scan3A_78 : i32 to index
      %get3A_489 = arith.constant 352 : index
      %get3A_490 = tpu.vector_load %arg13[%get3A_488, %get3A_489] {strides = array<i32>} : memref<64x768xf32, #tpu.memory_space<vmem>>, vector<1x16xf32>,
      %get3A_491 = vector.shape_cast %get3A_490 : vector<1x16xf32> to vector<16xf32>
      %mul3A_492 = vector.broadcast %squeeze3A_86 : f32 to vector<16xf32>
      %mul3A_493 = arith.mulf %mul3A_492, %get3A_491 : vector<16xf32>
      %add3A_494 = arith.addf %mul3A_487, %mul3A_493 : vector<16xf32>
      %swap3A_495 = arith.index_cast %scan3A_78 : i32 to index
      %swap3A_496 = arith.constant 352 : index
      %swap3A_497 = tpu.vector_load %arg12[%swap3A_495, %swap3A_496] {strides = array<i32>} : memref<64x768xf32, #tpu.memory_space<vmem>>, vector<1x16xf32>,
      %swap3A_498 = vector.shape_cast %swap3A_497 : vector<1x16xf32> to vector<16xf32>
      %swap3A_499 = vector.shape_cast %add3A_494 : vector<16xf32> to vector<1x16xf32>
      tpu.vector_store %arg12[%swap3A_495, %swap3A_496], %swap3A_499 {strides = array<i32>} : memref<64x768xf32, #tpu.memory_space<vmem>>, vector<1x16xf32>,
      %get3A_500 = arith.index_cast %scan3A_78 : i32 to index
      %get3A_501 = arith.constant 368 : index
      %get3A_502 = tpu.vector_load %arg12[%get3A_500, %get3A_501] {strides = array<i32>} : memref<64x768xf32, #tpu.memory_space<vmem>>, vector<1x16xf32>,
      %get3A_503 = vector.shape_cast %get3A_502 : vector<1x16xf32> to vector<16xf32>
      %mul3A_504 = vector.broadcast %squeeze3A : f32 to vector<16xf32>
      %mul3A_505 = arith.mulf %mul3A_504, %get3A_503 : vector<16xf32>
      %get3A_506 = arith.index_cast %scan3A_78 : i32 to index
      %get3A_507 = arith.constant 368 : index
      %get3A_508 = tpu.vector_load %arg13[%get3A_506, %get3A_507] {strides = array<i32>} : memref<64x768xf32, #tpu.memory_space<vmem>>, vector<1x16xf32>,
      %get3A_509 = vector.shape_cast %get3A_508 : vector<1x16xf32> to vector<16xf32>
      %mul3A_510 = vector.broadcast %squeeze3A_86 : f32 to vector<16xf32>
      %mul3A_511 = arith.mulf %mul3A_510, %get3A_509 : vector<16xf32>
      %add3A_512 = arith.addf %mul3A_505, %mul3A_511 : vector<16xf32>
      %swap3A_513 = arith.index_cast %scan3A_78 : i32 to index
      %swap3A_514 = arith.constant 368 : index
      %swap3A_515 = tpu.vector_load %arg12[%swap3A_513, %swap3A_514] {strides = array<i32>} : memref<64x768xf32, #tpu.memory_space<vmem>>, vector<1x16xf32>,
      %swap3A_516 = vector.shape_cast %swap3A_515 : vector<1x16xf32> to vector<16xf32>
      %swap3A_517 = vector.shape_cast %add3A_512 : vector<16xf32> to vector<1x16xf32>
      tpu.vector_store %arg12[%swap3A_513, %swap3A_514], %swap3A_517 {strides = array<i32>} : memref<64x768xf32, #tpu.memory_space<vmem>>, vector<1x16xf32>,
      %get3A_518 = arith.index_cast %scan3A_78 : i32 to index
      %get3A_519 = arith.constant 384 : index
      %get3A_520 = tpu.vector_load %arg12[%get3A_518, %get3A_519] {strides = array<i32>} : memref<64x768xf32, #tpu.memory_space<vmem>>, vector<1x16xf32>,
      %get3A_521 = vector.shape_cast %get3A_520 : vector<1x16xf32> to vector<16xf32>
      %mul3A_522 = vector.broadcast %squeeze3A : f32 to vector<16xf32>
      %mul3A_523 = arith.mulf %mul3A_522, %get3A_521 : vector<16xf32>
      %get3A_524 = arith.index_cast %scan3A_78 : i32 to index
      %get3A_525 = arith.constant 384 : index
      %get3A_526 = tpu.vector_load %arg13[%get3A_524, %get3A_525] {strides = array<i32>} : memref<64x768xf32, #tpu.memory_space<vmem>>, vector<1x16xf32>,
      %get3A_527 = vector.shape_cast %get3A_526 : vector<1x16xf32> to vector<16xf32>
      %mul3A_528 = vector.broadcast %squeeze3A_86 : f32 to vector<16xf32>
      %mul3A_529 = arith.mulf %mul3A_528, %get3A_527 : vector<16xf32>
      %add3A_530 = arith.addf %mul3A_523, %mul3A_529 : vector<16xf32>
      %swap3A_531 = arith.index_cast %scan3A_78 : i32 to index
      %swap3A_532 = arith.constant 384 : index
      %swap3A_533 = tpu.vector_load %arg12[%swap3A_531, %swap3A_532] {strides = array<i32>} : memref<64x768xf32, #tpu.memory_space<vmem>>, vector<1x16xf32>,
      %swap3A_534 = vector.shape_cast %swap3A_533 : vector<1x16xf32> to vector<16xf32>
      %swap3A_535 = vector.shape_cast %add3A_530 : vector<16xf32> to vector<1x16xf32>
      tpu.vector_store %arg12[%swap3A_531, %swap3A_532], %swap3A_535 {strides = array<i32>} : memref<64x768xf32, #tpu.memory_space<vmem>>, vector<1x16xf32>,
      %get3A_536 = arith.index_cast %scan3A_78 : i32 to index
      %get3A_537 = arith.constant 400 : index
      %get3A_538 = tpu.vector_load %arg12[%get3A_536, %get3A_537] {strides = array<i32>} : memref<64x768xf32, #tpu.memory_space<vmem>>, vector<1x16xf32>,
      %get3A_539 = vector.shape_cast %get3A_538 : vector<1x16xf32> to vector<16xf32>
      %mul3A_540 = vector.broadcast %squeeze3A : f32 to vector<16xf32>
      %mul3A_541 = arith.mulf %mul3A_540, %get3A_539 : vector<16xf32>
      %get3A_542 = arith.index_cast %scan3A_78 : i32 to index
      %get3A_543 = arith.constant 400 : index
      %get3A_544 = tpu.vector_load %arg13[%get3A_542, %get3A_543] {strides = array<i32>} : memref<64x768xf32, #tpu.memory_space<vmem>>, vector<1x16xf32>,
      %get3A_545 = vector.shape_cast %get3A_544 : vector<1x16xf32> to vector<16xf32>
      %mul3A_546 = vector.broadcast %squeeze3A_86 : f32 to vector<16xf32>
      %mul3A_547 = arith.mulf %mul3A_546, %get3A_545 : vector<16xf32>
      %add3A_548 = arith.addf %mul3A_541, %mul3A_547 : vector<16xf32>
      %swap3A_549 = arith.index_cast %scan3A_78 : i32 to index
      %swap3A_550 = arith.constant 400 : index
      %swap3A_551 = tpu.vector_load %arg12[%swap3A_549, %swap3A_550] {strides = array<i32>} : memref<64x768xf32, #tpu.memory_space<vmem>>, vector<1x16xf32>,
      %swap3A_552 = vector.shape_cast %swap3A_551 : vector<1x16xf32> to vector<16xf32>
      %swap3A_553 = vector.shape_cast %add3A_548 : vector<16xf32> to vector<1x16xf32>
      tpu.vector_store %arg12[%swap3A_549, %swap3A_550], %swap3A_553 {strides = array<i32>} : memref<64x768xf32, #tpu.memory_space<vmem>>, vector<1x16xf32>,
      %get3A_554 = arith.index_cast %scan3A_78 : i32 to index
      %get3A_555 = arith.constant 416 : index
      %get3A_556 = tpu.vector_load %arg12[%get3A_554, %get3A_555] {strides = array<i32>} : memref<64x768xf32, #tpu.memory_space<vmem>>, vector<1x16xf32>,
      %get3A_557 = vector.shape_cast %get3A_556 : vector<1x16xf32> to vector<16xf32>
      %mul3A_558 = vector.broadcast %squeeze3A : f32 to vector<16xf32>
      %mul3A_559 = arith.mulf %mul3A_558, %get3A_557 : vector<16xf32>
      %get3A_560 = arith.index_cast %scan3A_78 : i32 to index
      %get3A_561 = arith.constant 416 : index
      %get3A_562 = tpu.vector_load %arg13[%get3A_560, %get3A_561] {strides = array<i32>} : memref<64x768xf32, #tpu.memory_space<vmem>>, vector<1x16xf32>,
      %get3A_563 = vector.shape_cast %get3A_562 : vector<1x16xf32> to vector<16xf32>
      %mul3A_564 = vector.broadcast %squeeze3A_86 : f32 to vector<16xf32>
      %mul3A_565 = arith.mulf %mul3A_564, %get3A_563 : vector<16xf32>
      %add3A_566 = arith.addf %mul3A_559, %mul3A_565 : vector<16xf32>
      %swap3A_567 = arith.index_cast %scan3A_78 : i32 to index
      %swap3A_568 = arith.constant 416 : index
      %swap3A_569 = tpu.vector_load %arg12[%swap3A_567, %swap3A_568] {strides = array<i32>} : memref<64x768xf32, #tpu.memory_space<vmem>>, vector<1x16xf32>,
      %swap3A_570 = vector.shape_cast %swap3A_569 : vector<1x16xf32> to vector<16xf32>
      %swap3A_571 = vector.shape_cast %add3A_566 : vector<16xf32> to vector<1x16xf32>
      tpu.vector_store %arg12[%swap3A_567, %swap3A_568], %swap3A_571 {strides = array<i32>} : memref<64x768xf32, #tpu.memory_space<vmem>>, vector<1x16xf32>,
      %get3A_572 = arith.index_cast %scan3A_78 : i32 to index
      %get3A_573 = arith.constant 432 : index
      %get3A_574 = tpu.vector_load %arg12[%get3A_572, %get3A_573] {strides = array<i32>} : memref<64x768xf32, #tpu.memory_space<vmem>>, vector<1x16xf32>,
      %get3A_575 = vector.shape_cast %get3A_574 : vector<1x16xf32> to vector<16xf32>
      %mul3A_576 = vector.broadcast %squeeze3A : f32 to vector<16xf32>
      %mul3A_577 = arith.mulf %mul3A_576, %get3A_575 : vector<16xf32>
      %get3A_578 = arith.index_cast %scan3A_78 : i32 to index
      %get3A_579 = arith.constant 432 : index
      %get3A_580 = tpu.vector_load %arg13[%get3A_578, %get3A_579] {strides = array<i32>} : memref<64x768xf32, #tpu.memory_space<vmem>>, vector<1x16xf32>,
      %get3A_581 = vector.shape_cast %get3A_580 : vector<1x16xf32> to vector<16xf32>
      %mul3A_582 = vector.broadcast %squeeze3A_86 : f32 to vector<16xf32>
      %mul3A_583 = arith.mulf %mul3A_582, %get3A_581 : vector<16xf32>
      %add3A_584 = arith.addf %mul3A_577, %mul3A_583 : vector<16xf32>
      %swap3A_585 = arith.index_cast %scan3A_78 : i32 to index
      %swap3A_586 = arith.constant 432 : index
      %swap3A_587 = tpu.vector_load %arg12[%swap3A_585, %swap3A_586] {strides = array<i32>} : memref<64x768xf32, #tpu.memory_space<vmem>>, vector<1x16xf32>,
      %swap3A_588 = vector.shape_cast %swap3A_587 : vector<1x16xf32> to vector<16xf32>
      %swap3A_589 = vector.shape_cast %add3A_584 : vector<16xf32> to vector<1x16xf32>
      tpu.vector_store %arg12[%swap3A_585, %swap3A_586], %swap3A_589 {strides = array<i32>} : memref<64x768xf32, #tpu.memory_space<vmem>>, vector<1x16xf32>,
      %get3A_590 = arith.index_cast %scan3A_78 : i32 to index
      %get3A_591 = arith.constant 448 : index
      %get3A_592 = tpu.vector_load %arg12[%get3A_590, %get3A_591] {strides = array<i32>} : memref<64x768xf32, #tpu.memory_space<vmem>>, vector<1x16xf32>,
      %get3A_593 = vector.shape_cast %get3A_592 : vector<1x16xf32> to vector<16xf32>
      %mul3A_594 = vector.broadcast %squeeze3A : f32 to vector<16xf32>
      %mul3A_595 = arith.mulf %mul3A_594, %get3A_593 : vector<16xf32>
      %get3A_596 = arith.index_cast %scan3A_78 : i32 to index
      %get3A_597 = arith.constant 448 : index
      %get3A_598 = tpu.vector_load %arg13[%get3A_596, %get3A_597] {strides = array<i32>} : memref<64x768xf32, #tpu.memory_space<vmem>>, vector<1x16xf32>,
      %get3A_599 = vector.shape_cast %get3A_598 : vector<1x16xf32> to vector<16xf32>
      %mul3A_600 = vector.broadcast %squeeze3A_86 : f32 to vector<16xf32>
      %mul3A_601 = arith.mulf %mul3A_600, %get3A_599 : vector<16xf32>
      %add3A_602 = arith.addf %mul3A_595, %mul3A_601 : vector<16xf32>
      %swap3A_603 = arith.index_cast %scan3A_78 : i32 to index
      %swap3A_604 = arith.constant 448 : index
      %swap3A_605 = tpu.vector_load %arg12[%swap3A_603, %swap3A_604] {strides = array<i32>} : memref<64x768xf32, #tpu.memory_space<vmem>>, vector<1x16xf32>,
      %swap3A_606 = vector.shape_cast %swap3A_605 : vector<1x16xf32> to vector<16xf32>
      %swap3A_607 = vector.shape_cast %add3A_602 : vector<16xf32> to vector<1x16xf32>
      tpu.vector_store %arg12[%swap3A_603, %swap3A_604], %swap3A_607 {strides = array<i32>} : memref<64x768xf32, #tpu.memory_space<vmem>>, vector<1x16xf32>,
      %get3A_608 = arith.index_cast %scan3A_78 : i32 to index
      %get3A_609 = arith.constant 464 : index
      %get3A_610 = tpu.vector_load %arg12[%get3A_608, %get3A_609] {strides = array<i32>} : memref<64x768xf32, #tpu.memory_space<vmem>>, vector<1x16xf32>,
      %get3A_611 = vector.shape_cast %get3A_610 : vector<1x16xf32> to vector<16xf32>
      %mul3A_612 = vector.broadcast %squeeze3A : f32 to vector<16xf32>
      %mul3A_613 = arith.mulf %mul3A_612, %get3A_611 : vector<16xf32>
      %get3A_614 = arith.index_cast %scan3A_78 : i32 to index
      %get3A_615 = arith.constant 464 : index
      %get3A_616 = tpu.vector_load %arg13[%get3A_614, %get3A_615] {strides = array<i32>} : memref<64x768xf32, #tpu.memory_space<vmem>>, vector<1x16xf32>,
      %get3A_617 = vector.shape_cast %get3A_616 : vector<1x16xf32> to vector<16xf32>
      %mul3A_618 = vector.broadcast %squeeze3A_86 : f32 to vector<16xf32>
      %mul3A_619 = arith.mulf %mul3A_618, %get3A_617 : vector<16xf32>
      %add3A_620 = arith.addf %mul3A_613, %mul3A_619 : vector<16xf32>
      %swap3A_621 = arith.index_cast %scan3A_78 : i32 to index
      %swap3A_622 = arith.constant 464 : index
      %swap3A_623 = tpu.vector_load %arg12[%swap3A_621, %swap3A_622] {strides = array<i32>} : memref<64x768xf32, #tpu.memory_space<vmem>>, vector<1x16xf32>,
      %swap3A_624 = vector.shape_cast %swap3A_623 : vector<1x16xf32> to vector<16xf32>
      %swap3A_625 = vector.shape_cast %add3A_620 : vector<16xf32> to vector<1x16xf32>
      tpu.vector_store %arg12[%swap3A_621, %swap3A_622], %swap3A_625 {strides = array<i32>} : memref<64x768xf32, #tpu.memory_space<vmem>>, vector<1x16xf32>,
      %get3A_626 = arith.index_cast %scan3A_78 : i32 to index
      %get3A_627 = arith.constant 480 : index
      %get3A_628 = tpu.vector_load %arg12[%get3A_626, %get3A_627] {strides = array<i32>} : memref<64x768xf32, #tpu.memory_space<vmem>>, vector<1x16xf32>,
      %get3A_629 = vector.shape_cast %get3A_628 : vector<1x16xf32> to vector<16xf32>
      %mul3A_630 = vector.broadcast %squeeze3A : f32 to vector<16xf32>
      %mul3A_631 = arith.mulf %mul3A_630, %get3A_629 : vector<16xf32>
      %get3A_632 = arith.index_cast %scan3A_78 : i32 to index
      %get3A_633 = arith.constant 480 : index
      %get3A_634 = tpu.vector_load %arg13[%get3A_632, %get3A_633] {strides = array<i32>} : memref<64x768xf32, #tpu.memory_space<vmem>>, vector<1x16xf32>,
      %get3A_635 = vector.shape_cast %get3A_634 : vector<1x16xf32> to vector<16xf32>
      %mul3A_636 = vector.broadcast %squeeze3A_86 : f32 to vector<16xf32>
      %mul3A_637 = arith.mulf %mul3A_636, %get3A_635 : vector<16xf32>
      %add3A_638 = arith.addf %mul3A_631, %mul3A_637 : vector<16xf32>
      %swap3A_639 = arith.index_cast %scan3A_78 : i32 to index
      %swap3A_640 = arith.constant 480 : index
      %swap3A_641 = tpu.vector_load %arg12[%swap3A_639, %swap3A_640] {strides = array<i32>} : memref<64x768xf32, #tpu.memory_space<vmem>>, vector<1x16xf32>,
      %swap3A_642 = vector.shape_cast %swap3A_641 : vector<1x16xf32> to vector<16xf32>
      %swap3A_643 = vector.shape_cast %add3A_638 : vector<16xf32> to vector<1x16xf32>
      tpu.vector_store %arg12[%swap3A_639, %swap3A_640], %swap3A_643 {strides = array<i32>} : memref<64x768xf32, #tpu.memory_space<vmem>>, vector<1x16xf32>,
      %get3A_644 = arith.index_cast %scan3A_78 : i32 to index
      %get3A_645 = arith.constant 496 : index
      %get3A_646 = tpu.vector_load %arg12[%get3A_644, %get3A_645] {strides = array<i32>} : memref<64x768xf32, #tpu.memory_space<vmem>>, vector<1x16xf32>,
      %get3A_647 = vector.shape_cast %get3A_646 : vector<1x16xf32> to vector<16xf32>
      %mul3A_648 = vector.broadcast %squeeze3A : f32 to vector<16xf32>
      %mul3A_649 = arith.mulf %mul3A_648, %get3A_647 : vector<16xf32>
      %get3A_650 = arith.index_cast %scan3A_78 : i32 to index
      %get3A_651 = arith.constant 496 : index
      %get3A_652 = tpu.vector_load %arg13[%get3A_650, %get3A_651] {strides = array<i32>} : memref<64x768xf32, #tpu.memory_space<vmem>>, vector<1x16xf32>,
      %get3A_653 = vector.shape_cast %get3A_652 : vector<1x16xf32> to vector<16xf32>
      %mul3A_654 = vector.broadcast %squeeze3A_86 : f32 to vector<16xf32>
      %mul3A_655 = arith.mulf %mul3A_654, %get3A_653 : vector<16xf32>
      %add3A_656 = arith.addf %mul3A_649, %mul3A_655 : vector<16xf32>
      %swap3A_657 = arith.index_cast %scan3A_78 : i32 to index
      %swap3A_658 = arith.constant 496 : index
      %swap3A_659 = tpu.vector_load %arg12[%swap3A_657, %swap3A_658] {strides = array<i32>} : memref<64x768xf32, #tpu.memory_space<vmem>>, vector<1x16xf32>,
      %swap3A_660 = vector.shape_cast %swap3A_659 : vector<1x16xf32> to vector<16xf32>
      %swap3A_661 = vector.shape_cast %add3A_656 : vector<16xf32> to vector<1x16xf32>
      tpu.vector_store %arg12[%swap3A_657, %swap3A_658], %swap3A_661 {strides = array<i32>} : memref<64x768xf32, #tpu.memory_space<vmem>>, vector<1x16xf32>,
      %get3A_662 = arith.index_cast %scan3A_78 : i32 to index
      %get3A_663 = arith.constant 512 : index
      %get3A_664 = tpu.vector_load %arg12[%get3A_662, %get3A_663] {strides = array<i32>} : memref<64x768xf32, #tpu.memory_space<vmem>>, vector<1x16xf32>,
      %get3A_665 = vector.shape_cast %get3A_664 : vector<1x16xf32> to vector<16xf32>
      %mul3A_666 = vector.broadcast %squeeze3A : f32 to vector<16xf32>
      %mul3A_667 = arith.mulf %mul3A_666, %get3A_665 : vector<16xf32>
      %get3A_668 = arith.index_cast %scan3A_78 : i32 to index
      %get3A_669 = arith.constant 512 : index
      %get3A_670 = tpu.vector_load %arg13[%get3A_668, %get3A_669] {strides = array<i32>} : memref<64x768xf32, #tpu.memory_space<vmem>>, vector<1x16xf32>,
      %get3A_671 = vector.shape_cast %get3A_670 : vector<1x16xf32> to vector<16xf32>
      %mul3A_672 = vector.broadcast %squeeze3A_86 : f32 to vector<16xf32>
      %mul3A_673 = arith.mulf %mul3A_672, %get3A_671 : vector<16xf32>
      %add3A_674 = arith.addf %mul3A_667, %mul3A_673 : vector<16xf32>
      %swap3A_675 = arith.index_cast %scan3A_78 : i32 to index
      %swap3A_676 = arith.constant 512 : index
      %swap3A_677 = tpu.vector_load %arg12[%swap3A_675, %swap3A_676] {strides = array<i32>} : memref<64x768xf32, #tpu.memory_space<vmem>>, vector<1x16xf32>,
      %swap3A_678 = vector.shape_cast %swap3A_677 : vector<1x16xf32> to vector<16xf32>
      %swap3A_679 = vector.shape_cast %add3A_674 : vector<16xf32> to vector<1x16xf32>
      tpu.vector_store %arg12[%swap3A_675, %swap3A_676], %swap3A_679 {strides = array<i32>} : memref<64x768xf32, #tpu.memory_space<vmem>>, vector<1x16xf32>,
      %get3A_680 = arith.index_cast %scan3A_78 : i32 to index
      %get3A_681 = arith.constant 528 : index
      %get3A_682 = tpu.vector_load %arg12[%get3A_680, %get3A_681] {strides = array<i32>} : memref<64x768xf32, #tpu.memory_space<vmem>>, vector<1x16xf32>,
      %get3A_683 = vector.shape_cast %get3A_682 : vector<1x16xf32> to vector<16xf32>
      %mul3A_684 = vector.broadcast %squeeze3A : f32 to vector<16xf32>
      %mul3A_685 = arith.mulf %mul3A_684, %get3A_683 : vector<16xf32>
      %get3A_686 = arith.index_cast %scan3A_78 : i32 to index
      %get3A_687 = arith.constant 528 : index
      %get3A_688 = tpu.vector_load %arg13[%get3A_686, %get3A_687] {strides = array<i32>} : memref<64x768xf32, #tpu.memory_space<vmem>>, vector<1x16xf32>,
      %get3A_689 = vector.shape_cast %get3A_688 : vector<1x16xf32> to vector<16xf32>
      %mul3A_690 = vector.broadcast %squeeze3A_86 : f32 to vector<16xf32>
      %mul3A_691 = arith.mulf %mul3A_690, %get3A_689 : vector<16xf32>
      %add3A_692 = arith.addf %mul3A_685, %mul3A_691 : vector<16xf32>
      %swap3A_693 = arith.index_cast %scan3A_78 : i32 to index
      %swap3A_694 = arith.constant 528 : index
      %swap3A_695 = tpu.vector_load %arg12[%swap3A_693, %swap3A_694] {strides = array<i32>} : memref<64x768xf32, #tpu.memory_space<vmem>>, vector<1x16xf32>,
      %swap3A_696 = vector.shape_cast %swap3A_695 : vector<1x16xf32> to vector<16xf32>
      %swap3A_697 = vector.shape_cast %add3A_692 : vector<16xf32> to vector<1x16xf32>
      tpu.vector_store %arg12[%swap3A_693, %swap3A_694], %swap3A_697 {strides = array<i32>} : memref<64x768xf32, #tpu.memory_space<vmem>>, vector<1x16xf32>,
      %get3A_698 = arith.index_cast %scan3A_78 : i32 to index
      %get3A_699 = arith.constant 544 : index
      %get3A_700 = tpu.vector_load %arg12[%get3A_698, %get3A_699] {strides = array<i32>} : memref<64x768xf32, #tpu.memory_space<vmem>>, vector<1x16xf32>,
      %get3A_701 = vector.shape_cast %get3A_700 : vector<1x16xf32> to vector<16xf32>
      %mul3A_702 = vector.broadcast %squeeze3A : f32 to vector<16xf32>
      %mul3A_703 = arith.mulf %mul3A_702, %get3A_701 : vector<16xf32>
      %get3A_704 = arith.index_cast %scan3A_78 : i32 to index
      %get3A_705 = arith.constant 544 : index
      %get3A_706 = tpu.vector_load %arg13[%get3A_704, %get3A_705] {strides = array<i32>} : memref<64x768xf32, #tpu.memory_space<vmem>>, vector<1x16xf32>,
      %get3A_707 = vector.shape_cast %get3A_706 : vector<1x16xf32> to vector<16xf32>
      %mul3A_708 = vector.broadcast %squeeze3A_86 : f32 to vector<16xf32>
      %mul3A_709 = arith.mulf %mul3A_708, %get3A_707 : vector<16xf32>
      %add3A_710 = arith.addf %mul3A_703, %mul3A_709 : vector<16xf32>
      %swap3A_711 = arith.index_cast %scan3A_78 : i32 to index
      %swap3A_712 = arith.constant 544 : index
      %swap3A_713 = tpu.vector_load %arg12[%swap3A_711, %swap3A_712] {strides = array<i32>} : memref<64x768xf32, #tpu.memory_space<vmem>>, vector<1x16xf32>,
      %swap3A_714 = vector.shape_cast %swap3A_713 : vector<1x16xf32> to vector<16xf32>
      %swap3A_715 = vector.shape_cast %add3A_710 : vector<16xf32> to vector<1x16xf32>
      tpu.vector_store %arg12[%swap3A_711, %swap3A_712], %swap3A_715 {strides = array<i32>} : memref<64x768xf32, #tpu.memory_space<vmem>>, vector<1x16xf32>,
      %get3A_716 = arith.index_cast %scan3A_78 : i32 to index
      %get3A_717 = arith.constant 560 : index
      %get3A_718 = tpu.vector_load %arg12[%get3A_716, %get3A_717] {strides = array<i32>} : memref<64x768xf32, #tpu.memory_space<vmem>>, vector<1x16xf32>,
      %get3A_719 = vector.shape_cast %get3A_718 : vector<1x16xf32> to vector<16xf32>
      %mul3A_720 = vector.broadcast %squeeze3A : f32 to vector<16xf32>
      %mul3A_721 = arith.mulf %mul3A_720, %get3A_719 : vector<16xf32>
      %get3A_722 = arith.index_cast %scan3A_78 : i32 to index
      %get3A_723 = arith.constant 560 : index
      %get3A_724 = tpu.vector_load %arg13[%get3A_722, %get3A_723] {strides = array<i32>} : memref<64x768xf32, #tpu.memory_space<vmem>>, vector<1x16xf32>,
      %get3A_725 = vector.shape_cast %get3A_724 : vector<1x16xf32> to vector<16xf32>
      %mul3A_726 = vector.broadcast %squeeze3A_86 : f32 to vector<16xf32>
      %mul3A_727 = arith.mulf %mul3A_726, %get3A_725 : vector<16xf32>
      %add3A_728 = arith.addf %mul3A_721, %mul3A_727 : vector<16xf32>
      %swap3A_729 = arith.index_cast %scan3A_78 : i32 to index
      %swap3A_730 = arith.constant 560 : index
      %swap3A_731 = tpu.vector_load %arg12[%swap3A_729, %swap3A_730] {strides = array<i32>} : memref<64x768xf32, #tpu.memory_space<vmem>>, vector<1x16xf32>,
      %swap3A_732 = vector.shape_cast %swap3A_731 : vector<1x16xf32> to vector<16xf32>
      %swap3A_733 = vector.shape_cast %add3A_728 : vector<16xf32> to vector<1x16xf32>
      tpu.vector_store %arg12[%swap3A_729, %swap3A_730], %swap3A_733 {strides = array<i32>} : memref<64x768xf32, #tpu.memory_space<vmem>>, vector<1x16xf32>,
      %get3A_734 = arith.index_cast %scan3A_78 : i32 to index
      %get3A_735 = arith.constant 576 : index
      %get3A_736 = tpu.vector_load %arg12[%get3A_734, %get3A_735] {strides = array<i32>} : memref<64x768xf32, #tpu.memory_space<vmem>>, vector<1x16xf32>,
      %get3A_737 = vector.shape_cast %get3A_736 : vector<1x16xf32> to vector<16xf32>
      %mul3A_738 = vector.broadcast %squeeze3A : f32 to vector<16xf32>
      %mul3A_739 = arith.mulf %mul3A_738, %get3A_737 : vector<16xf32>
      %get3A_740 = arith.index_cast %scan3A_78 : i32 to index
      %get3A_741 = arith.constant 576 : index
      %get3A_742 = tpu.vector_load %arg13[%get3A_740, %get3A_741] {strides = array<i32>} : memref<64x768xf32, #tpu.memory_space<vmem>>, vector<1x16xf32>,
      %get3A_743 = vector.shape_cast %get3A_742 : vector<1x16xf32> to vector<16xf32>
      %mul3A_744 = vector.broadcast %squeeze3A_86 : f32 to vector<16xf32>
      %mul3A_745 = arith.mulf %mul3A_744, %get3A_743 : vector<16xf32>
      %add3A_746 = arith.addf %mul3A_739, %mul3A_745 : vector<16xf32>
      %swap3A_747 = arith.index_cast %scan3A_78 : i32 to index
      %swap3A_748 = arith.constant 576 : index
      %swap3A_749 = tpu.vector_load %arg12[%swap3A_747, %swap3A_748] {strides = array<i32>} : memref<64x768xf32, #tpu.memory_space<vmem>>, vector<1x16xf32>,
      %swap3A_750 = vector.shape_cast %swap3A_749 : vector<1x16xf32> to vector<16xf32>
      %swap3A_751 = vector.shape_cast %add3A_746 : vector<16xf32> to vector<1x16xf32>
      tpu.vector_store %arg12[%swap3A_747, %swap3A_748], %swap3A_751 {strides = array<i32>} : memref<64x768xf32, #tpu.memory_space<vmem>>, vector<1x16xf32>,
      %get3A_752 = arith.index_cast %scan3A_78 : i32 to index
      %get3A_753 = arith.constant 592 : index
      %get3A_754 = tpu.vector_load %arg12[%get3A_752, %get3A_753] {strides = array<i32>} : memref<64x768xf32, #tpu.memory_space<vmem>>, vector<1x16xf32>,
      %get3A_755 = vector.shape_cast %get3A_754 : vector<1x16xf32> to vector<16xf32>
      %mul3A_756 = vector.broadcast %squeeze3A : f32 to vector<16xf32>
      %mul3A_757 = arith.mulf %mul3A_756, %get3A_755 : vector<16xf32>
      %get3A_758 = arith.index_cast %scan3A_78 : i32 to index
      %get3A_759 = arith.constant 592 : index
      %get3A_760 = tpu.vector_load %arg13[%get3A_758, %get3A_759] {strides = array<i32>} : memref<64x768xf32, #tpu.memory_space<vmem>>, vector<1x16xf32>,
      %get3A_761 = vector.shape_cast %get3A_760 : vector<1x16xf32> to vector<16xf32>
      %mul3A_762 = vector.broadcast %squeeze3A_86 : f32 to vector<16xf32>
      %mul3A_763 = arith.mulf %mul3A_762, %get3A_761 : vector<16xf32>
      %add3A_764 = arith.addf %mul3A_757, %mul3A_763 : vector<16xf32>
      %swap3A_765 = arith.index_cast %scan3A_78 : i32 to index
      %swap3A_766 = arith.constant 592 : index
      %swap3A_767 = tpu.vector_load %arg12[%swap3A_765, %swap3A_766] {strides = array<i32>} : memref<64x768xf32, #tpu.memory_space<vmem>>, vector<1x16xf32>,
      %swap3A_768 = vector.shape_cast %swap3A_767 : vector<1x16xf32> to vector<16xf32>
      %swap3A_769 = vector.shape_cast %add3A_764 : vector<16xf32> to vector<1x16xf32>
      tpu.vector_store %arg12[%swap3A_765, %swap3A_766], %swap3A_769 {strides = array<i32>} : memref<64x768xf32, #tpu.memory_space<vmem>>, vector<1x16xf32>,
      %get3A_770 = arith.index_cast %scan3A_78 : i32 to index
      %get3A_771 = arith.constant 608 : index
      %get3A_772 = tpu.vector_load %arg12[%get3A_770, %get3A_771] {strides = array<i32>} : memref<64x768xf32, #tpu.memory_space<vmem>>, vector<1x16xf32>,
      %get3A_773 = vector.shape_cast %get3A_772 : vector<1x16xf32> to vector<16xf32>
      %mul3A_774 = vector.broadcast %squeeze3A : f32 to vector<16xf32>
      %mul3A_775 = arith.mulf %mul3A_774, %get3A_773 : vector<16xf32>
      %get3A_776 = arith.index_cast %scan3A_78 : i32 to index
      %get3A_777 = arith.constant 608 : index
      %get3A_778 = tpu.vector_load %arg13[%get3A_776, %get3A_777] {strides = array<i32>} : memref<64x768xf32, #tpu.memory_space<vmem>>, vector<1x16xf32>,
      %get3A_779 = vector.shape_cast %get3A_778 : vector<1x16xf32> to vector<16xf32>
      %mul3A_780 = vector.broadcast %squeeze3A_86 : f32 to vector<16xf32>
      %mul3A_781 = arith.mulf %mul3A_780, %get3A_779 : vector<16xf32>
      %add3A_782 = arith.addf %mul3A_775, %mul3A_781 : vector<16xf32>
      %swap3A_783 = arith.index_cast %scan3A_78 : i32 to index
      %swap3A_784 = arith.constant 608 : index
      %swap3A_785 = tpu.vector_load %arg12[%swap3A_783, %swap3A_784] {strides = array<i32>} : memref<64x768xf32, #tpu.memory_space<vmem>>, vector<1x16xf32>,
      %swap3A_786 = vector.shape_cast %swap3A_785 : vector<1x16xf32> to vector<16xf32>
      %swap3A_787 = vector.shape_cast %add3A_782 : vector<16xf32> to vector<1x16xf32>
      tpu.vector_store %arg12[%swap3A_783, %swap3A_784], %swap3A_787 {strides = array<i32>} : memref<64x768xf32, #tpu.memory_space<vmem>>, vector<1x16xf32>,
      %get3A_788 = arith.index_cast %scan3A_78 : i32 to index
      %get3A_789 = arith.constant 624 : index
      %get3A_790 = tpu.vector_load %arg12[%get3A_788, %get3A_789] {strides = array<i32>} : memref<64x768xf32, #tpu.memory_space<vmem>>, vector<1x16xf32>,
      %get3A_791 = vector.shape_cast %get3A_790 : vector<1x16xf32> to vector<16xf32>
      %mul3A_792 = vector.broadcast %squeeze3A : f32 to vector<16xf32>
      %mul3A_793 = arith.mulf %mul3A_792, %get3A_791 : vector<16xf32>
      %get3A_794 = arith.index_cast %scan3A_78 : i32 to index
      %get3A_795 = arith.constant 624 : index
      %get3A_796 = tpu.vector_load %arg13[%get3A_794, %get3A_795] {strides = array<i32>} : memref<64x768xf32, #tpu.memory_space<vmem>>, vector<1x16xf32>,
      %get3A_797 = vector.shape_cast %get3A_796 : vector<1x16xf32> to vector<16xf32>
      %mul3A_798 = vector.broadcast %squeeze3A_86 : f32 to vector<16xf32>
      %mul3A_799 = arith.mulf %mul3A_798, %get3A_797 : vector<16xf32>
      %add3A_800 = arith.addf %mul3A_793, %mul3A_799 : vector<16xf32>
      %swap3A_801 = arith.index_cast %scan3A_78 : i32 to index
      %swap3A_802 = arith.constant 624 : index
      %swap3A_803 = tpu.vector_load %arg12[%swap3A_801, %swap3A_802] {strides = array<i32>} : memref<64x768xf32, #tpu.memory_space<vmem>>, vector<1x16xf32>,
      %swap3A_804 = vector.shape_cast %swap3A_803 : vector<1x16xf32> to vector<16xf32>
      %swap3A_805 = vector.shape_cast %add3A_800 : vector<16xf32> to vector<1x16xf32>
      tpu.vector_store %arg12[%swap3A_801, %swap3A_802], %swap3A_805 {strides = array<i32>} : memref<64x768xf32, #tpu.memory_space<vmem>>, vector<1x16xf32>,
      %get3A_806 = arith.index_cast %scan3A_78 : i32 to index
      %get3A_807 = arith.constant 640 : index
      %get3A_808 = tpu.vector_load %arg12[%get3A_806, %get3A_807] {strides = array<i32>} : memref<64x768xf32, #tpu.memory_space<vmem>>, vector<1x16xf32>,
      %get3A_809 = vector.shape_cast %get3A_808 : vector<1x16xf32> to vector<16xf32>
      %mul3A_810 = vector.broadcast %squeeze3A : f32 to vector<16xf32>
      %mul3A_811 = arith.mulf %mul3A_810, %get3A_809 : vector<16xf32>
      %get3A_812 = arith.index_cast %scan3A_78 : i32 to index
      %get3A_813 = arith.constant 640 : index
      %get3A_814 = tpu.vector_load %arg13[%get3A_812, %get3A_813] {strides = array<i32>} : memref<64x768xf32, #tpu.memory_space<vmem>>, vector<1x16xf32>,
      %get3A_815 = vector.shape_cast %get3A_814 : vector<1x16xf32> to vector<16xf32>
      %mul3A_816 = vector.broadcast %squeeze3A_86 : f32 to vector<16xf32>
      %mul3A_817 = arith.mulf %mul3A_816, %get3A_815 : vector<16xf32>
      %add3A_818 = arith.addf %mul3A_811, %mul3A_817 : vector<16xf32>
      %swap3A_819 = arith.index_cast %scan3A_78 : i32 to index
      %swap3A_820 = arith.constant 640 : index
      %swap3A_821 = tpu.vector_load %arg12[%swap3A_819, %swap3A_820] {strides = array<i32>} : memref<64x768xf32, #tpu.memory_space<vmem>>, vector<1x16xf32>,
      %swap3A_822 = vector.shape_cast %swap3A_821 : vector<1x16xf32> to vector<16xf32>
      %swap3A_823 = vector.shape_cast %add3A_818 : vector<16xf32> to vector<1x16xf32>
      tpu.vector_store %arg12[%swap3A_819, %swap3A_820], %swap3A_823 {strides = array<i32>} : memref<64x768xf32, #tpu.memory_space<vmem>>, vector<1x16xf32>,
      %get3A_824 = arith.index_cast %scan3A_78 : i32 to index
      %get3A_825 = arith.constant 656 : index
      %get3A_826 = tpu.vector_load %arg12[%get3A_824, %get3A_825] {strides = array<i32>} : memref<64x768xf32, #tpu.memory_space<vmem>>, vector<1x16xf32>,
      %get3A_827 = vector.shape_cast %get3A_826 : vector<1x16xf32> to vector<16xf32>
      %mul3A_828 = vector.broadcast %squeeze3A : f32 to vector<16xf32>
      %mul3A_829 = arith.mulf %mul3A_828, %get3A_827 : vector<16xf32>
      %get3A_830 = arith.index_cast %scan3A_78 : i32 to index
      %get3A_831 = arith.constant 656 : index
      %get3A_832 = tpu.vector_load %arg13[%get3A_830, %get3A_831] {strides = array<i32>} : memref<64x768xf32, #tpu.memory_space<vmem>>, vector<1x16xf32>,
      %get3A_833 = vector.shape_cast %get3A_832 : vector<1x16xf32> to vector<16xf32>
      %mul3A_834 = vector.broadcast %squeeze3A_86 : f32 to vector<16xf32>
      %mul3A_835 = arith.mulf %mul3A_834, %get3A_833 : vector<16xf32>
      %add3A_836 = arith.addf %mul3A_829, %mul3A_835 : vector<16xf32>
      %swap3A_837 = arith.index_cast %scan3A_78 : i32 to index
      %swap3A_838 = arith.constant 656 : index
      %swap3A_839 = tpu.vector_load %arg12[%swap3A_837, %swap3A_838] {strides = array<i32>} : memref<64x768xf32, #tpu.memory_space<vmem>>, vector<1x16xf32>,
      %swap3A_840 = vector.shape_cast %swap3A_839 : vector<1x16xf32> to vector<16xf32>
      %swap3A_841 = vector.shape_cast %add3A_836 : vector<16xf32> to vector<1x16xf32>
      tpu.vector_store %arg12[%swap3A_837, %swap3A_838], %swap3A_841 {strides = array<i32>} : memref<64x768xf32, #tpu.memory_space<vmem>>, vector<1x16xf32>,
      %get3A_842 = arith.index_cast %scan3A_78 : i32 to index
      %get3A_843 = arith.constant 672 : index
      %get3A_844 = tpu.vector_load %arg12[%get3A_842, %get3A_843] {strides = array<i32>} : memref<64x768xf32, #tpu.memory_space<vmem>>, vector<1x16xf32>,
      %get3A_845 = vector.shape_cast %get3A_844 : vector<1x16xf32> to vector<16xf32>
      %mul3A_846 = vector.broadcast %squeeze3A : f32 to vector<16xf32>
      %mul3A_847 = arith.mulf %mul3A_846, %get3A_845 : vector<16xf32>
      %get3A_848 = arith.index_cast %scan3A_78 : i32 to index
      %get3A_849 = arith.constant 672 : index
      %get3A_850 = tpu.vector_load %arg13[%get3A_848, %get3A_849] {strides = array<i32>} : memref<64x768xf32, #tpu.memory_space<vmem>>, vector<1x16xf32>,
      %get3A_851 = vector.shape_cast %get3A_850 : vector<1x16xf32> to vector<16xf32>
      %mul3A_852 = vector.broadcast %squeeze3A_86 : f32 to vector<16xf32>
      %mul3A_853 = arith.mulf %mul3A_852, %get3A_851 : vector<16xf32>
      %add3A_854 = arith.addf %mul3A_847, %mul3A_853 : vector<16xf32>
      %swap3A_855 = arith.index_cast %scan3A_78 : i32 to index
      %swap3A_856 = arith.constant 672 : index
      %swap3A_857 = tpu.vector_load %arg12[%swap3A_855, %swap3A_856] {strides = array<i32>} : memref<64x768xf32, #tpu.memory_space<vmem>>, vector<1x16xf32>,
      %swap3A_858 = vector.shape_cast %swap3A_857 : vector<1x16xf32> to vector<16xf32>
      %swap3A_859 = vector.shape_cast %add3A_854 : vector<16xf32> to vector<1x16xf32>
      tpu.vector_store %arg12[%swap3A_855, %swap3A_856], %swap3A_859 {strides = array<i32>} : memref<64x768xf32, #tpu.memory_space<vmem>>, vector<1x16xf32>,
      %get3A_860 = arith.index_cast %scan3A_78 : i32 to index
      %get3A_861 = arith.constant 688 : index
      %get3A_862 = tpu.vector_load %arg12[%get3A_860, %get3A_861] {strides = array<i32>} : memref<64x768xf32, #tpu.memory_space<vmem>>, vector<1x16xf32>,
      %get3A_863 = vector.shape_cast %get3A_862 : vector<1x16xf32> to vector<16xf32>
      %mul3A_864 = vector.broadcast %squeeze3A : f32 to vector<16xf32>
      %mul3A_865 = arith.mulf %mul3A_864, %get3A_863 : vector<16xf32>
      %get3A_866 = arith.index_cast %scan3A_78 : i32 to index
      %get3A_867 = arith.constant 688 : index
      %get3A_868 = tpu.vector_load %arg13[%get3A_866, %get3A_867] {strides = array<i32>} : memref<64x768xf32, #tpu.memory_space<vmem>>, vector<1x16xf32>,
      %get3A_869 = vector.shape_cast %get3A_868 : vector<1x16xf32> to vector<16xf32>
      %mul3A_870 = vector.broadcast %squeeze3A_86 : f32 to vector<16xf32>
      %mul3A_871 = arith.mulf %mul3A_870, %get3A_869 : vector<16xf32>
      %add3A_872 = arith.addf %mul3A_865, %mul3A_871 : vector<16xf32>
      %swap3A_873 = arith.index_cast %scan3A_78 : i32 to index
      %swap3A_874 = arith.constant 688 : index
      %swap3A_875 = tpu.vector_load %arg12[%swap3A_873, %swap3A_874] {strides = array<i32>} : memref<64x768xf32, #tpu.memory_space<vmem>>, vector<1x16xf32>,
      %swap3A_876 = vector.shape_cast %swap3A_875 : vector<1x16xf32> to vector<16xf32>
      %swap3A_877 = vector.shape_cast %add3A_872 : vector<16xf32> to vector<1x16xf32>
      tpu.vector_store %arg12[%swap3A_873, %swap3A_874], %swap3A_877 {strides = array<i32>} : memref<64x768xf32, #tpu.memory_space<vmem>>, vector<1x16xf32>,
      %get3A_878 = arith.index_cast %scan3A_78 : i32 to index
      %get3A_879 = arith.constant 704 : index
      %get3A_880 = tpu.vector_load %arg12[%get3A_878, %get3A_879] {strides = array<i32>} : memref<64x768xf32, #tpu.memory_space<vmem>>, vector<1x16xf32>,
      %get3A_881 = vector.shape_cast %get3A_880 : vector<1x16xf32> to vector<16xf32>
      %mul3A_882 = vector.broadcast %squeeze3A : f32 to vector<16xf32>
      %mul3A_883 = arith.mulf %mul3A_882, %get3A_881 : vector<16xf32>
      %get3A_884 = arith.index_cast %scan3A_78 : i32 to index
      %get3A_885 = arith.constant 704 : index
      %get3A_886 = tpu.vector_load %arg13[%get3A_884, %get3A_885] {strides = array<i32>} : memref<64x768xf32, #tpu.memory_space<vmem>>, vector<1x16xf32>,
      %get3A_887 = vector.shape_cast %get3A_886 : vector<1x16xf32> to vector<16xf32>
      %mul3A_888 = vector.broadcast %squeeze3A_86 : f32 to vector<16xf32>
      %mul3A_889 = arith.mulf %mul3A_888, %get3A_887 : vector<16xf32>
      %add3A_890 = arith.addf %mul3A_883, %mul3A_889 : vector<16xf32>
      %swap3A_891 = arith.index_cast %scan3A_78 : i32 to index
      %swap3A_892 = arith.constant 704 : index
      %swap3A_893 = tpu.vector_load %arg12[%swap3A_891, %swap3A_892] {strides = array<i32>} : memref<64x768xf32, #tpu.memory_space<vmem>>, vector<1x16xf32>,
      %swap3A_894 = vector.shape_cast %swap3A_893 : vector<1x16xf32> to vector<16xf32>
      %swap3A_895 = vector.shape_cast %add3A_890 : vector<16xf32> to vector<1x16xf32>
      tpu.vector_store %arg12[%swap3A_891, %swap3A_892], %swap3A_895 {strides = array<i32>} : memref<64x768xf32, #tpu.memory_space<vmem>>, vector<1x16xf32>,
      %get3A_896 = arith.index_cast %scan3A_78 : i32 to index
      %get3A_897 = arith.constant 720 : index
      %get3A_898 = tpu.vector_load %arg12[%get3A_896, %get3A_897] {strides = array<i32>} : memref<64x768xf32, #tpu.memory_space<vmem>>, vector<1x16xf32>,
      %get3A_899 = vector.shape_cast %get3A_898 : vector<1x16xf32> to vector<16xf32>
      %mul3A_900 = vector.broadcast %squeeze3A : f32 to vector<16xf32>
      %mul3A_901 = arith.mulf %mul3A_900, %get3A_899 : vector<16xf32>
      %get3A_902 = arith.index_cast %scan3A_78 : i32 to index
      %get3A_903 = arith.constant 720 : index
      %get3A_904 = tpu.vector_load %arg13[%get3A_902, %get3A_903] {strides = array<i32>} : memref<64x768xf32, #tpu.memory_space<vmem>>, vector<1x16xf32>,
      %get3A_905 = vector.shape_cast %get3A_904 : vector<1x16xf32> to vector<16xf32>
      %mul3A_906 = vector.broadcast %squeeze3A_86 : f32 to vector<16xf32>
      %mul3A_907 = arith.mulf %mul3A_906, %get3A_905 : vector<16xf32>
      %add3A_908 = arith.addf %mul3A_901, %mul3A_907 : vector<16xf32>
      %swap3A_909 = arith.index_cast %scan3A_78 : i32 to index
      %swap3A_910 = arith.constant 720 : index
      %swap3A_911 = tpu.vector_load %arg12[%swap3A_909, %swap3A_910] {strides = array<i32>} : memref<64x768xf32, #tpu.memory_space<vmem>>, vector<1x16xf32>,
      %swap3A_912 = vector.shape_cast %swap3A_911 : vector<1x16xf32> to vector<16xf32>
      %swap3A_913 = vector.shape_cast %add3A_908 : vector<16xf32> to vector<1x16xf32>
      tpu.vector_store %arg12[%swap3A_909, %swap3A_910], %swap3A_913 {strides = array<i32>} : memref<64x768xf32, #tpu.memory_space<vmem>>, vector<1x16xf32>,
      %get3A_914 = arith.index_cast %scan3A_78 : i32 to index
      %get3A_915 = arith.constant 736 : index
      %get3A_916 = tpu.vector_load %arg12[%get3A_914, %get3A_915] {strides = array<i32>} : memref<64x768xf32, #tpu.memory_space<vmem>>, vector<1x16xf32>,
      %get3A_917 = vector.shape_cast %get3A_916 : vector<1x16xf32> to vector<16xf32>
      %mul3A_918 = vector.broadcast %squeeze3A : f32 to vector<16xf32>
      %mul3A_919 = arith.mulf %mul3A_918, %get3A_917 : vector<16xf32>
      %get3A_920 = arith.index_cast %scan3A_78 : i32 to index
      %get3A_921 = arith.constant 736 : index
      %get3A_922 = tpu.vector_load %arg13[%get3A_920, %get3A_921] {strides = array<i32>} : memref<64x768xf32, #tpu.memory_space<vmem>>, vector<1x16xf32>,
      %get3A_923 = vector.shape_cast %get3A_922 : vector<1x16xf32> to vector<16xf32>
      %mul3A_924 = vector.broadcast %squeeze3A_86 : f32 to vector<16xf32>
      %mul3A_925 = arith.mulf %mul3A_924, %get3A_923 : vector<16xf32>
      %add3A_926 = arith.addf %mul3A_919, %mul3A_925 : vector<16xf32>
      %swap3A_927 = arith.index_cast %scan3A_78 : i32 to index
      %swap3A_928 = arith.constant 736 : index
      %swap3A_929 = tpu.vector_load %arg12[%swap3A_927, %swap3A_928] {strides = array<i32>} : memref<64x768xf32, #tpu.memory_space<vmem>>, vector<1x16xf32>,
      %swap3A_930 = vector.shape_cast %swap3A_929 : vector<1x16xf32> to vector<16xf32>
      %swap3A_931 = vector.shape_cast %add3A_926 : vector<16xf32> to vector<1x16xf32>
      tpu.vector_store %arg12[%swap3A_927, %swap3A_928], %swap3A_931 {strides = array<i32>} : memref<64x768xf32, #tpu.memory_space<vmem>>, vector<1x16xf32>,
      %get3A_932 = arith.index_cast %scan3A_78 : i32 to index
      %get3A_933 = arith.constant 752 : index
      %get3A_934 = tpu.vector_load %arg12[%get3A_932, %get3A_933] {strides = array<i32>} : memref<64x768xf32, #tpu.memory_space<vmem>>, vector<1x16xf32>,
      %get3A_935 = vector.shape_cast %get3A_934 : vector<1x16xf32> to vector<16xf32>
      %mul3A_936 = vector.broadcast %squeeze3A : f32 to vector<16xf32>
      %mul3A_937 = arith.mulf %mul3A_936, %get3A_935 : vector<16xf32>
      %get3A_938 = arith.index_cast %scan3A_78 : i32 to index
      %get3A_939 = arith.constant 752 : index
      %get3A_940 = tpu.vector_load %arg13[%get3A_938, %get3A_939] {strides = array<i32>} : memref<64x768xf32, #tpu.memory_space<vmem>>, vector<1x16xf32>,
      %get3A_941 = vector.shape_cast %get3A_940 : vector<1x16xf32> to vector<16xf32>
      %mul3A_942 = vector.broadcast %squeeze3A_86 : f32 to vector<16xf32>
      %mul3A_943 = arith.mulf %mul3A_942, %get3A_941 : vector<16xf32>
      %add3A_944 = arith.addf %mul3A_937, %mul3A_943 : vector<16xf32>
      %swap3A_945 = arith.index_cast %scan3A_78 : i32 to index
      %swap3A_946 = arith.constant 752 : index
      %swap3A_947 = tpu.vector_load %arg12[%swap3A_945, %swap3A_946] {strides = array<i32>} : memref<64x768xf32, #tpu.memory_space<vmem>>, vector<1x16xf32>,
      %swap3A_948 = vector.shape_cast %swap3A_947 : vector<1x16xf32> to vector<16xf32>
      %swap3A_949 = vector.shape_cast %add3A_944 : vector<16xf32> to vector<1x16xf32>
      tpu.vector_store %arg12[%swap3A_945, %swap3A_946], %swap3A_949 {strides = array<i32>} : memref<64x768xf32, #tpu.memory_space<vmem>>, vector<1x16xf32>,
      %scan3A_950 = arith.constant 0 : i32
      scf.yield %scan3A_950 : i32
    }
    %scan3A_54 = arith.constant 32 : i32
    %dma_wait3A_55 = arith.constant 32 : i32
    %dma_wait3A_56 = arith.constant 0 : i32
    %dma_wait3A_57 = tpu.memref_slice %arg12[%dma_wait3A_55, %dma_wait3A_56] : memref<64x768xf32, #tpu.memory_space<vmem>> -> memref<32x768xf32, #tpu.memory_space<vmem>>
    %dma_wait3A_58 = arith.constant 32 : i32
    %dma_wait3A_59 = tpu.memref_slice %arg8[%dma_wait3A_58] : memref<64xi32, #tpu.memory_space<vmem>> -> memref<32xi32, #tpu.memory_space<vmem>>
    %dma_wait3A_60 = arith.constant 0 : i32
    %dma_wait3A_61 = arith.constant 0 : i32
    %dma_wait3A_62 = tpu.memref_slice %arg2[%dma_wait3A_60, %dma_wait3A_61] : memref<7680x768xf32, #tpu.memory_space<hbm>> -> memref<7680x768xf32, #tpu.memory_space<hbm>>
    tpu.wait_indirect_dma semaphore(%arg16 : memref<!tpu.dma_semaphore, #tpu.memory_space<semaphore_mem>>) src(%dma_wait3A_62 : memref<7680x768xf32, #tpu.memory_space<hbm>>) dst(%dma_wait3A_57 : memref<32x768xf32, #tpu.memory_space<vmem>>)
    %dma_wait3A_63 = arith.constant 32 : i32
    %dma_wait3A_64 = arith.constant 0 : i32
    %dma_wait3A_65 = tpu.memref_slice %arg13[%dma_wait3A_63, %dma_wait3A_64] : memref<64x768xf32, #tpu.memory_space<vmem>> -> memref<32x768xf32, #tpu.memory_space<vmem>>
    %dma_wait3A_66 = arith.constant 32 : i32
    %dma_wait3A_67 = tpu.memref_slice %arg9[%dma_wait3A_66] : memref<64xi32, #tpu.memory_space<vmem>> -> memref<32xi32, #tpu.memory_space<vmem>>
    %dma_wait3A_68 = arith.constant 0 : i32
    %dma_wait3A_69 = arith.constant 0 : i32
    %dma_wait3A_70 = tpu.memref_slice %arg2[%dma_wait3A_68, %dma_wait3A_69] : memref<7680x768xf32, #tpu.memory_space<hbm>> -> memref<7680x768xf32, #tpu.memory_space<hbm>>
    tpu.wait_indirect_dma semaphore(%arg17 : memref<!tpu.dma_semaphore, #tpu.memory_space<semaphore_mem>>) src(%dma_wait3A_70 : memref<7680x768xf32, #tpu.memory_space<hbm>>) dst(%dma_wait3A_65 : memref<32x768xf32, #tpu.memory_space<vmem>>)
    %scan3A_71 = arith.constant 0 : i32
    %scan3A_72 = arith.constant 32 : i32
    %scan3A_73 = arith.constant 32 : i32
    %scan3A_74 = arith.addi %scan3A_72, %scan3A_73 : i32
    %scan3A_75 = arith.constant 1 : i32
    %scan3A_76 = scf.for %scan3A_78 = %scan3A_72 to %scan3A_74 step %scan3A_75 iter_args(%scan3A_79 = %scan3A_71) -> (i32)  : i32 {
      %get3A = arith.index_cast %scan3A_78 : i32 to index
      %get3A_80 = tpu.vector_load %arg10[%get3A] {strides = array<i32>} : memref<80xf32, #tpu.memory_space<vmem>>, vector<16xf32>,
      %get3A_81 = vector.shape_cast %get3A_80 : vector<16xf32> to vector<16xf32>
      %slice3A = vector.extract_strided_slice %get3A_81 {offsets = [0], sizes = [1], strides = [1]} : vector<16xf32> to vector<1xf32>
      %squeeze3A = vector.extract %slice3A[0] : f32 from vector<1xf32>
      %get3A_82 = arith.index_cast %scan3A_78 : i32 to index
      %get3A_83 = tpu.vector_load %arg11[%get3A_82] {strides = array<i32>} : memref<80xf32, #tpu.memory_space<vmem>>, vector<16xf32>,
      %get3A_84 = vector.shape_cast %get3A_83 : vector<16xf32> to vector<16xf32>
      %slice3A_85 = vector.extract_strided_slice %get3A_84 {offsets = [0], sizes = [1], strides = [1]} : vector<16xf32> to vector<1xf32>
      %squeeze3A_86 = vector.extract %slice3A_85[0] : f32 from vector<1xf32>
      %get3A_87 = arith.index_cast %scan3A_78 : i32 to index
      %get3A_88 = arith.constant 0 : index
      %get3A_89 = tpu.vector_load %arg12[%get3A_87, %get3A_88] {strides = array<i32>} : memref<64x768xf32, #tpu.memory_space<vmem>>, vector<1x16xf32>,
      %get3A_90 = vector.shape_cast %get3A_89 : vector<1x16xf32> to vector<16xf32>
      %mul3A_91 = vector.broadcast %squeeze3A : f32 to vector<16xf32>
      %mul3A_92 = arith.mulf %mul3A_91, %get3A_90 : vector<16xf32>
      %get3A_93 = arith.index_cast %scan3A_78 : i32 to index
      %get3A_94 = arith.constant 0 : index
      %get3A_95 = tpu.vector_load %arg13[%get3A_93, %get3A_94] {strides = array<i32>} : memref<64x768xf32, #tpu.memory_space<vmem>>, vector<1x16xf32>,
      %get3A_96 = vector.shape_cast %get3A_95 : vector<1x16xf32> to vector<16xf32>
      %mul3A_97 = vector.broadcast %squeeze3A_86 : f32 to vector<16xf32>
      %mul3A_98 = arith.mulf %mul3A_97, %get3A_96 : vector<16xf32>
      %add3A_99 = arith.addf %mul3A_92, %mul3A_98 : vector<16xf32>
      %swap3A = arith.index_cast %scan3A_78 : i32 to index
      %swap3A_100 = arith.constant 0 : index
      %swap3A_101 = tpu.vector_load %arg12[%swap3A, %swap3A_100] {strides = array<i32>} : memref<64x768xf32, #tpu.memory_space<vmem>>, vector<1x16xf32>,
      %swap3A_102 = vector.shape_cast %swap3A_101 : vector<1x16xf32> to vector<16xf32>
      %swap3A_103 = vector.shape_cast %add3A_99 : vector<16xf32> to vector<1x16xf32>
      tpu.vector_store %arg12[%swap3A, %swap3A_100], %swap3A_103 {strides = array<i32>} : memref<64x768xf32, #tpu.memory_space<vmem>>, vector<1x16xf32>,
      %get3A_104 = arith.index_cast %scan3A_78 : i32 to index
      %get3A_105 = arith.constant 16 : index
      %get3A_106 = tpu.vector_load %arg12[%get3A_104, %get3A_105] {strides = array<i32>} : memref<64x768xf32, #tpu.memory_space<vmem>>, vector<1x16xf32>,
      %get3A_107 = vector.shape_cast %get3A_106 : vector<1x16xf32> to vector<16xf32>
      %mul3A_108 = vector.broadcast %squeeze3A : f32 to vector<16xf32>
      %mul3A_109 = arith.mulf %mul3A_108, %get3A_107 : vector<16xf32>
      %get3A_110 = arith.index_cast %scan3A_78 : i32 to index
      %get3A_111 = arith.constant 16 : index
      %get3A_112 = tpu.vector_load %arg13[%get3A_110, %get3A_111] {strides = array<i32>} : memref<64x768xf32, #tpu.memory_space<vmem>>, vector<1x16xf32>,
      %get3A_113 = vector.shape_cast %get3A_112 : vector<1x16xf32> to vector<16xf32>
      %mul3A_114 = vector.broadcast %squeeze3A_86 : f32 to vector<16xf32>
      %mul3A_115 = arith.mulf %mul3A_114, %get3A_113 : vector<16xf32>
      %add3A_116 = arith.addf %mul3A_109, %mul3A_115 : vector<16xf32>
      %swap3A_117 = arith.index_cast %scan3A_78 : i32 to index
      %swap3A_118 = arith.constant 16 : index
      %swap3A_119 = tpu.vector_load %arg12[%swap3A_117, %swap3A_118] {strides = array<i32>} : memref<64x768xf32, #tpu.memory_space<vmem>>, vector<1x16xf32>,
      %swap3A_120 = vector.shape_cast %swap3A_119 : vector<1x16xf32> to vector<16xf32>
      %swap3A_121 = vector.shape_cast %add3A_116 : vector<16xf32> to vector<1x16xf32>
      tpu.vector_store %arg12[%swap3A_117, %swap3A_118], %swap3A_121 {strides = array<i32>} : memref<64x768xf32, #tpu.memory_space<vmem>>, vector<1x16xf32>,
      %get3A_122 = arith.index_cast %scan3A_78 : i32 to index
      %get3A_123 = arith.constant 32 : index
      %get3A_124 = tpu.vector_load %arg12[%get3A_122, %get3A_123] {strides = array<i32>} : memref<64x768xf32, #tpu.memory_space<vmem>>, vector<1x16xf32>,
      %get3A_125 = vector.shape_cast %get3A_124 : vector<1x16xf32> to vector<16xf32>
      %mul3A_126 = vector.broadcast %squeeze3A : f32 to vector<16xf32>
      %mul3A_127 = arith.mulf %mul3A_126, %get3A_125 : vector<16xf32>
      %get3A_128 = arith.index_cast %scan3A_78 : i32 to index
      %get3A_129 = arith.constant 32 : index
      %get3A_130 = tpu.vector_load %arg13[%get3A_128, %get3A_129] {strides = array<i32>} : memref<64x768xf32, #tpu.memory_space<vmem>>, vector<1x16xf32>,
      %get3A_131 = vector.shape_cast %get3A_130 : vector<1x16xf32> to vector<16xf32>
      %mul3A_132 = vector.broadcast %squeeze3A_86 : f32 to vector<16xf32>
      %mul3A_133 = arith.mulf %mul3A_132, %get3A_131 : vector<16xf32>
      %add3A_134 = arith.addf %mul3A_127, %mul3A_133 : vector<16xf32>
      %swap3A_135 = arith.index_cast %scan3A_78 : i32 to index
      %swap3A_136 = arith.constant 32 : index
      %swap3A_137 = tpu.vector_load %arg12[%swap3A_135, %swap3A_136] {strides = array<i32>} : memref<64x768xf32, #tpu.memory_space<vmem>>, vector<1x16xf32>,
      %swap3A_138 = vector.shape_cast %swap3A_137 : vector<1x16xf32> to vector<16xf32>
      %swap3A_139 = vector.shape_cast %add3A_134 : vector<16xf32> to vector<1x16xf32>
      tpu.vector_store %arg12[%swap3A_135, %swap3A_136], %swap3A_139 {strides = array<i32>} : memref<64x768xf32, #tpu.memory_space<vmem>>, vector<1x16xf32>,
      %get3A_140 = arith.index_cast %scan3A_78 : i32 to index
      %get3A_141 = arith.constant 48 : index
      %get3A_142 = tpu.vector_load %arg12[%get3A_140, %get3A_141] {strides = array<i32>} : memref<64x768xf32, #tpu.memory_space<vmem>>, vector<1x16xf32>,
      %get3A_143 = vector.shape_cast %get3A_142 : vector<1x16xf32> to vector<16xf32>
      %mul3A_144 = vector.broadcast %squeeze3A : f32 to vector<16xf32>
      %mul3A_145 = arith.mulf %mul3A_144, %get3A_143 : vector<16xf32>
      %get3A_146 = arith.index_cast %scan3A_78 : i32 to index
      %get3A_147 = arith.constant 48 : index
      %get3A_148 = tpu.vector_load %arg13[%get3A_146, %get3A_147] {strides = array<i32>} : memref<64x768xf32, #tpu.memory_space<vmem>>, vector<1x16xf32>,
      %get3A_149 = vector.shape_cast %get3A_148 : vector<1x16xf32> to vector<16xf32>
      %mul3A_150 = vector.broadcast %squeeze3A_86 : f32 to vector<16xf32>
      %mul3A_151 = arith.mulf %mul3A_150, %get3A_149 : vector<16xf32>
      %add3A_152 = arith.addf %mul3A_145, %mul3A_151 : vector<16xf32>
      %swap3A_153 = arith.index_cast %scan3A_78 : i32 to index
      %swap3A_154 = arith.constant 48 : index
      %swap3A_155 = tpu.vector_load %arg12[%swap3A_153, %swap3A_154] {strides = array<i32>} : memref<64x768xf32, #tpu.memory_space<vmem>>, vector<1x16xf32>,
      %swap3A_156 = vector.shape_cast %swap3A_155 : vector<1x16xf32> to vector<16xf32>
      %swap3A_157 = vector.shape_cast %add3A_152 : vector<16xf32> to vector<1x16xf32>
      tpu.vector_store %arg12[%swap3A_153, %swap3A_154], %swap3A_157 {strides = array<i32>} : memref<64x768xf32, #tpu.memory_space<vmem>>, vector<1x16xf32>,
      %get3A_158 = arith.index_cast %scan3A_78 : i32 to index
      %get3A_159 = arith.constant 64 : index
      %get3A_160 = tpu.vector_load %arg12[%get3A_158, %get3A_159] {strides = array<i32>} : memref<64x768xf32, #tpu.memory_space<vmem>>, vector<1x16xf32>,
      %get3A_161 = vector.shape_cast %get3A_160 : vector<1x16xf32> to vector<16xf32>
      %mul3A_162 = vector.broadcast %squeeze3A : f32 to vector<16xf32>
      %mul3A_163 = arith.mulf %mul3A_162, %get3A_161 : vector<16xf32>
      %get3A_164 = arith.index_cast %scan3A_78 : i32 to index
      %get3A_165 = arith.constant 64 : index
      %get3A_166 = tpu.vector_load %arg13[%get3A_164, %get3A_165] {strides = array<i32>} : memref<64x768xf32, #tpu.memory_space<vmem>>, vector<1x16xf32>,
      %get3A_167 = vector.shape_cast %get3A_166 : vector<1x16xf32> to vector<16xf32>
      %mul3A_168 = vector.broadcast %squeeze3A_86 : f32 to vector<16xf32>
      %mul3A_169 = arith.mulf %mul3A_168, %get3A_167 : vector<16xf32>
      %add3A_170 = arith.addf %mul3A_163, %mul3A_169 : vector<16xf32>
      %swap3A_171 = arith.index_cast %scan3A_78 : i32 to index
      %swap3A_172 = arith.constant 64 : index
      %swap3A_173 = tpu.vector_load %arg12[%swap3A_171, %swap3A_172] {strides = array<i32>} : memref<64x768xf32, #tpu.memory_space<vmem>>, vector<1x16xf32>,
      %swap3A_174 = vector.shape_cast %swap3A_173 : vector<1x16xf32> to vector<16xf32>
      %swap3A_175 = vector.shape_cast %add3A_170 : vector<16xf32> to vector<1x16xf32>
      tpu.vector_store %arg12[%swap3A_171, %swap3A_172], %swap3A_175 {strides = array<i32>} : memref<64x768xf32, #tpu.memory_space<vmem>>, vector<1x16xf32>,
      %get3A_176 = arith.index_cast %scan3A_78 : i32 to index
      %get3A_177 = arith.constant 80 : index
      %get3A_178 = tpu.vector_load %arg12[%get3A_176, %get3A_177] {strides = array<i32>} : memref<64x768xf32, #tpu.memory_space<vmem>>, vector<1x16xf32>,
      %get3A_179 = vector.shape_cast %get3A_178 : vector<1x16xf32> to vector<16xf32>
      %mul3A_180 = vector.broadcast %squeeze3A : f32 to vector<16xf32>
      %mul3A_181 = arith.mulf %mul3A_180, %get3A_179 : vector<16xf32>
      %get3A_182 = arith.index_cast %scan3A_78 : i32 to index
      %get3A_183 = arith.constant 80 : index
      %get3A_184 = tpu.vector_load %arg13[%get3A_182, %get3A_183] {strides = array<i32>} : memref<64x768xf32, #tpu.memory_space<vmem>>, vector<1x16xf32>,
      %get3A_185 = vector.shape_cast %get3A_184 : vector<1x16xf32> to vector<16xf32>
      %mul3A_186 = vector.broadcast %squeeze3A_86 : f32 to vector<16xf32>
      %mul3A_187 = arith.mulf %mul3A_186, %get3A_185 : vector<16xf32>
      %add3A_188 = arith.addf %mul3A_181, %mul3A_187 : vector<16xf32>
      %swap3A_189 = arith.index_cast %scan3A_78 : i32 to index
      %swap3A_190 = arith.constant 80 : index
      %swap3A_191 = tpu.vector_load %arg12[%swap3A_189, %swap3A_190] {strides = array<i32>} : memref<64x768xf32, #tpu.memory_space<vmem>>, vector<1x16xf32>,
      %swap3A_192 = vector.shape_cast %swap3A_191 : vector<1x16xf32> to vector<16xf32>
      %swap3A_193 = vector.shape_cast %add3A_188 : vector<16xf32> to vector<1x16xf32>
      tpu.vector_store %arg12[%swap3A_189, %swap3A_190], %swap3A_193 {strides = array<i32>} : memref<64x768xf32, #tpu.memory_space<vmem>>, vector<1x16xf32>,
      %get3A_194 = arith.index_cast %scan3A_78 : i32 to index
      %get3A_195 = arith.constant 96 : index
      %get3A_196 = tpu.vector_load %arg12[%get3A_194, %get3A_195] {strides = array<i32>} : memref<64x768xf32, #tpu.memory_space<vmem>>, vector<1x16xf32>,
      %get3A_197 = vector.shape_cast %get3A_196 : vector<1x16xf32> to vector<16xf32>
      %mul3A_198 = vector.broadcast %squeeze3A : f32 to vector<16xf32>
      %mul3A_199 = arith.mulf %mul3A_198, %get3A_197 : vector<16xf32>
      %get3A_200 = arith.index_cast %scan3A_78 : i32 to index
      %get3A_201 = arith.constant 96 : index
      %get3A_202 = tpu.vector_load %arg13[%get3A_200, %get3A_201] {strides = array<i32>} : memref<64x768xf32, #tpu.memory_space<vmem>>, vector<1x16xf32>,
      %get3A_203 = vector.shape_cast %get3A_202 : vector<1x16xf32> to vector<16xf32>
      %mul3A_204 = vector.broadcast %squeeze3A_86 : f32 to vector<16xf32>
      %mul3A_205 = arith.mulf %mul3A_204, %get3A_203 : vector<16xf32>
      %add3A_206 = arith.addf %mul3A_199, %mul3A_205 : vector<16xf32>
      %swap3A_207 = arith.index_cast %scan3A_78 : i32 to index
      %swap3A_208 = arith.constant 96 : index
      %swap3A_209 = tpu.vector_load %arg12[%swap3A_207, %swap3A_208] {strides = array<i32>} : memref<64x768xf32, #tpu.memory_space<vmem>>, vector<1x16xf32>,
      %swap3A_210 = vector.shape_cast %swap3A_209 : vector<1x16xf32> to vector<16xf32>
      %swap3A_211 = vector.shape_cast %add3A_206 : vector<16xf32> to vector<1x16xf32>
      tpu.vector_store %arg12[%swap3A_207, %swap3A_208], %swap3A_211 {strides = array<i32>} : memref<64x768xf32, #tpu.memory_space<vmem>>, vector<1x16xf32>,
      %get3A_212 = arith.index_cast %scan3A_78 : i32 to index
      %get3A_213 = arith.constant 112 : index
      %get3A_214 = tpu.vector_load %arg12[%get3A_212, %get3A_213] {strides = array<i32>} : memref<64x768xf32, #tpu.memory_space<vmem>>, vector<1x16xf32>,
      %get3A_215 = vector.shape_cast %get3A_214 : vector<1x16xf32> to vector<16xf32>
      %mul3A_216 = vector.broadcast %squeeze3A : f32 to vector<16xf32>
      %mul3A_217 = arith.mulf %mul3A_216, %get3A_215 : vector<16xf32>
      %get3A_218 = arith.index_cast %scan3A_78 : i32 to index
      %get3A_219 = arith.constant 112 : index
      %get3A_220 = tpu.vector_load %arg13[%get3A_218, %get3A_219] {strides = array<i32>} : memref<64x768xf32, #tpu.memory_space<vmem>>, vector<1x16xf32>,
      %get3A_221 = vector.shape_cast %get3A_220 : vector<1x16xf32> to vector<16xf32>
      %mul3A_222 = vector.broadcast %squeeze3A_86 : f32 to vector<16xf32>
      %mul3A_223 = arith.mulf %mul3A_222, %get3A_221 : vector<16xf32>
      %add3A_224 = arith.addf %mul3A_217, %mul3A_223 : vector<16xf32>
      %swap3A_225 = arith.index_cast %scan3A_78 : i32 to index
      %swap3A_226 = arith.constant 112 : index
      %swap3A_227 = tpu.vector_load %arg12[%swap3A_225, %swap3A_226] {strides = array<i32>} : memref<64x768xf32, #tpu.memory_space<vmem>>, vector<1x16xf32>,
      %swap3A_228 = vector.shape_cast %swap3A_227 : vector<1x16xf32> to vector<16xf32>
      %swap3A_229 = vector.shape_cast %add3A_224 : vector<16xf32> to vector<1x16xf32>
      tpu.vector_store %arg12[%swap3A_225, %swap3A_226], %swap3A_229 {strides = array<i32>} : memref<64x768xf32, #tpu.memory_space<vmem>>, vector<1x16xf32>,
      %get3A_230 = arith.index_cast %scan3A_78 : i32 to index
      %get3A_231 = arith.constant 128 : index
      %get3A_232 = tpu.vector_load %arg12[%get3A_230, %get3A_231] {strides = array<i32>} : memref<64x768xf32, #tpu.memory_space<vmem>>, vector<1x16xf32>,
      %get3A_233 = vector.shape_cast %get3A_232 : vector<1x16xf32> to vector<16xf32>
      %mul3A_234 = vector.broadcast %squeeze3A : f32 to vector<16xf32>
      %mul3A_235 = arith.mulf %mul3A_234, %get3A_233 : vector<16xf32>
      %get3A_236 = arith.index_cast %scan3A_78 : i32 to index
      %get3A_237 = arith.constant 128 : index
      %get3A_238 = tpu.vector_load %arg13[%get3A_236, %get3A_237] {strides = array<i32>} : memref<64x768xf32, #tpu.memory_space<vmem>>, vector<1x16xf32>,
      %get3A_239 = vector.shape_cast %get3A_238 : vector<1x16xf32> to vector<16xf32>
      %mul3A_240 = vector.broadcast %squeeze3A_86 : f32 to vector<16xf32>
      %mul3A_241 = arith.mulf %mul3A_240, %get3A_239 : vector<16xf32>
      %add3A_242 = arith.addf %mul3A_235, %mul3A_241 : vector<16xf32>
      %swap3A_243 = arith.index_cast %scan3A_78 : i32 to index
      %swap3A_244 = arith.constant 128 : index
      %swap3A_245 = tpu.vector_load %arg12[%swap3A_243, %swap3A_244] {strides = array<i32>} : memref<64x768xf32, #tpu.memory_space<vmem>>, vector<1x16xf32>,
      %swap3A_246 = vector.shape_cast %swap3A_245 : vector<1x16xf32> to vector<16xf32>
      %swap3A_247 = vector.shape_cast %add3A_242 : vector<16xf32> to vector<1x16xf32>
      tpu.vector_store %arg12[%swap3A_243, %swap3A_244], %swap3A_247 {strides = array<i32>} : memref<64x768xf32, #tpu.memory_space<vmem>>, vector<1x16xf32>,
      %get3A_248 = arith.index_cast %scan3A_78 : i32 to index
      %get3A_249 = arith.constant 144 : index
      %get3A_250 = tpu.vector_load %arg12[%get3A_248, %get3A_249] {strides = array<i32>} : memref<64x768xf32, #tpu.memory_space<vmem>>, vector<1x16xf32>,
      %get3A_251 = vector.shape_cast %get3A_250 : vector<1x16xf32> to vector<16xf32>
      %mul3A_252 = vector.broadcast %squeeze3A : f32 to vector<16xf32>
      %mul3A_253 = arith.mulf %mul3A_252, %get3A_251 : vector<16xf32>
      %get3A_254 = arith.index_cast %scan3A_78 : i32 to index
      %get3A_255 = arith.constant 144 : index
      %get3A_256 = tpu.vector_load %arg13[%get3A_254, %get3A_255] {strides = array<i32>} : memref<64x768xf32, #tpu.memory_space<vmem>>, vector<1x16xf32>,
      %get3A_257 = vector.shape_cast %get3A_256 : vector<1x16xf32> to vector<16xf32>
      %mul3A_258 = vector.broadcast %squeeze3A_86 : f32 to vector<16xf32>
      %mul3A_259 = arith.mulf %mul3A_258, %get3A_257 : vector<16xf32>
      %add3A_260 = arith.addf %mul3A_253, %mul3A_259 : vector<16xf32>
      %swap3A_261 = arith.index_cast %scan3A_78 : i32 to index
      %swap3A_262 = arith.constant 144 : index
      %swap3A_263 = tpu.vector_load %arg12[%swap3A_261, %swap3A_262] {strides = array<i32>} : memref<64x768xf32, #tpu.memory_space<vmem>>, vector<1x16xf32>,
      %swap3A_264 = vector.shape_cast %swap3A_263 : vector<1x16xf32> to vector<16xf32>
      %swap3A_265 = vector.shape_cast %add3A_260 : vector<16xf32> to vector<1x16xf32>
      tpu.vector_store %arg12[%swap3A_261, %swap3A_262], %swap3A_265 {strides = array<i32>} : memref<64x768xf32, #tpu.memory_space<vmem>>, vector<1x16xf32>,
      %get3A_266 = arith.index_cast %scan3A_78 : i32 to index
      %get3A_267 = arith.constant 160 : index
      %get3A_268 = tpu.vector_load %arg12[%get3A_266, %get3A_267] {strides = array<i32>} : memref<64x768xf32, #tpu.memory_space<vmem>>, vector<1x16xf32>,
      %get3A_269 = vector.shape_cast %get3A_268 : vector<1x16xf32> to vector<16xf32>
      %mul3A_270 = vector.broadcast %squeeze3A : f32 to vector<16xf32>
      %mul3A_271 = arith.mulf %mul3A_270, %get3A_269 : vector<16xf32>
      %get3A_272 = arith.index_cast %scan3A_78 : i32 to index
      %get3A_273 = arith.constant 160 : index
      %get3A_274 = tpu.vector_load %arg13[%get3A_272, %get3A_273] {strides = array<i32>} : memref<64x768xf32, #tpu.memory_space<vmem>>, vector<1x16xf32>,
      %get3A_275 = vector.shape_cast %get3A_274 : vector<1x16xf32> to vector<16xf32>
      %mul3A_276 = vector.broadcast %squeeze3A_86 : f32 to vector<16xf32>
      %mul3A_277 = arith.mulf %mul3A_276, %get3A_275 : vector<16xf32>
      %add3A_278 = arith.addf %mul3A_271, %mul3A_277 : vector<16xf32>
      %swap3A_279 = arith.index_cast %scan3A_78 : i32 to index
      %swap3A_280 = arith.constant 160 : index
      %swap3A_281 = tpu.vector_load %arg12[%swap3A_279, %swap3A_280] {strides = array<i32>} : memref<64x768xf32, #tpu.memory_space<vmem>>, vector<1x16xf32>,
      %swap3A_282 = vector.shape_cast %swap3A_281 : vector<1x16xf32> to vector<16xf32>
      %swap3A_283 = vector.shape_cast %add3A_278 : vector<16xf32> to vector<1x16xf32>
      tpu.vector_store %arg12[%swap3A_279, %swap3A_280], %swap3A_283 {strides = array<i32>} : memref<64x768xf32, #tpu.memory_space<vmem>>, vector<1x16xf32>,
      %get3A_284 = arith.index_cast %scan3A_78 : i32 to index
      %get3A_285 = arith.constant 176 : index
      %get3A_286 = tpu.vector_load %arg12[%get3A_284, %get3A_285] {strides = array<i32>} : memref<64x768xf32, #tpu.memory_space<vmem>>, vector<1x16xf32>,
      %get3A_287 = vector.shape_cast %get3A_286 : vector<1x16xf32> to vector<16xf32>
      %mul3A_288 = vector.broadcast %squeeze3A : f32 to vector<16xf32>
      %mul3A_289 = arith.mulf %mul3A_288, %get3A_287 : vector<16xf32>
      %get3A_290 = arith.index_cast %scan3A_78 : i32 to index
      %get3A_291 = arith.constant 176 : index
      %get3A_292 = tpu.vector_load %arg13[%get3A_290, %get3A_291] {strides = array<i32>} : memref<64x768xf32, #tpu.memory_space<vmem>>, vector<1x16xf32>,
      %get3A_293 = vector.shape_cast %get3A_292 : vector<1x16xf32> to vector<16xf32>
      %mul3A_294 = vector.broadcast %squeeze3A_86 : f32 to vector<16xf32>
      %mul3A_295 = arith.mulf %mul3A_294, %get3A_293 : vector<16xf32>
      %add3A_296 = arith.addf %mul3A_289, %mul3A_295 : vector<16xf32>
      %swap3A_297 = arith.index_cast %scan3A_78 : i32 to index
      %swap3A_298 = arith.constant 176 : index
      %swap3A_299 = tpu.vector_load %arg12[%swap3A_297, %swap3A_298] {strides = array<i32>} : memref<64x768xf32, #tpu.memory_space<vmem>>, vector<1x16xf32>,
      %swap3A_300 = vector.shape_cast %swap3A_299 : vector<1x16xf32> to vector<16xf32>
      %swap3A_301 = vector.shape_cast %add3A_296 : vector<16xf32> to vector<1x16xf32>
      tpu.vector_store %arg12[%swap3A_297, %swap3A_298], %swap3A_301 {strides = array<i32>} : memref<64x768xf32, #tpu.memory_space<vmem>>, vector<1x16xf32>,
      %get3A_302 = arith.index_cast %scan3A_78 : i32 to index
      %get3A_303 = arith.constant 192 : index
      %get3A_304 = tpu.vector_load %arg12[%get3A_302, %get3A_303] {strides = array<i32>} : memref<64x768xf32, #tpu.memory_space<vmem>>, vector<1x16xf32>,
      %get3A_305 = vector.shape_cast %get3A_304 : vector<1x16xf32> to vector<16xf32>
      %mul3A_306 = vector.broadcast %squeeze3A : f32 to vector<16xf32>
      %mul3A_307 = arith.mulf %mul3A_306, %get3A_305 : vector<16xf32>
      %get3A_308 = arith.index_cast %scan3A_78 : i32 to index
      %get3A_309 = arith.constant 192 : index
      %get3A_310 = tpu.vector_load %arg13[%get3A_308, %get3A_309] {strides = array<i32>} : memref<64x768xf32, #tpu.memory_space<vmem>>, vector<1x16xf32>,
      %get3A_311 = vector.shape_cast %get3A_310 : vector<1x16xf32> to vector<16xf32>
      %mul3A_312 = vector.broadcast %squeeze3A_86 : f32 to vector<16xf32>
      %mul3A_313 = arith.mulf %mul3A_312, %get3A_311 : vector<16xf32>
      %add3A_314 = arith.addf %mul3A_307, %mul3A_313 : vector<16xf32>
      %swap3A_315 = arith.index_cast %scan3A_78 : i32 to index
      %swap3A_316 = arith.constant 192 : index
      %swap3A_317 = tpu.vector_load %arg12[%swap3A_315, %swap3A_316] {strides = array<i32>} : memref<64x768xf32, #tpu.memory_space<vmem>>, vector<1x16xf32>,
      %swap3A_318 = vector.shape_cast %swap3A_317 : vector<1x16xf32> to vector<16xf32>
      %swap3A_319 = vector.shape_cast %add3A_314 : vector<16xf32> to vector<1x16xf32>
      tpu.vector_store %arg12[%swap3A_315, %swap3A_316], %swap3A_319 {strides = array<i32>} : memref<64x768xf32, #tpu.memory_space<vmem>>, vector<1x16xf32>,
      %get3A_320 = arith.index_cast %scan3A_78 : i32 to index
      %get3A_321 = arith.constant 208 : index
      %get3A_322 = tpu.vector_load %arg12[%get3A_320, %get3A_321] {strides = array<i32>} : memref<64x768xf32, #tpu.memory_space<vmem>>, vector<1x16xf32>,
      %get3A_323 = vector.shape_cast %get3A_322 : vector<1x16xf32> to vector<16xf32>
      %mul3A_324 = vector.broadcast %squeeze3A : f32 to vector<16xf32>
      %mul3A_325 = arith.mulf %mul3A_324, %get3A_323 : vector<16xf32>
      %get3A_326 = arith.index_cast %scan3A_78 : i32 to index
      %get3A_327 = arith.constant 208 : index
      %get3A_328 = tpu.vector_load %arg13[%get3A_326, %get3A_327] {strides = array<i32>} : memref<64x768xf32, #tpu.memory_space<vmem>>, vector<1x16xf32>,
      %get3A_329 = vector.shape_cast %get3A_328 : vector<1x16xf32> to vector<16xf32>
      %mul3A_330 = vector.broadcast %squeeze3A_86 : f32 to vector<16xf32>
      %mul3A_331 = arith.mulf %mul3A_330, %get3A_329 : vector<16xf32>
      %add3A_332 = arith.addf %mul3A_325, %mul3A_331 : vector<16xf32>
      %swap3A_333 = arith.index_cast %scan3A_78 : i32 to index
      %swap3A_334 = arith.constant 208 : index
      %swap3A_335 = tpu.vector_load %arg12[%swap3A_333, %swap3A_334] {strides = array<i32>} : memref<64x768xf32, #tpu.memory_space<vmem>>, vector<1x16xf32>,
      %swap3A_336 = vector.shape_cast %swap3A_335 : vector<1x16xf32> to vector<16xf32>
      %swap3A_337 = vector.shape_cast %add3A_332 : vector<16xf32> to vector<1x16xf32>
      tpu.vector_store %arg12[%swap3A_333, %swap3A_334], %swap3A_337 {strides = array<i32>} : memref<64x768xf32, #tpu.memory_space<vmem>>, vector<1x16xf32>,
      %get3A_338 = arith.index_cast %scan3A_78 : i32 to index
      %get3A_339 = arith.constant 224 : index
      %get3A_340 = tpu.vector_load %arg12[%get3A_338, %get3A_339] {strides = array<i32>} : memref<64x768xf32, #tpu.memory_space<vmem>>, vector<1x16xf32>,
      %get3A_341 = vector.shape_cast %get3A_340 : vector<1x16xf32> to vector<16xf32>
      %mul3A_342 = vector.broadcast %squeeze3A : f32 to vector<16xf32>
      %mul3A_343 = arith.mulf %mul3A_342, %get3A_341 : vector<16xf32>
      %get3A_344 = arith.index_cast %scan3A_78 : i32 to index
      %get3A_345 = arith.constant 224 : index
      %get3A_346 = tpu.vector_load %arg13[%get3A_344, %get3A_345] {strides = array<i32>} : memref<64x768xf32, #tpu.memory_space<vmem>>, vector<1x16xf32>,
      %get3A_347 = vector.shape_cast %get3A_346 : vector<1x16xf32> to vector<16xf32>
      %mul3A_348 = vector.broadcast %squeeze3A_86 : f32 to vector<16xf32>
      %mul3A_349 = arith.mulf %mul3A_348, %get3A_347 : vector<16xf32>
      %add3A_350 = arith.addf %mul3A_343, %mul3A_349 : vector<16xf32>
      %swap3A_351 = arith.index_cast %scan3A_78 : i32 to index
      %swap3A_352 = arith.constant 224 : index
      %swap3A_353 = tpu.vector_load %arg12[%swap3A_351, %swap3A_352] {strides = array<i32>} : memref<64x768xf32, #tpu.memory_space<vmem>>, vector<1x16xf32>,
      %swap3A_354 = vector.shape_cast %swap3A_353 : vector<1x16xf32> to vector<16xf32>
      %swap3A_355 = vector.shape_cast %add3A_350 : vector<16xf32> to vector<1x16xf32>
      tpu.vector_store %arg12[%swap3A_351, %swap3A_352], %swap3A_355 {strides = array<i32>} : memref<64x768xf32, #tpu.memory_space<vmem>>, vector<1x16xf32>,
      %get3A_356 = arith.index_cast %scan3A_78 : i32 to index
      %get3A_357 = arith.constant 240 : index
      %get3A_358 = tpu.vector_load %arg12[%get3A_356, %get3A_357] {strides = array<i32>} : memref<64x768xf32, #tpu.memory_space<vmem>>, vector<1x16xf32>,
      %get3A_359 = vector.shape_cast %get3A_358 : vector<1x16xf32> to vector<16xf32>
      %mul3A_360 = vector.broadcast %squeeze3A : f32 to vector<16xf32>
      %mul3A_361 = arith.mulf %mul3A_360, %get3A_359 : vector<16xf32>
      %get3A_362 = arith.index_cast %scan3A_78 : i32 to index
      %get3A_363 = arith.constant 240 : index
      %get3A_364 = tpu.vector_load %arg13[%get3A_362, %get3A_363] {strides = array<i32>} : memref<64x768xf32, #tpu.memory_space<vmem>>, vector<1x16xf32>,
      %get3A_365 = vector.shape_cast %get3A_364 : vector<1x16xf32> to vector<16xf32>
      %mul3A_366 = vector.broadcast %squeeze3A_86 : f32 to vector<16xf32>
      %mul3A_367 = arith.mulf %mul3A_366, %get3A_365 : vector<16xf32>
      %add3A_368 = arith.addf %mul3A_361, %mul3A_367 : vector<16xf32>
      %swap3A_369 = arith.index_cast %scan3A_78 : i32 to index
      %swap3A_370 = arith.constant 240 : index
      %swap3A_371 = tpu.vector_load %arg12[%swap3A_369, %swap3A_370] {strides = array<i32>} : memref<64x768xf32, #tpu.memory_space<vmem>>, vector<1x16xf32>,
      %swap3A_372 = vector.shape_cast %swap3A_371 : vector<1x16xf32> to vector<16xf32>
      %swap3A_373 = vector.shape_cast %add3A_368 : vector<16xf32> to vector<1x16xf32>
      tpu.vector_store %arg12[%swap3A_369, %swap3A_370], %swap3A_373 {strides = array<i32>} : memref<64x768xf32, #tpu.memory_space<vmem>>, vector<1x16xf32>,
      %get3A_374 = arith.index_cast %scan3A_78 : i32 to index
      %get3A_375 = arith.constant 256 : index
      %get3A_376 = tpu.vector_load %arg12[%get3A_374, %get3A_375] {strides = array<i32>} : memref<64x768xf32, #tpu.memory_space<vmem>>, vector<1x16xf32>,
      %get3A_377 = vector.shape_cast %get3A_376 : vector<1x16xf32> to vector<16xf32>
      %mul3A_378 = vector.broadcast %squeeze3A : f32 to vector<16xf32>
      %mul3A_379 = arith.mulf %mul3A_378, %get3A_377 : vector<16xf32>
      %get3A_380 = arith.index_cast %scan3A_78 : i32 to index
      %get3A_381 = arith.constant 256 : index
      %get3A_382 = tpu.vector_load %arg13[%get3A_380, %get3A_381] {strides = array<i32>} : memref<64x768xf32, #tpu.memory_space<vmem>>, vector<1x16xf32>,
      %get3A_383 = vector.shape_cast %get3A_382 : vector<1x16xf32> to vector<16xf32>
      %mul3A_384 = vector.broadcast %squeeze3A_86 : f32 to vector<16xf32>
      %mul3A_385 = arith.mulf %mul3A_384, %get3A_383 : vector<16xf32>
      %add3A_386 = arith.addf %mul3A_379, %mul3A_385 : vector<16xf32>
      %swap3A_387 = arith.index_cast %scan3A_78 : i32 to index
      %swap3A_388 = arith.constant 256 : index
      %swap3A_389 = tpu.vector_load %arg12[%swap3A_387, %swap3A_388] {strides = array<i32>} : memref<64x768xf32, #tpu.memory_space<vmem>>, vector<1x16xf32>,
      %swap3A_390 = vector.shape_cast %swap3A_389 : vector<1x16xf32> to vector<16xf32>
      %swap3A_391 = vector.shape_cast %add3A_386 : vector<16xf32> to vector<1x16xf32>
      tpu.vector_store %arg12[%swap3A_387, %swap3A_388], %swap3A_391 {strides = array<i32>} : memref<64x768xf32, #tpu.memory_space<vmem>>, vector<1x16xf32>,
      %get3A_392 = arith.index_cast %scan3A_78 : i32 to index
      %get3A_393 = arith.constant 272 : index
      %get3A_394 = tpu.vector_load %arg12[%get3A_392, %get3A_393] {strides = array<i32>} : memref<64x768xf32, #tpu.memory_space<vmem>>, vector<1x16xf32>,
      %get3A_395 = vector.shape_cast %get3A_394 : vector<1x16xf32> to vector<16xf32>
      %mul3A_396 = vector.broadcast %squeeze3A : f32 to vector<16xf32>
      %mul3A_397 = arith.mulf %mul3A_396, %get3A_395 : vector<16xf32>
      %get3A_398 = arith.index_cast %scan3A_78 : i32 to index
      %get3A_399 = arith.constant 272 : index
      %get3A_400 = tpu.vector_load %arg13[%get3A_398, %get3A_399] {strides = array<i32>} : memref<64x768xf32, #tpu.memory_space<vmem>>, vector<1x16xf32>,
      %get3A_401 = vector.shape_cast %get3A_400 : vector<1x16xf32> to vector<16xf32>
      %mul3A_402 = vector.broadcast %squeeze3A_86 : f32 to vector<16xf32>
      %mul3A_403 = arith.mulf %mul3A_402, %get3A_401 : vector<16xf32>
      %add3A_404 = arith.addf %mul3A_397, %mul3A_403 : vector<16xf32>
      %swap3A_405 = arith.index_cast %scan3A_78 : i32 to index
      %swap3A_406 = arith.constant 272 : index
      %swap3A_407 = tpu.vector_load %arg12[%swap3A_405, %swap3A_406] {strides = array<i32>} : memref<64x768xf32, #tpu.memory_space<vmem>>, vector<1x16xf32>,
      %swap3A_408 = vector.shape_cast %swap3A_407 : vector<1x16xf32> to vector<16xf32>
      %swap3A_409 = vector.shape_cast %add3A_404 : vector<16xf32> to vector<1x16xf32>
      tpu.vector_store %arg12[%swap3A_405, %swap3A_406], %swap3A_409 {strides = array<i32>} : memref<64x768xf32, #tpu.memory_space<vmem>>, vector<1x16xf32>,
      %get3A_410 = arith.index_cast %scan3A_78 : i32 to index
      %get3A_411 = arith.constant 288 : index
      %get3A_412 = tpu.vector_load %arg12[%get3A_410, %get3A_411] {strides = array<i32>} : memref<64x768xf32, #tpu.memory_space<vmem>>, vector<1x16xf32>,
      %get3A_413 = vector.shape_cast %get3A_412 : vector<1x16xf32> to vector<16xf32>
      %mul3A_414 = vector.broadcast %squeeze3A : f32 to vector<16xf32>
      %mul3A_415 = arith.mulf %mul3A_414, %get3A_413 : vector<16xf32>
      %get3A_416 = arith.index_cast %scan3A_78 : i32 to index
      %get3A_417 = arith.constant 288 : index
      %get3A_418 = tpu.vector_load %arg13[%get3A_416, %get3A_417] {strides = array<i32>} : memref<64x768xf32, #tpu.memory_space<vmem>>, vector<1x16xf32>,
      %get3A_419 = vector.shape_cast %get3A_418 : vector<1x16xf32> to vector<16xf32>
      %mul3A_420 = vector.broadcast %squeeze3A_86 : f32 to vector<16xf32>
      %mul3A_421 = arith.mulf %mul3A_420, %get3A_419 : vector<16xf32>
      %add3A_422 = arith.addf %mul3A_415, %mul3A_421 : vector<16xf32>
      %swap3A_423 = arith.index_cast %scan3A_78 : i32 to index
      %swap3A_424 = arith.constant 288 : index
      %swap3A_425 = tpu.vector_load %arg12[%swap3A_423, %swap3A_424] {strides = array<i32>} : memref<64x768xf32, #tpu.memory_space<vmem>>, vector<1x16xf32>,
      %swap3A_426 = vector.shape_cast %swap3A_425 : vector<1x16xf32> to vector<16xf32>
      %swap3A_427 = vector.shape_cast %add3A_422 : vector<16xf32> to vector<1x16xf32>
      tpu.vector_store %arg12[%swap3A_423, %swap3A_424], %swap3A_427 {strides = array<i32>} : memref<64x768xf32, #tpu.memory_space<vmem>>, vector<1x16xf32>,
      %get3A_428 = arith.index_cast %scan3A_78 : i32 to index
      %get3A_429 = arith.constant 304 : index
      %get3A_430 = tpu.vector_load %arg12[%get3A_428, %get3A_429] {strides = array<i32>} : memref<64x768xf32, #tpu.memory_space<vmem>>, vector<1x16xf32>,
      %get3A_431 = vector.shape_cast %get3A_430 : vector<1x16xf32> to vector<16xf32>
      %mul3A_432 = vector.broadcast %squeeze3A : f32 to vector<16xf32>
      %mul3A_433 = arith.mulf %mul3A_432, %get3A_431 : vector<16xf32>
      %get3A_434 = arith.index_cast %scan3A_78 : i32 to index
      %get3A_435 = arith.constant 304 : index
      %get3A_436 = tpu.vector_load %arg13[%get3A_434, %get3A_435] {strides = array<i32>} : memref<64x768xf32, #tpu.memory_space<vmem>>, vector<1x16xf32>,
      %get3A_437 = vector.shape_cast %get3A_436 : vector<1x16xf32> to vector<16xf32>
      %mul3A_438 = vector.broadcast %squeeze3A_86 : f32 to vector<16xf32>
      %mul3A_439 = arith.mulf %mul3A_438, %get3A_437 : vector<16xf32>
      %add3A_440 = arith.addf %mul3A_433, %mul3A_439 : vector<16xf32>
      %swap3A_441 = arith.index_cast %scan3A_78 : i32 to index
      %swap3A_442 = arith.constant 304 : index
      %swap3A_443 = tpu.vector_load %arg12[%swap3A_441, %swap3A_442] {strides = array<i32>} : memref<64x768xf32, #tpu.memory_space<vmem>>, vector<1x16xf32>,
      %swap3A_444 = vector.shape_cast %swap3A_443 : vector<1x16xf32> to vector<16xf32>
      %swap3A_445 = vector.shape_cast %add3A_440 : vector<16xf32> to vector<1x16xf32>
      tpu.vector_store %arg12[%swap3A_441, %swap3A_442], %swap3A_445 {strides = array<i32>} : memref<64x768xf32, #tpu.memory_space<vmem>>, vector<1x16xf32>,
      %get3A_446 = arith.index_cast %scan3A_78 : i32 to index
      %get3A_447 = arith.constant 320 : index
      %get3A_448 = tpu.vector_load %arg12[%get3A_446, %get3A_447] {strides = array<i32>} : memref<64x768xf32, #tpu.memory_space<vmem>>, vector<1x16xf32>,
      %get3A_449 = vector.shape_cast %get3A_448 : vector<1x16xf32> to vector<16xf32>
      %mul3A_450 = vector.broadcast %squeeze3A : f32 to vector<16xf32>
      %mul3A_451 = arith.mulf %mul3A_450, %get3A_449 : vector<16xf32>
      %get3A_452 = arith.index_cast %scan3A_78 : i32 to index
      %get3A_453 = arith.constant 320 : index
      %get3A_454 = tpu.vector_load %arg13[%get3A_452, %get3A_453] {strides = array<i32>} : memref<64x768xf32, #tpu.memory_space<vmem>>, vector<1x16xf32>,
      %get3A_455 = vector.shape_cast %get3A_454 : vector<1x16xf32> to vector<16xf32>
      %mul3A_456 = vector.broadcast %squeeze3A_86 : f32 to vector<16xf32>
      %mul3A_457 = arith.mulf %mul3A_456, %get3A_455 : vector<16xf32>
      %add3A_458 = arith.addf %mul3A_451, %mul3A_457 : vector<16xf32>
      %swap3A_459 = arith.index_cast %scan3A_78 : i32 to index
      %swap3A_460 = arith.constant 320 : index
      %swap3A_461 = tpu.vector_load %arg12[%swap3A_459, %swap3A_460] {strides = array<i32>} : memref<64x768xf32, #tpu.memory_space<vmem>>, vector<1x16xf32>,
      %swap3A_462 = vector.shape_cast %swap3A_461 : vector<1x16xf32> to vector<16xf32>
      %swap3A_463 = vector.shape_cast %add3A_458 : vector<16xf32> to vector<1x16xf32>
      tpu.vector_store %arg12[%swap3A_459, %swap3A_460], %swap3A_463 {strides = array<i32>} : memref<64x768xf32, #tpu.memory_space<vmem>>, vector<1x16xf32>,
      %get3A_464 = arith.index_cast %scan3A_78 : i32 to index
      %get3A_465 = arith.constant 336 : index
      %get3A_466 = tpu.vector_load %arg12[%get3A_464, %get3A_465] {strides = array<i32>} : memref<64x768xf32, #tpu.memory_space<vmem>>, vector<1x16xf32>,
      %get3A_467 = vector.shape_cast %get3A_466 : vector<1x16xf32> to vector<16xf32>
      %mul3A_468 = vector.broadcast %squeeze3A : f32 to vector<16xf32>
      %mul3A_469 = arith.mulf %mul3A_468, %get3A_467 : vector<16xf32>
      %get3A_470 = arith.index_cast %scan3A_78 : i32 to index
      %get3A_471 = arith.constant 336 : index
      %get3A_472 = tpu.vector_load %arg13[%get3A_470, %get3A_471] {strides = array<i32>} : memref<64x768xf32, #tpu.memory_space<vmem>>, vector<1x16xf32>,
      %get3A_473 = vector.shape_cast %get3A_472 : vector<1x16xf32> to vector<16xf32>
      %mul3A_474 = vector.broadcast %squeeze3A_86 : f32 to vector<16xf32>
      %mul3A_475 = arith.mulf %mul3A_474, %get3A_473 : vector<16xf32>
      %add3A_476 = arith.addf %mul3A_469, %mul3A_475 : vector<16xf32>
      %swap3A_477 = arith.index_cast %scan3A_78 : i32 to index
      %swap3A_478 = arith.constant 336 : index
      %swap3A_479 = tpu.vector_load %arg12[%swap3A_477, %swap3A_478] {strides = array<i32>} : memref<64x768xf32, #tpu.memory_space<vmem>>, vector<1x16xf32>,
      %swap3A_480 = vector.shape_cast %swap3A_479 : vector<1x16xf32> to vector<16xf32>
      %swap3A_481 = vector.shape_cast %add3A_476 : vector<16xf32> to vector<1x16xf32>
      tpu.vector_store %arg12[%swap3A_477, %swap3A_478], %swap3A_481 {strides = array<i32>} : memref<64x768xf32, #tpu.memory_space<vmem>>, vector<1x16xf32>,
      %get3A_482 = arith.index_cast %scan3A_78 : i32 to index
      %get3A_483 = arith.constant 352 : index
      %get3A_484 = tpu.vector_load %arg12[%get3A_482, %get3A_483] {strides = array<i32>} : memref<64x768xf32, #tpu.memory_space<vmem>>, vector<1x16xf32>,
      %get3A_485 = vector.shape_cast %get3A_484 : vector<1x16xf32> to vector<16xf32>
      %mul3A_486 = vector.broadcast %squeeze3A : f32 to vector<16xf32>
      %mul3A_487 = arith.mulf %mul3A_486, %get3A_485 : vector<16xf32>
      %get3A_488 = arith.index_cast %scan3A_78 : i32 to index
      %get3A_489 = arith.constant 352 : index
      %get3A_490 = tpu.vector_load %arg13[%get3A_488, %get3A_489] {strides = array<i32>} : memref<64x768xf32, #tpu.memory_space<vmem>>, vector<1x16xf32>,
      %get3A_491 = vector.shape_cast %get3A_490 : vector<1x16xf32> to vector<16xf32>
      %mul3A_492 = vector.broadcast %squeeze3A_86 : f32 to vector<16xf32>
      %mul3A_493 = arith.mulf %mul3A_492, %get3A_491 : vector<16xf32>
      %add3A_494 = arith.addf %mul3A_487, %mul3A_493 : vector<16xf32>
      %swap3A_495 = arith.index_cast %scan3A_78 : i32 to index
      %swap3A_496 = arith.constant 352 : index
      %swap3A_497 = tpu.vector_load %arg12[%swap3A_495, %swap3A_496] {strides = array<i32>} : memref<64x768xf32, #tpu.memory_space<vmem>>, vector<1x16xf32>,
      %swap3A_498 = vector.shape_cast %swap3A_497 : vector<1x16xf32> to vector<16xf32>
      %swap3A_499 = vector.shape_cast %add3A_494 : vector<16xf32> to vector<1x16xf32>
      tpu.vector_store %arg12[%swap3A_495, %swap3A_496], %swap3A_499 {strides = array<i32>} : memref<64x768xf32, #tpu.memory_space<vmem>>, vector<1x16xf32>,
      %get3A_500 = arith.index_cast %scan3A_78 : i32 to index
      %get3A_501 = arith.constant 368 : index
      %get3A_502 = tpu.vector_load %arg12[%get3A_500, %get3A_501] {strides = array<i32>} : memref<64x768xf32, #tpu.memory_space<vmem>>, vector<1x16xf32>,
      %get3A_503 = vector.shape_cast %get3A_502 : vector<1x16xf32> to vector<16xf32>
      %mul3A_504 = vector.broadcast %squeeze3A : f32 to vector<16xf32>
      %mul3A_505 = arith.mulf %mul3A_504, %get3A_503 : vector<16xf32>
      %get3A_506 = arith.index_cast %scan3A_78 : i32 to index
      %get3A_507 = arith.constant 368 : index
      %get3A_508 = tpu.vector_load %arg13[%get3A_506, %get3A_507] {strides = array<i32>} : memref<64x768xf32, #tpu.memory_space<vmem>>, vector<1x16xf32>,
      %get3A_509 = vector.shape_cast %get3A_508 : vector<1x16xf32> to vector<16xf32>
      %mul3A_510 = vector.broadcast %squeeze3A_86 : f32 to vector<16xf32>
      %mul3A_511 = arith.mulf %mul3A_510, %get3A_509 : vector<16xf32>
      %add3A_512 = arith.addf %mul3A_505, %mul3A_511 : vector<16xf32>
      %swap3A_513 = arith.index_cast %scan3A_78 : i32 to index
      %swap3A_514 = arith.constant 368 : index
      %swap3A_515 = tpu.vector_load %arg12[%swap3A_513, %swap3A_514] {strides = array<i32>} : memref<64x768xf32, #tpu.memory_space<vmem>>, vector<1x16xf32>,
      %swap3A_516 = vector.shape_cast %swap3A_515 : vector<1x16xf32> to vector<16xf32>
      %swap3A_517 = vector.shape_cast %add3A_512 : vector<16xf32> to vector<1x16xf32>
      tpu.vector_store %arg12[%swap3A_513, %swap3A_514], %swap3A_517 {strides = array<i32>} : memref<64x768xf32, #tpu.memory_space<vmem>>, vector<1x16xf32>,
      %get3A_518 = arith.index_cast %scan3A_78 : i32 to index
      %get3A_519 = arith.constant 384 : index
      %get3A_520 = tpu.vector_load %arg12[%get3A_518, %get3A_519] {strides = array<i32>} : memref<64x768xf32, #tpu.memory_space<vmem>>, vector<1x16xf32>,
      %get3A_521 = vector.shape_cast %get3A_520 : vector<1x16xf32> to vector<16xf32>
      %mul3A_522 = vector.broadcast %squeeze3A : f32 to vector<16xf32>
      %mul3A_523 = arith.mulf %mul3A_522, %get3A_521 : vector<16xf32>
      %get3A_524 = arith.index_cast %scan3A_78 : i32 to index
      %get3A_525 = arith.constant 384 : index
      %get3A_526 = tpu.vector_load %arg13[%get3A_524, %get3A_525] {strides = array<i32>} : memref<64x768xf32, #tpu.memory_space<vmem>>, vector<1x16xf32>,
      %get3A_527 = vector.shape_cast %get3A_526 : vector<1x16xf32> to vector<16xf32>
      %mul3A_528 = vector.broadcast %squeeze3A_86 : f32 to vector<16xf32>
      %mul3A_529 = arith.mulf %mul3A_528, %get3A_527 : vector<16xf32>
      %add3A_530 = arith.addf %mul3A_523, %mul3A_529 : vector<16xf32>
      %swap3A_531 = arith.index_cast %scan3A_78 : i32 to index
      %swap3A_532 = arith.constant 384 : index
      %swap3A_533 = tpu.vector_load %arg12[%swap3A_531, %swap3A_532] {strides = array<i32>} : memref<64x768xf32, #tpu.memory_space<vmem>>, vector<1x16xf32>,
      %swap3A_534 = vector.shape_cast %swap3A_533 : vector<1x16xf32> to vector<16xf32>
      %swap3A_535 = vector.shape_cast %add3A_530 : vector<16xf32> to vector<1x16xf32>
      tpu.vector_store %arg12[%swap3A_531, %swap3A_532], %swap3A_535 {strides = array<i32>} : memref<64x768xf32, #tpu.memory_space<vmem>>, vector<1x16xf32>,
      %get3A_536 = arith.index_cast %scan3A_78 : i32 to index
      %get3A_537 = arith.constant 400 : index
      %get3A_538 = tpu.vector_load %arg12[%get3A_536, %get3A_537] {strides = array<i32>} : memref<64x768xf32, #tpu.memory_space<vmem>>, vector<1x16xf32>,
      %get3A_539 = vector.shape_cast %get3A_538 : vector<1x16xf32> to vector<16xf32>
      %mul3A_540 = vector.broadcast %squeeze3A : f32 to vector<16xf32>
      %mul3A_541 = arith.mulf %mul3A_540, %get3A_539 : vector<16xf32>
      %get3A_542 = arith.index_cast %scan3A_78 : i32 to index
      %get3A_543 = arith.constant 400 : index
      %get3A_544 = tpu.vector_load %arg13[%get3A_542, %get3A_543] {strides = array<i32>} : memref<64x768xf32, #tpu.memory_space<vmem>>, vector<1x16xf32>,
      %get3A_545 = vector.shape_cast %get3A_544 : vector<1x16xf32> to vector<16xf32>
      %mul3A_546 = vector.broadcast %squeeze3A_86 : f32 to vector<16xf32>
      %mul3A_547 = arith.mulf %mul3A_546, %get3A_545 : vector<16xf32>
      %add3A_548 = arith.addf %mul3A_541, %mul3A_547 : vector<16xf32>
      %swap3A_549 = arith.index_cast %scan3A_78 : i32 to index
      %swap3A_550 = arith.constant 400 : index
      %swap3A_551 = tpu.vector_load %arg12[%swap3A_549, %swap3A_550] {strides = array<i32>} : memref<64x768xf32, #tpu.memory_space<vmem>>, vector<1x16xf32>,
      %swap3A_552 = vector.shape_cast %swap3A_551 : vector<1x16xf32> to vector<16xf32>
      %swap3A_553 = vector.shape_cast %add3A_548 : vector<16xf32> to vector<1x16xf32>
      tpu.vector_store %arg12[%swap3A_549, %swap3A_550], %swap3A_553 {strides = array<i32>} : memref<64x768xf32, #tpu.memory_space<vmem>>, vector<1x16xf32>,
      %get3A_554 = arith.index_cast %scan3A_78 : i32 to index
      %get3A_555 = arith.constant 416 : index
      %get3A_556 = tpu.vector_load %arg12[%get3A_554, %get3A_555] {strides = array<i32>} : memref<64x768xf32, #tpu.memory_space<vmem>>, vector<1x16xf32>,
      %get3A_557 = vector.shape_cast %get3A_556 : vector<1x16xf32> to vector<16xf32>
      %mul3A_558 = vector.broadcast %squeeze3A : f32 to vector<16xf32>
      %mul3A_559 = arith.mulf %mul3A_558, %get3A_557 : vector<16xf32>
      %get3A_560 = arith.index_cast %scan3A_78 : i32 to index
      %get3A_561 = arith.constant 416 : index
      %get3A_562 = tpu.vector_load %arg13[%get3A_560, %get3A_561] {strides = array<i32>} : memref<64x768xf32, #tpu.memory_space<vmem>>, vector<1x16xf32>,
      %get3A_563 = vector.shape_cast %get3A_562 : vector<1x16xf32> to vector<16xf32>
      %mul3A_564 = vector.broadcast %squeeze3A_86 : f32 to vector<16xf32>
      %mul3A_565 = arith.mulf %mul3A_564, %get3A_563 : vector<16xf32>
      %add3A_566 = arith.addf %mul3A_559, %mul3A_565 : vector<16xf32>
      %swap3A_567 = arith.index_cast %scan3A_78 : i32 to index
      %swap3A_568 = arith.constant 416 : index
      %swap3A_569 = tpu.vector_load %arg12[%swap3A_567, %swap3A_568] {strides = array<i32>} : memref<64x768xf32, #tpu.memory_space<vmem>>, vector<1x16xf32>,
      %swap3A_570 = vector.shape_cast %swap3A_569 : vector<1x16xf32> to vector<16xf32>
      %swap3A_571 = vector.shape_cast %add3A_566 : vector<16xf32> to vector<1x16xf32>
      tpu.vector_store %arg12[%swap3A_567, %swap3A_568], %swap3A_571 {strides = array<i32>} : memref<64x768xf32, #tpu.memory_space<vmem>>, vector<1x16xf32>,
      %get3A_572 = arith.index_cast %scan3A_78 : i32 to index
      %get3A_573 = arith.constant 432 : index
      %get3A_574 = tpu.vector_load %arg12[%get3A_572, %get3A_573] {strides = array<i32>} : memref<64x768xf32, #tpu.memory_space<vmem>>, vector<1x16xf32>,
      %get3A_575 = vector.shape_cast %get3A_574 : vector<1x16xf32> to vector<16xf32>
      %mul3A_576 = vector.broadcast %squeeze3A : f32 to vector<16xf32>
      %mul3A_577 = arith.mulf %mul3A_576, %get3A_575 : vector<16xf32>
      %get3A_578 = arith.index_cast %scan3A_78 : i32 to index
      %get3A_579 = arith.constant 432 : index
      %get3A_580 = tpu.vector_load %arg13[%get3A_578, %get3A_579] {strides = array<i32>} : memref<64x768xf32, #tpu.memory_space<vmem>>, vector<1x16xf32>,
      %get3A_581 = vector.shape_cast %get3A_580 : vector<1x16xf32> to vector<16xf32>
      %mul3A_582 = vector.broadcast %squeeze3A_86 : f32 to vector<16xf32>
      %mul3A_583 = arith.mulf %mul3A_582, %get3A_581 : vector<16xf32>
      %add3A_584 = arith.addf %mul3A_577, %mul3A_583 : vector<16xf32>
      %swap3A_585 = arith.index_cast %scan3A_78 : i32 to index
      %swap3A_586 = arith.constant 432 : index
      %swap3A_587 = tpu.vector_load %arg12[%swap3A_585, %swap3A_586] {strides = array<i32>} : memref<64x768xf32, #tpu.memory_space<vmem>>, vector<1x16xf32>,
      %swap3A_588 = vector.shape_cast %swap3A_587 : vector<1x16xf32> to vector<16xf32>
      %swap3A_589 = vector.shape_cast %add3A_584 : vector<16xf32> to vector<1x16xf32>
      tpu.vector_store %arg12[%swap3A_585, %swap3A_586], %swap3A_589 {strides = array<i32>} : memref<64x768xf32, #tpu.memory_space<vmem>>, vector<1x16xf32>,
      %get3A_590 = arith.index_cast %scan3A_78 : i32 to index
      %get3A_591 = arith.constant 448 : index
      %get3A_592 = tpu.vector_load %arg12[%get3A_590, %get3A_591] {strides = array<i32>} : memref<64x768xf32, #tpu.memory_space<vmem>>, vector<1x16xf32>,
      %get3A_593 = vector.shape_cast %get3A_592 : vector<1x16xf32> to vector<16xf32>
      %mul3A_594 = vector.broadcast %squeeze3A : f32 to vector<16xf32>
      %mul3A_595 = arith.mulf %mul3A_594, %get3A_593 : vector<16xf32>
      %get3A_596 = arith.index_cast %scan3A_78 : i32 to index
      %get3A_597 = arith.constant 448 : index
      %get3A_598 = tpu.vector_load %arg13[%get3A_596, %get3A_597] {strides = array<i32>} : memref<64x768xf32, #tpu.memory_space<vmem>>, vector<1x16xf32>,
      %get3A_599 = vector.shape_cast %get3A_598 : vector<1x16xf32> to vector<16xf32>
      %mul3A_600 = vector.broadcast %squeeze3A_86 : f32 to vector<16xf32>
      %mul3A_601 = arith.mulf %mul3A_600, %get3A_599 : vector<16xf32>
      %add3A_602 = arith.addf %mul3A_595, %mul3A_601 : vector<16xf32>
      %swap3A_603 = arith.index_cast %scan3A_78 : i32 to index
      %swap3A_604 = arith.constant 448 : index
      %swap3A_605 = tpu.vector_load %arg12[%swap3A_603, %swap3A_604] {strides = array<i32>} : memref<64x768xf32, #tpu.memory_space<vmem>>, vector<1x16xf32>,
      %swap3A_606 = vector.shape_cast %swap3A_605 : vector<1x16xf32> to vector<16xf32>
      %swap3A_607 = vector.shape_cast %add3A_602 : vector<16xf32> to vector<1x16xf32>
      tpu.vector_store %arg12[%swap3A_603, %swap3A_604], %swap3A_607 {strides = array<i32>} : memref<64x768xf32, #tpu.memory_space<vmem>>, vector<1x16xf32>,
      %get3A_608 = arith.index_cast %scan3A_78 : i32 to index
      %get3A_609 = arith.constant 464 : index
      %get3A_610 = tpu.vector_load %arg12[%get3A_608, %get3A_609] {strides = array<i32>} : memref<64x768xf32, #tpu.memory_space<vmem>>, vector<1x16xf32>,
      %get3A_611 = vector.shape_cast %get3A_610 : vector<1x16xf32> to vector<16xf32>
      %mul3A_612 = vector.broadcast %squeeze3A : f32 to vector<16xf32>
      %mul3A_613 = arith.mulf %mul3A_612, %get3A_611 : vector<16xf32>
      %get3A_614 = arith.index_cast %scan3A_78 : i32 to index
      %get3A_615 = arith.constant 464 : index
      %get3A_616 = tpu.vector_load %arg13[%get3A_614, %get3A_615] {strides = array<i32>} : memref<64x768xf32, #tpu.memory_space<vmem>>, vector<1x16xf32>,
      %get3A_617 = vector.shape_cast %get3A_616 : vector<1x16xf32> to vector<16xf32>
      %mul3A_618 = vector.broadcast %squeeze3A_86 : f32 to vector<16xf32>
      %mul3A_619 = arith.mulf %mul3A_618, %get3A_617 : vector<16xf32>
      %add3A_620 = arith.addf %mul3A_613, %mul3A_619 : vector<16xf32>
      %swap3A_621 = arith.index_cast %scan3A_78 : i32 to index
      %swap3A_622 = arith.constant 464 : index
      %swap3A_623 = tpu.vector_load %arg12[%swap3A_621, %swap3A_622] {strides = array<i32>} : memref<64x768xf32, #tpu.memory_space<vmem>>, vector<1x16xf32>,
      %swap3A_624 = vector.shape_cast %swap3A_623 : vector<1x16xf32> to vector<16xf32>
      %swap3A_625 = vector.shape_cast %add3A_620 : vector<16xf32> to vector<1x16xf32>
      tpu.vector_store %arg12[%swap3A_621, %swap3A_622], %swap3A_625 {strides = array<i32>} : memref<64x768xf32, #tpu.memory_space<vmem>>, vector<1x16xf32>,
      %get3A_626 = arith.index_cast %scan3A_78 : i32 to index
      %get3A_627 = arith.constant 480 : index
      %get3A_628 = tpu.vector_load %arg12[%get3A_626, %get3A_627] {strides = array<i32>} : memref<64x768xf32, #tpu.memory_space<vmem>>, vector<1x16xf32>,
      %get3A_629 = vector.shape_cast %get3A_628 : vector<1x16xf32> to vector<16xf32>
      %mul3A_630 = vector.broadcast %squeeze3A : f32 to vector<16xf32>
      %mul3A_631 = arith.mulf %mul3A_630, %get3A_629 : vector<16xf32>
      %get3A_632 = arith.index_cast %scan3A_78 : i32 to index
      %get3A_633 = arith.constant 480 : index
      %get3A_634 = tpu.vector_load %arg13[%get3A_632, %get3A_633] {strides = array<i32>} : memref<64x768xf32, #tpu.memory_space<vmem>>, vector<1x16xf32>,
      %get3A_635 = vector.shape_cast %get3A_634 : vector<1x16xf32> to vector<16xf32>
      %mul3A_636 = vector.broadcast %squeeze3A_86 : f32 to vector<16xf32>
      %mul3A_637 = arith.mulf %mul3A_636, %get3A_635 : vector<16xf32>
      %add3A_638 = arith.addf %mul3A_631, %mul3A_637 : vector<16xf32>
      %swap3A_639 = arith.index_cast %scan3A_78 : i32 to index
      %swap3A_640 = arith.constant 480 : index
      %swap3A_641 = tpu.vector_load %arg12[%swap3A_639, %swap3A_640] {strides = array<i32>} : memref<64x768xf32, #tpu.memory_space<vmem>>, vector<1x16xf32>,
      %swap3A_642 = vector.shape_cast %swap3A_641 : vector<1x16xf32> to vector<16xf32>
      %swap3A_643 = vector.shape_cast %add3A_638 : vector<16xf32> to vector<1x16xf32>
      tpu.vector_store %arg12[%swap3A_639, %swap3A_640], %swap3A_643 {strides = array<i32>} : memref<64x768xf32, #tpu.memory_space<vmem>>, vector<1x16xf32>,
      %get3A_644 = arith.index_cast %scan3A_78 : i32 to index
      %get3A_645 = arith.constant 496 : index
      %get3A_646 = tpu.vector_load %arg12[%get3A_644, %get3A_645] {strides = array<i32>} : memref<64x768xf32, #tpu.memory_space<vmem>>, vector<1x16xf32>,
      %get3A_647 = vector.shape_cast %get3A_646 : vector<1x16xf32> to vector<16xf32>
      %mul3A_648 = vector.broadcast %squeeze3A : f32 to vector<16xf32>
      %mul3A_649 = arith.mulf %mul3A_648, %get3A_647 : vector<16xf32>
      %get3A_650 = arith.index_cast %scan3A_78 : i32 to index
      %get3A_651 = arith.constant 496 : index
      %get3A_652 = tpu.vector_load %arg13[%get3A_650, %get3A_651] {strides = array<i32>} : memref<64x768xf32, #tpu.memory_space<vmem>>, vector<1x16xf32>,
      %get3A_653 = vector.shape_cast %get3A_652 : vector<1x16xf32> to vector<16xf32>
      %mul3A_654 = vector.broadcast %squeeze3A_86 : f32 to vector<16xf32>
      %mul3A_655 = arith.mulf %mul3A_654, %get3A_653 : vector<16xf32>
      %add3A_656 = arith.addf %mul3A_649, %mul3A_655 : vector<16xf32>
      %swap3A_657 = arith.index_cast %scan3A_78 : i32 to index
      %swap3A_658 = arith.constant 496 : index
      %swap3A_659 = tpu.vector_load %arg12[%swap3A_657, %swap3A_658] {strides = array<i32>} : memref<64x768xf32, #tpu.memory_space<vmem>>, vector<1x16xf32>,
      %swap3A_660 = vector.shape_cast %swap3A_659 : vector<1x16xf32> to vector<16xf32>
      %swap3A_661 = vector.shape_cast %add3A_656 : vector<16xf32> to vector<1x16xf32>
      tpu.vector_store %arg12[%swap3A_657, %swap3A_658], %swap3A_661 {strides = array<i32>} : memref<64x768xf32, #tpu.memory_space<vmem>>, vector<1x16xf32>,
      %get3A_662 = arith.index_cast %scan3A_78 : i32 to index
      %get3A_663 = arith.constant 512 : index
      %get3A_664 = tpu.vector_load %arg12[%get3A_662, %get3A_663] {strides = array<i32>} : memref<64x768xf32, #tpu.memory_space<vmem>>, vector<1x16xf32>,
      %get3A_665 = vector.shape_cast %get3A_664 : vector<1x16xf32> to vector<16xf32>
      %mul3A_666 = vector.broadcast %squeeze3A : f32 to vector<16xf32>
      %mul3A_667 = arith.mulf %mul3A_666, %get3A_665 : vector<16xf32>
      %get3A_668 = arith.index_cast %scan3A_78 : i32 to index
      %get3A_669 = arith.constant 512 : index
      %get3A_670 = tpu.vector_load %arg13[%get3A_668, %get3A_669] {strides = array<i32>} : memref<64x768xf32, #tpu.memory_space<vmem>>, vector<1x16xf32>,
      %get3A_671 = vector.shape_cast %get3A_670 : vector<1x16xf32> to vector<16xf32>
      %mul3A_672 = vector.broadcast %squeeze3A_86 : f32 to vector<16xf32>
      %mul3A_673 = arith.mulf %mul3A_672, %get3A_671 : vector<16xf32>
      %add3A_674 = arith.addf %mul3A_667, %mul3A_673 : vector<16xf32>
      %swap3A_675 = arith.index_cast %scan3A_78 : i32 to index
      %swap3A_676 = arith.constant 512 : index
      %swap3A_677 = tpu.vector_load %arg12[%swap3A_675, %swap3A_676] {strides = array<i32>} : memref<64x768xf32, #tpu.memory_space<vmem>>, vector<1x16xf32>,
      %swap3A_678 = vector.shape_cast %swap3A_677 : vector<1x16xf32> to vector<16xf32>
      %swap3A_679 = vector.shape_cast %add3A_674 : vector<16xf32> to vector<1x16xf32>
      tpu.vector_store %arg12[%swap3A_675, %swap3A_676], %swap3A_679 {strides = array<i32>} : memref<64x768xf32, #tpu.memory_space<vmem>>, vector<1x16xf32>,
      %get3A_680 = arith.index_cast %scan3A_78 : i32 to index
      %get3A_681 = arith.constant 528 : index
      %get3A_682 = tpu.vector_load %arg12[%get3A_680, %get3A_681] {strides = array<i32>} : memref<64x768xf32, #tpu.memory_space<vmem>>, vector<1x16xf32>,
      %get3A_683 = vector.shape_cast %get3A_682 : vector<1x16xf32> to vector<16xf32>
      %mul3A_684 = vector.broadcast %squeeze3A : f32 to vector<16xf32>
      %mul3A_685 = arith.mulf %mul3A_684, %get3A_683 : vector<16xf32>
      %get3A_686 = arith.index_cast %scan3A_78 : i32 to index
      %get3A_687 = arith.constant 528 : index
      %get3A_688 = tpu.vector_load %arg13[%get3A_686, %get3A_687] {strides = array<i32>} : memref<64x768xf32, #tpu.memory_space<vmem>>, vector<1x16xf32>,
      %get3A_689 = vector.shape_cast %get3A_688 : vector<1x16xf32> to vector<16xf32>
      %mul3A_690 = vector.broadcast %squeeze3A_86 : f32 to vector<16xf32>
      %mul3A_691 = arith.mulf %mul3A_690, %get3A_689 : vector<16xf32>
      %add3A_692 = arith.addf %mul3A_685, %mul3A_691 : vector<16xf32>
      %swap3A_693 = arith.index_cast %scan3A_78 : i32 to index
      %swap3A_694 = arith.constant 528 : index
      %swap3A_695 = tpu.vector_load %arg12[%swap3A_693, %swap3A_694] {strides = array<i32>} : memref<64x768xf32, #tpu.memory_space<vmem>>, vector<1x16xf32>,
      %swap3A_696 = vector.shape_cast %swap3A_695 : vector<1x16xf32> to vector<16xf32>
      %swap3A_697 = vector.shape_cast %add3A_692 : vector<16xf32> to vector<1x16xf32>
      tpu.vector_store %arg12[%swap3A_693, %swap3A_694], %swap3A_697 {strides = array<i32>} : memref<64x768xf32, #tpu.memory_space<vmem>>, vector<1x16xf32>,
      %get3A_698 = arith.index_cast %scan3A_78 : i32 to index
      %get3A_699 = arith.constant 544 : index
      %get3A_700 = tpu.vector_load %arg12[%get3A_698, %get3A_699] {strides = array<i32>} : memref<64x768xf32, #tpu.memory_space<vmem>>, vector<1x16xf32>,
      %get3A_701 = vector.shape_cast %get3A_700 : vector<1x16xf32> to vector<16xf32>
      %mul3A_702 = vector.broadcast %squeeze3A : f32 to vector<16xf32>
      %mul3A_703 = arith.mulf %mul3A_702, %get3A_701 : vector<16xf32>
      %get3A_704 = arith.index_cast %scan3A_78 : i32 to index
      %get3A_705 = arith.constant 544 : index
      %get3A_706 = tpu.vector_load %arg13[%get3A_704, %get3A_705] {strides = array<i32>} : memref<64x768xf32, #tpu.memory_space<vmem>>, vector<1x16xf32>,
      %get3A_707 = vector.shape_cast %get3A_706 : vector<1x16xf32> to vector<16xf32>
      %mul3A_708 = vector.broadcast %squeeze3A_86 : f32 to vector<16xf32>
      %mul3A_709 = arith.mulf %mul3A_708, %get3A_707 : vector<16xf32>
      %add3A_710 = arith.addf %mul3A_703, %mul3A_709 : vector<16xf32>
      %swap3A_711 = arith.index_cast %scan3A_78 : i32 to index
      %swap3A_712 = arith.constant 544 : index
      %swap3A_713 = tpu.vector_load %arg12[%swap3A_711, %swap3A_712] {strides = array<i32>} : memref<64x768xf32, #tpu.memory_space<vmem>>, vector<1x16xf32>,
      %swap3A_714 = vector.shape_cast %swap3A_713 : vector<1x16xf32> to vector<16xf32>
      %swap3A_715 = vector.shape_cast %add3A_710 : vector<16xf32> to vector<1x16xf32>
      tpu.vector_store %arg12[%swap3A_711, %swap3A_712], %swap3A_715 {strides = array<i32>} : memref<64x768xf32, #tpu.memory_space<vmem>>, vector<1x16xf32>,
      %get3A_716 = arith.index_cast %scan3A_78 : i32 to index
      %get3A_717 = arith.constant 560 : index
      %get3A_718 = tpu.vector_load %arg12[%get3A_716, %get3A_717] {strides = array<i32>} : memref<64x768xf32, #tpu.memory_space<vmem>>, vector<1x16xf32>,
      %get3A_719 = vector.shape_cast %get3A_718 : vector<1x16xf32> to vector<16xf32>
      %mul3A_720 = vector.broadcast %squeeze3A : f32 to vector<16xf32>
      %mul3A_721 = arith.mulf %mul3A_720, %get3A_719 : vector<16xf32>
      %get3A_722 = arith.index_cast %scan3A_78 : i32 to index
      %get3A_723 = arith.constant 560 : index
      %get3A_724 = tpu.vector_load %arg13[%get3A_722, %get3A_723] {strides = array<i32>} : memref<64x768xf32, #tpu.memory_space<vmem>>, vector<1x16xf32>,
      %get3A_725 = vector.shape_cast %get3A_724 : vector<1x16xf32> to vector<16xf32>
      %mul3A_726 = vector.broadcast %squeeze3A_86 : f32 to vector<16xf32>
      %mul3A_727 = arith.mulf %mul3A_726, %get3A_725 : vector<16xf32>
      %add3A_728 = arith.addf %mul3A_721, %mul3A_727 : vector<16xf32>
      %swap3A_729 = arith.index_cast %scan3A_78 : i32 to index
      %swap3A_730 = arith.constant 560 : index
      %swap3A_731 = tpu.vector_load %arg12[%swap3A_729, %swap3A_730] {strides = array<i32>} : memref<64x768xf32, #tpu.memory_space<vmem>>, vector<1x16xf32>,
      %swap3A_732 = vector.shape_cast %swap3A_731 : vector<1x16xf32> to vector<16xf32>
      %swap3A_733 = vector.shape_cast %add3A_728 : vector<16xf32> to vector<1x16xf32>
      tpu.vector_store %arg12[%swap3A_729, %swap3A_730], %swap3A_733 {strides = array<i32>} : memref<64x768xf32, #tpu.memory_space<vmem>>, vector<1x16xf32>,
      %get3A_734 = arith.index_cast %scan3A_78 : i32 to index
      %get3A_735 = arith.constant 576 : index
      %get3A_736 = tpu.vector_load %arg12[%get3A_734, %get3A_735] {strides = array<i32>} : memref<64x768xf32, #tpu.memory_space<vmem>>, vector<1x16xf32>,
      %get3A_737 = vector.shape_cast %get3A_736 : vector<1x16xf32> to vector<16xf32>
      %mul3A_738 = vector.broadcast %squeeze3A : f32 to vector<16xf32>
      %mul3A_739 = arith.mulf %mul3A_738, %get3A_737 : vector<16xf32>
      %get3A_740 = arith.index_cast %scan3A_78 : i32 to index
      %get3A_741 = arith.constant 576 : index
      %get3A_742 = tpu.vector_load %arg13[%get3A_740, %get3A_741] {strides = array<i32>} : memref<64x768xf32, #tpu.memory_space<vmem>>, vector<1x16xf32>,
      %get3A_743 = vector.shape_cast %get3A_742 : vector<1x16xf32> to vector<16xf32>
      %mul3A_744 = vector.broadcast %squeeze3A_86 : f32 to vector<16xf32>
      %mul3A_745 = arith.mulf %mul3A_744, %get3A_743 : vector<16xf32>
      %add3A_746 = arith.addf %mul3A_739, %mul3A_745 : vector<16xf32>
      %swap3A_747 = arith.index_cast %scan3A_78 : i32 to index
      %swap3A_748 = arith.constant 576 : index
      %swap3A_749 = tpu.vector_load %arg12[%swap3A_747, %swap3A_748] {strides = array<i32>} : memref<64x768xf32, #tpu.memory_space<vmem>>, vector<1x16xf32>,
      %swap3A_750 = vector.shape_cast %swap3A_749 : vector<1x16xf32> to vector<16xf32>
      %swap3A_751 = vector.shape_cast %add3A_746 : vector<16xf32> to vector<1x16xf32>
      tpu.vector_store %arg12[%swap3A_747, %swap3A_748], %swap3A_751 {strides = array<i32>} : memref<64x768xf32, #tpu.memory_space<vmem>>, vector<1x16xf32>,
      %get3A_752 = arith.index_cast %scan3A_78 : i32 to index
      %get3A_753 = arith.constant 592 : index
      %get3A_754 = tpu.vector_load %arg12[%get3A_752, %get3A_753] {strides = array<i32>} : memref<64x768xf32, #tpu.memory_space<vmem>>, vector<1x16xf32>,
      %get3A_755 = vector.shape_cast %get3A_754 : vector<1x16xf32> to vector<16xf32>
      %mul3A_756 = vector.broadcast %squeeze3A : f32 to vector<16xf32>
      %mul3A_757 = arith.mulf %mul3A_756, %get3A_755 : vector<16xf32>
      %get3A_758 = arith.index_cast %scan3A_78 : i32 to index
      %get3A_759 = arith.constant 592 : index
      %get3A_760 = tpu.vector_load %arg13[%get3A_758, %get3A_759] {strides = array<i32>} : memref<64x768xf32, #tpu.memory_space<vmem>>, vector<1x16xf32>,
      %get3A_761 = vector.shape_cast %get3A_760 : vector<1x16xf32> to vector<16xf32>
      %mul3A_762 = vector.broadcast %squeeze3A_86 : f32 to vector<16xf32>
      %mul3A_763 = arith.mulf %mul3A_762, %get3A_761 : vector<16xf32>
      %add3A_764 = arith.addf %mul3A_757, %mul3A_763 : vector<16xf32>
      %swap3A_765 = arith.index_cast %scan3A_78 : i32 to index
      %swap3A_766 = arith.constant 592 : index
      %swap3A_767 = tpu.vector_load %arg12[%swap3A_765, %swap3A_766] {strides = array<i32>} : memref<64x768xf32, #tpu.memory_space<vmem>>, vector<1x16xf32>,
      %swap3A_768 = vector.shape_cast %swap3A_767 : vector<1x16xf32> to vector<16xf32>
      %swap3A_769 = vector.shape_cast %add3A_764 : vector<16xf32> to vector<1x16xf32>
      tpu.vector_store %arg12[%swap3A_765, %swap3A_766], %swap3A_769 {strides = array<i32>} : memref<64x768xf32, #tpu.memory_space<vmem>>, vector<1x16xf32>,
      %get3A_770 = arith.index_cast %scan3A_78 : i32 to index
      %get3A_771 = arith.constant 608 : index
      %get3A_772 = tpu.vector_load %arg12[%get3A_770, %get3A_771] {strides = array<i32>} : memref<64x768xf32, #tpu.memory_space<vmem>>, vector<1x16xf32>,
      %get3A_773 = vector.shape_cast %get3A_772 : vector<1x16xf32> to vector<16xf32>
      %mul3A_774 = vector.broadcast %squeeze3A : f32 to vector<16xf32>
      %mul3A_775 = arith.mulf %mul3A_774, %get3A_773 : vector<16xf32>
      %get3A_776 = arith.index_cast %scan3A_78 : i32 to index
      %get3A_777 = arith.constant 608 : index
      %get3A_778 = tpu.vector_load %arg13[%get3A_776, %get3A_777] {strides = array<i32>} : memref<64x768xf32, #tpu.memory_space<vmem>>, vector<1x16xf32>,
      %get3A_779 = vector.shape_cast %get3A_778 : vector<1x16xf32> to vector<16xf32>
      %mul3A_780 = vector.broadcast %squeeze3A_86 : f32 to vector<16xf32>
      %mul3A_781 = arith.mulf %mul3A_780, %get3A_779 : vector<16xf32>
      %add3A_782 = arith.addf %mul3A_775, %mul3A_781 : vector<16xf32>
      %swap3A_783 = arith.index_cast %scan3A_78 : i32 to index
      %swap3A_784 = arith.constant 608 : index
      %swap3A_785 = tpu.vector_load %arg12[%swap3A_783, %swap3A_784] {strides = array<i32>} : memref<64x768xf32, #tpu.memory_space<vmem>>, vector<1x16xf32>,
      %swap3A_786 = vector.shape_cast %swap3A_785 : vector<1x16xf32> to vector<16xf32>
      %swap3A_787 = vector.shape_cast %add3A_782 : vector<16xf32> to vector<1x16xf32>
      tpu.vector_store %arg12[%swap3A_783, %swap3A_784], %swap3A_787 {strides = array<i32>} : memref<64x768xf32, #tpu.memory_space<vmem>>, vector<1x16xf32>,
      %get3A_788 = arith.index_cast %scan3A_78 : i32 to index
      %get3A_789 = arith.constant 624 : index
      %get3A_790 = tpu.vector_load %arg12[%get3A_788, %get3A_789] {strides = array<i32>} : memref<64x768xf32, #tpu.memory_space<vmem>>, vector<1x16xf32>,
      %get3A_791 = vector.shape_cast %get3A_790 : vector<1x16xf32> to vector<16xf32>
      %mul3A_792 = vector.broadcast %squeeze3A : f32 to vector<16xf32>
      %mul3A_793 = arith.mulf %mul3A_792, %get3A_791 : vector<16xf32>
      %get3A_794 = arith.index_cast %scan3A_78 : i32 to index
      %get3A_795 = arith.constant 624 : index
      %get3A_796 = tpu.vector_load %arg13[%get3A_794, %get3A_795] {strides = array<i32>} : memref<64x768xf32, #tpu.memory_space<vmem>>, vector<1x16xf32>,
      %get3A_797 = vector.shape_cast %get3A_796 : vector<1x16xf32> to vector<16xf32>
      %mul3A_798 = vector.broadcast %squeeze3A_86 : f32 to vector<16xf32>
      %mul3A_799 = arith.mulf %mul3A_798, %get3A_797 : vector<16xf32>
      %add3A_800 = arith.addf %mul3A_793, %mul3A_799 : vector<16xf32>
      %swap3A_801 = arith.index_cast %scan3A_78 : i32 to index
      %swap3A_802 = arith.constant 624 : index
      %swap3A_803 = tpu.vector_load %arg12[%swap3A_801, %swap3A_802] {strides = array<i32>} : memref<64x768xf32, #tpu.memory_space<vmem>>, vector<1x16xf32>,
      %swap3A_804 = vector.shape_cast %swap3A_803 : vector<1x16xf32> to vector<16xf32>
      %swap3A_805 = vector.shape_cast %add3A_800 : vector<16xf32> to vector<1x16xf32>
      tpu.vector_store %arg12[%swap3A_801, %swap3A_802], %swap3A_805 {strides = array<i32>} : memref<64x768xf32, #tpu.memory_space<vmem>>, vector<1x16xf32>,
      %get3A_806 = arith.index_cast %scan3A_78 : i32 to index
      %get3A_807 = arith.constant 640 : index
      %get3A_808 = tpu.vector_load %arg12[%get3A_806, %get3A_807] {strides = array<i32>} : memref<64x768xf32, #tpu.memory_space<vmem>>, vector<1x16xf32>,
      %get3A_809 = vector.shape_cast %get3A_808 : vector<1x16xf32> to vector<16xf32>
      %mul3A_810 = vector.broadcast %squeeze3A : f32 to vector<16xf32>
      %mul3A_811 = arith.mulf %mul3A_810, %get3A_809 : vector<16xf32>
      %get3A_812 = arith.index_cast %scan3A_78 : i32 to index
      %get3A_813 = arith.constant 640 : index
      %get3A_814 = tpu.vector_load %arg13[%get3A_812, %get3A_813] {strides = array<i32>} : memref<64x768xf32, #tpu.memory_space<vmem>>, vector<1x16xf32>,
      %get3A_815 = vector.shape_cast %get3A_814 : vector<1x16xf32> to vector<16xf32>
      %mul3A_816 = vector.broadcast %squeeze3A_86 : f32 to vector<16xf32>
      %mul3A_817 = arith.mulf %mul3A_816, %get3A_815 : vector<16xf32>
      %add3A_818 = arith.addf %mul3A_811, %mul3A_817 : vector<16xf32>
      %swap3A_819 = arith.index_cast %scan3A_78 : i32 to index
      %swap3A_820 = arith.constant 640 : index
      %swap3A_821 = tpu.vector_load %arg12[%swap3A_819, %swap3A_820] {strides = array<i32>} : memref<64x768xf32, #tpu.memory_space<vmem>>, vector<1x16xf32>,
      %swap3A_822 = vector.shape_cast %swap3A_821 : vector<1x16xf32> to vector<16xf32>
      %swap3A_823 = vector.shape_cast %add3A_818 : vector<16xf32> to vector<1x16xf32>
      tpu.vector_store %arg12[%swap3A_819, %swap3A_820], %swap3A_823 {strides = array<i32>} : memref<64x768xf32, #tpu.memory_space<vmem>>, vector<1x16xf32>,
      %get3A_824 = arith.index_cast %scan3A_78 : i32 to index
      %get3A_825 = arith.constant 656 : index
      %get3A_826 = tpu.vector_load %arg12[%get3A_824, %get3A_825] {strides = array<i32>} : memref<64x768xf32, #tpu.memory_space<vmem>>, vector<1x16xf32>,
      %get3A_827 = vector.shape_cast %get3A_826 : vector<1x16xf32> to vector<16xf32>
      %mul3A_828 = vector.broadcast %squeeze3A : f32 to vector<16xf32>
      %mul3A_829 = arith.mulf %mul3A_828, %get3A_827 : vector<16xf32>
      %get3A_830 = arith.index_cast %scan3A_78 : i32 to index
      %get3A_831 = arith.constant 656 : index
      %get3A_832 = tpu.vector_load %arg13[%get3A_830, %get3A_831] {strides = array<i32>} : memref<64x768xf32, #tpu.memory_space<vmem>>, vector<1x16xf32>,
      %get3A_833 = vector.shape_cast %get3A_832 : vector<1x16xf32> to vector<16xf32>
      %mul3A_834 = vector.broadcast %squeeze3A_86 : f32 to vector<16xf32>
      %mul3A_835 = arith.mulf %mul3A_834, %get3A_833 : vector<16xf32>
      %add3A_836 = arith.addf %mul3A_829, %mul3A_835 : vector<16xf32>
      %swap3A_837 = arith.index_cast %scan3A_78 : i32 to index
      %swap3A_838 = arith.constant 656 : index
      %swap3A_839 = tpu.vector_load %arg12[%swap3A_837, %swap3A_838] {strides = array<i32>} : memref<64x768xf32, #tpu.memory_space<vmem>>, vector<1x16xf32>,
      %swap3A_840 = vector.shape_cast %swap3A_839 : vector<1x16xf32> to vector<16xf32>
      %swap3A_841 = vector.shape_cast %add3A_836 : vector<16xf32> to vector<1x16xf32>
      tpu.vector_store %arg12[%swap3A_837, %swap3A_838], %swap3A_841 {strides = array<i32>} : memref<64x768xf32, #tpu.memory_space<vmem>>, vector<1x16xf32>,
      %get3A_842 = arith.index_cast %scan3A_78 : i32 to index
      %get3A_843 = arith.constant 672 : index
      %get3A_844 = tpu.vector_load %arg12[%get3A_842, %get3A_843] {strides = array<i32>} : memref<64x768xf32, #tpu.memory_space<vmem>>, vector<1x16xf32>,
      %get3A_845 = vector.shape_cast %get3A_844 : vector<1x16xf32> to vector<16xf32>
      %mul3A_846 = vector.broadcast %squeeze3A : f32 to vector<16xf32>
      %mul3A_847 = arith.mulf %mul3A_846, %get3A_845 : vector<16xf32>
      %get3A_848 = arith.index_cast %scan3A_78 : i32 to index
      %get3A_849 = arith.constant 672 : index
      %get3A_850 = tpu.vector_load %arg13[%get3A_848, %get3A_849] {strides = array<i32>} : memref<64x768xf32, #tpu.memory_space<vmem>>, vector<1x16xf32>,
      %get3A_851 = vector.shape_cast %get3A_850 : vector<1x16xf32> to vector<16xf32>
      %mul3A_852 = vector.broadcast %squeeze3A_86 : f32 to vector<16xf32>
      %mul3A_853 = arith.mulf %mul3A_852, %get3A_851 : vector<16xf32>
      %add3A_854 = arith.addf %mul3A_847, %mul3A_853 : vector<16xf32>
      %swap3A_855 = arith.index_cast %scan3A_78 : i32 to index
      %swap3A_856 = arith.constant 672 : index
      %swap3A_857 = tpu.vector_load %arg12[%swap3A_855, %swap3A_856] {strides = array<i32>} : memref<64x768xf32, #tpu.memory_space<vmem>>, vector<1x16xf32>,
      %swap3A_858 = vector.shape_cast %swap3A_857 : vector<1x16xf32> to vector<16xf32>
      %swap3A_859 = vector.shape_cast %add3A_854 : vector<16xf32> to vector<1x16xf32>
      tpu.vector_store %arg12[%swap3A_855, %swap3A_856], %swap3A_859 {strides = array<i32>} : memref<64x768xf32, #tpu.memory_space<vmem>>, vector<1x16xf32>,
      %get3A_860 = arith.index_cast %scan3A_78 : i32 to index
      %get3A_861 = arith.constant 688 : index
      %get3A_862 = tpu.vector_load %arg12[%get3A_860, %get3A_861] {strides = array<i32>} : memref<64x768xf32, #tpu.memory_space<vmem>>, vector<1x16xf32>,
      %get3A_863 = vector.shape_cast %get3A_862 : vector<1x16xf32> to vector<16xf32>
      %mul3A_864 = vector.broadcast %squeeze3A : f32 to vector<16xf32>
      %mul3A_865 = arith.mulf %mul3A_864, %get3A_863 : vector<16xf32>
      %get3A_866 = arith.index_cast %scan3A_78 : i32 to index
      %get3A_867 = arith.constant 688 : index
      %get3A_868 = tpu.vector_load %arg13[%get3A_866, %get3A_867] {strides = array<i32>} : memref<64x768xf32, #tpu.memory_space<vmem>>, vector<1x16xf32>,
      %get3A_869 = vector.shape_cast %get3A_868 : vector<1x16xf32> to vector<16xf32>
      %mul3A_870 = vector.broadcast %squeeze3A_86 : f32 to vector<16xf32>
      %mul3A_871 = arith.mulf %mul3A_870, %get3A_869 : vector<16xf32>
      %add3A_872 = arith.addf %mul3A_865, %mul3A_871 : vector<16xf32>
      %swap3A_873 = arith.index_cast %scan3A_78 : i32 to index
      %swap3A_874 = arith.constant 688 : index
      %swap3A_875 = tpu.vector_load %arg12[%swap3A_873, %swap3A_874] {strides = array<i32>} : memref<64x768xf32, #tpu.memory_space<vmem>>, vector<1x16xf32>,
      %swap3A_876 = vector.shape_cast %swap3A_875 : vector<1x16xf32> to vector<16xf32>
      %swap3A_877 = vector.shape_cast %add3A_872 : vector<16xf32> to vector<1x16xf32>
      tpu.vector_store %arg12[%swap3A_873, %swap3A_874], %swap3A_877 {strides = array<i32>} : memref<64x768xf32, #tpu.memory_space<vmem>>, vector<1x16xf32>,
      %get3A_878 = arith.index_cast %scan3A_78 : i32 to index
      %get3A_879 = arith.constant 704 : index
      %get3A_880 = tpu.vector_load %arg12[%get3A_878, %get3A_879] {strides = array<i32>} : memref<64x768xf32, #tpu.memory_space<vmem>>, vector<1x16xf32>,
      %get3A_881 = vector.shape_cast %get3A_880 : vector<1x16xf32> to vector<16xf32>
      %mul3A_882 = vector.broadcast %squeeze3A : f32 to vector<16xf32>
      %mul3A_883 = arith.mulf %mul3A_882, %get3A_881 : vector<16xf32>
      %get3A_884 = arith.index_cast %scan3A_78 : i32 to index
      %get3A_885 = arith.constant 704 : index
      %get3A_886 = tpu.vector_load %arg13[%get3A_884, %get3A_885] {strides = array<i32>} : memref<64x768xf32, #tpu.memory_space<vmem>>, vector<1x16xf32>,
      %get3A_887 = vector.shape_cast %get3A_886 : vector<1x16xf32> to vector<16xf32>
      %mul3A_888 = vector.broadcast %squeeze3A_86 : f32 to vector<16xf32>
      %mul3A_889 = arith.mulf %mul3A_888, %get3A_887 : vector<16xf32>
      %add3A_890 = arith.addf %mul3A_883, %mul3A_889 : vector<16xf32>
      %swap3A_891 = arith.index_cast %scan3A_78 : i32 to index
      %swap3A_892 = arith.constant 704 : index
      %swap3A_893 = tpu.vector_load %arg12[%swap3A_891, %swap3A_892] {strides = array<i32>} : memref<64x768xf32, #tpu.memory_space<vmem>>, vector<1x16xf32>,
      %swap3A_894 = vector.shape_cast %swap3A_893 : vector<1x16xf32> to vector<16xf32>
      %swap3A_895 = vector.shape_cast %add3A_890 : vector<16xf32> to vector<1x16xf32>
      tpu.vector_store %arg12[%swap3A_891, %swap3A_892], %swap3A_895 {strides = array<i32>} : memref<64x768xf32, #tpu.memory_space<vmem>>, vector<1x16xf32>,
      %get3A_896 = arith.index_cast %scan3A_78 : i32 to index
      %get3A_897 = arith.constant 720 : index
      %get3A_898 = tpu.vector_load %arg12[%get3A_896, %get3A_897] {strides = array<i32>} : memref<64x768xf32, #tpu.memory_space<vmem>>, vector<1x16xf32>,
      %get3A_899 = vector.shape_cast %get3A_898 : vector<1x16xf32> to vector<16xf32>
      %mul3A_900 = vector.broadcast %squeeze3A : f32 to vector<16xf32>
      %mul3A_901 = arith.mulf %mul3A_900, %get3A_899 : vector<16xf32>
      %get3A_902 = arith.index_cast %scan3A_78 : i32 to index
      %get3A_903 = arith.constant 720 : index
      %get3A_904 = tpu.vector_load %arg13[%get3A_902, %get3A_903] {strides = array<i32>} : memref<64x768xf32, #tpu.memory_space<vmem>>, vector<1x16xf32>,
      %get3A_905 = vector.shape_cast %get3A_904 : vector<1x16xf32> to vector<16xf32>
      %mul3A_906 = vector.broadcast %squeeze3A_86 : f32 to vector<16xf32>
      %mul3A_907 = arith.mulf %mul3A_906, %get3A_905 : vector<16xf32>
      %add3A_908 = arith.addf %mul3A_901, %mul3A_907 : vector<16xf32>
      %swap3A_909 = arith.index_cast %scan3A_78 : i32 to index
      %swap3A_910 = arith.constant 720 : index
      %swap3A_911 = tpu.vector_load %arg12[%swap3A_909, %swap3A_910] {strides = array<i32>} : memref<64x768xf32, #tpu.memory_space<vmem>>, vector<1x16xf32>,
      %swap3A_912 = vector.shape_cast %swap3A_911 : vector<1x16xf32> to vector<16xf32>
      %swap3A_913 = vector.shape_cast %add3A_908 : vector<16xf32> to vector<1x16xf32>
      tpu.vector_store %arg12[%swap3A_909, %swap3A_910], %swap3A_913 {strides = array<i32>} : memref<64x768xf32, #tpu.memory_space<vmem>>, vector<1x16xf32>,
      %get3A_914 = arith.index_cast %scan3A_78 : i32 to index
      %get3A_915 = arith.constant 736 : index
      %get3A_916 = tpu.vector_load %arg12[%get3A_914, %get3A_915] {strides = array<i32>} : memref<64x768xf32, #tpu.memory_space<vmem>>, vector<1x16xf32>,
      %get3A_917 = vector.shape_cast %get3A_916 : vector<1x16xf32> to vector<16xf32>
      %mul3A_918 = vector.broadcast %squeeze3A : f32 to vector<16xf32>
      %mul3A_919 = arith.mulf %mul3A_918, %get3A_917 : vector<16xf32>
      %get3A_920 = arith.index_cast %scan3A_78 : i32 to index
      %get3A_921 = arith.constant 736 : index
      %get3A_922 = tpu.vector_load %arg13[%get3A_920, %get3A_921] {strides = array<i32>} : memref<64x768xf32, #tpu.memory_space<vmem>>, vector<1x16xf32>,
      %get3A_923 = vector.shape_cast %get3A_922 : vector<1x16xf32> to vector<16xf32>
      %mul3A_924 = vector.broadcast %squeeze3A_86 : f32 to vector<16xf32>
      %mul3A_925 = arith.mulf %mul3A_924, %get3A_923 : vector<16xf32>
      %add3A_926 = arith.addf %mul3A_919, %mul3A_925 : vector<16xf32>
      %swap3A_927 = arith.index_cast %scan3A_78 : i32 to index
      %swap3A_928 = arith.constant 736 : index
      %swap3A_929 = tpu.vector_load %arg12[%swap3A_927, %swap3A_928] {strides = array<i32>} : memref<64x768xf32, #tpu.memory_space<vmem>>, vector<1x16xf32>,
      %swap3A_930 = vector.shape_cast %swap3A_929 : vector<1x16xf32> to vector<16xf32>
      %swap3A_931 = vector.shape_cast %add3A_926 : vector<16xf32> to vector<1x16xf32>
      tpu.vector_store %arg12[%swap3A_927, %swap3A_928], %swap3A_931 {strides = array<i32>} : memref<64x768xf32, #tpu.memory_space<vmem>>, vector<1x16xf32>,
      %get3A_932 = arith.index_cast %scan3A_78 : i32 to index
      %get3A_933 = arith.constant 752 : index
      %get3A_934 = tpu.vector_load %arg12[%get3A_932, %get3A_933] {strides = array<i32>} : memref<64x768xf32, #tpu.memory_space<vmem>>, vector<1x16xf32>,
      %get3A_935 = vector.shape_cast %get3A_934 : vector<1x16xf32> to vector<16xf32>
      %mul3A_936 = vector.broadcast %squeeze3A : f32 to vector<16xf32>
      %mul3A_937 = arith.mulf %mul3A_936, %get3A_935 : vector<16xf32>
      %get3A_938 = arith.index_cast %scan3A_78 : i32 to index
      %get3A_939 = arith.constant 752 : index
      %get3A_940 = tpu.vector_load %arg13[%get3A_938, %get3A_939] {strides = array<i32>} : memref<64x768xf32, #tpu.memory_space<vmem>>, vector<1x16xf32>,
      %get3A_941 = vector.shape_cast %get3A_940 : vector<1x16xf32> to vector<16xf32>
      %mul3A_942 = vector.broadcast %squeeze3A_86 : f32 to vector<16xf32>
      %mul3A_943 = arith.mulf %mul3A_942, %get3A_941 : vector<16xf32>
      %add3A_944 = arith.addf %mul3A_937, %mul3A_943 : vector<16xf32>
      %swap3A_945 = arith.index_cast %scan3A_78 : i32 to index
      %swap3A_946 = arith.constant 752 : index
      %swap3A_947 = tpu.vector_load %arg12[%swap3A_945, %swap3A_946] {strides = array<i32>} : memref<64x768xf32, #tpu.memory_space<vmem>>, vector<1x16xf32>,
      %swap3A_948 = vector.shape_cast %swap3A_947 : vector<1x16xf32> to vector<16xf32>
      %swap3A_949 = vector.shape_cast %add3A_944 : vector<16xf32> to vector<1x16xf32>
      tpu.vector_store %arg12[%swap3A_945, %swap3A_946], %swap3A_949 {strides = array<i32>} : memref<64x768xf32, #tpu.memory_space<vmem>>, vector<1x16xf32>,
      %scan3A_950 = arith.constant 0 : i32
      scf.yield %scan3A_950 : i32
    }
    %scan3A_77 = arith.constant 32 : i32
    "tpu.region"() ({
      %run_scoped3A = tpu.sem_alloc : memref<!tpu.dma_semaphore, #tpu.memory_space<semaphore_mem>>
      %dma_start3A_78 = arith.constant 0 : i32
      %dma_start3A_79 = tpu.memref_slice %arg7[%mul3A_2, %dma_start3A_78] : memref<2048x768xf32, #tpu.memory_space<hbm>> -> memref<64x768xf32, #tpu.memory_space<hbm>>
      %dma_start3A_80 = arith.constant 0 : i32
      %dma_start3A_81 = tpu.memref_slice %arg7[%mul3A_2, %dma_start3A_80] : memref<2048x768xf32, #tpu.memory_space<hbm>> -> memref<64x768xf32, #tpu.memory_space<hbm>>
      tpu.enqueue_dma source(%arg12 : memref<64x768xf32, #tpu.memory_space<vmem>>) target(%dma_start3A_81 : memref<64x768xf32, #tpu.memory_space<hbm>>) target_semaphore(%run_scoped3A : memref<!tpu.dma_semaphore, #tpu.memory_space<semaphore_mem>>)
      %dma_wait3A_82 = arith.constant 0 : i32
      %dma_wait3A_83 = tpu.memref_slice %arg7[%mul3A_2, %dma_wait3A_82] : memref<2048x768xf32, #tpu.memory_space<hbm>> -> memref<64x768xf32, #tpu.memory_space<hbm>>
      %dma_wait3A_84 = arith.constant 0 : i32
      %dma_wait3A_85 = tpu.memref_slice %arg7[%mul3A_2, %dma_wait3A_84] : memref<2048x768xf32, #tpu.memory_space<hbm>> -> memref<64x768xf32, #tpu.memory_space<hbm>>
      tpu.wait_dma2 semaphore(%run_scoped3A : memref<!tpu.dma_semaphore, #tpu.memory_space<semaphore_mem>>) src(%arg12 : memref<64x768xf32, #tpu.memory_space<vmem>>) dst(%dma_wait3A_85 : memref<64x768xf32, #tpu.memory_space<hbm>>)
      tpu.yield
    }) : () -> ()
    return
  }
}

#map = affine_map<(d0, d1) -> (0, 0)>
#map1 = affine_map<(d0, d1) -> (0)>
module attributes {stable_mosaic.version = 14 : i64} {
  func.func @_dispatch_body(%arg0: i32, %arg1: i32, %arg2: memref<2048x768xf32, #tpu.memory_space<hbm>>, %arg3: memref<2048xi32, #tpu.memory_space<hbm>>, %arg4: memref<2048xi32, #tpu.memory_space<hbm>>, %arg5: memref<7680x768xf32, #tpu.memory_space<hbm>>, %arg6: memref<128xi32, #tpu.memory_space<vmem>>, %arg7: memref<128x768xf32, #tpu.memory_space<vmem>>, %arg8: memref<!tpu.dma_semaphore, #tpu.memory_space<semaphore_mem>>) attributes {dimension_semantics = [#tpu.dimension_semantics<core_parallel>, #tpu.dimension_semantics<subcore_parallel>], iteration_bounds = array<i64: 2, 16>, scalar_prefetch = 0 : i64, scratch_operands = 3 : i64, tpu.core_type = #tpu.core_type<sc_vector_subcore>, window_params = [{transform_indices = #map}, {transform_indices = #map1}, {transform_indices = #map1}, {transform_indices = #map}]} {
    %mul3A = arith.constant 2 : i32
    %mul3A_0 = arith.muli %arg1, %mul3A : i32
    %add3A = arith.addi %mul3A_0, %arg0 : i32
    %jit3A = arith.constant 16 : i32
    %div3A = arith.divsi %add3A, %jit3A : i32
    %sign3A = arith.constant 0 : i32
    %sign3A_1 = arith.cmpi sgt, %add3A, %sign3A : i32
    %sign3A_2 = arith.extui %sign3A_1 : i1 to i32
    %sign3A_3 = arith.constant 0 : i32
    %sign3A_4 = arith.cmpi slt, %add3A, %sign3A_3 : i32
    %sign3A_5 = arith.extui %sign3A_4 : i1 to i32
    %sign3A_6 = arith.subi %sign3A_2, %sign3A_5 : i32
    %sign3A_7 = arith.constant 0 : i32
    %sign3A_8 = arith.cmpi sgt, %jit3A, %sign3A_7 : i32
    %sign3A_9 = arith.extui %sign3A_8 : i1 to i32
    %sign3A_10 = arith.constant 0 : i32
    %sign3A_11 = arith.cmpi slt, %jit3A, %sign3A_10 : i32
    %sign3A_12 = arith.extui %sign3A_11 : i1 to i32
    %sign3A_13 = arith.subi %sign3A_9, %sign3A_12 : i32
    %ne3A = arith.cmpi ne, %sign3A_6, %sign3A_13 : i32
    %rem3A = arith.remsi %add3A, %jit3A : i32
    %ne3A_14 = arith.constant 0 : i32
    %ne3A_15 = arith.cmpi ne, %rem3A, %ne3A_14 : i32
    %and3A = arith.andi %ne3A, %ne3A_15 : i1
    %sub3A = arith.constant 1 : i32
    %sub3A_16 = arith.subi %div3A, %sub3A : i32
    %select_n3A = arith.select %and3A, %sub3A_16, %div3A : i32
    %jit3A_17 = arith.constant 16 : i32
    %eq3A = arith.constant 0 : i32
    %eq3A_18 = arith.cmpi eq, %jit3A_17, %eq3A : i32
    %jit3A_19 = arith.constant 1 : i32
    %select_n3A_20 = arith.select %eq3A_18, %jit3A_19, %jit3A_17 : i32
    %rem3A_21 = arith.remsi %add3A, %select_n3A_20 : i32
    %ne3A_22 = arith.constant 0 : i32
    %ne3A_23 = arith.cmpi ne, %rem3A_21, %ne3A_22 : i32
    %lt3A = arith.constant 0 : i32
    %lt3A_24 = arith.cmpi slt, %rem3A_21, %lt3A : i32
    %lt3A_25 = arith.constant 0 : i32
    %lt3A_26 = arith.cmpi slt, %select_n3A_20, %lt3A_25 : i32
    %ne3A_27 = arith.xori %lt3A_24, %lt3A_26 : i1
    %and3A_28 = arith.andi %ne3A_27, %ne3A_23 : i1
    %add3A_29 = arith.addi %rem3A_21, %select_n3A_20 : i32
    %select_n3A_30 = arith.select %and3A_28, %add3A_29, %rem3A_21 : i32
    %mul3A_31 = arith.constant 128 : i32
    %mul3A_32 = arith.muli %select_n3A_30, %mul3A_31 : i32
    %eq3A_33 = arith.constant 0 : i32
    %eq3A_34 = arith.cmpi eq, %select_n3A, %eq3A_33 : i32
    %convert_element_type3A = arith.extui %eq3A_34 : i1 to i32
    %cond3A = arith.constant 0 : i32
    %cond3A_35 = arith.cmpi ne, %convert_element_type3A, %cond3A : i32
    scf.if %cond3A_35 {
      "tpu.region"() ({
        %run_scoped3A = tpu.sem_alloc : memref<!tpu.dma_semaphore, #tpu.memory_space<semaphore_mem>>
        %dma_start3A_45 = tpu.memref_slice %arg3[%mul3A_32] : memref<2048xi32, #tpu.memory_space<hbm>> -> memref<128xi32, #tpu.memory_space<hbm>>
        %dma_start3A_46 = tpu.memref_slice %arg3[%mul3A_32] : memref<2048xi32, #tpu.memory_space<hbm>> -> memref<128xi32, #tpu.memory_space<hbm>>
        tpu.enqueue_dma source(%dma_start3A_46 : memref<128xi32, #tpu.memory_space<hbm>>) target(%arg6 : memref<128xi32, #tpu.memory_space<vmem>>) target_semaphore(%run_scoped3A : memref<!tpu.dma_semaphore, #tpu.memory_space<semaphore_mem>>)
        %dma_wait3A_47 = tpu.memref_slice %arg3[%mul3A_32] : memref<2048xi32, #tpu.memory_space<hbm>> -> memref<128xi32, #tpu.memory_space<hbm>>
        %dma_wait3A_48 = tpu.memref_slice %arg3[%mul3A_32] : memref<2048xi32, #tpu.memory_space<hbm>> -> memref<128xi32, #tpu.memory_space<hbm>>
        tpu.wait_dma2 semaphore(%run_scoped3A : memref<!tpu.dma_semaphore, #tpu.memory_space<semaphore_mem>>) src(%dma_wait3A_48 : memref<128xi32, #tpu.memory_space<hbm>>) dst(%arg6 : memref<128xi32, #tpu.memory_space<vmem>>)
        tpu.yield
      }) : () -> ()
    } else {
    }
    %eq3A_36 = arith.constant 1 : i32
    %eq3A_37 = arith.cmpi eq, %select_n3A, %eq3A_36 : i32
    %convert_element_type3A_38 = arith.extui %eq3A_37 : i1 to i32
    %cond3A_39 = arith.constant 0 : i32
    %cond3A_40 = arith.cmpi ne, %convert_element_type3A_38, %cond3A_39 : i32
    scf.if %cond3A_40 {
      "tpu.region"() ({
        %run_scoped3A = tpu.sem_alloc : memref<!tpu.dma_semaphore, #tpu.memory_space<semaphore_mem>>
        %dma_start3A_45 = tpu.memref_slice %arg4[%mul3A_32] : memref<2048xi32, #tpu.memory_space<hbm>> -> memref<128xi32, #tpu.memory_space<hbm>>
        %dma_start3A_46 = tpu.memref_slice %arg4[%mul3A_32] : memref<2048xi32, #tpu.memory_space<hbm>> -> memref<128xi32, #tpu.memory_space<hbm>>
        tpu.enqueue_dma source(%dma_start3A_46 : memref<128xi32, #tpu.memory_space<hbm>>) target(%arg6 : memref<128xi32, #tpu.memory_space<vmem>>) target_semaphore(%run_scoped3A : memref<!tpu.dma_semaphore, #tpu.memory_space<semaphore_mem>>)
        %dma_wait3A_47 = tpu.memref_slice %arg4[%mul3A_32] : memref<2048xi32, #tpu.memory_space<hbm>> -> memref<128xi32, #tpu.memory_space<hbm>>
        %dma_wait3A_48 = tpu.memref_slice %arg4[%mul3A_32] : memref<2048xi32, #tpu.memory_space<hbm>> -> memref<128xi32, #tpu.memory_space<hbm>>
        tpu.wait_dma2 semaphore(%run_scoped3A : memref<!tpu.dma_semaphore, #tpu.memory_space<semaphore_mem>>) src(%dma_wait3A_48 : memref<128xi32, #tpu.memory_space<hbm>>) dst(%arg6 : memref<128xi32, #tpu.memory_space<vmem>>)
        tpu.yield
      }) : () -> ()
    } else {
    }
    "tpu.region"() ({
      %run_scoped3A = tpu.sem_alloc : memref<!tpu.dma_semaphore, #tpu.memory_space<semaphore_mem>>
      %dma_start3A_45 = arith.constant 0 : i32
      %dma_start3A_46 = tpu.memref_slice %arg2[%mul3A_32, %dma_start3A_45] : memref<2048x768xf32, #tpu.memory_space<hbm>> -> memref<128x768xf32, #tpu.memory_space<hbm>>
      %dma_start3A_47 = arith.constant 0 : i32
      %dma_start3A_48 = tpu.memref_slice %arg2[%mul3A_32, %dma_start3A_47] : memref<2048x768xf32, #tpu.memory_space<hbm>> -> memref<128x768xf32, #tpu.memory_space<hbm>>
      tpu.enqueue_dma source(%dma_start3A_48 : memref<128x768xf32, #tpu.memory_space<hbm>>) target(%arg7 : memref<128x768xf32, #tpu.memory_space<vmem>>) target_semaphore(%run_scoped3A : memref<!tpu.dma_semaphore, #tpu.memory_space<semaphore_mem>>)
      %dma_wait3A_49 = arith.constant 0 : i32
      %dma_wait3A_50 = tpu.memref_slice %arg2[%mul3A_32, %dma_wait3A_49] : memref<2048x768xf32, #tpu.memory_space<hbm>> -> memref<128x768xf32, #tpu.memory_space<hbm>>
      %dma_wait3A_51 = arith.constant 0 : i32
      %dma_wait3A_52 = tpu.memref_slice %arg2[%mul3A_32, %dma_wait3A_51] : memref<2048x768xf32, #tpu.memory_space<hbm>> -> memref<128x768xf32, #tpu.memory_space<hbm>>
      tpu.wait_dma2 semaphore(%run_scoped3A : memref<!tpu.dma_semaphore, #tpu.memory_space<semaphore_mem>>) src(%dma_wait3A_52 : memref<128x768xf32, #tpu.memory_space<hbm>>) dst(%arg7 : memref<128x768xf32, #tpu.memory_space<vmem>>)
      tpu.yield
    }) : () -> ()
    %dma_start3A = arith.constant 0 : i32
    %dma_start3A_41 = arith.constant 0 : i32
    %dma_start3A_42 = tpu.memref_slice %arg5[%dma_start3A, %dma_start3A_41] : memref<7680x768xf32, #tpu.memory_space<hbm>> -> memref<7680x768xf32, #tpu.memory_space<hbm>>
    tpu.enqueue_indirect_dma source(%arg7 : memref<128x768xf32, #tpu.memory_space<vmem>>) target(%dma_start3A_42 : memref<7680x768xf32, #tpu.memory_space<hbm>>) offsets(%arg6 : memref<128xi32, #tpu.memory_space<vmem>>) semaphore(%arg8 : memref<!tpu.dma_semaphore, #tpu.memory_space<semaphore_mem>>)
    %dma_wait3A = arith.constant 0 : i32
    %dma_wait3A_43 = arith.constant 0 : i32
    %dma_wait3A_44 = tpu.memref_slice %arg5[%dma_wait3A, %dma_wait3A_43] : memref<7680x768xf32, #tpu.memory_space<hbm>> -> memref<7680x768xf32, #tpu.memory_space<hbm>>
    tpu.wait_indirect_dma semaphore(%arg8 : memref<!tpu.dma_semaphore, #tpu.memory_space<semaphore_mem>>) src(%arg7 : memref<128x768xf32, #tpu.memory_space<vmem>>) dst(%dma_wait3A_44 : memref<7680x768xf32, #tpu.memory_space<hbm>>)
    return
  }
}

module attributes {stable_mosaic.version = 14 : i64} {
  func.func @_route_body(%arg0: i32, %arg1: memref<2048x768xf32, #tpu.memory_space<vmem>>, %arg2: memref<768x8xf32, #tpu.memory_space<vmem>>, %arg3: memref<2048x1xf32, #tpu.memory_space<vmem>>, %arg4: memref<2048x1xf32, #tpu.memory_space<vmem>>, %arg5: memref<2048x1xi32, #tpu.memory_space<vmem>>, %arg6: memref<2048x1xi32, #tpu.memory_space<vmem>>, %arg7: memref<1x15xi32, #tpu.memory_space<vmem>>, %arg8: memref<1x1xf32, #tpu.memory_space<vmem>>) attributes {dimension_semantics = [#tpu.dimension_semantics<arbitrary>], iteration_bounds = array<i64: 1>, scalar_prefetch = 0 : i64, scratch_operands = 0 : i64, tpu.core_type = #tpu.core_type<tc>, window_params = [{pipeline_mode = #tpu.pipeline_mode<synchronous>, transform_indices = @transform_0, window_bounds = array<i64: 2048, 768>}, {pipeline_mode = #tpu.pipeline_mode<synchronous>, transform_indices = @transform_1, window_bounds = array<i64: 768, 8>}, {pipeline_mode = #tpu.pipeline_mode<synchronous>, transform_indices = @transform_2, window_bounds = array<i64: 2048, 1>}, {pipeline_mode = #tpu.pipeline_mode<synchronous>, transform_indices = @transform_3, window_bounds = array<i64: 2048, 1>}, {pipeline_mode = #tpu.pipeline_mode<synchronous>, transform_indices = @transform_4, window_bounds = array<i64: 2048, 1>}, {pipeline_mode = #tpu.pipeline_mode<synchronous>, transform_indices = @transform_5, window_bounds = array<i64: 2048, 1>}, {pipeline_mode = #tpu.pipeline_mode<synchronous>, transform_indices = @transform_6, window_bounds = array<i64: 1, 15>}, {pipeline_mode = #tpu.pipeline_mode<synchronous>, transform_indices = @transform_7, window_bounds = array<i64: 1, 1>}]} {
    %get3A = arith.constant 0 : index
    %get3A_0 = arith.constant 0 : index
    %get3A_1 = vector.load %arg1[%get3A, %get3A_0] : memref<2048x768xf32, #tpu.memory_space<vmem>>, vector<2048x768xf32>
    %get3A_2 = arith.constant 0 : index
    %get3A_3 = arith.constant 0 : index
    %get3A_4 = vector.load %arg2[%get3A_2, %get3A_3] : memref<768x8xf32, #tpu.memory_space<vmem>>, vector<768x8xf32>
    %dot_general3A = arith.constant dense<0.000000e+00> : vector<2048x8xf32>
    %dot_general3A_5 = tpu.matmul %get3A_1, %get3A_4, %dot_general3A {dimension_numbers = #tpu.dot_dimension_numbers<[1], [0], [0], [1], [0, 0, 1, 1], [], []>, transpose_lhs_hint = false} : vector<2048x768xf32>, vector<768x8xf32>, vector<2048x8xf32> -> vector<2048x8xf32>
    %iota3A = tpu.iota {dimensions = array<i32: 1>} : vector<2048x8xi32>
    %reduce_max3A = arith.constant dense<0xFF800000> : vector<2048xf32>
    %reduce_max3A_6 = vector.multi_reduction <maximumf>, %dot_general3A_5, %reduce_max3A [1] : vector<2048x8xf32> to vector<2048xf32>
    %broadcast_in_dim3A = vector.shape_cast %reduce_max3A_6 : vector<2048xf32> to vector<2048x1xf32>
    %eq3A = vector.broadcast %broadcast_in_dim3A : vector<2048x1xf32> to vector<2048x8xf32>
    %eq3A_7 = arith.cmpf oeq, %dot_general3A_5, %eq3A : vector<2048x8xf32>
    %jit3A = arith.constant 8 : i32
    %broadcast_in_dim3A_8 = vector.broadcast %jit3A : i32 to vector<2048x8xi32>
    %select_n3A = arith.select %eq3A_7, %iota3A, %broadcast_in_dim3A_8 : vector<2048x8xi1>, vector<2048x8xi32>
    %reduce_min3A = arith.constant dense<2147483647> : vector<2048xi32>
    %reduce_min3A_9 = vector.multi_reduction <minsi>, %select_n3A, %reduce_min3A [1] : vector<2048x8xi32> to vector<2048xi32>
    %broadcast_in_dim3A_10 = vector.shape_cast %reduce_min3A_9 : vector<2048xi32> to vector<2048x1xi32>
    %eq3A_11 = vector.broadcast %broadcast_in_dim3A_10 : vector<2048x1xi32> to vector<2048x8xi32>
    %eq3A_12 = arith.cmpi eq, %iota3A, %eq3A_11 : vector<2048x8xi32>
    %jit3A_13 = arith.constant 0xFF800000 : f32
    %broadcast_in_dim3A_14 = vector.broadcast %jit3A_13 : f32 to vector<2048x8xf32>
    %select_n3A_15 = arith.select %eq3A_12, %broadcast_in_dim3A_14, %dot_general3A_5 : vector<2048x8xi1>, vector<2048x8xf32>
    %reduce_max3A_16 = arith.constant dense<0xFF800000> : vector<2048xf32>
    %reduce_max3A_17 = vector.multi_reduction <maximumf>, %select_n3A_15, %reduce_max3A_16 [1] : vector<2048x8xf32> to vector<2048xf32>
    %broadcast_in_dim3A_18 = vector.shape_cast %reduce_max3A_17 : vector<2048xf32> to vector<2048x1xf32>
    %eq3A_19 = vector.broadcast %broadcast_in_dim3A_18 : vector<2048x1xf32> to vector<2048x8xf32>
    %eq3A_20 = arith.cmpf oeq, %select_n3A_15, %eq3A_19 : vector<2048x8xf32>
    %jit3A_21 = arith.constant 8 : i32
    %broadcast_in_dim3A_22 = vector.broadcast %jit3A_21 : i32 to vector<2048x8xi32>
    %select_n3A_23 = arith.select %eq3A_20, %iota3A, %broadcast_in_dim3A_22 : vector<2048x8xi1>, vector<2048x8xi32>
    %reduce_min3A_24 = arith.constant dense<2147483647> : vector<2048xi32>
    %reduce_min3A_25 = vector.multi_reduction <minsi>, %select_n3A_23, %reduce_min3A_24 [1] : vector<2048x8xi32> to vector<2048xi32>
    %broadcast_in_dim3A_26 = vector.shape_cast %reduce_min3A_25 : vector<2048xi32> to vector<2048x1xi32>
    %eq3A_27 = vector.broadcast %broadcast_in_dim3A_26 : vector<2048x1xi32> to vector<2048x8xi32>
    %eq3A_28 = arith.cmpi eq, %iota3A, %eq3A_27 : vector<2048x8xi32>
    %sub3A = arith.subf %broadcast_in_dim3A_18, %broadcast_in_dim3A : vector<2048x1xf32>
    %exp3A = math.exp %sub3A : vector<2048x1xf32>
    %add3A = arith.constant 1.000000e+00 : f32
    %add3A_29 = vector.broadcast %add3A : f32 to vector<2048x1xf32>
    %add3A_30 = arith.addf %add3A_29, %exp3A : vector<2048x1xf32>
    %div3A = arith.constant 1.000000e+00 : f32
    %div3A_31 = vector.broadcast %div3A : f32 to vector<2048x1xf32>
    %div3A_32 = arith.divf %div3A_31, %add3A_30 : vector<2048x1xf32>
    %add3A_33 = arith.constant 1.000000e+00 : f32
    %add3A_34 = vector.broadcast %add3A_33 : f32 to vector<2048x1xf32>
    %add3A_35 = arith.addf %add3A_34, %exp3A : vector<2048x1xf32>
    %div3A_36 = arith.divf %exp3A, %add3A_35 : vector<2048x1xf32>
    %swap3A = arith.constant 0 : index
    %swap3A_37 = arith.constant 0 : index
    %swap3A_38 = vector.load %arg3[%swap3A, %swap3A_37] : memref<2048x1xf32, #tpu.memory_space<vmem>>, vector<2048x1xf32>
    tpu.vector_store %arg3[%swap3A, %swap3A_37], %div3A_32 {strides = array<i32>} : memref<2048x1xf32, #tpu.memory_space<vmem>>, vector<2048x1xf32>,
    %swap3A_39 = arith.constant 0 : index
    %swap3A_40 = arith.constant 0 : index
    %swap3A_41 = vector.load %arg4[%swap3A_39, %swap3A_40] : memref<2048x1xf32, #tpu.memory_space<vmem>>, vector<2048x1xf32>
    tpu.vector_store %arg4[%swap3A_39, %swap3A_40], %div3A_36 {strides = array<i32>} : memref<2048x1xf32, #tpu.memory_space<vmem>>, vector<2048x1xf32>,
    %jit3A_42 = arith.constant 0.000000e+00 : f32
    %broadcast_in_dim3A_43 = vector.shape_cast %div3A_32 : vector<2048x1xf32> to vector<2048x1xf32>
    %broadcast_in_dim3A_44 = vector.broadcast %broadcast_in_dim3A_43 : vector<2048x1xf32> to vector<2048x8xf32>
    %broadcast_in_dim3A_45 = vector.broadcast %jit3A_42 : f32 to vector<2048x8xf32>
    %select_n3A_46 = arith.select %eq3A_12, %broadcast_in_dim3A_44, %broadcast_in_dim3A_45 : vector<2048x8xi1>, vector<2048x8xf32>
    %jit3A_47 = arith.constant 0.000000e+00 : f32
    %broadcast_in_dim3A_48 = vector.shape_cast %div3A_36 : vector<2048x1xf32> to vector<2048x1xf32>
    %broadcast_in_dim3A_49 = vector.broadcast %broadcast_in_dim3A_48 : vector<2048x1xf32> to vector<2048x8xf32>
    %broadcast_in_dim3A_50 = vector.broadcast %jit3A_47 : f32 to vector<2048x8xf32>
    %select_n3A_51 = arith.select %eq3A_28, %broadcast_in_dim3A_49, %broadcast_in_dim3A_50 : vector<2048x8xi1>, vector<2048x8xf32>
    %add3A_52 = arith.addf %select_n3A_46, %select_n3A_51 : vector<2048x8xf32>
    %reduce_sum3A = arith.constant dense<0.000000e+00> : vector<8xf32>
    %reduce_sum3A_53 = vector.multi_reduction <add>, %add3A_52, %reduce_sum3A [0] : vector<2048x8xf32> to vector<8xf32>
    %broadcast_in_dim3A_54 = vector.shape_cast %reduce_sum3A_53 : vector<8xf32> to vector<1x8xf32>
    %gt3A = arith.constant 0.000000e+00 : f32
    %gt3A_55 = vector.broadcast %gt3A : f32 to vector<2048x8xf32>
    %gt3A_56 = arith.cmpf ogt, %add3A_52, %gt3A_55 : vector<2048x8xf32>
    %convert_element_type3A = arith.extui %gt3A_56 : vector<2048x8xi1> to vector<2048x8xi32>
    %convert_element_type3A_57 = arith.sitofp %convert_element_type3A : vector<2048x8xi32> to vector<2048x8xf32>
    %reduce_sum3A_58 = arith.constant dense<0.000000e+00> : vector<8xf32>
    %reduce_sum3A_59 = vector.multi_reduction <add>, %convert_element_type3A_57, %reduce_sum3A_58 [0] : vector<2048x8xf32> to vector<8xf32>
    %broadcast_in_dim3A_60 = vector.shape_cast %reduce_sum3A_59 : vector<8xf32> to vector<1x8xf32>
    %reduce_sum3A_61 = vector.shape_cast %broadcast_in_dim3A_54 : vector<1x8xf32> to vector<1x1x8xf32>
    %reduce_sum3A_62 = arith.constant dense<0.000000e+00> : vector<1xf32>
    %reduce_sum3A_63 = vector.multi_reduction <add>, %reduce_sum3A_61, %reduce_sum3A_62 [1, 2] : vector<1x1x8xf32> to vector<1xf32>
    %reduce_sum3A_64 = vector.shape_cast %reduce_sum3A_63 : vector<1xf32> to vector<1x1x1xf32>
    %reduce_sum3A_65 = vector.extract %reduce_sum3A_64[0, 0, 0] : f32 from vector<1x1x1xf32>
    %mul3A = arith.constant 1.250000e-01 : f32
    %mul3A_66 = arith.mulf %reduce_sum3A_65, %mul3A : f32
    %sub3A_67 = vector.broadcast %mul3A_66 : f32 to vector<1x8xf32>
    %sub3A_68 = arith.subf %broadcast_in_dim3A_54, %sub3A_67 : vector<1x8xf32>
    %integer_pow3A = arith.mulf %sub3A_68, %sub3A_68 : vector<1x8xf32>
    %reduce_sum3A_69 = vector.shape_cast %integer_pow3A : vector<1x8xf32> to vector<1x1x8xf32>
    %reduce_sum3A_70 = arith.constant dense<0.000000e+00> : vector<1xf32>
    %reduce_sum3A_71 = vector.multi_reduction <add>, %reduce_sum3A_69, %reduce_sum3A_70 [1, 2] : vector<1x1x8xf32> to vector<1xf32>
    %reduce_sum3A_72 = vector.shape_cast %reduce_sum3A_71 : vector<1xf32> to vector<1x1x1xf32>
    %reduce_sum3A_73 = vector.extract %reduce_sum3A_72[0, 0, 0] : f32 from vector<1x1x1xf32>
    %mul3A_74 = arith.constant 1.250000e-01 : f32
    %mul3A_75 = arith.mulf %reduce_sum3A_73, %mul3A_74 : f32
    %mul3A_76 = arith.mulf %mul3A_66, %mul3A_66 : f32
    %add3A_77 = arith.constant 1.000000e-10 : f32
    %add3A_78 = arith.addf %mul3A_76, %add3A_77 : f32
    %div3A_79 = arith.divf %mul3A_75, %add3A_78 : f32
    %reduce_sum3A_80 = vector.shape_cast %broadcast_in_dim3A_60 : vector<1x8xf32> to vector<1x1x8xf32>
    %reduce_sum3A_81 = arith.constant dense<0.000000e+00> : vector<1xf32>
    %reduce_sum3A_82 = vector.multi_reduction <add>, %reduce_sum3A_80, %reduce_sum3A_81 [1, 2] : vector<1x1x8xf32> to vector<1xf32>
    %reduce_sum3A_83 = vector.shape_cast %reduce_sum3A_82 : vector<1xf32> to vector<1x1x1xf32>
    %reduce_sum3A_84 = vector.extract %reduce_sum3A_83[0, 0, 0] : f32 from vector<1x1x1xf32>
    %mul3A_85 = arith.constant 1.250000e-01 : f32
    %mul3A_86 = arith.mulf %reduce_sum3A_84, %mul3A_85 : f32
    %sub3A_87 = vector.broadcast %mul3A_86 : f32 to vector<1x8xf32>
    %sub3A_88 = arith.subf %broadcast_in_dim3A_60, %sub3A_87 : vector<1x8xf32>
    %integer_pow3A_89 = arith.mulf %sub3A_88, %sub3A_88 : vector<1x8xf32>
    %reduce_sum3A_90 = vector.shape_cast %integer_pow3A_89 : vector<1x8xf32> to vector<1x1x8xf32>
    %reduce_sum3A_91 = arith.constant dense<0.000000e+00> : vector<1xf32>
    %reduce_sum3A_92 = vector.multi_reduction <add>, %reduce_sum3A_90, %reduce_sum3A_91 [1, 2] : vector<1x1x8xf32> to vector<1xf32>
    %reduce_sum3A_93 = vector.shape_cast %reduce_sum3A_92 : vector<1xf32> to vector<1x1x1xf32>
    %reduce_sum3A_94 = vector.extract %reduce_sum3A_93[0, 0, 0] : f32 from vector<1x1x1xf32>
    %mul3A_95 = arith.constant 1.250000e-01 : f32
    %mul3A_96 = arith.mulf %reduce_sum3A_94, %mul3A_95 : f32
    %mul3A_97 = arith.mulf %mul3A_86, %mul3A_86 : f32
    %add3A_98 = arith.constant 1.000000e-10 : f32
    %add3A_99 = arith.addf %mul3A_97, %add3A_98 : f32
    %div3A_100 = arith.divf %mul3A_96, %add3A_99 : f32
    %add3A_101 = arith.addf %div3A_79, %div3A_100 : f32
    %broadcast_in_dim3A_102 = vector.broadcast %add3A_101 : f32 to vector<1x1xf32>
    %swap3A_103 = arith.constant 0 : index
    %swap3A_104 = arith.constant 0 : index
    %swap3A_105 = vector.load %arg8[%swap3A_103, %swap3A_104] : memref<1x1xf32, #tpu.memory_space<vmem>>, vector<1x1xf32>
    tpu.vector_store %arg8[%swap3A_103, %swap3A_104], %broadcast_in_dim3A_102 {strides = array<i32>} : memref<1x1xf32, #tpu.memory_space<vmem>>, vector<1x1xf32>,
    %convert_element_type3A_106 = arith.extui %eq3A_12 : vector<2048x8xi1> to vector<2048x8xi32>
    %convert_element_type3A_107 = arith.sitofp %convert_element_type3A_106 : vector<2048x8xi32> to vector<2048x8xf32>
    %convert_element_type3A_108 = arith.extui %eq3A_28 : vector<2048x8xi1> to vector<2048x8xi32>
    %convert_element_type3A_109 = arith.sitofp %convert_element_type3A_108 : vector<2048x8xi32> to vector<2048x8xf32>
    %concatenate3A = tpu.concatenate %convert_element_type3A_107, %convert_element_type3A_109 in 0 : vector<2048x8xf32>, vector<2048x8xf32> -> vector<4096x8xf32>
    %iota3A_110 = tpu.iota {dimensions = array<i32: 0>} : vector<512x512xi32>
    %iota3A_111 = tpu.iota {dimensions = array<i32: 1>} : vector<512x512xi32>
    %gt3A_112 = arith.cmpi sgt, %iota3A_110, %iota3A_111 : vector<512x512xi32>
    %convert_element_type3A_113 = arith.extui %gt3A_112 : vector<512x512xi1> to vector<512x512xi32>
    %convert_element_type3A_114 = arith.sitofp %convert_element_type3A_113 : vector<512x512xi32> to vector<512x512xf32>
    %broadcast_in_dim3A_115 = arith.constant 0.000000e+00 : f32
    %broadcast_in_dim3A_116 = vector.broadcast %broadcast_in_dim3A_115 : f32 to vector<1x8xf32>
    %slice3A = vector.extract_strided_slice %concatenate3A {offsets = [0, 0], sizes = [512, 8], strides = [1, 1]} : vector<4096x8xf32> to vector<512x8xf32>
    %dot_general3A_117 = arith.constant dense<0.000000e+00> : vector<512x8xf32>
    %dot_general3A_118 = tpu.matmul %convert_element_type3A_114, %slice3A, %dot_general3A_117 {dimension_numbers = #tpu.dot_dimension_numbers<[1], [0], [0], [1], [0, 0, 1, 1], [], []>, transpose_lhs_hint = false} : vector<512x512xf32>, vector<512x8xf32>, vector<512x8xf32> -> vector<512x8xf32>
    %add3A_119 = vector.broadcast %broadcast_in_dim3A_116 : vector<1x8xf32> to vector<512x8xf32>
    %add3A_120 = arith.addf %dot_general3A_118, %add3A_119 : vector<512x8xf32>
    %reduce_sum3A_121 = arith.constant dense<0.000000e+00> : vector<8xf32>
    %reduce_sum3A_122 = vector.multi_reduction <add>, %slice3A, %reduce_sum3A_121 [0] : vector<512x8xf32> to vector<8xf32>
    %broadcast_in_dim3A_123 = vector.shape_cast %reduce_sum3A_122 : vector<8xf32> to vector<1x8xf32>
    %add3A_124 = arith.addf %broadcast_in_dim3A_116, %broadcast_in_dim3A_123 : vector<1x8xf32>
    %slice3A_125 = vector.extract_strided_slice %concatenate3A {offsets = [512, 0], sizes = [512, 8], strides = [1, 1]} : vector<4096x8xf32> to vector<512x8xf32>
    %dot_general3A_126 = arith.constant dense<0.000000e+00> : vector<512x8xf32>
    %dot_general3A_127 = tpu.matmul %convert_element_type3A_114, %slice3A_125, %dot_general3A_126 {dimension_numbers = #tpu.dot_dimension_numbers<[1], [0], [0], [1], [0, 0, 1, 1], [], []>, transpose_lhs_hint = false} : vector<512x512xf32>, vector<512x8xf32>, vector<512x8xf32> -> vector<512x8xf32>
    %add3A_128 = vector.broadcast %add3A_124 : vector<1x8xf32> to vector<512x8xf32>
    %add3A_129 = arith.addf %dot_general3A_127, %add3A_128 : vector<512x8xf32>
    %reduce_sum3A_130 = arith.constant dense<0.000000e+00> : vector<8xf32>
    %reduce_sum3A_131 = vector.multi_reduction <add>, %slice3A_125, %reduce_sum3A_130 [0] : vector<512x8xf32> to vector<8xf32>
    %broadcast_in_dim3A_132 = vector.shape_cast %reduce_sum3A_131 : vector<8xf32> to vector<1x8xf32>
    %add3A_133 = arith.addf %add3A_124, %broadcast_in_dim3A_132 : vector<1x8xf32>
    %slice3A_134 = vector.extract_strided_slice %concatenate3A {offsets = [1024, 0], sizes = [512, 8], strides = [1, 1]} : vector<4096x8xf32> to vector<512x8xf32>
    %dot_general3A_135 = arith.constant dense<0.000000e+00> : vector<512x8xf32>
    %dot_general3A_136 = tpu.matmul %convert_element_type3A_114, %slice3A_134, %dot_general3A_135 {dimension_numbers = #tpu.dot_dimension_numbers<[1], [0], [0], [1], [0, 0, 1, 1], [], []>, transpose_lhs_hint = false} : vector<512x512xf32>, vector<512x8xf32>, vector<512x8xf32> -> vector<512x8xf32>
    %add3A_137 = vector.broadcast %add3A_133 : vector<1x8xf32> to vector<512x8xf32>
    %add3A_138 = arith.addf %dot_general3A_136, %add3A_137 : vector<512x8xf32>
    %reduce_sum3A_139 = arith.constant dense<0.000000e+00> : vector<8xf32>
    %reduce_sum3A_140 = vector.multi_reduction <add>, %slice3A_134, %reduce_sum3A_139 [0] : vector<512x8xf32> to vector<8xf32>
    %broadcast_in_dim3A_141 = vector.shape_cast %reduce_sum3A_140 : vector<8xf32> to vector<1x8xf32>
    %add3A_142 = arith.addf %add3A_133, %broadcast_in_dim3A_141 : vector<1x8xf32>
    %slice3A_143 = vector.extract_strided_slice %concatenate3A {offsets = [1536, 0], sizes = [512, 8], strides = [1, 1]} : vector<4096x8xf32> to vector<512x8xf32>
    %dot_general3A_144 = arith.constant dense<0.000000e+00> : vector<512x8xf32>
    %dot_general3A_145 = tpu.matmul %convert_element_type3A_114, %slice3A_143, %dot_general3A_144 {dimension_numbers = #tpu.dot_dimension_numbers<[1], [0], [0], [1], [0, 0, 1, 1], [], []>, transpose_lhs_hint = false} : vector<512x512xf32>, vector<512x8xf32>, vector<512x8xf32> -> vector<512x8xf32>
    %add3A_146 = vector.broadcast %add3A_142 : vector<1x8xf32> to vector<512x8xf32>
    %add3A_147 = arith.addf %dot_general3A_145, %add3A_146 : vector<512x8xf32>
    %reduce_sum3A_148 = arith.constant dense<0.000000e+00> : vector<8xf32>
    %reduce_sum3A_149 = vector.multi_reduction <add>, %slice3A_143, %reduce_sum3A_148 [0] : vector<512x8xf32> to vector<8xf32>
    %broadcast_in_dim3A_150 = vector.shape_cast %reduce_sum3A_149 : vector<8xf32> to vector<1x8xf32>
    %add3A_151 = arith.addf %add3A_142, %broadcast_in_dim3A_150 : vector<1x8xf32>
    %slice3A_152 = vector.extract_strided_slice %concatenate3A {offsets = [2048, 0], sizes = [512, 8], strides = [1, 1]} : vector<4096x8xf32> to vector<512x8xf32>
    %dot_general3A_153 = arith.constant dense<0.000000e+00> : vector<512x8xf32>
    %dot_general3A_154 = tpu.matmul %convert_element_type3A_114, %slice3A_152, %dot_general3A_153 {dimension_numbers = #tpu.dot_dimension_numbers<[1], [0], [0], [1], [0, 0, 1, 1], [], []>, transpose_lhs_hint = false} : vector<512x512xf32>, vector<512x8xf32>, vector<512x8xf32> -> vector<512x8xf32>
    %add3A_155 = vector.broadcast %add3A_151 : vector<1x8xf32> to vector<512x8xf32>
    %add3A_156 = arith.addf %dot_general3A_154, %add3A_155 : vector<512x8xf32>
    %reduce_sum3A_157 = arith.constant dense<0.000000e+00> : vector<8xf32>
    %reduce_sum3A_158 = vector.multi_reduction <add>, %slice3A_152, %reduce_sum3A_157 [0] : vector<512x8xf32> to vector<8xf32>
    %broadcast_in_dim3A_159 = vector.shape_cast %reduce_sum3A_158 : vector<8xf32> to vector<1x8xf32>
    %add3A_160 = arith.addf %add3A_151, %broadcast_in_dim3A_159 : vector<1x8xf32>
    %slice3A_161 = vector.extract_strided_slice %concatenate3A {offsets = [2560, 0], sizes = [512, 8], strides = [1, 1]} : vector<4096x8xf32> to vector<512x8xf32>
    %dot_general3A_162 = arith.constant dense<0.000000e+00> : vector<512x8xf32>
    %dot_general3A_163 = tpu.matmul %convert_element_type3A_114, %slice3A_161, %dot_general3A_162 {dimension_numbers = #tpu.dot_dimension_numbers<[1], [0], [0], [1], [0, 0, 1, 1], [], []>, transpose_lhs_hint = false} : vector<512x512xf32>, vector<512x8xf32>, vector<512x8xf32> -> vector<512x8xf32>
    %add3A_164 = vector.broadcast %add3A_160 : vector<1x8xf32> to vector<512x8xf32>
    %add3A_165 = arith.addf %dot_general3A_163, %add3A_164 : vector<512x8xf32>
    %reduce_sum3A_166 = arith.constant dense<0.000000e+00> : vector<8xf32>
    %reduce_sum3A_167 = vector.multi_reduction <add>, %slice3A_161, %reduce_sum3A_166 [0] : vector<512x8xf32> to vector<8xf32>
    %broadcast_in_dim3A_168 = vector.shape_cast %reduce_sum3A_167 : vector<8xf32> to vector<1x8xf32>
    %add3A_169 = arith.addf %add3A_160, %broadcast_in_dim3A_168 : vector<1x8xf32>
    %slice3A_170 = vector.extract_strided_slice %concatenate3A {offsets = [3072, 0], sizes = [512, 8], strides = [1, 1]} : vector<4096x8xf32> to vector<512x8xf32>
    %dot_general3A_171 = arith.constant dense<0.000000e+00> : vector<512x8xf32>
    %dot_general3A_172 = tpu.matmul %convert_element_type3A_114, %slice3A_170, %dot_general3A_171 {dimension_numbers = #tpu.dot_dimension_numbers<[1], [0], [0], [1], [0, 0, 1, 1], [], []>, transpose_lhs_hint = false} : vector<512x512xf32>, vector<512x8xf32>, vector<512x8xf32> -> vector<512x8xf32>
    %add3A_173 = vector.broadcast %add3A_169 : vector<1x8xf32> to vector<512x8xf32>
    %add3A_174 = arith.addf %dot_general3A_172, %add3A_173 : vector<512x8xf32>
    %reduce_sum3A_175 = arith.constant dense<0.000000e+00> : vector<8xf32>
    %reduce_sum3A_176 = vector.multi_reduction <add>, %slice3A_170, %reduce_sum3A_175 [0] : vector<512x8xf32> to vector<8xf32>
    %broadcast_in_dim3A_177 = vector.shape_cast %reduce_sum3A_176 : vector<8xf32> to vector<1x8xf32>
    %add3A_178 = arith.addf %add3A_169, %broadcast_in_dim3A_177 : vector<1x8xf32>
    %slice3A_179 = vector.extract_strided_slice %concatenate3A {offsets = [3584, 0], sizes = [512, 8], strides = [1, 1]} : vector<4096x8xf32> to vector<512x8xf32>
    %dot_general3A_180 = arith.constant dense<0.000000e+00> : vector<512x8xf32>
    %dot_general3A_181 = tpu.matmul %convert_element_type3A_114, %slice3A_179, %dot_general3A_180 {dimension_numbers = #tpu.dot_dimension_numbers<[1], [0], [0], [1], [0, 0, 1, 1], [], []>, transpose_lhs_hint = false} : vector<512x512xf32>, vector<512x8xf32>, vector<512x8xf32> -> vector<512x8xf32>
    %add3A_182 = vector.broadcast %add3A_178 : vector<1x8xf32> to vector<512x8xf32>
    %add3A_183 = arith.addf %dot_general3A_181, %add3A_182 : vector<512x8xf32>
    %reduce_sum3A_184 = arith.constant dense<0.000000e+00> : vector<8xf32>
    %reduce_sum3A_185 = vector.multi_reduction <add>, %slice3A_179, %reduce_sum3A_184 [0] : vector<512x8xf32> to vector<8xf32>
    %broadcast_in_dim3A_186 = vector.shape_cast %reduce_sum3A_185 : vector<8xf32> to vector<1x8xf32>
    %add3A_187 = arith.addf %add3A_178, %broadcast_in_dim3A_186 : vector<1x8xf32>
    %concatenate3A_188 = tpu.concatenate %add3A_120, %add3A_129, %add3A_138, %add3A_147, %add3A_156, %add3A_165, %add3A_174, %add3A_183 in 0 : vector<512x8xf32>, vector<512x8xf32>, vector<512x8xf32>, vector<512x8xf32>, vector<512x8xf32>, vector<512x8xf32>, vector<512x8xf32>, vector<512x8xf32> -> vector<4096x8xf32>
    %add3A_189 = arith.constant 5.110000e+02 : f32
    %add3A_190 = vector.broadcast %add3A_189 : f32 to vector<1x8xf32>
    %add3A_191 = arith.addf %add3A_187, %add3A_190 : vector<1x8xf32>
    %mul3A_192 = arith.constant 0.001953125 : f32
    %mul3A_193 = vector.broadcast %mul3A_192 : f32 to vector<1x8xf32>
    %mul3A_194 = arith.mulf %add3A_191, %mul3A_193 : vector<1x8xf32>
    %floor3A = math.floor %mul3A_194 : vector<1x8xf32>
    %iota3A_195 = tpu.iota {dimensions = array<i32: 0>} : vector<8x8xi32>
    %iota3A_196 = tpu.iota {dimensions = array<i32: 1>} : vector<8x8xi32>
    %lt3A = arith.cmpi slt, %iota3A_195, %iota3A_196 : vector<8x8xi32>
    %convert_element_type3A_197 = arith.extui %lt3A : vector<8x8xi1> to vector<8x8xi32>
    %convert_element_type3A_198 = arith.sitofp %convert_element_type3A_197 : vector<8x8xi32> to vector<8x8xf32>
    %dot_general3A_199 = arith.constant dense<0.000000e+00> : vector<1x8xf32>
    %dot_general3A_200 = tpu.matmul %floor3A, %convert_element_type3A_198, %dot_general3A_199 {dimension_numbers = #tpu.dot_dimension_numbers<[1], [0], [0], [1], [0, 0, 1, 1], [], []>, transpose_lhs_hint = false} : vector<1x8xf32>, vector<8x8xf32>, vector<1x8xf32> -> vector<1x8xf32>
    %mul3A_201 = arith.constant 5.120000e+02 : f32
    %mul3A_202 = vector.broadcast %mul3A_201 : f32 to vector<1x8xf32>
    %mul3A_203 = arith.mulf %mul3A_202, %dot_general3A_200 : vector<1x8xf32>
    %add3A_204 = vector.broadcast %mul3A_203 : vector<1x8xf32> to vector<4096x8xf32>
    %add3A_205 = arith.addf %concatenate3A_188, %add3A_204 : vector<4096x8xf32>
    %mul3A_206 = arith.mulf %add3A_205, %concatenate3A : vector<4096x8xf32>
    %reduce_sum3A_207 = arith.constant dense<0.000000e+00> : vector<4096xf32>
    %reduce_sum3A_208 = vector.multi_reduction <add>, %mul3A_206, %reduce_sum3A_207 [1] : vector<4096x8xf32> to vector<4096xf32>
    %broadcast_in_dim3A_209 = vector.shape_cast %reduce_sum3A_208 : vector<4096xf32> to vector<4096x1xf32>
    %slice3A_210 = vector.extract_strided_slice %broadcast_in_dim3A_209 {offsets = [0, 0], sizes = [2048, 1], strides = [1, 1]} : vector<4096x1xf32> to vector<2048x1xf32>
    %convert_element_type3A_211 = arith.fptosi %slice3A_210 : vector<2048x1xf32> to vector<2048x1xi32>
    %swap3A_212 = arith.constant 0 : index
    %swap3A_213 = arith.constant 0 : index
    %swap3A_214 = vector.load %arg5[%swap3A_212, %swap3A_213] : memref<2048x1xi32, #tpu.memory_space<vmem>>, vector<2048x1xi32>
    tpu.vector_store %arg5[%swap3A_212, %swap3A_213], %convert_element_type3A_211 {strides = array<i32>} : memref<2048x1xi32, #tpu.memory_space<vmem>>, vector<2048x1xi32>,
    %slice3A_215 = vector.extract_strided_slice %broadcast_in_dim3A_209 {offsets = [2048, 0], sizes = [2048, 1], strides = [1, 1]} : vector<4096x1xf32> to vector<2048x1xf32>
    %convert_element_type3A_216 = arith.fptosi %slice3A_215 : vector<2048x1xf32> to vector<2048x1xi32>
    %swap3A_217 = arith.constant 0 : index
    %swap3A_218 = arith.constant 0 : index
    %swap3A_219 = vector.load %arg6[%swap3A_217, %swap3A_218] : memref<2048x1xi32, #tpu.memory_space<vmem>>, vector<2048x1xi32>
    tpu.vector_store %arg6[%swap3A_217, %swap3A_218], %convert_element_type3A_216 {strides = array<i32>} : memref<2048x1xi32, #tpu.memory_space<vmem>>, vector<2048x1xi32>,
    %add3A_220 = arith.addf %dot_general3A_200, %floor3A : vector<1x8xf32>
    %convert_element_type3A_221 = arith.fptosi %add3A_220 : vector<1x8xf32> to vector<1x8xi32>
    %iota3A_222 = tpu.iota {dimensions = array<i32: 0>} : vector<15x8xi32>
    %ge3A = vector.broadcast %convert_element_type3A_221 : vector<1x8xi32> to vector<15x8xi32>
    %ge3A_223 = arith.cmpi sge, %iota3A_222, %ge3A : vector<15x8xi32>
    %convert_element_type3A_224 = arith.extui %ge3A_223 : vector<15x8xi1> to vector<15x8xi32>
    %reduce_sum3A_225 = arith.constant dense<0> : vector<15xi32>
    %reduce_sum3A_226 = vector.multi_reduction <add>, %convert_element_type3A_224, %reduce_sum3A_225 [1] : vector<15x8xi32> to vector<15xi32>
    %broadcast_in_dim3A_227 = vector.shape_cast %reduce_sum3A_226 : vector<15xi32> to vector<1x15xi32>
    %swap3A_228 = arith.constant 0 : index
    %swap3A_229 = arith.constant 0 : index
    %swap3A_230 = vector.load %arg7[%swap3A_228, %swap3A_229] : memref<1x15xi32, #tpu.memory_space<vmem>>, vector<1x15xi32>
    tpu.vector_store %arg7[%swap3A_228, %swap3A_229], %broadcast_in_dim3A_227 {strides = array<i32>} : memref<1x15xi32, #tpu.memory_space<vmem>>, vector<1x15xi32>,
    return
  }
  func.func @transform_0(%arg0: i32) -> (i32, i32) {
    %c0_i32 = arith.constant 0 : i32
    %c0_i32_0 = arith.constant 0 : i32
    %c0_i32_1 = arith.constant 0 : i32
    return %c0_i32, %c0_i32_0 : i32, i32
  }
  func.func @transform_1(%arg0: i32) -> (i32, i32) {
    %c0_i32 = arith.constant 0 : i32
    %c0_i32_0 = arith.constant 0 : i32
    %c0_i32_1 = arith.constant 0 : i32
    return %c0_i32, %c0_i32_0 : i32, i32
  }
  func.func @transform_2(%arg0: i32) -> (i32, i32) {
    %c0_i32 = arith.constant 0 : i32
    %c0_i32_0 = arith.constant 0 : i32
    %c0_i32_1 = arith.constant 0 : i32
    return %c0_i32, %c0_i32_0 : i32, i32
  }
  func.func @transform_3(%arg0: i32) -> (i32, i32) {
    %c0_i32 = arith.constant 0 : i32
    %c0_i32_0 = arith.constant 0 : i32
    %c0_i32_1 = arith.constant 0 : i32
    return %c0_i32, %c0_i32_0 : i32, i32
  }
  func.func @transform_4(%arg0: i32) -> (i32, i32) {
    %c0_i32 = arith.constant 0 : i32
    %c0_i32_0 = arith.constant 0 : i32
    %c0_i32_1 = arith.constant 0 : i32
    return %c0_i32, %c0_i32_0 : i32, i32
  }
  func.func @transform_5(%arg0: i32) -> (i32, i32) {
    %c0_i32 = arith.constant 0 : i32
    %c0_i32_0 = arith.constant 0 : i32
    %c0_i32_1 = arith.constant 0 : i32
    return %c0_i32, %c0_i32_0 : i32, i32
  }
  func.func @transform_6(%arg0: i32) -> (i32, i32) {
    %c0_i32 = arith.constant 0 : i32
    %c0_i32_0 = arith.constant 0 : i32
    %c0_i32_1 = arith.constant 0 : i32
    return %c0_i32, %c0_i32_0 : i32, i32
  }
  func.func @transform_7(%arg0: i32) -> (i32, i32) {
    %c0_i32 = arith.constant 0 : i32
    %c0_i32_0 = arith.constant 0 : i32
    %c0_i32_1 = arith.constant 0 : i32
    return %c0_i32, %c0_i32_0 : i32, i32
  }
}

module attributes {stable_mosaic.version = 14 : i64} {
  func.func @_ffn_body(%arg0: i32, %arg1: memref<15xi32, #tpu.memory_space<smem>>, %arg2: memref<512x768xf32, #tpu.memory_space<vmem>>, %arg3: memref<1x768x768xf32, #tpu.memory_space<vmem>>, %arg4: memref<1x1x768xf32, #tpu.memory_space<vmem>>, %arg5: memref<1x768x768xf32, #tpu.memory_space<vmem>>, %arg6: memref<1x1x768xf32, #tpu.memory_space<vmem>>, %arg7: memref<512x768xf32, #tpu.memory_space<vmem>>) attributes {dimension_semantics = [#tpu.dimension_semantics<arbitrary>], iteration_bounds = array<i64: 15>, scalar_prefetch = 1 : i64, scratch_operands = 0 : i64, tpu.core_type = #tpu.core_type<tc>, window_params = [{transform_indices = @transform_0, window_bounds = array<i64: 512, 768>}, {transform_indices = @transform_1, window_bounds = array<i64: 1, 768, 768>}, {transform_indices = @transform_2, window_bounds = array<i64: 1, 1, 768>}, {transform_indices = @transform_3, window_bounds = array<i64: 1, 768, 768>}, {transform_indices = @transform_4, window_bounds = array<i64: 1, 1, 768>}, {transform_indices = @transform_5, window_bounds = array<i64: 512, 768>}]} {
    %get3A = arith.index_cast %arg0 : i32 to index
    %get3A_0 = memref.load %arg1[%get3A] : memref<15xi32, #tpu.memory_space<smem>>
    %lt3A = arith.constant 8 : i32
    %lt3A_1 = arith.cmpi slt, %get3A_0, %lt3A : i32
    %convert_element_type3A = arith.extui %lt3A_1 : i1 to i32
    %cond3A = arith.constant 0 : i32
    %cond3A_2 = arith.cmpi ne, %convert_element_type3A, %cond3A : i32
    scf.if %cond3A_2 {
      %get3A_3 = arith.constant 0 : index
      %get3A_4 = arith.constant 0 : index
      %get3A_5 = vector.load %arg2[%get3A_3, %get3A_4] : memref<512x768xf32, #tpu.memory_space<vmem>>, vector<512x768xf32>
      %get3A_6 = arith.constant 0 : index
      %get3A_7 = arith.constant 0 : index
      %get3A_8 = arith.constant 0 : index
      %get3A_9 = vector.load %arg3[%get3A_6, %get3A_7, %get3A_8] : memref<1x768x768xf32, #tpu.memory_space<vmem>>, vector<1x768x768xf32>
      %get3A_10 = vector.shape_cast %get3A_9 : vector<1x768x768xf32> to vector<768x768xf32>
      %dot_general3A = arith.constant dense<0.000000e+00> : vector<512x768xf32>
      %dot_general3A_11 = tpu.matmul %get3A_5, %get3A_10, %dot_general3A {dimension_numbers = #tpu.dot_dimension_numbers<[1], [0], [0], [1], [0, 0, 1, 1], [], []>, transpose_lhs_hint = false} : vector<512x768xf32>, vector<768x768xf32>, vector<512x768xf32> -> vector<512x768xf32>
      %get3A_12 = arith.constant 0 : index
      %get3A_13 = arith.constant 0 : index
      %get3A_14 = arith.constant 0 : index
      %get3A_15 = vector.load %arg4[%get3A_12, %get3A_13, %get3A_14] : memref<1x1x768xf32, #tpu.memory_space<vmem>>, vector<1x1x768xf32>
      %get3A_16 = vector.shape_cast %get3A_15 : vector<1x1x768xf32> to vector<1x768xf32>
      %add3A = vector.broadcast %get3A_16 : vector<1x768xf32> to vector<512x768xf32>
      %add3A_17 = arith.addf %dot_general3A_11, %add3A : vector<512x768xf32>
      %max3A = arith.constant 0.000000e+00 : f32
      %max3A_18 = vector.broadcast %max3A : f32 to vector<512x768xf32>
      %max3A_19 = arith.maximumf %add3A_17, %max3A_18 : vector<512x768xf32>
      %get3A_20 = arith.constant 0 : index
      %get3A_21 = arith.constant 0 : index
      %get3A_22 = arith.constant 0 : index
      %get3A_23 = vector.load %arg5[%get3A_20, %get3A_21, %get3A_22] : memref<1x768x768xf32, #tpu.memory_space<vmem>>, vector<1x768x768xf32>
      %get3A_24 = vector.shape_cast %get3A_23 : vector<1x768x768xf32> to vector<768x768xf32>
      %dot_general3A_25 = arith.constant dense<0.000000e+00> : vector<512x768xf32>
      %dot_general3A_26 = tpu.matmul %max3A_19, %get3A_24, %dot_general3A_25 {dimension_numbers = #tpu.dot_dimension_numbers<[1], [0], [0], [1], [0, 0, 1, 1], [], []>, transpose_lhs_hint = false} : vector<512x768xf32>, vector<768x768xf32>, vector<512x768xf32> -> vector<512x768xf32>
      %get3A_27 = arith.constant 0 : index
      %get3A_28 = arith.constant 0 : index
      %get3A_29 = arith.constant 0 : index
      %get3A_30 = vector.load %arg6[%get3A_27, %get3A_28, %get3A_29] : memref<1x1x768xf32, #tpu.memory_space<vmem>>, vector<1x1x768xf32>
      %get3A_31 = vector.shape_cast %get3A_30 : vector<1x1x768xf32> to vector<1x768xf32>
      %add3A_32 = vector.broadcast %get3A_31 : vector<1x768xf32> to vector<512x768xf32>
      %add3A_33 = arith.addf %dot_general3A_26, %add3A_32 : vector<512x768xf32>
      %swap3A = arith.constant 0 : index
      %swap3A_34 = arith.constant 0 : index
      %swap3A_35 = vector.load %arg7[%swap3A, %swap3A_34] : memref<512x768xf32, #tpu.memory_space<vmem>>, vector<512x768xf32>
      tpu.vector_store %arg7[%swap3A, %swap3A_34], %add3A_33 {strides = array<i32>} : memref<512x768xf32, #tpu.memory_space<vmem>>, vector<512x768xf32>,
    } else {
    }
    return
  }
  func.func @transform_0(%arg0: i32, %arg1: memref<15xi32, #tpu.memory_space<smem>>) -> (i32, i32) {
    %c0_i32 = arith.constant 0 : i32
    %c0_i32_0 = arith.constant 0 : i32
    return %arg0, %c0_i32 : i32, i32
  }
  func.func @transform_1(%arg0: i32, %arg1: memref<15xi32, #tpu.memory_space<smem>>) -> (i32, i32, i32) {
    %get3A = arith.index_cast %arg0 : i32 to index
    %get3A_0 = memref.load %arg1[%get3A] : memref<15xi32, #tpu.memory_space<smem>>
    %min3A = arith.constant 7 : i32
    %min3A_1 = arith.minsi %get3A_0, %min3A : i32
    %c0_i32 = arith.constant 0 : i32
    %c0_i32_2 = arith.constant 0 : i32
    %c0_i32_3 = arith.constant 0 : i32
    return %min3A_1, %c0_i32, %c0_i32_2 : i32, i32, i32
  }
  func.func @transform_2(%arg0: i32, %arg1: memref<15xi32, #tpu.memory_space<smem>>) -> (i32, i32, i32) {
    %get3A = arith.index_cast %arg0 : i32 to index
    %get3A_0 = memref.load %arg1[%get3A] : memref<15xi32, #tpu.memory_space<smem>>
    %min3A = arith.constant 7 : i32
    %min3A_1 = arith.minsi %get3A_0, %min3A : i32
    %c0_i32 = arith.constant 0 : i32
    %c0_i32_2 = arith.constant 0 : i32
    %c0_i32_3 = arith.constant 0 : i32
    return %min3A_1, %c0_i32, %c0_i32_2 : i32, i32, i32
  }
  func.func @transform_3(%arg0: i32, %arg1: memref<15xi32, #tpu.memory_space<smem>>) -> (i32, i32, i32) {
    %get3A = arith.index_cast %arg0 : i32 to index
    %get3A_0 = memref.load %arg1[%get3A] : memref<15xi32, #tpu.memory_space<smem>>
    %min3A = arith.constant 7 : i32
    %min3A_1 = arith.minsi %get3A_0, %min3A : i32
    %c0_i32 = arith.constant 0 : i32
    %c0_i32_2 = arith.constant 0 : i32
    %c0_i32_3 = arith.constant 0 : i32
    return %min3A_1, %c0_i32, %c0_i32_2 : i32, i32, i32
  }
  func.func @transform_4(%arg0: i32, %arg1: memref<15xi32, #tpu.memory_space<smem>>) -> (i32, i32, i32) {
    %get3A = arith.index_cast %arg0 : i32 to index
    %get3A_0 = memref.load %arg1[%get3A] : memref<15xi32, #tpu.memory_space<smem>>
    %min3A = arith.constant 7 : i32
    %min3A_1 = arith.minsi %get3A_0, %min3A : i32
    %c0_i32 = arith.constant 0 : i32
    %c0_i32_2 = arith.constant 0 : i32
    %c0_i32_3 = arith.constant 0 : i32
    return %min3A_1, %c0_i32, %c0_i32_2 : i32, i32, i32
  }
  func.func @transform_5(%arg0: i32, %arg1: memref<15xi32, #tpu.memory_space<smem>>) -> (i32, i32) {
    %c0_i32 = arith.constant 0 : i32
    %c0_i32_0 = arith.constant 0 : i32
    return %arg0, %c0_i32 : i32, i32
  }
}

</mosaic_0001>

<sc_bundles>
// kernel: kernel.6.cloned.1.call-start
scs
__scs_entry_jumppad:
0x0: {  	(pc) =	sbr.rel $0x88, $3  }
0x1: {  	(tag) =	ssettag $0x0;
	lr =	simm.s32 $0x1  }
0x2: {  	[smem:$0x3F9B] =	sst lr;
	_ =	strace $0xD0000000  }
0x3: {  	_ = 	snop  }
0x4: {  	_ = 	snop  }
0x5: {  	_ = 	snop  }
0x6: {  	_ = 	snop  }
0x7: {  	_ = 	snop  }
__scs_overlays_trampoline_lowered:
0x8: {  	[smem:$0x3FAA] =	sst s0  }
0x9: {  	[smem:$0x3FAB] =	sst s1  }
0xa: {  	[smem:$0x3FAC] =	sst s2  }
0xb: {  	[smem:$0x3FAD] =	sst s3  }
0xc: {  	[smem:$0x3FAE] =	sst s4  }
0xd: {  	[smem:$0x3FAF] =	sst s5  }
0xe: {  	[smem:$0x3FB0] =	sst s6  }
0xf: {  	[smem:$0x3FB1] =	sst s7  }
0x10: {  	[smem:$0x3FB2] =	sst s8  }
0x11: {  	[smem:$0x3FB3] =	sst s9;
	s0 =	simm.s32 @!p0 $0x0  }
0x12: {  	s1 =	sld [smem:$0x3F99];
	s0 =	simm.s32 @p0 $0x1  }
0x13: {  	[smem:$0x3FB4] =	sst s0;
	s0 =	simm.s32 @!p1 $0x0  }
0x14: {  	s2 =	sld [smem:$0x3F98];
	s0 =	simm.s32 @p1 $0x1  }
0x15: {  	[smem:$0x3FB5] =	sst s0;
	s0 =	simm.s32 @!p2 $0x0  }
0x16: {  	s3 =	sld [smem:$0x3FDB];
	s0 =	simm.s32 @p2 $0x1  }
0x17: {  	s4 =	simm.s32 $0x1BF5;
	[smem:$0x3FB7] =	sst s0  }
0x18: {  	s0 =	sld [smem:$0x3F9A];
	_ =	swait.ge [sflag:s4], $0x0  }
0x19: {  	s7 =	sld [smem:$0x3F9B]  }
0x1a: {  	s8 =	sadd.s32 $0xFFFFE003, lr  }
0x1b: {  	s9 =	sadd.s32 $0xFFFFFEF7, lr;
	s5 =	simm.s32 $0xFFFFFFFF;
	p2 =	slt.u32 s8, $0xFFFFF086  }
0x1c: {  	p1 =	slt.u32 s9, $0xF7A;
	s5 =	simm.s32 @!p2 $0x0  }
0x1d: {  	s5 =	simm.s32 @p1 $0x1;
	p0 =	seq.s32 s7, s2  }
0x1e: {  	s7 =	smul.u32 @!p0 $0xF7A, s2;
	p2 =	seq.s32 @!p0 s5, $0x0  }
0x1f: {  	s9 =	smul.u32 $0xF7A, s1;
	s8 =	simm.s32 @!p0 $0x1BF5;
	p2 =	por !p2, p0  }
0x20: {  	[sflag:s8] =	ssyncset.s32 @!p0 $0xFFFFF086;
	s6 =	sadd.s32 @!p0 s3, s7;
	s7 =	simm.s32 @!p0 $0x108  }
0x21: {  	s3 =	sadd.s32 s3, s9;
	s6 =	sadd.s32 @!p0 $0x88, s6;
	s7 =	simm.s32 @p2 $0x1082  }
0x22: {  	[simem:s7], [sflag:s8] =	dma.local @!p0 [hbm:s6], $0xF7A  }
0x23: {  	s9 =	sor.u32 $0xD0000000, s2;
	s6 =	simm.s32 $0x108;
	_ =	swait.ge @!p0 [sflag:s8], $0x0  }
0x24: {  	s3 =	sadd.s32 $0x88, s3;
	s6 =	simm.s32 @!p1 $0x1082;
	[sflag:s4] =	ssyncset.s32 $0xFFFFF086  }
0x25: {  	[simem:s6], [sflag:s4] =	dma.local [hbm:s3], $0xF7A  }
0x26: {  	[smem:$0x3F9B] =	sst s1;
	(tag) =	ssettag s2;
	_ =	strace s9  }
0x27: {  	s1 =	sld [smem:$0x3FAB]  }
0x28: {  	s2 =	sld [smem:$0x3FAC]  }
0x29: {  	s4 =	sld [smem:$0x3FAE]  }
0x2a: {  	p0 =	seq.s32 s5, $0x0;
	s5 =	sld [smem:$0x3FAF]  }
0x2b: {  	s6 =	sld [smem:$0x3FB0]  }
0x2c: {  	s7 =	sld [smem:$0x3FB1]  }
0x2d: {  	s3 =	simm.s32 $0x108;
	s8 =	sld [smem:$0x3FB2]  }
0x2e: {  	s3 =	simm.s32 @!p0 $0x1082;
	s9 =	sld [smem:$0x3FB3]  }
0x2f: {  	lr =	sadd.s32 s0, s3;
	s0 =	sld [smem:$0x3FAA]  }
0x30: {  	s3 =	sld [smem:$0x3FAD]  }
0x31: {  	[smem:$0x3FB6] =	sst s10  }
0x32: {  	s10 =	sld [smem:$0x3FB4];
	_ =	sdelay $0x3  }
0x33: {  	p0 =	seq.s32 s10, $0x1;
	s10 =	sld [smem:$0x3FB6];
	_ =	sdelay $0x3  }
0x34: {  	[smem:$0x3FB6] =	sst s10  }
0x35: {  	s10 =	sld [smem:$0x3FB5];
	_ =	sdelay $0x3  }
0x36: {  	p1 =	seq.s32 s10, $0x1;
	s10 =	sld [smem:$0x3FB6];
	_ =	sdelay $0x3  }
0x37: {  	[smem:$0x3FB6] =	sst s10  }
0x38: {  	s10 =	sld [smem:$0x3FB7]  }
0x39: {  	_ = 	snop;
	(pc) =	sbr.ind lr, $3  }
0x3a: {  	_ = 	snop  }
0x3b: {  	_ = 	snop  }
0x3c: {  	p2 =	seq.s32 s10, $0x1;
	s10 =	sld [smem:$0x3FB6]  }
0x3d: {  	_ =	shalt  }
0x3e: {  	_ =	shalt  }
0x3f: {  	_ =	shalt  }
0x40: {  	_ =	shalt  }
0x41: {  	_ =	shalt  }
0x42: {  	_ =	shalt  }
0x43: {  	_ =	shalt  }
0x44: {  	_ =	shalt  }
0x45: {  	_ =	shalt  }
0x46: {  	_ =	shalt  }
0x47: {  	_ =	shalt  }
0x48: {  	_ =	shalt  }
0x49: {  	_ =	shalt  }
0x4a: {  	_ =	shalt  }
0x4b: {  	_ =	shalt  }
0x4c: {  	_ =	shalt  }
0x4d: {  	_ =	shalt  }
0x4e: {  	_ =	shalt  }
0x4f: {  	_ =	shalt  }
0x50: {  	_ =	shalt  }
0x51: {  	_ =	shalt  }
0x52: {  	_ =	shalt  }
0x53: {  	_ =	shalt  }
0x54: {  	_ =	shalt  }
0x55: {  	_ =	shalt  }
0x56: {  	_ =	shalt  }
0x57: {  	_ =	shalt  }
0x58: {  	_ =	shalt  }
0x59: {  	_ =	shalt  }
0x5a: {  	_ =	shalt  }
0x5b: {  	_ =	shalt  }
0x5c: {  	_ =	shalt  }
0x5d: {  	_ =	shalt  }
0x5e: {  	_ =	shalt  }
0x5f: {  	_ =	shalt  }
0x60: {  	_ =	shalt  }
0x61: {  	_ =	shalt  }
0x62: {  	_ =	shalt  }
0x63: {  	_ =	shalt  }
0x64: {  	_ =	shalt  }
0x65: {  	_ =	shalt  }
0x66: {  	_ =	shalt  }
0x67: {  	_ =	shalt  }
0x68: {  	_ =	shalt  }
0x69: {  	_ =	shalt  }
0x6a: {  	_ =	shalt  }
0x6b: {  	_ =	shalt  }
0x6c: {  	_ =	shalt  }
0x6d: {  	_ =	shalt  }
0x6e: {  	_ =	shalt  }
0x6f: {  	_ =	shalt  }
0x70: {  	_ =	shalt  }
0x71: {  	_ =	shalt  }
0x72: {  	_ =	shalt  }
0x73: {  	_ =	shalt  }
0x74: {  	_ =	shalt  }
0x75: {  	_ =	shalt  }
0x76: {  	_ =	shalt  }
0x77: {  	_ =	shalt  }
0x78: {  	_ =	shalt  }
0x79: {  	_ =	shalt  }
0x7a: {  	_ =	shalt  }
0x7b: {  	_ =	shalt  }
0x7c: {  	_ =	shalt  }
0x7d: {  	_ =	shalt  }
0x7e: {  	_ =	shalt  }
0x7f: {  	_ =	shalt  }
0x80: {  	_ =	shalt  }
0x81: {  	_ =	shalt  }
0x82: {  	_ =	shalt  }
0x83: {  	_ =	shalt  }
0x84: {  	_ =	shalt  }
0x85: {  	_ =	shalt  }
0x86: {  	_ =	shalt  }
0x87: {  	_ =	shalt  }
.Lfunc_end0:
.L_simem_size_0:
called_computation_lowered:
.L_overlay_start_0:
0x88: {  	s2 =	sld [smem:$0x3FD9]  }
0x89: {  	s3 =	sld [smem:$0x3FFE];
	_ =	sdelay $0x1  }
0x8a: {  	s1 =	srdreg.scid  }
0x8b: {  	s0 =	sand.u32 $0x1, s1  }
0x8c: {  	s17 =	sshll.u32 s0, $0xA;
	s2 =	sadd.s32 s3, s2  }
0x8d: {  	s2 =	sadd.s32 s2, s17  }
0x8e: {  	[smem:$0x3FC2] =	sst s2  }
0x8f: {  	_ = 	snop  }
0x90: {  	s2 =	sld [smem:$0x3FC9];
	(tm) =	ssettm $0x1  }
0x91: {  	s18 =	sld [smem:$0x3FFB];
	_ =	sdelay $0x3  }
0x92: {  	_ =	strace s18  }
0x93: {  	s3 =	sld [smem:$0x3FFC];
	_ =	sdelay $0x3  }
0x94: {  	_ =	strace s3  }
0x95: {  	s3 =	sld [smem:$0x3FFD];
	_ =	sdelay $0x3  }
0x96: {  	_ =	strace s3  }
0x97: {  	_ =	strace $0x8FFFFFFF  }
0x98: {  	s19 =	sld [smem:$0x3FDB];
	_ =	sdelay $0x1  }
0x99: {  	s4 =	simm.s32 $_scs_section_size  }
0x9a: {  	s5 =	simm.s32 $_size__tile_overlayer_lowered;
	s6 =	simm.s32 $_tile_overlayer_lowered  }
0x9b: {  	s22 =	simm.s32 $0x1BFF;
	s21 =	sshll.u32 s6, $0x1;
	s3 =	sadd.s32 s4, s19  }
0x9c: {  	s7 =	simm.s32 $0x0;
	s20 =	sshll.u32 s5, $0x1;
	s5 =	sadd.s32 s21, s3  }
0x9d: {  	[timem:s7], [sflag:s22] =	dma.local [hbm:s5], s20  }
0x9e: {  	_ =	swait.ge [sflag:s22], s20  }
0x9f: {  	s4 =	ssub.s32 $0x0, s20;
	[sflag:s22] =	ssyncset.done $0x0  }
0xa0: {  	[sflag:s22] =	ssyncadd.s32 s4;
	_ =	sdelay $0x1  }
0xa1: {  	s23 =	simm.s32 $0x1B8B  }
0xa2: {  	_ =	swait.ge [sflag:s23], $0x1  }
0xa3: {  	[sflag:s23] =	ssyncset.done $0x0  }
0xa4: {  	s25 =	simm.s32 $0x1B8E;
	s24 =	sld [smem:$0x3FFE];
	[sflag:s23] =	ssyncadd.s32 $0xFFFFFFFF  }
0xa5: {  	s26 =	simm.s32 $execute0_lowered;
	[smem:$0x3FD2] =	sst s25  }
0xa6: {  	s5 =	sshll.u32 s26, $0x1;
	_ =	strace $0x80000046;
	[dreg:$0x1] =	wrdreg $0xFFFFFFFF  }
0xa7: {  	s28 =	simm.s32 $_size_execute0_lowered;
	s3 =	sadd.s32 s3, s5;
	[dreg:$0x0] =	wrdreg $0x0  }
0xa8: {  	s5 =	sshll.u32 s28, $0x1;
	[dreg:$0x2] =	wrdreg s3  }
0xa9: {  	[dreg:$0x3] =	wrdreg s5  }
0xaa: {  	[dreg:$0x4] =	wrdreg $0xC0  }
0xab: {  	_ =	task [dreg:s7], $0x5FFFF  }
0xac: {  	[dreg:$0x1] =	wrdreg $0xFFFFFFFF  }
0xad: {  	[dreg:$0x0] =	wrdreg $0x60  }
0xae: {  	[dreg:$0x2] =	wrdreg s2  }
0xaf: {  	[dreg:$0x3] =	wrdreg s24  }
0xb0: {  	[dreg:$0x4] =	wrdreg $0x9  }
0xb1: {  	_ =	task.clear_ibuf [dreg:s7], $0x5FFFF;
	_ =	strace $0x90000046  }
0xb2: {  	s29 =	simm.s32 $0x9;
	_ =	strace $0x80000048  }
0xb3: {  	_ =	swait.ge [sflag:s29], $0x1  }
0xb4: {  	[sflag:s29] =	ssyncadd.s32 $0xFFFFFFFF  }
0xb5: {  	_ =	strace $0x90000048  }
0xb6: {  	_ =	sfence  }
0xb7: {  	s30 =	sld [smem:$0x0];
	_ =	sdelay $0x2  }
0xb8: {  	s31 =	sshll.u32 s1, $0xD;
	s1 =	sshrl.u32 s1, $0x2  }
0xb9: {  	s3 =	sand.u32 $0x4000, s31;
	s1 =	sadd.s32 s1, s30  }
0xba: {  	s0 =	sor.u32 s3, s0;
	s1 =	sshll.u32 s1, $0x11  }
0xbb: {  	s0 =	sor.u32 s1, s0  }
0xbc: {  	s0 =	sadd.s32 $0x8F2B, s0  }
0xbd: {  	[sflag:s0] =	ssyncadd.remote.s32 $0x1  }
0xbe: {  	_ =	sfence.sel $0xFFFF  }
0xbf: {  	[dreg:$0x0] =	wrdreg $0xFFFFFFFF;
	(pc) =	sbr.abs _section_cstart, $3  }
0xc0: {  	[dreg:$0x1] =	wrdreg $0xFFFFFFFF  }
0xc1: {  	_ =	task.clear_ibuf [dreg:s7], $0x2FFFF;
	_ =	strace $0x9FFFFFFF  }
0xc2: {  	(tm) =	ssettm $0x7FFFFFFF  }
0xc3: {  	_ =	shalt  }
tec
execute0_lowered:
.L_overlay_start_1:
0x0: {  	(tag) =	ssettag $0x1  }
0x1: {  	s3 =	rddreg [dreg:$0x0]  }
0x2: {  	s0 =	rddreg [dreg:$0x1];
	s2 =	simm.s32 $0x0  }
0x3: {  	s1 =	stileid.u32;
	s24 =	simm.s32 $0x880;
	[smem:$0x7FF] =	sst s2  }
0x4: {  	s25 =	simm.s32 $0x1080;
	_ =	strace $0x80000047;
	[dreg:$0x5] =	wrdreg s24  }
0x5: {  	s26 =	simm.s32 $0x1880;
	s5 =	sshll.u32 s1, $0x1;
	[dreg:$0x6] =	wrdreg s25  }
0x6: {  	p0 =	slt.u32 s1, $0x8;
	s1 =	simm.s32 $0x2080;
	[dreg:$0x7] =	wrdreg s26  }
0x7: {  	s8 =	simm.s32 $0x4080;
	[dreg:$0x8] =	wrdreg s1  }
0x8: {  	s9 =	simm.s32 $0x4880;
	[dreg:$0xc] =	wrdreg s8  }
0x9: {  	s10 =	simm.s32 $0x5080;
	[dreg:$0xd] =	wrdreg s9  }
0xa: {  	s11 =	simm.s32 $0x5880;
	[dreg:$0xe] =	wrdreg s10  }
0xb: {  	s12 =	simm.s32 $0x6080;
	[dreg:$0xf] =	wrdreg s11  }
0xc: {  	s13 =	simm.s32 $0x6880;
	[dreg:$0x10] =	wrdreg s12  }
0xd: {  	s4 =	srdreg.scid;
	s14 =	simm.s32 $0x7080;
	[dreg:$0x11] =	wrdreg s13  }
0xe: {  	s7 =	simm.s32 $0xE00;
	s15 =	simm.s32 $0x7880;
	[dreg:$0x12] =	wrdreg s14  }
0xf: {  	s16 =	simm.s32 $0x8080;
	s17 =	simm.s32 $0x8880;
	[dreg:$0x13] =	wrdreg s15  }
0x10: {  	s18 =	simm.s32 $0x9080;
	s20 =	simm.s32 $0x9880;
	[dreg:$0x14] =	wrdreg s16  }
0x11: {  	s21 =	simm.s32 $0xA080;
	s28 =	simm.s32 $0x16080;
	[dreg:$0x15] =	wrdreg s17  }
0x12: {  	s29 =	simm.s32 $0x16880;
	s30 =	simm.s32 $0x17080;
	[dreg:$0x16] =	wrdreg s18  }
0x13: {  	s31 =	simm.s32 $0x17880;
	s4 =	sand.u32 $0x1, s4;
	[dreg:$0x17] =	wrdreg s20  }
0x14: {  	s5 =	sand.u32 $0xE, s5;
	s7 =	simm.s32 @!p0 $0x1000;
	[dreg:$0x18] =	wrdreg s21  }
0x15: {  	s24 =	simm.s32 $0xB880;
	s25 =	simm.s32 $0xC080;
	s8 =	simm.s32 $0x80  }
0x16: {  	s26 =	simm.s32 $0xC880;
	s10 =	simm.s32 $0xD880;
	s11 =	simm.s32 $0xE080  }
0x17: {  	s12 =	simm.s32 $0xE880;
	s13 =	simm.s32 $0xF080;
	s14 =	simm.s32 $0xF880  }
0x18: {  	s15 =	simm.s32 $0x10080;
	s16 =	simm.s32 $0x10880;
	s17 =	simm.s32 $0x11080  }
0x19: {  	s18 =	simm.s32 $0x11880;
	s20 =	simm.s32 $0x12880;
	s21 =	simm.s32 $0x13080  }
0x1a: {  	s5 =	sor.u32 s4, s5;
	s22 =	sadd.s32 s7, s0;
	[dreg:$0x1b] =	wrdreg s24  }
0x1b: {  	s7 =	simm.s32 $0x3880;
	s4 =	ssub.s32 $0x2, s4;
	[dreg:$0x1c] =	wrdreg s25  }
0x1c: {  	[dreg:$0x1d] =	wrdreg s26;
	s24 =	simm.s32 $0x14880;
	s25 =	simm.s32 $0x15080  }
0x1d: {  	s26 =	simm.s32 $0x15880;
	s6 =	smul.u32 $0x3000, s5;
	s5 =	sshll.u32 s5, $0x4  }
0x1e: {  	[dreg:$0xb] =	wrdreg s7;
	s19 =	sshrl.u32 s4, $0x1;
	s23 =	sadd.s32 s22, s5  }
0x1f: {  	s7 =	simm.s32 $0x2;
	s5 =	simm.s32 $0x2880;
	[dreg:$0x4] =	wrdreg s23  }
0x20: {  	s22 =	simm.s32 $0xA880;
	s3 =	sadd.s32 s3, s6;
	[dreg:$0x9] =	wrdreg s5  }
0x21: {  	s6 =	simm.s32 $0x3080;
	s5 =	sadd.s32 $0x1400, s0;
	[dreg:$0x19] =	wrdreg s22  }
0x22: {  	s23 =	simm.s32 $0xB080;
	s22 =	simm.s32 $0x13880;
	[dreg:$0x3] =	wrdreg s3  }
0x23: {  	v2 =	vlaneseq.u32;
	[dreg:$0xa] =	wrdreg s6;
	s3 =	sadd.s32 $0x1200, s0;
	s6 =	ssub.s32 s4, s19  }
0x24: {  	vm0 =	vmmov $0xffff;
	v1 =	vshrl.u32 v2, $0x3;
	s4 =	sadd.s32 $0x1300, s0;
	[dreg:$0x1a] =	wrdreg s23;
	s19 =	simm.s32 $0x12080  }
0x25: {  	v0 =	vand.u32 $0x7, v2;
	v2 =	vor.u32 $0x8, v2;
	v1 =	vmul.u32 $0x8, v1;
	s23 =	simm.s32 $0x14080;
	s0 =	simm.s32 $0x1;
	s6 =	smax.u32 s6, $0x1  }
.LBB2_1:
0x26: {  	s1 =	rddreg [dreg:$0x4]  }
0x27: {  	[tilespmem:s2], [sflag:$0x2] =	stream.linear.gather [hbm4b:s1+s2], $0x80, $0x38;
	[tilespmem:$0x18080] =	vst v63  }
0x28: {  	_ =	swait.ge [sflag:s7], $0x80  }
0x29: {  	[sflag:s7] =	ssyncset.done $0x0  }
0x2a: {  	s9 =	rddreg [dreg:$0x3];
	[sflag:s7] =	ssyncadd.s32 $0xFFFFFF80  }
0x2b: {  	[tilespmem:s8], [sflag:$0x2] =	stream.linear.gather [hbm4b:s9+s2], $0x18000, $0x38;
	[tilespmem:$0x18080] =	vst v63  }
0x2c: {  	_ =	swait.ge [sflag:s7], $0x18000  }
0x2d: {  	[sflag:s7] =	ssyncset.done $0x0  }
0x2e: {  	[sflag:s7] =	ssyncadd.s32 $0xFFFE8000  }
0x2f: {  	v3 =	vld [tilespmem:$0x0];
	_ =	sdelay $0x4  }
0x30: {  	v4 =	vshrl.u32 v3, $0x3  }
0x31: {  	v4 =	vmul.u32 $0x30, v4  }
0x32: {  	v3 =	vand.u32 $0x7, v3  }
0x33: {  	v3 =	vor.u32 v3, v4  }
0x34: {  	v4 =	vperm.xlane v3, v0;
	_ =	sdelay $0x1  }
0x35: {  	v4 =	vadd.s32 v1, v4;
	_ =	sdelay $0x3  }
0x36: {  	v3 =	vperm.xlane v3, v2  }
0x37: {  	[hbm4b:s3+s2] =	stream.indirect_vreg.scatter [tilespmem:s8], [sflag:$0x1], $0x80, v4, vm0, $0xb8;
	[tilespmem:$0x18080] =	vst v63  }
0x38: {  	s1 =	rddreg [dreg:$0x5];
	v3 =	vadd.s32 v1, v3  }
0x39: {  	[hbm4b:s4+s2] =	stream.indirect_vreg.scatter [tilespmem:s1], [sflag:$0x1], $0x80, v4, vm0, $0xb8;
	[tilespmem:$0x18080] =	vst v63  }
0x3a: {  	s9 =	rddreg [dreg:$0x6]  }
0x3b: {  	[hbm4b:s5+s2] =	stream.indirect_vreg.scatter [tilespmem:s9], [sflag:$0x1], $0x80, v4, vm0, $0xb8;
	[tilespmem:$0x18080] =	vst v63  }
0x3c: {  	s1 =	rddreg [dreg:$0x7]  }
0x3d: {  	[hbm4b:s3+s2] =	stream.indirect_vreg.scatter [tilespmem:s1], [sflag:$0x1], $0x80, v3, vm0, $0xb8;
	[tilespmem:$0x18080] =	vst v63  }
0x3e: {  	s9 =	rddreg [dreg:$0x8]  }
0x3f: {  	[hbm4b:s4+s2] =	stream.indirect_vreg.scatter [tilespmem:s9], [sflag:$0x1], $0x80, v3, vm0, $0xb8;
	[tilespmem:$0x18080] =	vst v63  }
0x40: {  	s1 =	rddreg [dreg:$0x9]  }
0x41: {  	[hbm4b:s5+s2] =	stream.indirect_vreg.scatter [tilespmem:s1], [sflag:$0x1], $0x80, v3, vm0, $0xb8;
	[tilespmem:$0x18080] =	vst v63  }
0x42: {  	v3 =	vld [tilespmem:$0x10];
	_ =	sdelay $0x4  }
0x43: {  	v57 =	vshrl.u32 v3, $0x3  }
0x44: {  	v4 =	vmul.u32 $0x30, v57  }
0x45: {  	v3 =	vand.u32 $0x7, v3  }
0x46: {  	v3 =	vor.u32 v3, v4  }
0x47: {  	v4 =	vperm.xlane v3, v0;
	_ =	sdelay $0x1  }
0x48: {  	v4 =	vadd.s32 v1, v4;
	_ =	sdelay $0x3  }
0x49: {  	s1 =	rddreg [dreg:$0xa];
	v3 =	vperm.xlane v3, v2  }
0x4a: {  	[hbm4b:s3+s2] =	stream.indirect_vreg.scatter [tilespmem:s1], [sflag:$0x1], $0x80, v4, vm0, $0xb8;
	[tilespmem:$0x18080] =	vst v63  }
0x4b: {  	s9 =	rddreg [dreg:$0xb];
	v3 =	vadd.s32 v1, v3  }
0x4c: {  	[hbm4b:s4+s2] =	stream.indirect_vreg.scatter [tilespmem:s9], [sflag:$0x1], $0x80, v4, vm0, $0xb8;
	[tilespmem:$0x18080] =	vst v63  }
0x4d: {  	s1 =	rddreg [dreg:$0xc]  }
0x4e: {  	[hbm4b:s5+s2] =	stream.indirect_vreg.scatter [tilespmem:s1], [sflag:$0x1], $0x80, v4, vm0, $0xb8;
	[tilespmem:$0x18080] =	vst v63  }
0x4f: {  	s9 =	rddreg [dreg:$0xd]  }
0x50: {  	[hbm4b:s3+s2] =	stream.indirect_vreg.scatter [tilespmem:s9], [sflag:$0x1], $0x80, v3, vm0, $0xb8;
	[tilespmem:$0x18080] =	vst v63  }
0x51: {  	s1 =	rddreg [dreg:$0xe]  }
0x52: {  	[hbm4b:s4+s2] =	stream.indirect_vreg.scatter [tilespmem:s1], [sflag:$0x1], $0x80, v3, vm0, $0xb8;
	[tilespmem:$0x18080] =	vst v63  }
0x53: {  	s9 =	rddreg [dreg:$0xf]  }
0x54: {  	[hbm4b:s5+s2] =	stream.indirect_vreg.scatter [tilespmem:s9], [sflag:$0x1], $0x80, v3, vm0, $0xb8;
	[tilespmem:$0x18080] =	vst v63  }
0x55: {  	v3 =	vld [tilespmem:$0x20];
	_ =	sdelay $0x4  }
0x56: {  	v58 =	vshrl.u32 v3, $0x3  }
0x57: {  	v4 =	vmul.u32 $0x30, v58  }
0x58: {  	v3 =	vand.u32 $0x7, v3  }
0x59: {  	v3 =	vor.u32 v3, v4  }
0x5a: {  	v4 =	vperm.xlane v3, v0;
	_ =	sdelay $0x1  }
0x5b: {  	v4 =	vadd.s32 v1, v4;
	_ =	sdelay $0x3  }
0x5c: {  	s1 =	rddreg [dreg:$0x10];
	v3 =	vperm.xlane v3, v2  }
0x5d: {  	[hbm4b:s3+s2] =	stream.indirect_vreg.scatter [tilespmem:s1], [sflag:$0x1], $0x80, v4, vm0, $0xb8;
	[tilespmem:$0x18080] =	vst v63  }
0x5e: {  	s9 =	rddreg [dreg:$0x11];
	v3 =	vadd.s32 v1, v3  }
0x5f: {  	[hbm4b:s4+s2] =	stream.indirect_vreg.scatter [tilespmem:s9], [sflag:$0x1], $0x80, v4, vm0, $0xb8;
	[tilespmem:$0x18080] =	vst v63  }
0x60: {  	s1 =	rddreg [dreg:$0x12]  }
0x61: {  	[hbm4b:s5+s2] =	stream.indirect_vreg.scatter [tilespmem:s1], [sflag:$0x1], $0x80, v4, vm0, $0xb8;
	[tilespmem:$0x18080] =	vst v63  }
0x62: {  	s9 =	rddreg [dreg:$0x13]  }
0x63: {  	[hbm4b:s3+s2] =	stream.indirect_vreg.scatter [tilespmem:s9], [sflag:$0x1], $0x80, v3, vm0, $0xb8;
	[tilespmem:$0x18080] =	vst v63  }
0x64: {  	s1 =	rddreg [dreg:$0x14]  }
0x65: {  	[hbm4b:s4+s2] =	stream.indirect_vreg.scatter [tilespmem:s1], [sflag:$0x1], $0x80, v3, vm0, $0xb8;
	[tilespmem:$0x18080] =	vst v63  }
0x66: {  	s9 =	rddreg [dreg:$0x15]  }
0x67: {  	[hbm4b:s5+s2] =	stream.indirect_vreg.scatter [tilespmem:s9], [sflag:$0x1], $0x80, v3, vm0, $0xb8;
	[tilespmem:$0x18080] =	vst v63  }
0x68: {  	v3 =	vld [tilespmem:$0x30];
	_ =	sdelay $0x4  }
0x69: {  	v59 =	vshrl.u32 v3, $0x3  }
0x6a: {  	v4 =	vmul.u32 $0x30, v59  }
0x6b: {  	v3 =	vand.u32 $0x7, v3  }
0x6c: {  	v3 =	vor.u32 v3, v4  }
0x6d: {  	v4 =	vperm.xlane v3, v0;
	_ =	sdelay $0x1  }
0x6e: {  	v4 =	vadd.s32 v1, v4;
	_ =	sdelay $0x3  }
0x6f: {  	s1 =	rddreg [dreg:$0x16];
	v3 =	vperm.xlane v3, v2  }
0x70: {  	[hbm4b:s3+s2] =	stream.indirect_vreg.scatter [tilespmem:s1], [sflag:$0x1], $0x80, v4, vm0, $0xb8;
	[tilespmem:$0x18080] =	vst v63  }
0x71: {  	s9 =	rddreg [dreg:$0x17];
	v3 =	vadd.s32 v1, v3  }
0x72: {  	[hbm4b:s4+s2] =	stream.indirect_vreg.scatter [tilespmem:s9], [sflag:$0x1], $0x80, v4, vm0, $0xb8;
	[tilespmem:$0x18080] =	vst v63  }
0x73: {  	s1 =	rddreg [dreg:$0x18]  }
0x74: {  	[hbm4b:s5+s2] =	stream.indirect_vreg.scatter [tilespmem:s1], [sflag:$0x1], $0x80, v4, vm0, $0xb8;
	[tilespmem:$0x18080] =	vst v63  }
0x75: {  	s9 =	rddreg [dreg:$0x19]  }
0x76: {  	[hbm4b:s3+s2] =	stream.indirect_vreg.scatter [tilespmem:s9], [sflag:$0x1], $0x80, v3, vm0, $0xb8;
	[tilespmem:$0x18080] =	vst v63  }
0x77: {  	s1 =	rddreg [dreg:$0x1a]  }
0x78: {  	[hbm4b:s4+s2] =	stream.indirect_vreg.scatter [tilespmem:s1], [sflag:$0x1], $0x80, v3, vm0, $0xb8;
	[tilespmem:$0x18080] =	vst v63  }
0x79: {  	s9 =	rddreg [dreg:$0x1b]  }
0x7a: {  	[hbm4b:s5+s2] =	stream.indirect_vreg.scatter [tilespmem:s9], [sflag:$0x1], $0x80, v3, vm0, $0xb8;
	[tilespmem:$0x18080] =	vst v63  }
0x7b: {  	v3 =	vld [tilespmem:$0x40];
	_ =	sdelay $0x4  }
0x7c: {  	v60 =	vshrl.u32 v3, $0x3  }
0x7d: {  	v4 =	vmul.u32 $0x30, v60  }
0x7e: {  	v3 =	vand.u32 $0x7, v3  }
0x7f: {  	v3 =	vor.u32 v3, v4  }
0x80: {  	v4 =	vperm.xlane v3, v0;
	_ =	sdelay $0x1  }
0x81: {  	v4 =	vadd.s32 v1, v4;
	_ =	sdelay $0x3  }
0x82: {  	s1 =	rddreg [dreg:$0x1c];
	v3 =	vperm.xlane v3, v2  }
0x83: {  	[hbm4b:s3+s2] =	stream.indirect_vreg.scatter [tilespmem:s1], [sflag:$0x1], $0x80, v4, vm0, $0xb8;
	[tilespmem:$0x18080] =	vst v63  }
0x84: {  	s9 =	rddreg [dreg:$0x1d];
	v3 =	vadd.s32 v1, v3  }
0x85: {  	[hbm4b:s4+s2] =	stream.indirect_vreg.scatter [tilespmem:s9], [sflag:$0x1], $0x80, v4, vm0, $0xb8;
	[tilespmem:$0x18080] =	vst v63  }
0x86: {  	s9 =	simm.s32 $0xD080  }
0x87: {  	[hbm4b:s5+s2] =	stream.indirect_vreg.scatter [tilespmem:s9], [sflag:$0x1], $0x80, v4, vm0, $0xb8;
	[tilespmem:$0x18080] =	vst v63  }
0x88: {  	_ = 	snop  }
0x89: {  	[hbm4b:s3+s2] =	stream.indirect_vreg.scatter [tilespmem:s10], [sflag:$0x1], $0x80, v3, vm0, $0xb8;
	[tilespmem:$0x18080] =	vst v63  }
0x8a: {  	_ = 	snop  }
0x8b: {  	[hbm4b:s4+s2] =	stream.indirect_vreg.scatter [tilespmem:s11], [sflag:$0x1], $0x80, v3, vm0, $0xb8;
	[tilespmem:$0x18080] =	vst v63  }
0x8c: {  	_ = 	snop  }
0x8d: {  	[hbm4b:s5+s2] =	stream.indirect_vreg.scatter [tilespmem:s12], [sflag:$0x1], $0x80, v3, vm0, $0xb8;
	[tilespmem:$0x18080] =	vst v63  }
0x8e: {  	v3 =	vld [tilespmem:$0x50];
	_ =	sdelay $0x4  }
0x8f: {  	v61 =	vshrl.u32 v3, $0x3  }
0x90: {  	v4 =	vmul.u32 $0x30, v61  }
0x91: {  	v3 =	vand.u32 $0x7, v3  }
0x92: {  	v3 =	vor.u32 v3, v4  }
0x93: {  	v4 =	vperm.xlane v3, v0;
	_ =	sdelay $0x1  }
0x94: {  	v4 =	vadd.s32 v1, v4;
	_ =	sdelay $0x3  }
0x95: {  	v3 =	vperm.xlane v3, v2  }
0x96: {  	[hbm4b:s3+s2] =	stream.indirect_vreg.scatter [tilespmem:s13], [sflag:$0x1], $0x80, v4, vm0, $0xb8;
	[tilespmem:$0x18080] =	vst v63  }
0x97: {  	v3 =	vadd.s32 v1, v3  }
0x98: {  	[hbm4b:s4+s2] =	stream.indirect_vreg.scatter [tilespmem:s14], [sflag:$0x1], $0x80, v4, vm0, $0xb8;
	[tilespmem:$0x18080] =	vst v63  }
0x99: {  	_ = 	snop  }
0x9a: {  	[hbm4b:s5+s2] =	stream.indirect_vreg.scatter [tilespmem:s15], [sflag:$0x1], $0x80, v4, vm0, $0xb8;
	[tilespmem:$0x18080] =	vst v63  }
0x9b: {  	_ = 	snop  }
0x9c: {  	[hbm4b:s3+s2] =	stream.indirect_vreg.scatter [tilespmem:s16], [sflag:$0x1], $0x80, v3, vm0, $0xb8;
	[tilespmem:$0x18080] =	vst v63  }
0x9d: {  	_ = 	snop  }
0x9e: {  	[hbm4b:s4+s2] =	stream.indirect_vreg.scatter [tilespmem:s17], [sflag:$0x1], $0x80, v3, vm0, $0xb8;
	[tilespmem:$0x18080] =	vst v63  }
0x9f: {  	_ = 	snop  }
0xa0: {  	[hbm4b:s5+s2] =	stream.indirect_vreg.scatter [tilespmem:s18], [sflag:$0x1], $0x80, v3, vm0, $0xb8;
	[tilespmem:$0x18080] =	vst v63  }
0xa1: {  	v3 =	vld [tilespmem:$0x60];
	_ =	sdelay $0x4  }
0xa2: {  	v62 =	vshrl.u32 v3, $0x3  }
0xa3: {  	v4 =	vmul.u32 $0x30, v62  }
0xa4: {  	v3 =	vand.u32 $0x7, v3  }
0xa5: {  	v3 =	vor.u32 v3, v4  }
0xa6: {  	v4 =	vperm.xlane v3, v0;
	_ =	sdelay $0x1  }
0xa7: {  	v4 =	vadd.s32 v1, v4;
	_ =	sdelay $0x3  }
0xa8: {  	v3 =	vperm.xlane v3, v2  }
0xa9: {  	[hbm4b:s3+s2] =	stream.indirect_vreg.scatter [tilespmem:s19], [sflag:$0x1], $0x80, v4, vm0, $0xb8;
	[tilespmem:$0x18080] =	vst v63  }
0xaa: {  	v3 =	vadd.s32 v1, v3  }
0xab: {  	[hbm4b:s4+s2] =	stream.indirect_vreg.scatter [tilespmem:s20], [sflag:$0x1], $0x80, v4, vm0, $0xb8;
	[tilespmem:$0x18080] =	vst v63  }
0xac: {  	_ = 	snop  }
0xad: {  	[hbm4b:s5+s2] =	stream.indirect_vreg.scatter [tilespmem:s21], [sflag:$0x1], $0x80, v4, vm0, $0xb8;
	[tilespmem:$0x18080] =	vst v63  }
0xae: {  	_ = 	snop  }
0xaf: {  	[hbm4b:s3+s2] =	stream.indirect_vreg.scatter [tilespmem:s22], [sflag:$0x1], $0x80, v3, vm0, $0xb8;
	[tilespmem:$0x18080] =	vst v63  }
0xb0: {  	_ = 	snop  }
0xb1: {  	[hbm4b:s4+s2] =	stream.indirect_vreg.scatter [tilespmem:s23], [sflag:$0x1], $0x80, v3, vm0, $0xb8;
	[tilespmem:$0x18080] =	vst v63  }
0xb2: {  	_ = 	snop  }
0xb3: {  	[hbm4b:s5+s2] =	stream.indirect_vreg.scatter [tilespmem:s24], [sflag:$0x1], $0x80, v3, vm0, $0xb8;
	[tilespmem:$0x18080] =	vst v63  }
0xb4: {  	v3 =	vld [tilespmem:$0x70];
	_ =	sdelay $0x4  }
0xb5: {  	v63 =	vshrl.u32 v3, $0x3  }
0xb6: {  	v4 =	vmul.u32 $0x30, v63  }
0xb7: {  	v3 =	vand.u32 $0x7, v3  }
0xb8: {  	v3 =	vor.u32 v3, v4  }
0xb9: {  	v4 =	vperm.xlane v3, v0;
	_ =	sdelay $0x1  }
0xba: {  	v4 =	vadd.s32 v1, v4;
	_ =	sdelay $0x3  }
0xbb: {  	v3 =	vperm.xlane v3, v2  }
0xbc: {  	[hbm4b:s3+s2] =	stream.indirect_vreg.scatter [tilespmem:s25], [sflag:$0x1], $0x80, v4, vm0, $0xb8;
	[tilespmem:$0x18080] =	vst v63  }
0xbd: {  	v3 =	vadd.s32 v1, v3  }
0xbe: {  	[hbm4b:s4+s2] =	stream.indirect_vreg.scatter [tilespmem:s26], [sflag:$0x1], $0x80, v4, vm0, $0xb8;
	[tilespmem:$0x18080] =	vst v63  }
0xbf: {  	_ = 	snop  }
0xc0: {  	[hbm4b:s5+s2] =	stream.indirect_vreg.scatter [tilespmem:s28], [sflag:$0x1], $0x80, v4, vm0, $0xb8;
	[tilespmem:$0x18080] =	vst v63  }
0xc1: {  	_ = 	snop  }
0xc2: {  	[hbm4b:s3+s2] =	stream.indirect_vreg.scatter [tilespmem:s29], [sflag:$0x1], $0x80, v3, vm0, $0xb8;
	[tilespmem:$0x18080] =	vst v63  }
0xc3: {  	p0 =	sne.s32 s6, $0x1  }
0xc4: {  	[hbm4b:s4+s2] =	stream.indirect_vreg.scatter [tilespmem:s30], [sflag:$0x1], $0x80, v3, vm0, $0xb8;
	[tilespmem:$0x18080] =	vst v63  }
.Ltmp0:
0xc5: {  	_ = 	snop;
	(pc) =	sbr.rel @p0 .LBB2_1-.Ltmp0, $4  }
0xc6: {  	[hbm4b:s5+s2] =	stream.indirect_vreg.scatter [tilespmem:s31], [sflag:$0x1], $0x80, v3, vm0, $0xb8;
	[tilespmem:$0x18080] =	vst v63  }
0xc7: {  	_ =	swait.ge [sflag:s0], $0x18000  }
0xc8: {  	[sflag:s0] =	ssyncset.done $0x0  }
0xc9: {  	s6 =	sadd.s32 $0xFFFFFFFF, s6;
	[sflag:s0] =	ssyncadd.s32 $0xFFFE8000  }
0xca: {  	_ =	sfence.sel $0x180000  }
0xcb: {  	[bflag:$0x0] =	sbarrier.arrive $0xFFFF  }
0xcc: {  	_ =	strace $0x90000047  }
0xcd: {  	s0 =	stileid.u32;
	[bflag:$0x2] =	sbarrier.arrive $0xFFFF  }
0xce: {  	p0 =	sne.s32 s0, $0x0;
	s0 =	rddreg [dreg:$0x2]  }
0xcf: {  	s0 =	sadd.s32 @!p0 $0x100000, s0  }
0xd0: {  	[sflag:s0] =	ssyncadd.tile.s32 @!p0 $0x1;
	_ =	shalt  }
.Lfunc_end2:
_tile_overlayer_lowered:
.L_overlay_start_2:
0xd1: {  	(tag) =	ssettag $0x2  }
0xd2: {  	s0 =	rddreg [dreg:$0x0];
	s2 =	stileid.u32  }
0xd3: {  	s1 =	rddreg [dreg:$0x1];
	p0 =	sne.s32 s2, $0x0  }
0xd4: {  	s3 =	rddreg [dreg:$0x2];
	[bflag:$0x3] =	sbarrier.arrive $0xFFFF;
	s2 =	simm.s32 @!p0 $0x1C02  }
0xd5: {  	[timem:s3], [sflag:s2] =	dma.local @!p0 [hbm:s0], s1  }
0xd6: {  	s0 =	simm.s32 @!p0 $0x2  }
0xd7: {  	_ =	swait.ge @!p0 [sflag:s0], s1  }
0xd8: {  	s1 =	ssub.s32 @!p0 $0x0, s1;
	[sflag:s0] =	ssyncset.done @!p0 $0x0  }
0xd9: {  	[sflag:s0] =	ssyncadd.s32 @!p0 s1  }
0xda: {  	[bflag:$0x3] =	sbarrier.arrive $0xFFFF  }
0xdb: {  	_ =	shalt  }

// kernel: kernel.9.cloned.1.call-start
scs
__scs_entry_jumppad:
0x0: {  	(pc) =	sbr.rel $0x88, $3  }
0x1: {  	(tag) =	ssettag $0x0;
	lr =	simm.s32 $0x1  }
0x2: {  	[smem:$0x3F9B] =	sst lr;
	_ =	strace $0xD0000000  }
0x3: {  	_ = 	snop  }
0x4: {  	_ = 	snop  }
0x5: {  	_ = 	snop  }
0x6: {  	_ = 	snop  }
0x7: {  	_ = 	snop  }
__scs_overlays_trampoline_lowered:
0x8: {  	[smem:$0x3FAA] =	sst s0  }
0x9: {  	[smem:$0x3FAB] =	sst s1  }
0xa: {  	[smem:$0x3FAC] =	sst s2  }
0xb: {  	[smem:$0x3FAD] =	sst s3  }
0xc: {  	[smem:$0x3FAE] =	sst s4  }
0xd: {  	[smem:$0x3FAF] =	sst s5  }
0xe: {  	[smem:$0x3FB0] =	sst s6  }
0xf: {  	[smem:$0x3FB1] =	sst s7  }
0x10: {  	[smem:$0x3FB2] =	sst s8  }
0x11: {  	[smem:$0x3FB3] =	sst s9;
	s0 =	simm.s32 @!p0 $0x0  }
0x12: {  	s1 =	sld [smem:$0x3F99];
	s0 =	simm.s32 @p0 $0x1  }
0x13: {  	[smem:$0x3FB4] =	sst s0;
	s0 =	simm.s32 @!p1 $0x0  }
0x14: {  	s2 =	sld [smem:$0x3F98];
	s0 =	simm.s32 @p1 $0x1  }
0x15: {  	[smem:$0x3FB5] =	sst s0;
	s0 =	simm.s32 @!p2 $0x0  }
0x16: {  	s3 =	sld [smem:$0x3FDB];
	s0 =	simm.s32 @p2 $0x1  }
0x17: {  	s4 =	simm.s32 $0x1BF5;
	[smem:$0x3FB7] =	sst s0  }
0x18: {  	s0 =	sld [smem:$0x3F9A];
	_ =	swait.ge [sflag:s4], $0x0  }
0x19: {  	s7 =	sld [smem:$0x3F9B]  }
0x1a: {  	s8 =	sadd.s32 $0xFFFFE003, lr  }
0x1b: {  	s9 =	sadd.s32 $0xFFFFFEF7, lr;
	s5 =	simm.s32 $0xFFFFFFFF;
	p2 =	slt.u32 s8, $0xFFFFF086  }
0x1c: {  	p1 =	slt.u32 s9, $0xF7A;
	s5 =	simm.s32 @!p2 $0x0  }
0x1d: {  	s5 =	simm.s32 @p1 $0x1;
	p0 =	seq.s32 s7, s2  }
0x1e: {  	s7 =	smul.u32 @!p0 $0xF7A, s2;
	p2 =	seq.s32 @!p0 s5, $0x0  }
0x1f: {  	s9 =	smul.u32 $0xF7A, s1;
	s8 =	simm.s32 @!p0 $0x1BF5;
	p2 =	por !p2, p0  }
0x20: {  	[sflag:s8] =	ssyncset.s32 @!p0 $0xFFFFF086;
	s6 =	sadd.s32 @!p0 s3, s7;
	s7 =	simm.s32 @!p0 $0x108  }
0x21: {  	s3 =	sadd.s32 s3, s9;
	s6 =	sadd.s32 @!p0 $0x88, s6;
	s7 =	simm.s32 @p2 $0x1082  }
0x22: {  	[simem:s7], [sflag:s8] =	dma.local @!p0 [hbm:s6], $0xF7A  }
0x23: {  	s9 =	sor.u32 $0xD0000000, s2;
	s6 =	simm.s32 $0x108;
	_ =	swait.ge @!p0 [sflag:s8], $0x0  }
0x24: {  	s3 =	sadd.s32 $0x88, s3;
	s6 =	simm.s32 @!p1 $0x1082;
	[sflag:s4] =	ssyncset.s32 $0xFFFFF086  }
0x25: {  	[simem:s6], [sflag:s4] =	dma.local [hbm:s3], $0xF7A  }
0x26: {  	[smem:$0x3F9B] =	sst s1;
	(tag) =	ssettag s2;
	_ =	strace s9  }
0x27: {  	s1 =	sld [smem:$0x3FAB]  }
0x28: {  	s2 =	sld [smem:$0x3FAC]  }
0x29: {  	s4 =	sld [smem:$0x3FAE]  }
0x2a: {  	p0 =	seq.s32 s5, $0x0;
	s5 =	sld [smem:$0x3FAF]  }
0x2b: {  	s6 =	sld [smem:$0x3FB0]  }
0x2c: {  	s7 =	sld [smem:$0x3FB1]  }
0x2d: {  	s3 =	simm.s32 $0x108;
	s8 =	sld [smem:$0x3FB2]  }
0x2e: {  	s3 =	simm.s32 @!p0 $0x1082;
	s9 =	sld [smem:$0x3FB3]  }
0x2f: {  	lr =	sadd.s32 s0, s3;
	s0 =	sld [smem:$0x3FAA]  }
0x30: {  	s3 =	sld [smem:$0x3FAD]  }
0x31: {  	[smem:$0x3FB6] =	sst s10  }
0x32: {  	s10 =	sld [smem:$0x3FB4];
	_ =	sdelay $0x3  }
0x33: {  	p0 =	seq.s32 s10, $0x1;
	s10 =	sld [smem:$0x3FB6];
	_ =	sdelay $0x3  }
0x34: {  	[smem:$0x3FB6] =	sst s10  }
0x35: {  	s10 =	sld [smem:$0x3FB5];
	_ =	sdelay $0x3  }
0x36: {  	p1 =	seq.s32 s10, $0x1;
	s10 =	sld [smem:$0x3FB6];
	_ =	sdelay $0x3  }
0x37: {  	[smem:$0x3FB6] =	sst s10  }
0x38: {  	s10 =	sld [smem:$0x3FB7]  }
0x39: {  	_ = 	snop;
	(pc) =	sbr.ind lr, $3  }
0x3a: {  	_ = 	snop  }
0x3b: {  	_ = 	snop  }
0x3c: {  	p2 =	seq.s32 s10, $0x1;
	s10 =	sld [smem:$0x3FB6]  }
0x3d: {  	_ =	shalt  }
0x3e: {  	_ =	shalt  }
0x3f: {  	_ =	shalt  }
0x40: {  	_ =	shalt  }
0x41: {  	_ =	shalt  }
0x42: {  	_ =	shalt  }
0x43: {  	_ =	shalt  }
0x44: {  	_ =	shalt  }
0x45: {  	_ =	shalt  }
0x46: {  	_ =	shalt  }
0x47: {  	_ =	shalt  }
0x48: {  	_ =	shalt  }
0x49: {  	_ =	shalt  }
0x4a: {  	_ =	shalt  }
0x4b: {  	_ =	shalt  }
0x4c: {  	_ =	shalt  }
0x4d: {  	_ =	shalt  }
0x4e: {  	_ =	shalt  }
0x4f: {  	_ =	shalt  }
0x50: {  	_ =	shalt  }
0x51: {  	_ =	shalt  }
0x52: {  	_ =	shalt  }
0x53: {  	_ =	shalt  }
0x54: {  	_ =	shalt  }
0x55: {  	_ =	shalt  }
0x56: {  	_ =	shalt  }
0x57: {  	_ =	shalt  }
0x58: {  	_ =	shalt  }
0x59: {  	_ =	shalt  }
0x5a: {  	_ =	shalt  }
0x5b: {  	_ =	shalt  }
0x5c: {  	_ =	shalt  }
0x5d: {  	_ =	shalt  }
0x5e: {  	_ =	shalt  }
0x5f: {  	_ =	shalt  }
0x60: {  	_ =	shalt  }
0x61: {  	_ =	shalt  }
0x62: {  	_ =	shalt  }
0x63: {  	_ =	shalt  }
0x64: {  	_ =	shalt  }
0x65: {  	_ =	shalt  }
0x66: {  	_ =	shalt  }
0x67: {  	_ =	shalt  }
0x68: {  	_ =	shalt  }
0x69: {  	_ =	shalt  }
0x6a: {  	_ =	shalt  }
0x6b: {  	_ =	shalt  }
0x6c: {  	_ =	shalt  }
0x6d: {  	_ =	shalt  }
0x6e: {  	_ =	shalt  }
0x6f: {  	_ =	shalt  }
0x70: {  	_ =	shalt  }
0x71: {  	_ =	shalt  }
0x72: {  	_ =	shalt  }
0x73: {  	_ =	shalt  }
0x74: {  	_ =	shalt  }
0x75: {  	_ =	shalt  }
0x76: {  	_ =	shalt  }
0x77: {  	_ =	shalt  }
0x78: {  	_ =	shalt  }
0x79: {  	_ =	shalt  }
0x7a: {  	_ =	shalt  }
0x7b: {  	_ =	shalt  }
0x7c: {  	_ =	shalt  }
0x7d: {  	_ =	shalt  }
0x7e: {  	_ =	shalt  }
0x7f: {  	_ =	shalt  }
0x80: {  	_ =	shalt  }
0x81: {  	_ =	shalt  }
0x82: {  	_ =	shalt  }
0x83: {  	_ =	shalt  }
0x84: {  	_ =	shalt  }
0x85: {  	_ =	shalt  }
0x86: {  	_ =	shalt  }
0x87: {  	_ =	shalt  }
.Lfunc_end0:
.L_simem_size_0:
called_computation.1_lowered:
.L_overlay_start_0:
0x88: {  	s2 =	sld [smem:$0x3FD9]  }
0x89: {  	s3 =	sld [smem:$0x3FFE];
	_ =	sdelay $0x1  }
0x8a: {  	s1 =	srdreg.scid  }
0x8b: {  	s0 =	sand.u32 $0x1, s1  }
0x8c: {  	s14 =	sshll.u32 s0, $0xA;
	s2 =	sadd.s32 s3, s2  }
0x8d: {  	s2 =	sadd.s32 s2, s14  }
0x8e: {  	[smem:$0x3FC2] =	sst s2  }
0x8f: {  	_ = 	snop  }
0x90: {  	s2 =	sld [smem:$0x3FD0];
	_ =	sdelay $0x2  }
0x91: {  	s15 =	simm.s32 $0xA;
	s4 =	simm.s32 $0x10  }
0x92: {  	[smem:s4], [sflag:s15] =	dma.local [hbm:s2], $0x1  }
0x93: {  	_ =	swait.eq [sflag:s15], $0x1  }
0x94: {  	[sflag:s15] =	ssyncset.done $0x0  }
0x95: {  	[sflag:s15] =	ssyncadd.s32 $0xFFFFFFFF  }
0x96: {  	s16 =	sld [smem:$0x10];
	(tm) =	ssettm $0x1  }
0x97: {  	s17 =	sld [smem:$0x3FFB];
	_ =	sdelay $0x3  }
0x98: {  	_ =	strace s17  }
0x99: {  	s3 =	sld [smem:$0x3FFC];
	_ =	sdelay $0x3  }
0x9a: {  	_ =	strace s3  }
0x9b: {  	s3 =	sld [smem:$0x3FFD];
	_ =	sdelay $0x3  }
0x9c: {  	_ =	strace s3  }
0x9d: {  	_ =	strace $0x8FFFFFFF  }
0x9e: {  	s18 =	sld [smem:$0x3FDB];
	_ =	sdelay $0x1  }
0x9f: {  	s19 =	simm.s32 $_scs_section_size  }
0xa0: {  	s5 =	simm.s32 $_size__tile_overlayer_lowered;
	s6 =	simm.s32 $_tile_overlayer_lowered  }
0xa1: {  	s22 =	simm.s32 $0x1BFF;
	s21 =	sshll.u32 s6, $0x1;
	s3 =	sadd.s32 s19, s18  }
0xa2: {  	s7 =	simm.s32 $0x0;
	s20 =	sshll.u32 s5, $0x1;
	s5 =	sadd.s32 s21, s3  }
0xa3: {  	[timem:s7], [sflag:s22] =	dma.local [hbm:s5], s20  }
0xa4: {  	_ =	swait.ge [sflag:s22], s20  }
0xa5: {  	s4 =	ssub.s32 $0x0, s20;
	[sflag:s22] =	ssyncset.done $0x0  }
0xa6: {  	[sflag:s22] =	ssyncadd.s32 s4;
	_ =	sdelay $0x1  }
0xa7: {  	s23 =	simm.s32 $0x1B8B  }
0xa8: {  	_ =	swait.ge [sflag:s23], $0x1  }
0xa9: {  	[sflag:s23] =	ssyncset.done $0x0  }
0xaa: {  	s25 =	simm.s32 $0x1B8E;
	s24 =	sld [smem:$0x3FFE];
	[sflag:s23] =	ssyncadd.s32 $0xFFFFFFFF  }
0xab: {  	s26 =	simm.s32 $execute0_lowered;
	[smem:$0x3FD2] =	sst s25  }
0xac: {  	s5 =	sshll.u32 s26, $0x1;
	_ =	strace $0x80000049;
	[dreg:$0x1] =	wrdreg $0xFFFFFFFF  }
0xad: {  	s28 =	simm.s32 $_size_execute0_lowered;
	s3 =	sadd.s32 s3, s5;
	[dreg:$0x0] =	wrdreg $0x0  }
0xae: {  	s5 =	sshll.u32 s28, $0x1;
	[dreg:$0x2] =	wrdreg s3  }
0xaf: {  	[dreg:$0x3] =	wrdreg s5  }
0xb0: {  	[dreg:$0x4] =	wrdreg $0xC0  }
0xb1: {  	_ =	task [dreg:s7], $0x5FFFF  }
0xb2: {  	[dreg:$0x1] =	wrdreg $0xFFFFFFFF  }
0xb3: {  	[dreg:$0x0] =	wrdreg $0x60  }
0xb4: {  	[dreg:$0x2] =	wrdreg s24  }
0xb5: {  	[dreg:$0x3] =	wrdreg s16  }
0xb6: {  	[dreg:$0x4] =	wrdreg $0x9  }
0xb7: {  	_ =	task.clear_ibuf [dreg:s7], $0x5FFFF;
	_ =	strace $0x90000049  }
0xb8: {  	s29 =	simm.s32 $0x9;
	_ =	strace $0x8000004B  }
0xb9: {  	_ =	swait.ge [sflag:s29], $0x1  }
0xba: {  	[sflag:s29] =	ssyncadd.s32 $0xFFFFFFFF  }
0xbb: {  	_ =	strace $0x9000004B  }
0xbc: {  	_ =	sfence  }
0xbd: {  	s30 =	sld [smem:$0x0];
	_ =	sdelay $0x2  }
0xbe: {  	s31 =	sshll.u32 s1, $0xD;
	s1 =	sshrl.u32 s1, $0x2  }
0xbf: {  	s3 =	sand.u32 $0x4000, s31;
	s1 =	sadd.s32 s1, s30  }
0xc0: {  	s0 =	sor.u32 s3, s0;
	s1 =	sshll.u32 s1, $0x11  }
0xc1: {  	s0 =	sor.u32 s1, s0  }
0xc2: {  	s0 =	sadd.s32 $0x8F2B, s0  }
0xc3: {  	[sflag:s0] =	ssyncadd.remote.s32 $0x1  }
0xc4: {  	_ =	sfence.sel $0xFFFF  }
0xc5: {  	[dreg:$0x0] =	wrdreg $0xFFFFFFFF;
	(pc) =	sbr.abs _section_cstart, $3  }
0xc6: {  	[dreg:$0x1] =	wrdreg $0xFFFFFFFF  }
0xc7: {  	_ =	task.clear_ibuf [dreg:s7], $0x2FFFF;
	_ =	strace $0x9FFFFFFF  }
0xc8: {  	(tm) =	ssettm $0x7FFFFFFF  }
0xc9: {  	_ =	shalt  }
tec
execute0_lowered:
.L_overlay_start_1:
0x0: {  	(tag) =	ssettag $0x1  }
0x1: {  	s0 =	rddreg [dreg:$0x0]  }
0x2: {  	s1 =	rddreg [dreg:$0x1];
	s2 =	srdreg.scid  }
0x3: {  	s4 =	stileid.u32;
	s12 =	simm.s32 $0x5;
	s14 =	simm.s32 $0x200  }
0x4: {  	s17 =	simm.s32 $0x14A00;
	s18 =	simm.s32 $0x15200;
	s19 =	simm.s32 $0x15A00  }
0x5: {  	s20 =	simm.s32 $0x16200;
	s21 =	simm.s32 $0x16A00;
	s22 =	simm.s32 $0x17200  }
0x6: {  	s23 =	simm.s32 $0x17A00;
	s24 =	simm.s32 $0x1;
	s25 =	simm.s32 $0x2  }
0x7: {  	s26 =	simm.s32 $0x3;
	s28 =	simm.s32 $0x4;
	s29 =	simm.s32 $0x0  }
0x8: {  	s3 =	sand.u32 $0x1, s2;
	s2 =	simm.s32 $0x0;
	s4 =	sshll.u32 s4, $0x4  }
0x9: {  	s9 =	sadd.s32 $0xB5800, s0;
	s5 =	sshll.u32 s3, $0x3;
	[smem:$0x7FF] =	sst s2  }
0xa: {  	s30 =	ssub.s32 $0x2, s3;
	s3 =	sadd.s32 $0xB5600, s0;
	s7 =	sor.u32 s5, s4  }
0xb: {  	_ =	strace $0x8000004A;
	s31 =	sshrl.u32 s30, $0x1;
	s8 =	sadd.s32 s7, s0  }
0xc: {  	v2 =	vlaneseq.u32;
	s11 =	ssub.s32 s30, s31;
	s10 =	smul.u32 $0x300, s7;
	s4 =	sadd.s32 $0xE00, s8  }
0xd: {  	vm0 =	vmmov $0xffff;
	v1 =	vshrl.u32 v2, $0x3;
	s5 =	sadd.s32 $0x1000, s8;
	s6 =	sadd.s32 $0xB5200, s8;
	s7 =	sadd.s32 $0xB5400, s8  }
0xe: {  	v0 =	vand.u32 $0x7, v2;
	v2 =	vor.u32 $0x8, v2;
	v1 =	vmul.u32 $0x8, v1;
	s8 =	sadd.s32 $0xB5700, s0;
	s11 =	smax.u32 s11, $0x1;
	s10 =	sadd.s32 s1, s10  }
.LBB2_1:
0xf: {  	[tilespmem:s2], [sflag:$0x5] =	stream.linear.gather [hbm4b:s4+s2], $0x40, $0x38;
	[tilespmem:$0x18200] =	vst v63  }
0x10: {  	_ =	swait.ge [sflag:s12], $0x40  }
0x11: {  	[sflag:s12] =	ssyncset.done $0x0  }
0x12: {  	s0 =	simm.s32 $0x80;
	[sflag:s12] =	ssyncadd.s32 $0xFFFFFFC0  }
0x13: {  	[tilespmem:s0], [sflag:$0x5] =	stream.linear.gather [hbm4b:s5+s2], $0x40, $0x38;
	[tilespmem:$0x18200] =	vst v63  }
0x14: {  	_ =	swait.ge [sflag:s12], $0x40  }
0x15: {  	[sflag:s12] =	ssyncset.done $0x0  }
0x16: {  	s30 =	simm.s32 $0x100;
	[sflag:s12] =	ssyncadd.s32 $0xFFFFFFC0  }
0x17: {  	[tilespmem:s30], [sflag:$0x5] =	stream.linear.gather [hbm4b:s6+s2], $0x40, $0x38;
	[tilespmem:$0x18200] =	vst v63  }
0x18: {  	_ =	swait.ge [sflag:s12], $0x40  }
0x19: {  	[sflag:s12] =	ssyncset.done $0x0  }
0x1a: {  	s31 =	simm.s32 $0x180;
	[sflag:s12] =	ssyncadd.s32 $0xFFFFFFC0  }
0x1b: {  	[tilespmem:s31], [sflag:$0x5] =	stream.linear.gather [hbm4b:s7+s2], $0x40, $0x38;
	[tilespmem:$0x18200] =	vst v63  }
0x1c: {  	_ =	swait.ge [sflag:s12], $0x40  }
0x1d: {  	[sflag:s12] =	ssyncset.done $0x0  }
0x1e: {  	[sflag:s12] =	ssyncadd.s32 $0xFFFFFFC0  }
0x1f: {  	v3 =	vld [tilespmem:$0x0];
	_ =	sdelay $0x4  }
0x20: {  	v4 =	vshrl.u32 v3, $0x3  }
0x21: {  	v4 =	vmul.u32 $0x30, v4  }
0x22: {  	v3 =	vand.u32 $0x7, v3  }
0x23: {  	v3 =	vor.u32 v3, v4  }
0x24: {  	v4 =	vperm.xlane v3, v0;
	_ =	sdelay $0x1  }
0x25: {  	v4 =	vadd.s32 v1, v4;
	_ =	sdelay $0x3  }
0x26: {  	v3 =	vperm.xlane v3, v2  }
0x27: {  	[tilespmem:s14], [sflag:$0x1] =	stream.indirect_vreg.gather [hbm4b:s3+s2], $0x80, v4, vm0, $0xb8;
	[tilespmem:$0x18200] =	vst v63  }
0x28: {  	s15 =	simm.s32 $0xA00;
	v3 =	vadd.s32 v1, v3  }
0x29: {  	[tilespmem:s15], [sflag:$0x1] =	stream.indirect_vreg.gather [hbm4b:s8+s2], $0x80, v4, vm0, $0xb8;
	[tilespmem:$0x18200] =	vst v63  }
0x2a: {  	s16 =	simm.s32 $0x1200  }
0x2b: {  	[tilespmem:s16], [sflag:$0x1] =	stream.indirect_vreg.gather [hbm4b:s9+s2], $0x80, v4, vm0, $0xb8;
	[tilespmem:$0x18200] =	vst v63  }
0x2c: {  	s1 =	simm.s32 $0x1A00  }
0x2d: {  	[tilespmem:s1], [sflag:$0x1] =	stream.indirect_vreg.gather [hbm4b:s3+s2], $0x80, v3, vm0, $0xb8;
	[tilespmem:$0x18200] =	vst v63  }
0x2e: {  	s13 =	simm.s32 $0x2200  }
0x2f: {  	[tilespmem:s13], [sflag:$0x1] =	stream.indirect_vreg.gather [hbm4b:s8+s2], $0x80, v3, vm0, $0xb8;
	[tilespmem:$0x18200] =	vst v63  }
0x30: {  	s15 =	simm.s32 $0x2A00  }
0x31: {  	[tilespmem:s15], [sflag:$0x1] =	stream.indirect_vreg.gather [hbm4b:s9+s2], $0x80, v3, vm0, $0xb8;
	[tilespmem:$0x18200] =	vst v63  }
0x32: {  	v3 =	vld [tilespmem:$0x10];
	_ =	sdelay $0x4  }
0x33: {  	v4 =	vshrl.u32 v3, $0x3  }
0x34: {  	v4 =	vmul.u32 $0x30, v4  }
0x35: {  	v3 =	vand.u32 $0x7, v3  }
0x36: {  	v3 =	vor.u32 v3, v4  }
0x37: {  	v4 =	vperm.xlane v3, v0;
	_ =	sdelay $0x1  }
0x38: {  	v4 =	vadd.s32 v1, v4;
	_ =	sdelay $0x3  }
0x39: {  	s16 =	simm.s32 $0x3200;
	v3 =	vperm.xlane v3, v2  }
0x3a: {  	[tilespmem:s16], [sflag:$0x1] =	stream.indirect_vreg.gather [hbm4b:s3+s2], $0x80, v4, vm0, $0xb8;
	[tilespmem:$0x18200] =	vst v63  }
0x3b: {  	s1 =	simm.s32 $0x3A00;
	v3 =	vadd.s32 v1, v3  }
0x3c: {  	[tilespmem:s1], [sflag:$0x1] =	stream.indirect_vreg.gather [hbm4b:s8+s2], $0x80, v4, vm0, $0xb8;
	[tilespmem:$0x18200] =	vst v63  }
0x3d: {  	s13 =	simm.s32 $0x4200  }
0x3e: {  	[tilespmem:s13], [sflag:$0x1] =	stream.indirect_vreg.gather [hbm4b:s9+s2], $0x80, v4, vm0, $0xb8;
	[tilespmem:$0x18200] =	vst v63  }
0x3f: {  	s15 =	simm.s32 $0x4A00  }
0x40: {  	[tilespmem:s15], [sflag:$0x1] =	stream.indirect_vreg.gather [hbm4b:s3+s2], $0x80, v3, vm0, $0xb8;
	[tilespmem:$0x18200] =	vst v63  }
0x41: {  	s16 =	simm.s32 $0x5200  }
0x42: {  	[tilespmem:s16], [sflag:$0x1] =	stream.indirect_vreg.gather [hbm4b:s8+s2], $0x80, v3, vm0, $0xb8;
	[tilespmem:$0x18200] =	vst v63  }
0x43: {  	s1 =	simm.s32 $0x5A00  }
0x44: {  	[tilespmem:s1], [sflag:$0x1] =	stream.indirect_vreg.gather [hbm4b:s9+s2], $0x80, v3, vm0, $0xb8;
	[tilespmem:$0x18200] =	vst v63  }
0x45: {  	v3 =	vld [tilespmem:$0x80];
	_ =	sdelay $0x4  }
0x46: {  	v4 =	vshrl.u32 v3, $0x3  }
0x47: {  	v4 =	vmul.u32 $0x30, v4  }
0x48: {  	v3 =	vand.u32 $0x7, v3  }
0x49: {  	v3 =	vor.u32 v3, v4  }
0x4a: {  	v4 =	vperm.xlane v3, v0;
	_ =	sdelay $0x1  }
0x4b: {  	v4 =	vadd.s32 v1, v4;
	_ =	sdelay $0x3  }
0x4c: {  	s13 =	simm.s32 $0xC200;
	v3 =	vperm.xlane v3, v2  }
0x4d: {  	[tilespmem:s13], [sflag:$0x2] =	stream.indirect_vreg.gather [hbm4b:s3+s2], $0x80, v4, vm0, $0xb8;
	[tilespmem:$0x18200] =	vst v63  }
0x4e: {  	s15 =	simm.s32 $0xCA00;
	v3 =	vadd.s32 v1, v3  }
0x4f: {  	[tilespmem:s15], [sflag:$0x2] =	stream.indirect_vreg.gather [hbm4b:s8+s2], $0x80, v4, vm0, $0xb8;
	[tilespmem:$0x18200] =	vst v63  }
0x50: {  	s16 =	simm.s32 $0xD200  }
0x51: {  	[tilespmem:s16], [sflag:$0x2] =	stream.indirect_vreg.gather [hbm4b:s9+s2], $0x80, v4, vm0, $0xb8;
	[tilespmem:$0x18200] =	vst v63  }
0x52: {  	s1 =	simm.s32 $0xDA00  }
0x53: {  	[tilespmem:s1], [sflag:$0x2] =	stream.indirect_vreg.gather [hbm4b:s3+s2], $0x80, v3, vm0, $0xb8;
	[tilespmem:$0x18200] =	vst v63  }
0x54: {  	s13 =	simm.s32 $0xE200  }
0x55: {  	[tilespmem:s13], [sflag:$0x2] =	stream.indirect_vreg.gather [hbm4b:s8+s2], $0x80, v3, vm0, $0xb8;
	[tilespmem:$0x18200] =	vst v63  }
0x56: {  	s15 =	simm.s32 $0xEA00  }
0x57: {  	[tilespmem:s15], [sflag:$0x2] =	stream.indirect_vreg.gather [hbm4b:s9+s2], $0x80, v3, vm0, $0xb8;
	[tilespmem:$0x18200] =	vst v63  }
0x58: {  	v3 =	vld [tilespmem:$0x90];
	_ =	sdelay $0x4  }
0x59: {  	v4 =	vshrl.u32 v3, $0x3  }
0x5a: {  	v4 =	vmul.u32 $0x30, v4  }
0x5b: {  	v3 =	vand.u32 $0x7, v3  }
0x5c: {  	v3 =	vor.u32 v3, v4  }
0x5d: {  	v4 =	vperm.xlane v3, v0;
	_ =	sdelay $0x1  }
0x5e: {  	v4 =	vadd.s32 v1, v4;
	_ =	sdelay $0x3  }
0x5f: {  	s16 =	simm.s32 $0xF200;
	v3 =	vperm.xlane v3, v2  }
0x60: {  	[tilespmem:s16], [sflag:$0x2] =	stream.indirect_vreg.gather [hbm4b:s3+s2], $0x80, v4, vm0, $0xb8;
	[tilespmem:$0x18200] =	vst v63  }
0x61: {  	s1 =	simm.s32 $0xFA00;
	v3 =	vadd.s32 v1, v3  }
0x62: {  	[tilespmem:s1], [sflag:$0x2] =	stream.indirect_vreg.gather [hbm4b:s8+s2], $0x80, v4, vm0, $0xb8;
	[tilespmem:$0x18200] =	vst v63  }
0x63: {  	s13 =	simm.s32 $0x10200  }
0x64: {  	[tilespmem:s13], [sflag:$0x2] =	stream.indirect_vreg.gather [hbm4b:s9+s2], $0x80, v4, vm0, $0xb8;
	[tilespmem:$0x18200] =	vst v63  }
0x65: {  	s15 =	simm.s32 $0x10A00  }
0x66: {  	[tilespmem:s15], [sflag:$0x2] =	stream.indirect_vreg.gather [hbm4b:s3+s2], $0x80, v3, vm0, $0xb8;
	[tilespmem:$0x18200] =	vst v63  }
0x67: {  	s16 =	simm.s32 $0x11200  }
0x68: {  	[tilespmem:s16], [sflag:$0x2] =	stream.indirect_vreg.gather [hbm4b:s8+s2], $0x80, v3, vm0, $0xb8;
	[tilespmem:$0x18200] =	vst v63  }
0x69: {  	s1 =	simm.s32 $0x11A00  }
0x6a: {  	[tilespmem:s1], [sflag:$0x2] =	stream.indirect_vreg.gather [hbm4b:s9+s2], $0x80, v3, vm0, $0xb8;
	[tilespmem:$0x18200] =	vst v63  }
0x6b: {  	v3 =	vld [tilespmem:$0x20];
	_ =	sdelay $0x4  }
0x6c: {  	v4 =	vshrl.u32 v3, $0x3  }
0x6d: {  	v4 =	vmul.u32 $0x30, v4  }
0x6e: {  	v3 =	vand.u32 $0x7, v3  }
0x6f: {  	v3 =	vor.u32 v3, v4  }
0x70: {  	v4 =	vperm.xlane v3, v0;
	_ =	sdelay $0x1  }
0x71: {  	v4 =	vadd.s32 v1, v4;
	_ =	sdelay $0x3  }
0x72: {  	s13 =	simm.s32 $0x6200;
	v3 =	vperm.xlane v3, v2  }
0x73: {  	[tilespmem:s13], [sflag:$0x3] =	stream.indirect_vreg.gather [hbm4b:s3+s2], $0x80, v4, vm0, $0xb8;
	[tilespmem:$0x18200] =	vst v63  }
0x74: {  	s15 =	simm.s32 $0x6A00;
	v3 =	vadd.s32 v1, v3  }
0x75: {  	[tilespmem:s15], [sflag:$0x3] =	stream.indirect_vreg.gather [hbm4b:s8+s2], $0x80, v4, vm0, $0xb8;
	[tilespmem:$0x18200] =	vst v63  }
0x76: {  	s16 =	simm.s32 $0x7200  }
0x77: {  	[tilespmem:s16], [sflag:$0x3] =	stream.indirect_vreg.gather [hbm4b:s9+s2], $0x80, v4, vm0, $0xb8;
	[tilespmem:$0x18200] =	vst v63  }
0x78: {  	s1 =	simm.s32 $0x7A00  }
0x79: {  	[tilespmem:s1], [sflag:$0x3] =	stream.indirect_vreg.gather [hbm4b:s3+s2], $0x80, v3, vm0, $0xb8;
	[tilespmem:$0x18200] =	vst v63  }
0x7a: {  	s13 =	simm.s32 $0x8200  }
0x7b: {  	[tilespmem:s13], [sflag:$0x3] =	stream.indirect_vreg.gather [hbm4b:s8+s2], $0x80, v3, vm0, $0xb8;
	[tilespmem:$0x18200] =	vst v63  }
0x7c: {  	s15 =	simm.s32 $0x8A00  }
0x7d: {  	[tilespmem:s15], [sflag:$0x3] =	stream.indirect_vreg.gather [hbm4b:s9+s2], $0x80, v3, vm0, $0xb8;
	[tilespmem:$0x18200] =	vst v63  }
0x7e: {  	v3 =	vld [tilespmem:$0x30];
	_ =	sdelay $0x4  }
0x7f: {  	v4 =	vshrl.u32 v3, $0x3  }
0x80: {  	v4 =	vmul.u32 $0x30, v4  }
0x81: {  	v3 =	vand.u32 $0x7, v3  }
0x82: {  	v3 =	vor.u32 v3, v4  }
0x83: {  	v4 =	vperm.xlane v3, v0;
	_ =	sdelay $0x1  }
0x84: {  	v4 =	vadd.s32 v1, v4;
	_ =	sdelay $0x3  }
0x85: {  	s16 =	simm.s32 $0x9200;
	v3 =	vperm.xlane v3, v2  }
0x86: {  	[tilespmem:s16], [sflag:$0x3] =	stream.indirect_vreg.gather [hbm4b:s3+s2], $0x80, v4, vm0, $0xb8;
	[tilespmem:$0x18200] =	vst v63  }
0x87: {  	s1 =	simm.s32 $0x9A00;
	v3 =	vadd.s32 v1, v3  }
0x88: {  	[tilespmem:s1], [sflag:$0x3] =	stream.indirect_vreg.gather [hbm4b:s8+s2], $0x80, v4, vm0, $0xb8;
	[tilespmem:$0x18200] =	vst v63  }
0x89: {  	s13 =	simm.s32 $0xA200  }
0x8a: {  	[tilespmem:s13], [sflag:$0x3] =	stream.indirect_vreg.gather [hbm4b:s9+s2], $0x80, v4, vm0, $0xb8;
	[tilespmem:$0x18200] =	vst v63  }
0x8b: {  	s15 =	simm.s32 $0xAA00  }
0x8c: {  	[tilespmem:s15], [sflag:$0x3] =	stream.indirect_vreg.gather [hbm4b:s3+s2], $0x80, v3, vm0, $0xb8;
	[tilespmem:$0x18200] =	vst v63  }
0x8d: {  	s16 =	simm.s32 $0xB200  }
0x8e: {  	[tilespmem:s16], [sflag:$0x3] =	stream.indirect_vreg.gather [hbm4b:s8+s2], $0x80, v3, vm0, $0xb8;
	[tilespmem:$0x18200] =	vst v63  }
0x8f: {  	s1 =	simm.s32 $0xBA00  }
0x90: {  	[tilespmem:s1], [sflag:$0x3] =	stream.indirect_vreg.gather [hbm4b:s9+s2], $0x80, v3, vm0, $0xb8;
	[tilespmem:$0x18200] =	vst v63  }
0x91: {  	v3 =	vld [tilespmem:$0xA0];
	_ =	sdelay $0x4  }
0x92: {  	v4 =	vshrl.u32 v3, $0x3  }
0x93: {  	v4 =	vmul.u32 $0x30, v4  }
0x94: {  	v3 =	vand.u32 $0x7, v3  }
0x95: {  	v3 =	vor.u32 v3, v4  }
0x96: {  	v4 =	vperm.xlane v3, v0;
	_ =	sdelay $0x1  }
0x97: {  	v4 =	vadd.s32 v1, v4;
	_ =	sdelay $0x3  }
0x98: {  	s13 =	simm.s32 $0x12200;
	v3 =	vperm.xlane v3, v2  }
0x99: {  	[tilespmem:s13], [sflag:$0x4] =	stream.indirect_vreg.gather [hbm4b:s3+s2], $0x80, v4, vm0, $0xb8;
	[tilespmem:$0x18200] =	vst v63  }
0x9a: {  	s15 =	simm.s32 $0x12A00;
	v3 =	vadd.s32 v1, v3  }
0x9b: {  	[tilespmem:s15], [sflag:$0x4] =	stream.indirect_vreg.gather [hbm4b:s8+s2], $0x80, v4, vm0, $0xb8;
	[tilespmem:$0x18200] =	vst v63  }
0x9c: {  	s16 =	simm.s32 $0x13200  }
0x9d: {  	[tilespmem:s16], [sflag:$0x4] =	stream.indirect_vreg.gather [hbm4b:s9+s2], $0x80, v4, vm0, $0xb8;
	[tilespmem:$0x18200] =	vst v63  }
0x9e: {  	s1 =	simm.s32 $0x13A00  }
0x9f: {  	[tilespmem:s1], [sflag:$0x4] =	stream.indirect_vreg.gather [hbm4b:s3+s2], $0x80, v3, vm0, $0xb8;
	[tilespmem:$0x18200] =	vst v63  }
0xa0: {  	s13 =	simm.s32 $0x14200  }
0xa1: {  	[tilespmem:s13], [sflag:$0x4] =	stream.indirect_vreg.gather [hbm4b:s8+s2], $0x80, v3, vm0, $0xb8;
	[tilespmem:$0x18200] =	vst v63  }
0xa2: {  	_ = 	snop  }
0xa3: {  	[tilespmem:s17], [sflag:$0x4] =	stream.indirect_vreg.gather [hbm4b:s9+s2], $0x80, v3, vm0, $0xb8;
	[tilespmem:$0x18200] =	vst v63  }
0xa4: {  	v3 =	vld [tilespmem:$0xB0];
	_ =	sdelay $0x4  }
0xa5: {  	v4 =	vshrl.u32 v3, $0x3  }
0xa6: {  	v4 =	vmul.u32 $0x30, v4  }
0xa7: {  	v3 =	vand.u32 $0x7, v3  }
0xa8: {  	v3 =	vor.u32 v3, v4  }
0xa9: {  	v4 =	vperm.xlane v3, v0;
	_ =	sdelay $0x1  }
0xaa: {  	v4 =	vadd.s32 v1, v4;
	_ =	sdelay $0x3  }
0xab: {  	v3 =	vperm.xlane v3, v2  }
0xac: {  	[tilespmem:s18], [sflag:$0x4] =	stream.indirect_vreg.gather [hbm4b:s3+s2], $0x80, v4, vm0, $0xb8;
	[tilespmem:$0x18200] =	vst v63  }
0xad: {  	v3 =	vadd.s32 v1, v3  }
0xae: {  	[tilespmem:s19], [sflag:$0x4] =	stream.indirect_vreg.gather [hbm4b:s8+s2], $0x80, v4, vm0, $0xb8;
	[tilespmem:$0x18200] =	vst v63  }
0xaf: {  	_ = 	snop  }
0xb0: {  	[tilespmem:s20], [sflag:$0x4] =	stream.indirect_vreg.gather [hbm4b:s9+s2], $0x80, v4, vm0, $0xb8;
	[tilespmem:$0x18200] =	vst v63  }
0xb1: {  	_ = 	snop  }
0xb2: {  	[tilespmem:s21], [sflag:$0x4] =	stream.indirect_vreg.gather [hbm4b:s3+s2], $0x80, v3, vm0, $0xb8;
	[tilespmem:$0x18200] =	vst v63  }
0xb3: {  	_ = 	snop  }
0xb4: {  	[tilespmem:s22], [sflag:$0x4] =	stream.indirect_vreg.gather [hbm4b:s8+s2], $0x80, v3, vm0, $0xb8;
	[tilespmem:$0x18200] =	vst v63  }
0xb5: {  	_ = 	snop  }
0xb6: {  	[tilespmem:s23], [sflag:$0x4] =	stream.indirect_vreg.gather [hbm4b:s9+s2], $0x80, v3, vm0, $0xb8;
	[tilespmem:$0x18200] =	vst v63  }
0xb7: {  	_ =	swait.ge [sflag:s24], $0x6000  }
0xb8: {  	[sflag:s24] =	ssyncset.done $0x0  }
0xb9: {  	s15 =	simm.s32 $0x0;
	[sflag:s24] =	ssyncadd.s32 $0xFFFFA000  }
0xba: {  	s0 =	smul.u32 $0x1800, s15;
	_ =	swait.ge [sflag:s25], $0x6000  }
0xbb: {  	s1 =	sand.u32 $0x380, s2;
	[sflag:s25] =	ssyncset.done $0x0  }
0xbc: {  	s13 =	sor.u32 s1, s0;
	[sflag:s25] =	ssyncadd.s32 $0xFFFFA000  }
0xbd: {  	v4 =	vld [tilespmem:s13+$0x210]  }
0xbe: {  	v3 =	vld [tilespmem:s13+$0xC210]  }
0xbf: {  	v6 =	vld [tilespmem:s13+$0x220]  }
0xc0: {  	v5 =	vld [tilespmem:s13+$0xC220]  }
0xc1: {  	v10 =	vld [tilespmem:s13+$0x230]  }
0xc2: {  	v9 =	vld [tilespmem:s13+$0xC230]  }
0xc3: {  	v12 =	vld [tilespmem:s13+$0x240]  }
0xc4: {  	v11 =	vld [tilespmem:s13+$0xC240]  }
0xc5: {  	v13 =	vld [tilespmem:s13+$0x260]  }
0xc6: {  	v14 =	vld [tilespmem:s13+$0x270]  }
0xc7: {  	v15 =	vld [tilespmem:s13+$0x600]  }
0xc8: {  	v16 =	vld [tilespmem:s13+$0x610]  }
0xc9: {  	v17 =	vld [tilespmem:s13+$0x620]  }
0xca: {  	v18 =	vld [tilespmem:s13+$0x630]  }
0xcb: {  	v19 =	vld [tilespmem:s13+$0x640]  }
0xcc: {  	v20 =	vld [tilespmem:s13+$0x650]  }
0xcd: {  	v21 =	vld [tilespmem:s13+$0x660]  }
0xce: {  	v22 =	vld [tilespmem:s13+$0x670]  }
0xcf: {  	v23 =	vld [tilespmem:s13+$0xA00]  }
0xd0: {  	v24 =	vld [tilespmem:s13+$0xA10]  }
0xd1: {  	v25 =	vld [tilespmem:s13+$0xA20]  }
0xd2: {  	v26 =	vld [tilespmem:s13+$0xA30]  }
0xd3: {  	v27 =	vld [tilespmem:s13+$0xA40]  }
0xd4: {  	v28 =	vld [tilespmem:s13+$0xA50]  }
0xd5: {  	v29 =	vld [tilespmem:s13+$0xA60]  }
0xd6: {  	v30 =	vld [tilespmem:s13+$0xA70]  }
0xd7: {  	v31 =	vld [tilespmem:s13+$0xE00]  }
0xd8: {  	v32 =	vld [tilespmem:s13+$0xE10]  }
0xd9: {  	v33 =	vld [tilespmem:s13+$0xE20]  }
0xda: {  	v34 =	vld [tilespmem:s13+$0xE30]  }
0xdb: {  	v35 =	vld [tilespmem:s13+$0xE40]  }
0xdc: {  	v36 =	vld [tilespmem:s13+$0xE50]  }
0xdd: {  	v37 =	vld [tilespmem:s13+$0xE60]  }
0xde: {  	v38 =	vld [tilespmem:s13+$0xE70]  }
0xdf: {  	v39 =	vld [tilespmem:s13+$0x1200]  }
0xe0: {  	v40 =	vld [tilespmem:s13+$0x1210]  }
0xe1: {  	v41 =	vld [tilespmem:s13+$0x1220]  }
0xe2: {  	v42 =	vld [tilespmem:s13+$0x1230]  }
0xe3: {  	v43 =	vld [tilespmem:s13+$0x1240]  }
0xe4: {  	v45 =	vld [tilespmem:s13+$0x1260]  }
0xe5: {  	v46 =	vld [tilespmem:s13+$0x1600]  }
0xe6: {  	v47 =	vld [tilespmem:s13+$0x1610]  }
0xe7: {  	v48 =	vld [tilespmem:s13+$0xD610]  }
0xe8: {  	v49 =	vld [tilespmem:s13+$0xD630]  }
0xe9: {  	v50 =	vld [tilespmem:s13+$0x1620]  }
0xea: {  	v7 =	vld.msk [tilespmem:s30+$0x0 ss:$0x0], $0xffff  }
0xeb: {  	v8 =	vld.msk [tilespmem:s31+$0x0 ss:$0x0], $0xffff  }
0xec: {  	v51 =	vld [tilespmem:s13+$0x1630]  }
0xed: {  	v52 =	vld [tilespmem:s13+$0xD620]  }
0xee: {  	v53 =	vld [tilespmem:s13+$0xD600]  }
0xef: {  	v54 =	vld [tilespmem:s13+$0x1270]  }
0xf0: {  	v55 =	vld [tilespmem:s13+$0xD270]  }
0xf1: {  	v57 =	vld [tilespmem:s13+$0xD250];
	v51 =	vmul.f32 v51, v7  }
0xf2: {  	v56 =	vld [tilespmem:s13+$0xD260];
	v49 =	vmul.f32 v49, v8;
	v50 =	vmul.f32 v50, v7  }
0xf3: {  	v44 =	vld [tilespmem:s13+$0x1250];
	v52 =	vmul.f32 v52, v8;
	v47 =	vmul.f32 v47, v7  }
0xf4: {  	v58 =	vld [tilespmem:s13+$0xD240];
	v48 =	vmul.f32 v48, v8;
	v46 =	vmul.f32 v46, v7  }
0xf5: {  	v63 =	vmul.f32 v53, v8;
	v53 =	vld [tilespmem:s13+$0xD230];
	v59 =	vmul.f32 v54, v7;
	v49 =	vadd.f32 v49, v51  }
0xf6: {  	v60 =	vmul.f32 v55, v8;
	v62 =	vmul.f32 v57, v8;
	v57 =	vld [tilespmem:s13+$0xCE60];
	v50 =	vadd.f32 v52, v50  }
0xf7: {  	v45 =	vmul.f32 v45, v7;
	v61 =	vmul.f32 v56, v8;
	v55 =	vld [tilespmem:s13+$0xCA70];
	v47 =	vadd.f32 v48, v47;
	[tilespmem:s13+$0x1630] =	vst v49  }
0xf8: {  	v44 =	vmul.f32 v44, v7;
	v43 =	vmul.f32 v43, v7;
	v56 =	vld [tilespmem:s13+$0xCA60];
	v46 =	vadd.f32 v63, v46;
	[tilespmem:s13+$0x1620] =	vst v50  }
0xf9: {  	v42 =	vmul.f32 v42, v7;
	v41 =	vmul.f32 v41, v7;
	v48 =	vld [tilespmem:s13+$0xD220];
	v52 =	vadd.f32 v60, v59;
	[tilespmem:s13+$0x1610] =	vst v47  }
0xfa: {  	v12 =	vmul.f32 v12, v7;
	v11 =	vmul.f32 v11, v8;
	v45 =	vadd.f32 v61, v45;
	v59 =	vld [tilespmem:s13+$0xCE50];
	[tilespmem:s13+$0x1600] =	vst v46  }
0xfb: {  	v40 =	vmul.f32 v40, v7;
	v63 =	vmul.f32 v58, v8;
	v44 =	vadd.f32 v62, v44;
	v60 =	vld [tilespmem:s13+$0xCE40];
	[tilespmem:s13+$0x1270] =	vst v52  }
0xfc: {  	v39 =	vmul.f32 v39, v7;
	v61 =	vld [tilespmem:s13+$0xCE30];
	v11 =	vadd.f32 v11, v12;
	[tilespmem:s13+$0x1260] =	vst v45;
	v58 =	vmul.f32 v53, v8  }
0xfd: {  	v37 =	vmul.f32 v37, v7;
	v62 =	vld [tilespmem:s13+$0xCE20];
	v43 =	vadd.f32 v63, v43;
	[tilespmem:s13+$0x1250] =	vst v44;
	v46 =	vmul.f32 v57, v8  }
0xfe: {  	v38 =	vmul.f32 v38, v7;
	v49 =	vld [tilespmem:s13+$0xD210];
	[tilespmem:s13+$0x240] =	vst v11;
	v48 =	vmul.f32 v48, v8;
	v42 =	vadd.f32 v58, v42  }
0xff: {  	v36 =	vmul.f32 v36, v7;
	v50 =	vld [tilespmem:s13+$0xD200];
	[tilespmem:s13+$0x1240] =	vst v43;
	v54 =	vmul.f32 v59, v8;
	v37 =	vadd.f32 v46, v37  }
0x100: {  	v35 =	vmul.f32 v35, v7;
	v47 =	vld [tilespmem:s13+$0xCE70];
	v45 =	vmul.f32 v60, v8;
	v41 =	vadd.f32 v48, v41;
	[tilespmem:s13+$0x1230] =	vst v42  }
0x101: {  	v34 =	vmul.f32 v34, v7;
	v63 =	vld [tilespmem:s13+$0xCE10];
	v44 =	vmul.f32 v61, v8;
	v36 =	vadd.f32 v54, v36;
	[tilespmem:s13+$0xE60] =	vst v37  }
0x102: {  	v33 =	vmul.f32 v33, v7;
	v53 =	vld [tilespmem:s13+$0xCE00];
	v43 =	vmul.f32 v62, v8;
	v35 =	vadd.f32 v45, v35;
	[tilespmem:s13+$0x1220] =	vst v41  }
0x103: {  	v32 =	vmul.f32 v32, v7;
	v58 =	vld [tilespmem:s13+$0xCA40];
	v49 =	vmul.f32 v49, v8;
	v34 =	vadd.f32 v44, v34;
	[tilespmem:s13+$0xE50] =	vst v36  }
0x104: {  	v31 =	vmul.f32 v31, v7;
	v59 =	vld [tilespmem:s13+$0xCA30];
	v50 =	vmul.f32 v50, v8;
	v33 =	vadd.f32 v43, v33;
	[tilespmem:s13+$0xE40] =	vst v35  }
0x105: {  	v6 =	vmul.f32 v6, v7;
	v60 =	vld [tilespmem:s13+$0xCA20];
	v47 =	vmul.f32 v47, v8;
	v40 =	vadd.f32 v49, v40;
	[tilespmem:s13+$0xE30] =	vst v34  }
0x106: {  	v5 =	vmul.f32 v5, v8;
	v61 =	vld [tilespmem:s13+$0xCA10];
	v42 =	vmul.f32 v63, v8;
	v39 =	vadd.f32 v50, v39;
	[tilespmem:s13+$0xE20] =	vst v33  }
0x107: {  	v27 =	vmul.f32 v27, v7;
	v12 =	vld [tilespmem:s13+$0x1660];
	v38 =	vadd.f32 v47, v38;
	v41 =	vmul.f32 v53, v8;
	[tilespmem:s13+$0x1210] =	vst v40  }
0x108: {  	v5 =	vadd.f32 v5, v6;
	v6 =	vld [tilespmem:s13+$0x200];
	v32 =	vadd.f32 v42, v32;
	v37 =	vmul.f32 v58, v8;
	[tilespmem:s13+$0x1200] =	vst v39  }
0x109: {  	v26 =	vmul.f32 v26, v7;
	v57 =	vld [tilespmem:s13+$0xCA50];
	v36 =	vmul.f32 v59, v8;
	[tilespmem:s13+$0xE70] =	vst v38;
	v31 =	vadd.f32 v41, v31  }
0x10a: {  	v25 =	vmul.f32 v25, v7;
	v62 =	vld [tilespmem:s13+$0xCA00];
	v35 =	vmul.f32 v60, v8;
	[tilespmem:s13+$0xE10] =	vst v32;
	v27 =	vadd.f32 v37, v27  }
0x10b: {  	v24 =	vmul.f32 v24, v7;
	v63 =	vld [tilespmem:s13+$0xC670];
	v34 =	vmul.f32 v61, v8;
	v26 =	vadd.f32 v36, v26;
	[tilespmem:s13+$0xE00] =	vst v31  }
0x10c: {  	v30 =	vmul.f32 v30, v7;
	v40 =	vmul.f32 v55, v8;
	v25 =	vadd.f32 v35, v25;
	v31 =	vld [tilespmem:s13+$0xC660];
	[tilespmem:s13+$0xA40] =	vst v27  }
0x10d: {  	v29 =	vmul.f32 v29, v7;
	v39 =	vmul.f32 v56, v8;
	v24 =	vadd.f32 v34, v24;
	v27 =	vld [tilespmem:s13+$0xC620];
	[tilespmem:s13+$0xA30] =	vst v26  }
0x10e: {  	v28 =	vmul.f32 v28, v7;
	v38 =	vmul.f32 v57, v8;
	v30 =	vadd.f32 v40, v30;
	v26 =	vld [tilespmem:s13+$0xC610];
	[tilespmem:s13+$0xA20] =	vst v25  }
0x10f: {  	v23 =	vmul.f32 v23, v7;
	v33 =	vmul.f32 v62, v8;
	v29 =	vadd.f32 v39, v29;
	v25 =	vld [tilespmem:s13+$0xC600];
	[tilespmem:s13+$0xA10] =	vst v24  }
0x110: {  	v22 =	vmul.f32 v22, v7;
	v32 =	vmul.f32 v63, v8;
	v28 =	vadd.f32 v38, v28;
	[tilespmem:s13+$0xA70] =	vst v30;
	v30 =	vld [tilespmem:s13+$0xC650]  }
0x111: {  	v21 =	vmul.f32 v21, v7;
	v23 =	vadd.f32 v33, v23;
	[tilespmem:s13+$0xA60] =	vst v29;
	v29 =	vld [tilespmem:s13+$0xC640];
	v31 =	vmul.f32 v31, v8  }
0x112: {  	v17 =	vmul.f32 v17, v7;
	v22 =	vadd.f32 v32, v22;
	[tilespmem:s13+$0xA50] =	vst v28;
	v28 =	vld [tilespmem:s13+$0xC630];
	v27 =	vmul.f32 v27, v8  }
0x113: {  	v16 =	vmul.f32 v16, v7;
	[tilespmem:s13+$0xA00] =	vst v23;
	v23 =	vld [tilespmem:s13+$0xC260];
	v26 =	vmul.f32 v26, v8;
	v21 =	vadd.f32 v31, v21  }
0x114: {  	v15 =	vmul.f32 v15, v7;
	v24 =	vld [tilespmem:s13+$0xC270];
	[tilespmem:s13+$0x670] =	vst v22;
	v25 =	vmul.f32 v25, v8;
	v17 =	vadd.f32 v27, v17  }
0x115: {  	v20 =	vmul.f32 v20, v7;
	v22 =	vld [tilespmem:s13+$0x250];
	v30 =	vmul.f32 v30, v8;
	v16 =	vadd.f32 v26, v16;
	[tilespmem:s13+$0x660] =	vst v21  }
0x116: {  	v19 =	vmul.f32 v19, v7;
	v29 =	vmul.f32 v29, v8;
	v15 =	vadd.f32 v25, v15;
	v21 =	vld [tilespmem:s13+$0xC250];
	[tilespmem:s13+$0x620] =	vst v17  }
0x117: {  	v18 =	vmul.f32 v18, v7;
	v28 =	vmul.f32 v28, v8;
	v20 =	vadd.f32 v30, v20;
	v17 =	vld [tilespmem:s13+$0x1640];
	[tilespmem:s13+$0x610] =	vst v16  }
0x118: {  	v13 =	vmul.f32 v13, v7;
	v23 =	vmul.f32 v23, v8;
	v19 =	vadd.f32 v29, v19;
	[tilespmem:s13+$0x600] =	vst v15;
	v15 =	vld [tilespmem:s13+$0x1650]  }
0x119: {  	v14 =	vmul.f32 v14, v7;
	v24 =	vmul.f32 v24, v8;
	v18 =	vadd.f32 v28, v18;
	[tilespmem:s13+$0x650] =	vst v20;
	v20 =	vld [tilespmem:s13+$0xD640]  }
0x11a: {  	v10 =	vmul.f32 v10, v7;
	v9 =	vmul.f32 v9, v8;
	v13 =	vadd.f32 v23, v13;
	[tilespmem:s13+$0x640] =	vst v19;
	v19 =	vld [tilespmem:s13+$0xD650]  }
0x11b: {  	v4 =	vmul.f32 v4, v7;
	v3 =	vmul.f32 v3, v8;
	v14 =	vadd.f32 v24, v14;
	[tilespmem:s13+$0x630] =	vst v18;
	v18 =	vld [tilespmem:s13+$0xD660]  }
0x11c: {  	v9 =	vadd.f32 v9, v10;
	v10 =	vmul.f32 v22, v7;
	v16 =	vld [tilespmem:s13+$0xD670];
	[tilespmem:s13+$0x260] =	vst v13;
	v13 =	vmul.f32 v21, v8  }
0x11d: {  	v3 =	vadd.f32 v3, v4;
	[tilespmem:s13+$0x270] =	vst v14;
	v14 =	vld [tilespmem:s13+$0x1670]  }
0x11e: {  	s16 =	simm.s32 $0x0;
	[tilespmem:s13+$0x230] =	vst v9;
	v9 =	vld [tilespmem:s13+$0xC200];
	v11 =	vmul.f32 v17, v7;
	v17 =	vmul.f32 v20, v8;
	v4 =	vadd.f32 v13, v10  }
0x11f: {  	s0 =	smul.u32 $0x1800, s16;
	s1 =	simm.s32 $0x80;
	[tilespmem:s13+$0x220] =	vst v5;
	v5 =	vmul.f32 v15, v7;
	v10 =	vmul.f32 v19, v8  }
0x120: {  	s15 =	sand.u32 $0x380, s1;
	v11 =	vadd.f32 v17, v11;
	[tilespmem:s13+$0x250] =	vst v4;
	v4 =	vmul.f32 v12, v7;
	v12 =	vmul.f32 v18, v8  }
0x121: {  	s0 =	sor.u32 s15, s0;
	[tilespmem:s13+$0x210] =	vst v3;
	v5 =	vadd.f32 v10, v5  }
0x122: {  	v3 =	vld [tilespmem:s0+$0x210];
	v10 =	vmul.f32 v14, v7;
	[tilespmem:s13+$0x1640] =	vst v11;
	v11 =	vmul.f32 v16, v8;
	v12 =	vadd.f32 v12, v4  }
0x123: {  	v7 =	vmul.f32 v6, v7;
	v8 =	vmul.f32 v9, v8;
	v4 =	vld [tilespmem:s0+$0xC210];
	[tilespmem:s13+$0x1650] =	vst v5  }
0x124: {  	v9 =	vadd.f32 v11, v10;
	v6 =	vld [tilespmem:s0+$0x220];
	[tilespmem:s13+$0x1660] =	vst v12  }
0x125: {  	v7 =	vadd.f32 v8, v7;
	v5 =	vld [tilespmem:s0+$0xC220]  }
0x126: {  	v8 =	vld [tilespmem:s0+$0x230];
	[tilespmem:s13+$0x1670] =	vst v9  }
0x127: {  	v18 =	vld [tilespmem:s0+$0x630];
	[tilespmem:s13+$0x200] =	vst v7  }
0x128: {  	v7 =	vld [tilespmem:s0+$0xC230]  }
0x129: {  	v10 =	vld [tilespmem:s0+$0x240]  }
0x12a: {  	v9 =	vld [tilespmem:s0+$0xC240]  }
0x12b: {  	v12 =	vld [tilespmem:s0+$0x250]  }
0x12c: {  	v11 =	vld [tilespmem:s0+$0xC250]  }
0x12d: {  	v13 =	vld [tilespmem:s0+$0x260]  }
0x12e: {  	v14 =	vld [tilespmem:s0+$0x270]  }
0x12f: {  	v15 =	vld [tilespmem:s0+$0x600]  }
0x130: {  	v16 =	vld [tilespmem:s0+$0x610]  }
0x131: {  	v17 =	vld [tilespmem:s0+$0x620]  }
0x132: {  	v19 =	vld [tilespmem:s0+$0x640]  }
0x133: {  	v20 =	vld [tilespmem:s0+$0x650]  }
0x134: {  	v21 =	vld [tilespmem:s0+$0x660]  }
0x135: {  	v22 =	vld [tilespmem:s0+$0x670]  }
0x136: {  	v23 =	vld [tilespmem:s0+$0xA00]  }
0x137: {  	v24 =	vld [tilespmem:s0+$0xA10]  }
0x138: {  	v25 =	vld [tilespmem:s0+$0xA20]  }
0x139: {  	v26 =	vld [tilespmem:s0+$0xA30]  }
0x13a: {  	v27 =	vld [tilespmem:s0+$0xA40]  }
0x13b: {  	v28 =	vld [tilespmem:s0+$0xA50]  }
0x13c: {  	v29 =	vld [tilespmem:s0+$0xA60]  }
0x13d: {  	v30 =	vld [tilespmem:s0+$0xA70]  }
0x13e: {  	v32 =	vld [tilespmem:s0+$0xE00]  }
0x13f: {  	v34 =	vld [tilespmem:s0+$0xE10]  }
0x140: {  	v35 =	vld [tilespmem:s0+$0xE20]  }
0x141: {  	v36 =	vld [tilespmem:s0+$0xE30]  }
0x142: {  	v37 =	vld [tilespmem:s0+$0xE40]  }
0x143: {  	v38 =	vld [tilespmem:s0+$0xE50]  }
0x144: {  	v39 =	vld [tilespmem:s0+$0xE60]  }
0x145: {  	v40 =	vld [tilespmem:s0+$0xE70]  }
0x146: {  	v41 =	vld [tilespmem:s0+$0x1200]  }
0x147: {  	v42 =	vld [tilespmem:s0+$0x1210]  }
0x148: {  	v43 =	vld [tilespmem:s0+$0x1220]  }
0x149: {  	v44 =	vld [tilespmem:s0+$0x1230]  }
0x14a: {  	v45 =	vld [tilespmem:s0+$0x1240]  }
0x14b: {  	v46 =	vld [tilespmem:s0+$0x1250]  }
0x14c: {  	v47 =	vld [tilespmem:s0+$0x1260]  }
0x14d: {  	v48 =	vld [tilespmem:s0+$0x1600]  }
0x14e: {  	v50 =	vld [tilespmem:s0+$0x1610]  }
0x14f: {  	v49 =	vld [tilespmem:s0+$0xD610]  }
0x150: {  	s13 =	simm.s32 $0x2;
	v51 =	vld [tilespmem:s0+$0xD630]  }
.LBB2_2:
0x151: {  	p0 =	sne.s32 s13, $0x1F;
	v52 =	vld [tilespmem:s0+$0x1620];
	s30 =	sadd.s32 $0x1, s30  }
0x152: {  	s31 =	sadd.s32 $0x1, s31;
	v33 =	vld.msk [tilespmem:s30+$0x0 ss:$0x0], $0xffff  }
0x153: {  	v31 =	vld.msk [tilespmem:s31+$0x0 ss:$0x0], $0xffff  }
0x154: {  	v53 =	vld [tilespmem:s0+$0x1630]  }
0x155: {  	v54 =	vld [tilespmem:s0+$0xD620]  }
0x156: {  	v55 =	vld [tilespmem:s0+$0xD600]  }
0x157: {  	v56 =	vld [tilespmem:s0+$0x1270]  }
0x158: {  	v50 =	vmul.f32 v50, v33;
	v52 =	vmul.f32 v52, v33;
	v57 =	vld [tilespmem:s0+$0xD270]  }
0x159: {  	v51 =	vmul.f32 v51, v31;
	v58 =	vld [tilespmem:s0+$0xD260];
	v53 =	vmul.f32 v53, v33  }
0x15a: {  	v49 =	vmul.f32 v49, v31;
	v59 =	vld [tilespmem:s0+$0xD250];
	v54 =	vmul.f32 v54, v31  }
0x15b: {  	v48 =	vmul.f32 v48, v33;
	v60 =	vld [tilespmem:s0+$0xD240];
	v55 =	vmul.f32 v55, v31;
	v51 =	vadd.f32 v51, v53  }
0x15c: {  	v49 =	vadd.f32 v49, v50;
	v53 =	vld [tilespmem:s0+$0xD230];
	v56 =	vmul.f32 v56, v33;
	v50 =	vadd.f32 v54, v52  }
0x15d: {  	v47 =	vmul.f32 v47, v33;
	v52 =	vld [tilespmem:s0+$0xD220];
	v54 =	vmul.f32 v57, v31;
	v48 =	vadd.f32 v55, v48;
	[tilespmem:s0+$0x1630] =	vst v51  }
0x15e: {  	v46 =	vmul.f32 v46, v33;
	v51 =	vld [tilespmem:s0+$0xD210];
	v55 =	vmul.f32 v58, v31;
	[tilespmem:s0+$0x1620] =	vst v50  }
0x15f: {  	v45 =	vmul.f32 v45, v33;
	v50 =	vld [tilespmem:s0+$0xD200];
	v57 =	vmul.f32 v59, v31;
	v54 =	vadd.f32 v54, v56;
	[tilespmem:s0+$0x1610] =	vst v49  }
0x160: {  	v44 =	vmul.f32 v44, v33;
	v49 =	vld [tilespmem:s0+$0xCE70];
	v56 =	vmul.f32 v60, v31;
	v47 =	vadd.f32 v55, v47;
	[tilespmem:s0+$0x1600] =	vst v48  }
0x161: {  	v43 =	vmul.f32 v43, v33;
	v48 =	vld [tilespmem:s0+$0xCE60];
	v53 =	vmul.f32 v53, v31;
	v46 =	vadd.f32 v57, v46;
	[tilespmem:s0+$0x1270] =	vst v54  }
0x162: {  	v42 =	vmul.f32 v42, v33;
	v54 =	vld [tilespmem:s0+$0xCE50];
	v52 =	vmul.f32 v52, v31;
	v45 =	vadd.f32 v56, v45;
	[tilespmem:s0+$0x1260] =	vst v47  }
0x163: {  	v41 =	vmul.f32 v41, v33;
	v47 =	vld [tilespmem:s0+$0xCE40];
	v51 =	vmul.f32 v51, v31;
	v44 =	vadd.f32 v53, v44;
	[tilespmem:s0+$0x1250] =	vst v46  }
0x164: {  	v40 =	vmul.f32 v40, v33;
	v46 =	vld [tilespmem:s0+$0xCE30];
	v50 =	vmul.f32 v50, v31;
	v43 =	vadd.f32 v52, v43;
	[tilespmem:s0+$0x1240] =	vst v45  }
0x165: {  	v39 =	vmul.f32 v39, v33;
	v45 =	vld [tilespmem:s0+$0xCE20];
	v49 =	vmul.f32 v49, v31;
	v42 =	vadd.f32 v51, v42;
	[tilespmem:s0+$0x1230] =	vst v44  }
0x166: {  	v38 =	vmul.f32 v38, v33;
	v44 =	vld [tilespmem:s0+$0xCE10];
	v48 =	vmul.f32 v48, v31;
	v41 =	vadd.f32 v50, v41;
	[tilespmem:s0+$0x1220] =	vst v43  }
0x167: {  	v37 =	vmul.f32 v37, v33;
	v43 =	vld [tilespmem:s0+$0xCE00];
	v50 =	vmul.f32 v54, v31;
	v40 =	vadd.f32 v49, v40;
	[tilespmem:s0+$0x1210] =	vst v42  }
0x168: {  	v36 =	vmul.f32 v36, v33;
	v42 =	vld [tilespmem:s0+$0xCA70];
	v47 =	vmul.f32 v47, v31;
	v39 =	vadd.f32 v48, v39;
	[tilespmem:s0+$0x1200] =	vst v41  }
0x169: {  	v35 =	vmul.f32 v35, v33;
	v41 =	vld [tilespmem:s0+$0xCA60];
	v46 =	vmul.f32 v46, v31;
	v38 =	vadd.f32 v50, v38;
	[tilespmem:s0+$0xE70] =	vst v40  }
0x16a: {  	v34 =	vmul.f32 v34, v33;
	v40 =	vld [tilespmem:s0+$0xCA50];
	v45 =	vmul.f32 v45, v31;
	v37 =	vadd.f32 v47, v37;
	[tilespmem:s0+$0xE60] =	vst v39  }
0x16b: {  	v32 =	vmul.f32 v32, v33;
	v39 =	vld [tilespmem:s0+$0xCA40];
	v44 =	vmul.f32 v44, v31;
	v36 =	vadd.f32 v46, v36;
	[tilespmem:s0+$0xE50] =	vst v38  }
0x16c: {  	v30 =	vmul.f32 v30, v33;
	v38 =	vld [tilespmem:s0+$0xCA30];
	v43 =	vmul.f32 v43, v31;
	v35 =	vadd.f32 v45, v35;
	[tilespmem:s0+$0xE40] =	vst v37  }
0x16d: {  	v29 =	vmul.f32 v29, v33;
	v37 =	vld [tilespmem:s0+$0xCA20];
	v42 =	vmul.f32 v42, v31;
	v34 =	vadd.f32 v44, v34;
	[tilespmem:s0+$0xE30] =	vst v36  }
0x16e: {  	v28 =	vmul.f32 v28, v33;
	v36 =	vld [tilespmem:s0+$0xCA10];
	v41 =	vmul.f32 v41, v31;
	v32 =	vadd.f32 v43, v32;
	[tilespmem:s0+$0xE20] =	vst v35  }
0x16f: {  	v27 =	vmul.f32 v27, v33;
	v35 =	vld [tilespmem:s0+$0xCA00];
	v40 =	vmul.f32 v40, v31;
	v30 =	vadd.f32 v42, v30;
	[tilespmem:s0+$0xE10] =	vst v34  }
0x170: {  	v26 =	vmul.f32 v26, v33;
	v34 =	vld [tilespmem:s0+$0xC670];
	v39 =	vmul.f32 v39, v31;
	v29 =	vadd.f32 v41, v29;
	[tilespmem:s0+$0xE00] =	vst v32  }
0x171: {  	v25 =	vmul.f32 v25, v33;
	v32 =	vld [tilespmem:s0+$0xC660];
	v38 =	vmul.f32 v38, v31;
	v28 =	vadd.f32 v40, v28;
	[tilespmem:s0+$0xA70] =	vst v30  }
0x172: {  	v24 =	vmul.f32 v24, v33;
	v30 =	vld [tilespmem:s0+$0xC650];
	v37 =	vmul.f32 v37, v31;
	v27 =	vadd.f32 v39, v27;
	[tilespmem:s0+$0xA60] =	vst v29  }
0x173: {  	v23 =	vmul.f32 v23, v33;
	v29 =	vld [tilespmem:s0+$0xC640];
	v36 =	vmul.f32 v36, v31;
	v26 =	vadd.f32 v38, v26;
	[tilespmem:s0+$0xA50] =	vst v28  }
0x174: {  	v22 =	vmul.f32 v22, v33;
	v28 =	vld [tilespmem:s0+$0xC630];
	v35 =	vmul.f32 v35, v31;
	v25 =	vadd.f32 v37, v25;
	[tilespmem:s0+$0xA40] =	vst v27  }
0x175: {  	v21 =	vmul.f32 v21, v33;
	v27 =	vld [tilespmem:s0+$0xC620];
	v34 =	vmul.f32 v34, v31;
	v24 =	vadd.f32 v36, v24;
	[tilespmem:s0+$0xA30] =	vst v26  }
0x176: {  	v20 =	vmul.f32 v20, v33;
	v26 =	vld [tilespmem:s0+$0xC610];
	v32 =	vmul.f32 v32, v31;
	v23 =	vadd.f32 v35, v23;
	[tilespmem:s0+$0xA20] =	vst v25  }
0x177: {  	v19 =	vmul.f32 v19, v33;
	v25 =	vld [tilespmem:s0+$0xC600];
	v30 =	vmul.f32 v30, v31;
	v22 =	vadd.f32 v34, v22;
	[tilespmem:s0+$0xA10] =	vst v24  }
0x178: {  	v18 =	vmul.f32 v18, v33;
	v24 =	vld [tilespmem:s0+$0xC270];
	v29 =	vmul.f32 v29, v31;
	v21 =	vadd.f32 v32, v21;
	[tilespmem:s0+$0xA00] =	vst v23  }
0x179: {  	v17 =	vmul.f32 v17, v33;
	v23 =	vld [tilespmem:s0+$0xC260];
	v28 =	vmul.f32 v28, v31;
	v20 =	vadd.f32 v30, v20;
	[tilespmem:s0+$0x670] =	vst v22  }
0x17a: {  	v16 =	vmul.f32 v16, v33;
	v22 =	vmul.f32 v27, v31;
	v19 =	vadd.f32 v29, v19;
	[tilespmem:s0+$0x660] =	vst v21;
	v21 =	vld [tilespmem:s0+$0xD640]  }
0x17b: {  	v15 =	vmul.f32 v15, v33;
	v26 =	vmul.f32 v26, v31;
	v18 =	vadd.f32 v28, v18;
	[tilespmem:s0+$0x650] =	vst v20;
	v20 =	vld [tilespmem:s0+$0xD650]  }
0x17c: {  	v14 =	vmul.f32 v14, v33;
	v25 =	vmul.f32 v25, v31;
	v17 =	vadd.f32 v22, v17;
	[tilespmem:s0+$0x640] =	vst v19;
	v19 =	vld [tilespmem:s0+$0xD660]  }
0x17d: {  	v13 =	vmul.f32 v13, v33;
	v22 =	vmul.f32 v24, v31;
	v16 =	vadd.f32 v26, v16;
	[tilespmem:s0+$0x630] =	vst v18;
	v18 =	vld [tilespmem:s0+$0xD670]  }
0x17e: {  	v12 =	vmul.f32 v12, v33;
	v23 =	vmul.f32 v23, v31;
	v15 =	vadd.f32 v25, v15;
	[tilespmem:s0+$0x620] =	vst v17;
	v17 =	vld [tilespmem:s0+$0x1640]  }
0x17f: {  	v10 =	vmul.f32 v10, v33;
	v11 =	vmul.f32 v11, v31;
	v14 =	vadd.f32 v22, v14;
	[tilespmem:s0+$0x610] =	vst v16;
	v16 =	vld [tilespmem:s0+$0x1650]  }
0x180: {  	v8 =	vmul.f32 v8, v33;
	v9 =	vmul.f32 v9, v31;
	v13 =	vadd.f32 v23, v13;
	[tilespmem:s0+$0x600] =	vst v15;
	v15 =	vld [tilespmem:s0+$0x1660]  }
0x181: {  	v6 =	vmul.f32 v6, v33;
	v7 =	vmul.f32 v7, v31;
	v11 =	vadd.f32 v11, v12;
	[tilespmem:s0+$0x270] =	vst v14;
	v12 =	vld [tilespmem:s0+$0x1670]  }
0x182: {  	v3 =	vmul.f32 v3, v33;
	v5 =	vmul.f32 v5, v31;
	v9 =	vadd.f32 v9, v10;
	v14 =	vld [tilespmem:s0+$0x200];
	[tilespmem:s0+$0x260] =	vst v13  }
0x183: {  	v4 =	vmul.f32 v4, v31;
	v7 =	vadd.f32 v7, v8;
	v10 =	vld [tilespmem:s0+$0xC200];
	[tilespmem:s0+$0x250] =	vst v11;
	v8 =	vmul.f32 v17, v33  }
0x184: {  	s15 =	sshrl.u32 s13, $0x3;
	v5 =	vadd.f32 v5, v6;
	v6 =	vmul.f32 v21, v31;
	[tilespmem:s0+$0x240] =	vst v9;
	v9 =	vmul.f32 v16, v33  }
0x185: {  	s1 =	sadd.s32 $0x80, s1;
	s15 =	smul.u32 $0x1800, s15;
	v3 =	vadd.f32 v4, v3;
	v4 =	vmul.f32 v20, v31;
	[tilespmem:s0+$0x230] =	vst v7;
	v7 =	vmul.f32 v15, v33  }
0x186: {  	s16 =	sand.u32 $0x380, s1;
	[tilespmem:s0+$0x220] =	vst v5;
	v5 =	vadd.f32 v6, v8;
	v6 =	vmul.f32 v19, v31;
	v8 =	vmul.f32 v12, v33  }
0x187: {  	s15 =	sor.u32 s16, s15;
	v9 =	vadd.f32 v4, v9;
	v12 =	vmul.f32 v18, v31;
	v11 =	vmul.f32 v14, v33;
	[tilespmem:s0+$0x210] =	vst v3  }
0x188: {  	v3 =	vld [tilespmem:s15+$0x210];
	v10 =	vmul.f32 v10, v31;
	[tilespmem:s0+$0x1640] =	vst v5;
	v5 =	vadd.f32 v6, v7  }
0x189: {  	v7 =	vadd.f32 v12, v8;
	v4 =	vld [tilespmem:s15+$0xC210];
	[tilespmem:s0+$0x1650] =	vst v9  }
0x18a: {  	v6 =	vld [tilespmem:s15+$0x220];
	v9 =	vadd.f32 v10, v11;
	[tilespmem:s0+$0x1660] =	vst v5  }
0x18b: {  	v5 =	vld [tilespmem:s15+$0xC220];
	[tilespmem:s0+$0x1670] =	vst v7  }
0x18c: {  	v8 =	vld [tilespmem:s15+$0x230];
	[tilespmem:s0+$0x200] =	vst v9;
	s0 =	smov.u32 s15  }
0x18d: {  	v7 =	vld [tilespmem:s0+$0xC230]  }
0x18e: {  	v10 =	vld [tilespmem:s0+$0x240]  }
0x18f: {  	v9 =	vld [tilespmem:s0+$0xC240]  }
0x190: {  	v12 =	vld [tilespmem:s0+$0x250]  }
0x191: {  	v11 =	vld [tilespmem:s0+$0xC250]  }
0x192: {  	v13 =	vld [tilespmem:s0+$0x260]  }
0x193: {  	v14 =	vld [tilespmem:s0+$0x270]  }
0x194: {  	v15 =	vld [tilespmem:s0+$0x600]  }
0x195: {  	v16 =	vld [tilespmem:s0+$0x610]  }
0x196: {  	v17 =	vld [tilespmem:s0+$0x620]  }
0x197: {  	v18 =	vld [tilespmem:s0+$0x630]  }
0x198: {  	v19 =	vld [tilespmem:s0+$0x640]  }
0x199: {  	v20 =	vld [tilespmem:s0+$0x650]  }
0x19a: {  	v21 =	vld [tilespmem:s0+$0x660]  }
0x19b: {  	v22 =	vld [tilespmem:s0+$0x670]  }
0x19c: {  	v23 =	vld [tilespmem:s0+$0xA00]  }
0x19d: {  	v24 =	vld [tilespmem:s0+$0xA10]  }
0x19e: {  	v25 =	vld [tilespmem:s0+$0xA20]  }
0x19f: {  	v26 =	vld [tilespmem:s0+$0xA30]  }
0x1a0: {  	v27 =	vld [tilespmem:s0+$0xA40]  }
0x1a1: {  	v28 =	vld [tilespmem:s0+$0xA50]  }
0x1a2: {  	v29 =	vld [tilespmem:s0+$0xA60]  }
0x1a3: {  	v30 =	vld [tilespmem:s0+$0xA70]  }
0x1a4: {  	v32 =	vld [tilespmem:s0+$0xE00]  }
0x1a5: {  	v34 =	vld [tilespmem:s0+$0xE10]  }
0x1a6: {  	v35 =	vld [tilespmem:s0+$0xE20]  }
0x1a7: {  	v36 =	vld [tilespmem:s0+$0xE30]  }
0x1a8: {  	v37 =	vld [tilespmem:s0+$0xE40]  }
0x1a9: {  	v38 =	vld [tilespmem:s0+$0xE50]  }
0x1aa: {  	v39 =	vld [tilespmem:s0+$0xE60]  }
0x1ab: {  	v40 =	vld [tilespmem:s0+$0xE70]  }
0x1ac: {  	v41 =	vld [tilespmem:s0+$0x1200]  }
0x1ad: {  	v42 =	vld [tilespmem:s0+$0x1210]  }
0x1ae: {  	v43 =	vld [tilespmem:s0+$0x1220]  }
0x1af: {  	v44 =	vld [tilespmem:s0+$0x1230]  }
0x1b0: {  	v45 =	vld [tilespmem:s0+$0x1240]  }
0x1b1: {  	v46 =	vld [tilespmem:s0+$0x1250]  }
.Ltmp0:
0x1b2: {  	v47 =	vld [tilespmem:s0+$0x1260];
	(pc) =	sbr.rel @p0 .LBB2_2-.Ltmp0, $4  }
0x1b3: {  	v48 =	vld [tilespmem:s0+$0x1600]  }
0x1b4: {  	v50 =	vld [tilespmem:s0+$0x1610]  }
0x1b5: {  	v49 =	vld [tilespmem:s0+$0xD610]  }
0x1b6: {  	s13 =	sadd.s32 $0x1, s13;
	v51 =	vld [tilespmem:s0+$0xD630]  }
0x1b7: {  	v52 =	vld [tilespmem:s0+$0x1620]  }
0x1b8: {  	s1 =	sadd.s32 $0x1, s30;
	v53 =	vld [tilespmem:s0+$0x1630]  }
0x1b9: {  	s16 =	sadd.s32 $0x1, s31;
	v31 =	vld.msk [tilespmem:s1+$0x0 ss:$0x0], $0xffff  }
0x1ba: {  	v33 =	vld.msk [tilespmem:s16+$0x0 ss:$0x0], $0xffff  }
0x1bb: {  	v54 =	vld [tilespmem:s0+$0xD620]  }
0x1bc: {  	v55 =	vld [tilespmem:s0+$0xD600]  }
0x1bd: {  	v56 =	vld [tilespmem:s0+$0x1270]  }
0x1be: {  	v57 =	vld [tilespmem:s0+$0xD270];
	v53 =	vmul.f32 v53, v31  }
0x1bf: {  	v58 =	vld [tilespmem:s0+$0xD260];
	v51 =	vmul.f32 v51, v33;
	v52 =	vmul.f32 v52, v31  }
0x1c0: {  	v54 =	vmul.f32 v54, v33;
	v50 =	vmul.f32 v50, v31  }
0x1c1: {  	v49 =	vmul.f32 v49, v33;
	v48 =	vmul.f32 v48, v31  }
0x1c2: {  	v59 =	vld [tilespmem:s0+$0xD250];
	v62 =	vmul.f32 v55, v33;
	v63 =	vmul.f32 v56, v31  }
0x1c3: {  	v60 =	vld [tilespmem:s0+$0xD240];
	v57 =	vmul.f32 v57, v33;
	v47 =	vmul.f32 v47, v31;
	v51 =	vadd.f32 v51, v53  }
0x1c4: {  	v61 =	vld [tilespmem:s0+$0xD220];
	v58 =	vmul.f32 v58, v33;
	v46 =	vmul.f32 v46, v31;
	v52 =	vadd.f32 v54, v52  }
0x1c5: {  	v45 =	vmul.f32 v45, v31;
	v44 =	vmul.f32 v44, v31;
	v53 =	vld [tilespmem:s0+$0xD230];
	v49 =	vadd.f32 v49, v50;
	[tilespmem:s0+$0x1630] =	vst v51  }
0x1c6: {  	v43 =	vmul.f32 v43, v31;
	v42 =	vmul.f32 v42, v31;
	v50 =	vld [tilespmem:s0+$0xD200];
	v48 =	vadd.f32 v62, v48;
	[tilespmem:s0+$0x1620] =	vst v52  }
0x1c7: {  	v41 =	vmul.f32 v41, v31;
	v62 =	vmul.f32 v59, v33;
	v47 =	vadd.f32 v58, v47;
	v59 =	vld [tilespmem:s0+$0xCE20];
	[tilespmem:s0+$0x1610] =	vst v49  }
0x1c8: {  	v40 =	vmul.f32 v40, v31;
	v51 =	vld [tilespmem:s0+$0xD210];
	v52 =	vadd.f32 v57, v63;
	[tilespmem:s0+$0x1600] =	vst v48;
	v63 =	vmul.f32 v60, v33  }
0x1c9: {  	v39 =	vmul.f32 v39, v31;
	v58 =	vmul.f32 v61, v33;
	v49 =	vld [tilespmem:s0+$0xCE70];
	v46 =	vadd.f32 v62, v46;
	[tilespmem:s0+$0x1260] =	vst v47  }
0x1ca: {  	v38 =	vmul.f32 v38, v31;
	v48 =	vld [tilespmem:s0+$0xCE60];
	[tilespmem:s0+$0x1270] =	vst v52;
	v45 =	vadd.f32 v63, v45;
	v53 =	vmul.f32 v53, v33  }
0x1cb: {  	v37 =	vmul.f32 v37, v31;
	v47 =	vld [tilespmem:s0+$0xCE40];
	v43 =	vadd.f32 v58, v43;
	[tilespmem:s0+$0x1250] =	vst v46;
	v50 =	vmul.f32 v50, v33  }
0x1cc: {  	v35 =	vmul.f32 v35, v31;
	v57 =	vld [tilespmem:s0+$0xCE30];
	[tilespmem:s0+$0x1240] =	vst v45;
	v45 =	vmul.f32 v59, v33;
	v44 =	vadd.f32 v53, v44  }
0x1cd: {  	v36 =	vmul.f32 v36, v31;
	v52 =	vld [tilespmem:s0+$0xCE50];
	[tilespmem:s0+$0x1220] =	vst v43;
	v51 =	vmul.f32 v51, v33;
	v41 =	vadd.f32 v50, v41  }
0x1ce: {  	v34 =	vmul.f32 v34, v31;
	v60 =	vld [tilespmem:s0+$0xCE10];
	v49 =	vmul.f32 v49, v33;
	v35 =	vadd.f32 v45, v35;
	[tilespmem:s0+$0x1230] =	vst v44  }
0x1cf: {  	v30 =	vmul.f32 v30, v31;
	v63 =	vld [tilespmem:s0+$0xCA60];
	v48 =	vmul.f32 v48, v33;
	v42 =	vadd.f32 v51, v42;
	[tilespmem:s0+$0x1200] =	vst v41  }
0x1d0: {  	v29 =	vmul.f32 v29, v31;
	v58 =	vld [tilespmem:s0+$0xCA00];
	v47 =	vmul.f32 v47, v33;
	v40 =	vadd.f32 v49, v40;
	[tilespmem:s0+$0xE20] =	vst v35  }
0x1d1: {  	v28 =	vmul.f32 v28, v31;
	v62 =	vld [tilespmem:s0+$0xCA70];
	v46 =	vmul.f32 v57, v33;
	v39 =	vadd.f32 v48, v39;
	[tilespmem:s0+$0x1210] =	vst v42  }
0x1d2: {  	v27 =	vmul.f32 v27, v31;
	v54 =	vld [tilespmem:s0+$0xCA40];
	v52 =	vmul.f32 v52, v33;
	v37 =	vadd.f32 v47, v37;
	[tilespmem:s0+$0xE70] =	vst v40  }
0x1d3: {  	v26 =	vmul.f32 v26, v31;
	v53 =	vld [tilespmem:s0+$0xCA50];
	v36 =	vadd.f32 v46, v36;
	v44 =	vmul.f32 v60, v33;
	[tilespmem:s0+$0xE60] =	vst v39  }
0x1d4: {  	v25 =	vmul.f32 v25, v31;
	v57 =	vld [tilespmem:s0+$0xCA10];
	v41 =	vmul.f32 v63, v33;
	v38 =	vadd.f32 v52, v38;
	[tilespmem:s0+$0xE40] =	vst v37  }
0x1d5: {  	v55 =	vld [tilespmem:s0+$0xCA30];
	v23 =	vmul.f32 v23, v31;
	v35 =	vmul.f32 v58, v33;
	[tilespmem:s0+$0xE30] =	vst v36;
	v34 =	vadd.f32 v44, v34  }
0x1d6: {  	v24 =	vmul.f32 v24, v31;
	v59 =	vld [tilespmem:s0+$0xC670];
	v42 =	vmul.f32 v62, v33;
	v29 =	vadd.f32 v41, v29;
	[tilespmem:s0+$0xE50] =	vst v38  }
0x1d7: {  	v56 =	vld [tilespmem:s0+$0xCA20];
	v22 =	vmul.f32 v22, v31;
	v39 =	vmul.f32 v54, v33;
	v23 =	vadd.f32 v35, v23;
	[tilespmem:s0+$0xE10] =	vst v34  }
0x1d8: {  	v21 =	vmul.f32 v21, v31;
	v60 =	vld [tilespmem:s0+$0xC660];
	v40 =	vmul.f32 v53, v33;
	v30 =	vadd.f32 v42, v30;
	[tilespmem:s0+$0xA60] =	vst v29  }
0x1d9: {  	v20 =	vmul.f32 v20, v31;
	v36 =	vmul.f32 v57, v33;
	v29 =	vld [tilespmem:s0+$0xC640];
	v27 =	vadd.f32 v39, v27;
	[tilespmem:s0+$0xA00] =	vst v23  }
0x1da: {  	v19 =	vmul.f32 v19, v31;
	v38 =	vmul.f32 v55, v33;
	v28 =	vadd.f32 v40, v28;
	[tilespmem:s0+$0xA70] =	vst v30;
	v30 =	vld [tilespmem:s0+$0xC650]  }
0x1db: {  	v10 =	vmul.f32 v10, v31;
	v61 =	vld [tilespmem:s0+$0xCE00];
	v34 =	vmul.f32 v59, v33;
	v24 =	vadd.f32 v36, v24;
	[tilespmem:s0+$0xA40] =	vst v27  }
0x1dc: {  	v9 =	vmul.f32 v9, v33;
	v37 =	vmul.f32 v56, v33;
	v26 =	vadd.f32 v38, v26;
	[tilespmem:s0+$0xA50] =	vst v28;
	v28 =	vld [tilespmem:s0+$0xC630]  }
0x1dd: {  	v12 =	vmul.f32 v12, v31;
	v11 =	vmul.f32 v11, v33;
	v27 =	vld [tilespmem:s0+$0xC620];
	v22 =	vadd.f32 v34, v22;
	[tilespmem:s0+$0xA10] =	vst v24  }
0x1de: {  	v9 =	vadd.f32 v9, v10;
	v10 =	vld [tilespmem:s0+$0xC200];
	v25 =	vadd.f32 v37, v25;
	v24 =	vmul.f32 v60, v33;
	[tilespmem:s0+$0xA30] =	vst v26  }
0x1df: {  	v11 =	vadd.f32 v11, v12;
	v26 =	vld [tilespmem:s0+$0xC610];
	[tilespmem:s0+$0x670] =	vst v22;
	v22 =	vmul.f32 v29, v33;
	v23 =	vmul.f32 v30, v33  }
0x1e0: {  	v18 =	vmul.f32 v18, v31;
	v43 =	vmul.f32 v61, v33;
	[tilespmem:s0+$0xA20] =	vst v25;
	v25 =	vld [tilespmem:s0+$0xC600];
	v21 =	vadd.f32 v24, v21  }
0x1e1: {  	[tilespmem:s0+$0x250] =	vst v11;
	v61 =	vld [tilespmem:s0+$0xC270];
	v19 =	vadd.f32 v22, v19;
	v20 =	vadd.f32 v23, v20;
	v23 =	vmul.f32 v28, v33  }
0x1e2: {  	v17 =	vmul.f32 v17, v31;
	v24 =	vld [tilespmem:s0+$0xC260];
	[tilespmem:s0+$0x660] =	vst v21;
	v22 =	vmul.f32 v27, v33  }
0x1e3: {  	v21 =	vld [tilespmem:s0+$0xD640];
	[tilespmem:s0+$0x640] =	vst v19;
	v18 =	vadd.f32 v23, v18  }
0x1e4: {  	v16 =	vmul.f32 v16, v31;
	v19 =	vld [tilespmem:s0+$0xD660];
	v17 =	vadd.f32 v22, v17;
	[tilespmem:s0+$0x650] =	vst v20;
	v23 =	vmul.f32 v26, v33  }
0x1e5: {  	v15 =	vmul.f32 v15, v31;
	v22 =	vld [tilespmem:s0+$0xD670];
	[tilespmem:s0+$0x630] =	vst v18;
	v18 =	vmul.f32 v25, v33  }
0x1e6: {  	v14 =	vmul.f32 v14, v31;
	v20 =	vld [tilespmem:s0+$0xD650];
	[tilespmem:s0+$0x620] =	vst v17;
	v17 =	vmul.f32 v61, v33;
	v16 =	vadd.f32 v23, v16  }
0x1e7: {  	v8 =	vmul.f32 v8, v31;
	v7 =	vmul.f32 v7, v33;
	[tilespmem:s0+$0x240] =	vst v9;
	v15 =	vadd.f32 v18, v15;
	v18 =	vld [tilespmem:s0+$0x1640]  }
0x1e8: {  	v6 =	vmul.f32 v6, v31;
	v5 =	vmul.f32 v5, v33;
	v14 =	vadd.f32 v17, v14;
	[tilespmem:s0+$0x610] =	vst v16;
	v16 =	vld [tilespmem:s0+$0x1650]  }
0x1e9: {  	v3 =	vmul.f32 v3, v31;
	v4 =	vmul.f32 v4, v33;
	v7 =	vadd.f32 v7, v8;
	[tilespmem:s0+$0x600] =	vst v15;
	v15 =	vld [tilespmem:s0+$0x1660]  }
0x1ea: {  	v32 =	vmul.f32 v32, v31;
	v5 =	vadd.f32 v5, v6;
	[tilespmem:s0+$0x270] =	vst v14;
	v14 =	vld [tilespmem:s0+$0x1670]  }
0x1eb: {  	v13 =	vmul.f32 v13, v31;
	v12 =	vld [tilespmem:s0+$0x200];
	v3 =	vadd.f32 v4, v3;
	[tilespmem:s0+$0x230] =	vst v7;
	v23 =	vmul.f32 v24, v33  }
0x1ec: {  	[tilespmem:s0+$0x220] =	vst v5;
	v32 =	vadd.f32 v43, v32;
	v6 =	vmul.f32 v21, v33;
	v8 =	vmul.f32 v18, v31  }
0x1ed: {  	[tilespmem:s0+$0x210] =	vst v3;
	v13 =	vadd.f32 v23, v13;
	v4 =	vmul.f32 v20, v33;
	v9 =	vmul.f32 v16, v31  }
0x1ee: {  	[tilespmem:s0+$0xE00] =	vst v32;
	v7 =	vmul.f32 v15, v31;
	v5 =	vadd.f32 v6, v8;
	v6 =	vmul.f32 v19, v33  }
0x1ef: {  	[tilespmem:s0+$0x260] =	vst v13;
	v8 =	vmul.f32 v14, v31;
	v3 =	vadd.f32 v4, v9;
	v4 =	vmul.f32 v22, v33  }
0x1f0: {  	v10 =	vmul.f32 v10, v33;
	v9 =	vmul.f32 v12, v31;
	[tilespmem:s0+$0x1640] =	vst v5;
	v5 =	vadd.f32 v6, v7  }
0x1f1: {  	[tilespmem:s0+$0x1650] =	vst v3;
	v3 =	vadd.f32 v4, v8  }
0x1f2: {  	v4 =	vadd.f32 v10, v9;
	[tilespmem:s0+$0x1660] =	vst v5  }
0x1f3: {  	[tilespmem:s0+$0x1670] =	vst v3  }
0x1f4: {  	[tilespmem:s0+$0x200] =	vst v4  }
0x1f5: {  	_ =	swait.ge [sflag:s26], $0x6000  }
0x1f6: {  	[sflag:s26] =	ssyncset.done $0x0  }
0x1f7: {  	s13 =	simm.s32 $0x4;
	[sflag:s26] =	ssyncadd.s32 $0xFFFFA000  }
0x1f8: {  	s15 =	simm.s32 $0x1000;
	s0 =	smul.u32 $0x1800, s13;
	_ =	swait.ge [sflag:s28], $0x6000  }
0x1f9: {  	s1 =	sand.u32 $0x380, s15;
	[sflag:s28] =	ssyncset.done $0x0  }
0x1fa: {  	s13 =	sor.u32 s1, s0;
	[sflag:s28] =	ssyncadd.s32 $0xFFFFA000  }
0x1fb: {  	v4 =	vld [tilespmem:s13+$0x210]  }
0x1fc: {  	v3 =	vld [tilespmem:s13+$0xC210]  }
0x1fd: {  	v6 =	vld [tilespmem:s13+$0x220]  }
0x1fe: {  	v5 =	vld [tilespmem:s13+$0xC220]  }
0x1ff: {  	v10 =	vld [tilespmem:s13+$0x230]  }
0x200: {  	v7 =	vld [tilespmem:s13+$0xC230]  }
0x201: {  	v12 =	vld [tilespmem:s13+$0x240]  }
0x202: {  	v11 =	vld [tilespmem:s13+$0xC240]  }
0x203: {  	v13 =	vld [tilespmem:s13+$0x260]  }
0x204: {  	v14 =	vld [tilespmem:s13+$0x270]  }
0x205: {  	v15 =	vld [tilespmem:s13+$0x600]  }
0x206: {  	v16 =	vld [tilespmem:s13+$0x610]  }
0x207: {  	v17 =	vld [tilespmem:s13+$0x620]  }
0x208: {  	v18 =	vld [tilespmem:s13+$0x630]  }
0x209: {  	v19 =	vld [tilespmem:s13+$0x640]  }
0x20a: {  	v20 =	vld [tilespmem:s13+$0x650]  }
0x20b: {  	v21 =	vld [tilespmem:s13+$0x660]  }
0x20c: {  	v22 =	vld [tilespmem:s13+$0x670]  }
0x20d: {  	v23 =	vld [tilespmem:s13+$0xA00]  }
0x20e: {  	v24 =	vld [tilespmem:s13+$0xA10]  }
0x20f: {  	v25 =	vld [tilespmem:s13+$0xA20]  }
0x210: {  	v26 =	vld [tilespmem:s13+$0xA30]  }
0x211: {  	v27 =	vld [tilespmem:s13+$0xA40]  }
0x212: {  	v28 =	vld [tilespmem:s13+$0xA50]  }
0x213: {  	v29 =	vld [tilespmem:s13+$0xA60]  }
0x214: {  	v30 =	vld [tilespmem:s13+$0xA70]  }
0x215: {  	v31 =	vld [tilespmem:s13+$0xE00]  }
0x216: {  	v32 =	vld [tilespmem:s13+$0xE10]  }
0x217: {  	v33 =	vld [tilespmem:s13+$0xE20]  }
0x218: {  	v34 =	vld [tilespmem:s13+$0xE30]  }
0x219: {  	v35 =	vld [tilespmem:s13+$0xE40]  }
0x21a: {  	v36 =	vld [tilespmem:s13+$0xE50]  }
0x21b: {  	v37 =	vld [tilespmem:s13+$0xE60]  }
0x21c: {  	v38 =	vld [tilespmem:s13+$0xE70]  }
0x21d: {  	v39 =	vld [tilespmem:s13+$0x1200]  }
0x21e: {  	v40 =	vld [tilespmem:s13+$0x1210]  }
0x21f: {  	v41 =	vld [tilespmem:s13+$0x1220]  }
0x220: {  	v42 =	vld [tilespmem:s13+$0x1230]  }
0x221: {  	v43 =	vld [tilespmem:s13+$0x1240]  }
0x222: {  	v44 =	vld [tilespmem:s13+$0x1250]  }
0x223: {  	v45 =	vld [tilespmem:s13+$0x1260]  }
0x224: {  	v46 =	vld [tilespmem:s13+$0x1600]  }
0x225: {  	v47 =	vld [tilespmem:s13+$0x1610]  }
0x226: {  	v48 =	vld [tilespmem:s13+$0xD610]  }
0x227: {  	v49 =	vld [tilespmem:s13+$0xD630]  }
0x228: {  	s30 =	simm.s32 $0x120;
	v50 =	vld [tilespmem:s13+$0x1620]  }
0x229: {  	v8 =	vld.msk [tilespmem:s30+$0x0 ss:$0x0], $0xffff  }
0x22a: {  	s31 =	simm.s32 $0x1A0;
	v62 =	vld [tilespmem:s13+$0x1630]  }
0x22b: {  	v9 =	vld.msk [tilespmem:s31+$0x0 ss:$0x0], $0xffff  }
0x22c: {  	v52 =	vld [tilespmem:s13+$0xD620]  }
0x22d: {  	v63 =	vld [tilespmem:s13+$0xD600]  }
0x22e: {  	v54 =	vld [tilespmem:s13+$0x1270]  }
0x22f: {  	v60 =	vld [tilespmem:s13+$0xD270];
	v51 =	vmul.f32 v62, v8  }
0x230: {  	v61 =	vld [tilespmem:s13+$0xD260];
	v49 =	vmul.f32 v49, v9;
	v50 =	vmul.f32 v50, v8  }
0x231: {  	v58 =	vld [tilespmem:s13+$0xD240];
	v52 =	vmul.f32 v52, v9;
	v47 =	vmul.f32 v47, v8  }
0x232: {  	v53 =	vld [tilespmem:s13+$0xD230];
	v48 =	vmul.f32 v48, v9;
	v46 =	vmul.f32 v46, v8  }
0x233: {  	v57 =	vld [tilespmem:s13+$0xCE60];
	v63 =	vmul.f32 v63, v9;
	v59 =	vmul.f32 v54, v8;
	v49 =	vadd.f32 v49, v51  }
0x234: {  	v55 =	vld [tilespmem:s13+$0xCA70];
	v60 =	vmul.f32 v60, v9;
	v45 =	vmul.f32 v45, v8;
	v50 =	vadd.f32 v52, v50  }
0x235: {  	v56 =	vld [tilespmem:s13+$0xCA60];
	v61 =	vmul.f32 v61, v9;
	v44 =	vmul.f32 v44, v8;
	v47 =	vadd.f32 v48, v47;
	[tilespmem:s13+$0x1630] =	vst v49  }
0x236: {  	v62 =	vld [tilespmem:s13+$0xD250];
	v43 =	vmul.f32 v43, v8;
	v42 =	vmul.f32 v42, v8;
	v46 =	vadd.f32 v63, v46;
	[tilespmem:s13+$0x1620] =	vst v50  }
0x237: {  	v12 =	vmul.f32 v12, v8;
	v11 =	vmul.f32 v11, v9;
	v48 =	vld [tilespmem:s13+$0xD220];
	v52 =	vadd.f32 v60, v59;
	[tilespmem:s13+$0x1610] =	vst v47  }
0x238: {  	v41 =	vmul.f32 v41, v8;
	v63 =	vmul.f32 v58, v9;
	v45 =	vadd.f32 v61, v45;
	v59 =	vld [tilespmem:s13+$0xCE50];
	[tilespmem:s13+$0x1600] =	vst v46  }
0x239: {  	v40 =	vmul.f32 v40, v8;
	v58 =	vmul.f32 v53, v9;
	v60 =	vld [tilespmem:s13+$0xCE40];
	v11 =	vadd.f32 v11, v12;
	[tilespmem:s13+$0x1270] =	vst v52  }
0x23a: {  	v37 =	vmul.f32 v37, v8;
	v49 =	vld [tilespmem:s13+$0xD210];
	v43 =	vadd.f32 v63, v43;
	[tilespmem:s13+$0x1260] =	vst v45;
	v46 =	vmul.f32 v57, v9  }
0x23b: {  	v39 =	vmul.f32 v39, v8;
	v50 =	vld [tilespmem:s13+$0xD200];
	v42 =	vadd.f32 v58, v42;
	[tilespmem:s13+$0x240] =	vst v11;
	v62 =	vmul.f32 v62, v9  }
0x23c: {  	v38 =	vmul.f32 v38, v8;
	v47 =	vld [tilespmem:s13+$0xCE70];
	[tilespmem:s13+$0x1240] =	vst v43;
	v37 =	vadd.f32 v46, v37;
	v48 =	vmul.f32 v48, v9  }
0x23d: {  	v36 =	vmul.f32 v36, v8;
	v61 =	vld [tilespmem:s13+$0xCE30];
	[tilespmem:s13+$0x1230] =	vst v42;
	v44 =	vadd.f32 v62, v44;
	v54 =	vmul.f32 v59, v9  }
0x23e: {  	v35 =	vmul.f32 v35, v8;
	v63 =	vld [tilespmem:s13+$0xCE10];
	v45 =	vmul.f32 v60, v9;
	[tilespmem:s13+$0xE60] =	vst v37;
	v41 =	vadd.f32 v48, v41  }
0x23f: {  	v34 =	vmul.f32 v34, v8;
	v58 =	vld [tilespmem:s13+$0xCA40];
	v49 =	vmul.f32 v49, v9;
	[tilespmem:s13+$0x1250] =	vst v44;
	v36 =	vadd.f32 v54, v36  }
0x240: {  	v32 =	vmul.f32 v32, v8;
	v53 =	vld [tilespmem:s13+$0xCE00];
	v50 =	vmul.f32 v50, v9;
	v35 =	vadd.f32 v45, v35;
	[tilespmem:s13+$0x1220] =	vst v41  }
0x241: {  	v31 =	vmul.f32 v31, v8;
	v62 =	vld [tilespmem:s13+$0xCE20];
	v47 =	vmul.f32 v47, v9;
	v40 =	vadd.f32 v49, v40;
	[tilespmem:s13+$0xE50] =	vst v36  }
0x242: {  	v6 =	vmul.f32 v6, v8;
	v59 =	vld [tilespmem:s13+$0xCA30];
	v44 =	vmul.f32 v61, v9;
	v39 =	vadd.f32 v50, v39;
	[tilespmem:s13+$0xE40] =	vst v35  }
0x243: {  	v5 =	vmul.f32 v5, v9;
	v60 =	vld [tilespmem:s13+$0xCA20];
	v42 =	vmul.f32 v63, v9;
	v38 =	vadd.f32 v47, v38;
	[tilespmem:s13+$0x1210] =	vst v40  }
0x244: {  	v27 =	vmul.f32 v27, v8;
	v12 =	vld [tilespmem:s13+$0x1660];
	v37 =	vmul.f32 v58, v9;
	v34 =	vadd.f32 v44, v34;
	[tilespmem:s13+$0x1200] =	vst v39  }
0x245: {  	v5 =	vadd.f32 v5, v6;
	v6 =	vld [tilespmem:s13+$0x200];
	v41 =	vmul.f32 v53, v9;
	v32 =	vadd.f32 v42, v32;
	[tilespmem:s13+$0xE70] =	vst v38  }
0x246: {  	v33 =	vmul.f32 v33, v8;
	v57 =	vld [tilespmem:s13+$0xCA50];
	v27 =	vadd.f32 v37, v27;
	v43 =	vmul.f32 v62, v9;
	[tilespmem:s13+$0xE30] =	vst v34  }
0x247: {  	v26 =	vmul.f32 v26, v8;
	v61 =	vld [tilespmem:s13+$0xCA10];
	v36 =	vmul.f32 v59, v9;
	v31 =	vadd.f32 v41, v31;
	[tilespmem:s13+$0xE10] =	vst v32  }
0x248: {  	v25 =	vmul.f32 v25, v8;
	v62 =	vld [tilespmem:s13+$0xCA00];
	v35 =	vmul.f32 v60, v9;
	[tilespmem:s13+$0xA40] =	vst v27;
	v33 =	vadd.f32 v43, v33  }
0x249: {  	v30 =	vmul.f32 v30, v8;
	v63 =	vld [tilespmem:s13+$0xC670];
	v40 =	vmul.f32 v55, v9;
	v26 =	vadd.f32 v36, v26;
	[tilespmem:s13+$0xE00] =	vst v31  }
0x24a: {  	v29 =	vmul.f32 v29, v8;
	v39 =	vmul.f32 v56, v9;
	v27 =	vld [tilespmem:s13+$0xC620];
	v25 =	vadd.f32 v35, v25;
	[tilespmem:s13+$0xE20] =	vst v33  }
0x24b: {  	v28 =	vmul.f32 v28, v8;
	v38 =	vmul.f32 v57, v9;
	v30 =	vadd.f32 v40, v30;
	v31 =	vld [tilespmem:s13+$0xC660];
	[tilespmem:s13+$0xA30] =	vst v26  }
0x24c: {  	v24 =	vmul.f32 v24, v8;
	v34 =	vmul.f32 v61, v9;
	v29 =	vadd.f32 v39, v29;
	v26 =	vld [tilespmem:s13+$0xC610];
	[tilespmem:s13+$0xA20] =	vst v25  }
0x24d: {  	v23 =	vmul.f32 v23, v8;
	v28 =	vadd.f32 v38, v28;
	v25 =	vld [tilespmem:s13+$0xC600];
	[tilespmem:s13+$0xA70] =	vst v30;
	v33 =	vmul.f32 v62, v9  }
0x24e: {  	v22 =	vmul.f32 v22, v8;
	v32 =	vmul.f32 v63, v9;
	v24 =	vadd.f32 v34, v24;
	v30 =	vld [tilespmem:s13+$0xC650];
	[tilespmem:s13+$0xA60] =	vst v29  }
0x24f: {  	v17 =	vmul.f32 v17, v8;
	v29 =	vld [tilespmem:s13+$0xC640];
	[tilespmem:s13+$0xA50] =	vst v28;
	v27 =	vmul.f32 v27, v9;
	v23 =	vadd.f32 v33, v23  }
0x250: {  	v21 =	vmul.f32 v21, v8;
	v22 =	vadd.f32 v32, v22;
	v28 =	vld [tilespmem:s13+$0xC630];
	[tilespmem:s13+$0xA10] =	vst v24;
	v31 =	vmul.f32 v31, v9  }
0x251: {  	v16 =	vmul.f32 v16, v8;
	v17 =	vadd.f32 v27, v17;
	[tilespmem:s13+$0xA00] =	vst v23;
	v23 =	vld [tilespmem:s13+$0xC260];
	v26 =	vmul.f32 v26, v9  }
0x252: {  	v15 =	vmul.f32 v15, v8;
	v24 =	vld [tilespmem:s13+$0xC270];
	[tilespmem:s13+$0x670] =	vst v22;
	v25 =	vmul.f32 v25, v9;
	v21 =	vadd.f32 v31, v21  }
0x253: {  	v20 =	vmul.f32 v20, v8;
	v22 =	vld [tilespmem:s13+$0x250];
	v30 =	vmul.f32 v30, v9;
	[tilespmem:s13+$0x620] =	vst v17;
	v16 =	vadd.f32 v26, v16  }
0x254: {  	v19 =	vmul.f32 v19, v8;
	v29 =	vmul.f32 v29, v9;
	v17 =	vld [tilespmem:s13+$0x1640];
	v15 =	vadd.f32 v25, v15;
	[tilespmem:s13+$0x660] =	vst v21  }
0x255: {  	v18 =	vmul.f32 v18, v8;
	v28 =	vmul.f32 v28, v9;
	v20 =	vadd.f32 v30, v20;
	v21 =	vld [tilespmem:s13+$0xC250];
	[tilespmem:s13+$0x610] =	vst v16  }
0x256: {  	v13 =	vmul.f32 v13, v8;
	v19 =	vadd.f32 v29, v19;
	[tilespmem:s13+$0x600] =	vst v15;
	v15 =	vld [tilespmem:s13+$0x1650];
	v23 =	vmul.f32 v23, v9  }
0x257: {  	v14 =	vmul.f32 v14, v8;
	v24 =	vmul.f32 v24, v9;
	v18 =	vadd.f32 v28, v18;
	[tilespmem:s13+$0x650] =	vst v20;
	v20 =	vld [tilespmem:s13+$0xD640]  }
0x258: {  	v10 =	vmul.f32 v10, v8;
	v7 =	vmul.f32 v7, v9;
	[tilespmem:s13+$0x640] =	vst v19;
	v19 =	vld [tilespmem:s13+$0xD650];
	v13 =	vadd.f32 v23, v13  }
0x259: {  	v4 =	vmul.f32 v4, v8;
	v3 =	vmul.f32 v3, v9;
	v14 =	vadd.f32 v24, v14;
	[tilespmem:s13+$0x630] =	vst v18;
	v18 =	vld [tilespmem:s13+$0xD660]  }
0x25a: {  	v7 =	vadd.f32 v7, v10;
	v10 =	vmul.f32 v22, v8;
	v16 =	vld [tilespmem:s13+$0xD670];
	[tilespmem:s13+$0x260] =	vst v13;
	v13 =	vmul.f32 v21, v9  }
0x25b: {  	v3 =	vadd.f32 v3, v4;
	[tilespmem:s13+$0x270] =	vst v14;
	v14 =	vld [tilespmem:s13+$0x1670]  }
0x25c: {  	s16 =	simm.s32 $0x4;
	[tilespmem:s13+$0x230] =	vst v7;
	v7 =	vld [tilespmem:s13+$0xC200];
	v11 =	vmul.f32 v17, v8;
	v17 =	vmul.f32 v20, v9;
	v4 =	vadd.f32 v13, v10  }
0x25d: {  	s0 =	smul.u32 $0x1800, s16;
	s1 =	simm.s32 $0x1080;
	[tilespmem:s13+$0x220] =	vst v5;
	v5 =	vmul.f32 v15, v8;
	v10 =	vmul.f32 v19, v9  }
0x25e: {  	s15 =	sand.u32 $0x380, s1;
	v11 =	vadd.f32 v17, v11;
	[tilespmem:s13+$0x250] =	vst v4;
	v4 =	vmul.f32 v12, v8;
	v12 =	vmul.f32 v18, v9  }
0x25f: {  	s0 =	sor.u32 s15, s0;
	[tilespmem:s13+$0x210] =	vst v3;
	v5 =	vadd.f32 v10, v5  }
0x260: {  	v3 =	vld [tilespmem:s0+$0x210];
	v10 =	vmul.f32 v14, v8;
	[tilespmem:s13+$0x1640] =	vst v11;
	v11 =	vmul.f32 v16, v9;
	v12 =	vadd.f32 v12, v4  }
0x261: {  	v7 =	vmul.f32 v7, v9;
	v8 =	vmul.f32 v6, v8;
	v4 =	vld [tilespmem:s0+$0xC210];
	[tilespmem:s13+$0x1650] =	vst v5  }
0x262: {  	v9 =	vadd.f32 v11, v10;
	v6 =	vld [tilespmem:s0+$0x220];
	[tilespmem:s13+$0x1660] =	vst v12  }
0x263: {  	v7 =	vadd.f32 v7, v8;
	v5 =	vld [tilespmem:s0+$0xC220]  }
0x264: {  	[tilespmem:s13+$0x1670] =	vst v9;
	v8 =	vld [tilespmem:s0+$0x230]  }
0x265: {  	[tilespmem:s13+$0x200] =	vst v7;
	v18 =	vld [tilespmem:s0+$0x630]  }
0x266: {  	v7 =	vld [tilespmem:s0+$0xC230]  }
0x267: {  	v10 =	vld [tilespmem:s0+$0x240]  }
0x268: {  	v9 =	vld [tilespmem:s0+$0xC240]  }
0x269: {  	v12 =	vld [tilespmem:s0+$0x250]  }
0x26a: {  	v11 =	vld [tilespmem:s0+$0xC250]  }
0x26b: {  	v13 =	vld [tilespmem:s0+$0x260]  }
0x26c: {  	v14 =	vld [tilespmem:s0+$0x270]  }
0x26d: {  	v15 =	vld [tilespmem:s0+$0x600]  }
0x26e: {  	v16 =	vld [tilespmem:s0+$0x610]  }
0x26f: {  	v17 =	vld [tilespmem:s0+$0x620]  }
0x270: {  	v19 =	vld [tilespmem:s0+$0x640]  }
0x271: {  	v20 =	vld [tilespmem:s0+$0x650]  }
0x272: {  	v21 =	vld [tilespmem:s0+$0x660]  }
0x273: {  	v22 =	vld [tilespmem:s0+$0x670]  }
0x274: {  	v23 =	vld [tilespmem:s0+$0xA00]  }
0x275: {  	v24 =	vld [tilespmem:s0+$0xA10]  }
0x276: {  	v25 =	vld [tilespmem:s0+$0xA20]  }
0x277: {  	v26 =	vld [tilespmem:s0+$0xA30]  }
0x278: {  	v27 =	vld [tilespmem:s0+$0xA40]  }
0x279: {  	v28 =	vld [tilespmem:s0+$0xA50]  }
0x27a: {  	v29 =	vld [tilespmem:s0+$0xA60]  }
0x27b: {  	v30 =	vld [tilespmem:s0+$0xA70]  }
0x27c: {  	v32 =	vld [tilespmem:s0+$0xE00]  }
0x27d: {  	v34 =	vld [tilespmem:s0+$0xE10]  }
0x27e: {  	v35 =	vld [tilespmem:s0+$0xE20]  }
0x27f: {  	v36 =	vld [tilespmem:s0+$0xE30]  }
0x280: {  	v37 =	vld [tilespmem:s0+$0xE40]  }
0x281: {  	v38 =	vld [tilespmem:s0+$0xE50]  }
0x282: {  	v39 =	vld [tilespmem:s0+$0xE60]  }
0x283: {  	v40 =	vld [tilespmem:s0+$0xE70]  }
0x284: {  	v41 =	vld [tilespmem:s0+$0x1200]  }
0x285: {  	v42 =	vld [tilespmem:s0+$0x1210]  }
0x286: {  	v43 =	vld [tilespmem:s0+$0x1220]  }
0x287: {  	v44 =	vld [tilespmem:s0+$0x1230]  }
0x288: {  	v45 =	vld [tilespmem:s0+$0x1240]  }
0x289: {  	v46 =	vld [tilespmem:s0+$0x1250]  }
0x28a: {  	v47 =	vld [tilespmem:s0+$0x1260]  }
0x28b: {  	v48 =	vld [tilespmem:s0+$0x1600]  }
0x28c: {  	v50 =	vld [tilespmem:s0+$0x1610]  }
0x28d: {  	v49 =	vld [tilespmem:s0+$0xD610]  }
0x28e: {  	s13 =	simm.s32 $0x22;
	v51 =	vld [tilespmem:s0+$0xD630]  }
.LBB2_4:
0x28f: {  	p0 =	sne.s32 s13, $0x3F;
	v52 =	vld [tilespmem:s0+$0x1620];
	s30 =	sadd.s32 $0x1, s30  }
0x290: {  	s31 =	sadd.s32 $0x1, s31;
	v33 =	vld.msk [tilespmem:s30+$0x0 ss:$0x0], $0xffff  }
0x291: {  	v31 =	vld.msk [tilespmem:s31+$0x0 ss:$0x0], $0xffff  }
0x292: {  	v53 =	vld [tilespmem:s0+$0x1630]  }
0x293: {  	v54 =	vld [tilespmem:s0+$0xD620]  }
0x294: {  	v55 =	vld [tilespmem:s0+$0xD600]  }
0x295: {  	v56 =	vld [tilespmem:s0+$0x1270]  }
0x296: {  	v50 =	vmul.f32 v50, v33;
	v52 =	vmul.f32 v52, v33;
	v57 =	vld [tilespmem:s0+$0xD270]  }
0x297: {  	v51 =	vmul.f32 v51, v31;
	v58 =	vld [tilespmem:s0+$0xD260];
	v53 =	vmul.f32 v53, v33  }
0x298: {  	v49 =	vmul.f32 v49, v31;
	v59 =	vld [tilespmem:s0+$0xD250];
	v54 =	vmul.f32 v54, v31  }
0x299: {  	v48 =	vmul.f32 v48, v33;
	v60 =	vld [tilespmem:s0+$0xD240];
	v55 =	vmul.f32 v55, v31;
	v51 =	vadd.f32 v51, v53  }
0x29a: {  	v49 =	vadd.f32 v49, v50;
	v53 =	vld [tilespmem:s0+$0xD230];
	v56 =	vmul.f32 v56, v33;
	v50 =	vadd.f32 v54, v52  }
0x29b: {  	v47 =	vmul.f32 v47, v33;
	v52 =	vld [tilespmem:s0+$0xD220];
	v54 =	vmul.f32 v57, v31;
	v48 =	vadd.f32 v55, v48;
	[tilespmem:s0+$0x1630] =	vst v51  }
0x29c: {  	v46 =	vmul.f32 v46, v33;
	v51 =	vld [tilespmem:s0+$0xD210];
	v55 =	vmul.f32 v58, v31;
	[tilespmem:s0+$0x1620] =	vst v50  }
0x29d: {  	v45 =	vmul.f32 v45, v33;
	v50 =	vld [tilespmem:s0+$0xD200];
	v57 =	vmul.f32 v59, v31;
	v54 =	vadd.f32 v54, v56;
	[tilespmem:s0+$0x1610] =	vst v49  }
0x29e: {  	v44 =	vmul.f32 v44, v33;
	v49 =	vld [tilespmem:s0+$0xCE70];
	v56 =	vmul.f32 v60, v31;
	v47 =	vadd.f32 v55, v47;
	[tilespmem:s0+$0x1600] =	vst v48  }
0x29f: {  	v43 =	vmul.f32 v43, v33;
	v48 =	vld [tilespmem:s0+$0xCE60];
	v53 =	vmul.f32 v53, v31;
	v46 =	vadd.f32 v57, v46;
	[tilespmem:s0+$0x1270] =	vst v54  }
0x2a0: {  	v42 =	vmul.f32 v42, v33;
	v54 =	vld [tilespmem:s0+$0xCE50];
	v52 =	vmul.f32 v52, v31;
	v45 =	vadd.f32 v56, v45;
	[tilespmem:s0+$0x1260] =	vst v47  }
0x2a1: {  	v41 =	vmul.f32 v41, v33;
	v47 =	vld [tilespmem:s0+$0xCE40];
	v51 =	vmul.f32 v51, v31;
	v44 =	vadd.f32 v53, v44;
	[tilespmem:s0+$0x1250] =	vst v46  }
0x2a2: {  	v40 =	vmul.f32 v40, v33;
	v46 =	vld [tilespmem:s0+$0xCE30];
	v50 =	vmul.f32 v50, v31;
	v43 =	vadd.f32 v52, v43;
	[tilespmem:s0+$0x1240] =	vst v45  }
0x2a3: {  	v39 =	vmul.f32 v39, v33;
	v45 =	vld [tilespmem:s0+$0xCE20];
	v49 =	vmul.f32 v49, v31;
	v42 =	vadd.f32 v51, v42;
	[tilespmem:s0+$0x1230] =	vst v44  }
0x2a4: {  	v38 =	vmul.f32 v38, v33;
	v44 =	vld [tilespmem:s0+$0xCE10];
	v48 =	vmul.f32 v48, v31;
	v41 =	vadd.f32 v50, v41;
	[tilespmem:s0+$0x1220] =	vst v43  }
0x2a5: {  	v37 =	vmul.f32 v37, v33;
	v43 =	vld [tilespmem:s0+$0xCE00];
	v50 =	vmul.f32 v54, v31;
	v40 =	vadd.f32 v49, v40;
	[tilespmem:s0+$0x1210] =	vst v42  }
0x2a6: {  	v36 =	vmul.f32 v36, v33;
	v42 =	vld [tilespmem:s0+$0xCA70];
	v47 =	vmul.f32 v47, v31;
	v39 =	vadd.f32 v48, v39;
	[tilespmem:s0+$0x1200] =	vst v41  }
0x2a7: {  	v35 =	vmul.f32 v35, v33;
	v41 =	vld [tilespmem:s0+$0xCA60];
	v46 =	vmul.f32 v46, v31;
	v38 =	vadd.f32 v50, v38;
	[tilespmem:s0+$0xE70] =	vst v40  }
0x2a8: {  	v34 =	vmul.f32 v34, v33;
	v40 =	vld [tilespmem:s0+$0xCA50];
	v45 =	vmul.f32 v45, v31;
	v37 =	vadd.f32 v47, v37;
	[tilespmem:s0+$0xE60] =	vst v39  }
0x2a9: {  	v32 =	vmul.f32 v32, v33;
	v39 =	vld [tilespmem:s0+$0xCA40];
	v44 =	vmul.f32 v44, v31;
	v36 =	vadd.f32 v46, v36;
	[tilespmem:s0+$0xE50] =	vst v38  }
0x2aa: {  	v30 =	vmul.f32 v30, v33;
	v38 =	vld [tilespmem:s0+$0xCA30];
	v43 =	vmul.f32 v43, v31;
	v35 =	vadd.f32 v45, v35;
	[tilespmem:s0+$0xE40] =	vst v37  }
0x2ab: {  	v29 =	vmul.f32 v29, v33;
	v37 =	vld [tilespmem:s0+$0xCA20];
	v42 =	vmul.f32 v42, v31;
	v34 =	vadd.f32 v44, v34;
	[tilespmem:s0+$0xE30] =	vst v36  }
0x2ac: {  	v28 =	vmul.f32 v28, v33;
	v36 =	vld [tilespmem:s0+$0xCA10];
	v41 =	vmul.f32 v41, v31;
	v32 =	vadd.f32 v43, v32;
	[tilespmem:s0+$0xE20] =	vst v35  }
0x2ad: {  	v27 =	vmul.f32 v27, v33;
	v35 =	vld [tilespmem:s0+$0xCA00];
	v40 =	vmul.f32 v40, v31;
	v30 =	vadd.f32 v42, v30;
	[tilespmem:s0+$0xE10] =	vst v34  }
0x2ae: {  	v26 =	vmul.f32 v26, v33;
	v34 =	vld [tilespmem:s0+$0xC670];
	v39 =	vmul.f32 v39, v31;
	v29 =	vadd.f32 v41, v29;
	[tilespmem:s0+$0xE00] =	vst v32  }
0x2af: {  	v25 =	vmul.f32 v25, v33;
	v32 =	vld [tilespmem:s0+$0xC660];
	v38 =	vmul.f32 v38, v31;
	v28 =	vadd.f32 v40, v28;
	[tilespmem:s0+$0xA70] =	vst v30  }
0x2b0: {  	v24 =	vmul.f32 v24, v33;
	v30 =	vld [tilespmem:s0+$0xC650];
	v37 =	vmul.f32 v37, v31;
	v27 =	vadd.f32 v39, v27;
	[tilespmem:s0+$0xA60] =	vst v29  }
0x2b1: {  	v23 =	vmul.f32 v23, v33;
	v29 =	vld [tilespmem:s0+$0xC640];
	v36 =	vmul.f32 v36, v31;
	v26 =	vadd.f32 v38, v26;
	[tilespmem:s0+$0xA50] =	vst v28  }
0x2b2: {  	v22 =	vmul.f32 v22, v33;
	v28 =	vld [tilespmem:s0+$0xC630];
	v35 =	vmul.f32 v35, v31;
	v25 =	vadd.f32 v37, v25;
	[tilespmem:s0+$0xA40] =	vst v27  }
0x2b3: {  	v21 =	vmul.f32 v21, v33;
	v27 =	vld [tilespmem:s0+$0xC620];
	v34 =	vmul.f32 v34, v31;
	v24 =	vadd.f32 v36, v24;
	[tilespmem:s0+$0xA30] =	vst v26  }
0x2b4: {  	v20 =	vmul.f32 v20, v33;
	v26 =	vld [tilespmem:s0+$0xC610];
	v32 =	vmul.f32 v32, v31;
	v23 =	vadd.f32 v35, v23;
	[tilespmem:s0+$0xA20] =	vst v25  }
0x2b5: {  	v19 =	vmul.f32 v19, v33;
	v25 =	vld [tilespmem:s0+$0xC600];
	v30 =	vmul.f32 v30, v31;
	v22 =	vadd.f32 v34, v22;
	[tilespmem:s0+$0xA10] =	vst v24  }
0x2b6: {  	v18 =	vmul.f32 v18, v33;
	v24 =	vld [tilespmem:s0+$0xC270];
	v29 =	vmul.f32 v29, v31;
	v21 =	vadd.f32 v32, v21;
	[tilespmem:s0+$0xA00] =	vst v23  }
0x2b7: {  	v17 =	vmul.f32 v17, v33;
	v23 =	vld [tilespmem:s0+$0xC260];
	v28 =	vmul.f32 v28, v31;
	v20 =	vadd.f32 v30, v20;
	[tilespmem:s0+$0x670] =	vst v22  }
0x2b8: {  	v16 =	vmul.f32 v16, v33;
	v22 =	vmul.f32 v27, v31;
	v19 =	vadd.f32 v29, v19;
	[tilespmem:s0+$0x660] =	vst v21;
	v21 =	vld [tilespmem:s0+$0xD640]  }
0x2b9: {  	v15 =	vmul.f32 v15, v33;
	v26 =	vmul.f32 v26, v31;
	v18 =	vadd.f32 v28, v18;
	[tilespmem:s0+$0x650] =	vst v20;
	v20 =	vld [tilespmem:s0+$0xD650]  }
0x2ba: {  	v14 =	vmul.f32 v14, v33;
	v25 =	vmul.f32 v25, v31;
	v17 =	vadd.f32 v22, v17;
	[tilespmem:s0+$0x640] =	vst v19;
	v19 =	vld [tilespmem:s0+$0xD660]  }
0x2bb: {  	v13 =	vmul.f32 v13, v33;
	v22 =	vmul.f32 v24, v31;
	v16 =	vadd.f32 v26, v16;
	[tilespmem:s0+$0x630] =	vst v18;
	v18 =	vld [tilespmem:s0+$0xD670]  }
0x2bc: {  	v12 =	vmul.f32 v12, v33;
	v23 =	vmul.f32 v23, v31;
	v15 =	vadd.f32 v25, v15;
	[tilespmem:s0+$0x620] =	vst v17;
	v17 =	vld [tilespmem:s0+$0x1640]  }
0x2bd: {  	v10 =	vmul.f32 v10, v33;
	v11 =	vmul.f32 v11, v31;
	v14 =	vadd.f32 v22, v14;
	[tilespmem:s0+$0x610] =	vst v16;
	v16 =	vld [tilespmem:s0+$0x1650]  }
0x2be: {  	v8 =	vmul.f32 v8, v33;
	v9 =	vmul.f32 v9, v31;
	v13 =	vadd.f32 v23, v13;
	[tilespmem:s0+$0x600] =	vst v15;
	v15 =	vld [tilespmem:s0+$0x1660]  }
0x2bf: {  	v6 =	vmul.f32 v6, v33;
	v7 =	vmul.f32 v7, v31;
	v11 =	vadd.f32 v11, v12;
	[tilespmem:s0+$0x270] =	vst v14;
	v12 =	vld [tilespmem:s0+$0x1670]  }
0x2c0: {  	v3 =	vmul.f32 v3, v33;
	v5 =	vmul.f32 v5, v31;
	v9 =	vadd.f32 v9, v10;
	v14 =	vld [tilespmem:s0+$0x200];
	[tilespmem:s0+$0x260] =	vst v13  }
0x2c1: {  	v4 =	vmul.f32 v4, v31;
	v7 =	vadd.f32 v7, v8;
	v10 =	vld [tilespmem:s0+$0xC200];
	[tilespmem:s0+$0x250] =	vst v11;
	v8 =	vmul.f32 v17, v33  }
0x2c2: {  	s15 =	sshrl.u32 s13, $0x3;
	v5 =	vadd.f32 v5, v6;
	v6 =	vmul.f32 v21, v31;
	[tilespmem:s0+$0x240] =	vst v9;
	v9 =	vmul.f32 v16, v33  }
0x2c3: {  	s1 =	sadd.s32 $0x80, s1;
	s15 =	smul.u32 $0x1800, s15;
	v3 =	vadd.f32 v4, v3;
	v4 =	vmul.f32 v20, v31;
	[tilespmem:s0+$0x230] =	vst v7;
	v7 =	vmul.f32 v15, v33  }
0x2c4: {  	s16 =	sand.u32 $0x380, s1;
	[tilespmem:s0+$0x220] =	vst v5;
	v5 =	vadd.f32 v6, v8;
	v6 =	vmul.f32 v19, v31;
	v8 =	vmul.f32 v12, v33  }
0x2c5: {  	s15 =	sor.u32 s16, s15;
	v9 =	vadd.f32 v4, v9;
	v12 =	vmul.f32 v18, v31;
	v11 =	vmul.f32 v14, v33;
	[tilespmem:s0+$0x210] =	vst v3  }
0x2c6: {  	v3 =	vld [tilespmem:s15+$0x210];
	v10 =	vmul.f32 v10, v31;
	[tilespmem:s0+$0x1640] =	vst v5;
	v5 =	vadd.f32 v6, v7  }
0x2c7: {  	v7 =	vadd.f32 v12, v8;
	v4 =	vld [tilespmem:s15+$0xC210];
	[tilespmem:s0+$0x1650] =	vst v9  }
0x2c8: {  	v6 =	vld [tilespmem:s15+$0x220];
	v9 =	vadd.f32 v10, v11;
	[tilespmem:s0+$0x1660] =	vst v5  }
0x2c9: {  	v5 =	vld [tilespmem:s15+$0xC220];
	[tilespmem:s0+$0x1670] =	vst v7  }
0x2ca: {  	v8 =	vld [tilespmem:s15+$0x230];
	[tilespmem:s0+$0x200] =	vst v9;
	s0 =	smov.u32 s15  }
0x2cb: {  	v7 =	vld [tilespmem:s0+$0xC230]  }
0x2cc: {  	v10 =	vld [tilespmem:s0+$0x240]  }
0x2cd: {  	v9 =	vld [tilespmem:s0+$0xC240]  }
0x2ce: {  	v12 =	vld [tilespmem:s0+$0x250]  }
0x2cf: {  	v11 =	vld [tilespmem:s0+$0xC250]  }
0x2d0: {  	v13 =	vld [tilespmem:s0+$0x260]  }
0x2d1: {  	v14 =	vld [tilespmem:s0+$0x270]  }
0x2d2: {  	v15 =	vld [tilespmem:s0+$0x600]  }
0x2d3: {  	v16 =	vld [tilespmem:s0+$0x610]  }
0x2d4: {  	v17 =	vld [tilespmem:s0+$0x620]  }
0x2d5: {  	v18 =	vld [tilespmem:s0+$0x630]  }
0x2d6: {  	v19 =	vld [tilespmem:s0+$0x640]  }
0x2d7: {  	v20 =	vld [tilespmem:s0+$0x650]  }
0x2d8: {  	v21 =	vld [tilespmem:s0+$0x660]  }
0x2d9: {  	v22 =	vld [tilespmem:s0+$0x670]  }
0x2da: {  	v23 =	vld [tilespmem:s0+$0xA00]  }
0x2db: {  	v24 =	vld [tilespmem:s0+$0xA10]  }
0x2dc: {  	v25 =	vld [tilespmem:s0+$0xA20]  }
0x2dd: {  	v26 =	vld [tilespmem:s0+$0xA30]  }
0x2de: {  	v27 =	vld [tilespmem:s0+$0xA40]  }
0x2df: {  	v28 =	vld [tilespmem:s0+$0xA50]  }
0x2e0: {  	v29 =	vld [tilespmem:s0+$0xA60]  }
0x2e1: {  	v30 =	vld [tilespmem:s0+$0xA70]  }
0x2e2: {  	v32 =	vld [tilespmem:s0+$0xE00]  }
0x2e3: {  	v34 =	vld [tilespmem:s0+$0xE10]  }
0x2e4: {  	v35 =	vld [tilespmem:s0+$0xE20]  }
0x2e5: {  	v36 =	vld [tilespmem:s0+$0xE30]  }
0x2e6: {  	v37 =	vld [tilespmem:s0+$0xE40]  }
0x2e7: {  	v38 =	vld [tilespmem:s0+$0xE50]  }
0x2e8: {  	v39 =	vld [tilespmem:s0+$0xE60]  }
0x2e9: {  	v40 =	vld [tilespmem:s0+$0xE70]  }
0x2ea: {  	v41 =	vld [tilespmem:s0+$0x1200]  }
0x2eb: {  	v42 =	vld [tilespmem:s0+$0x1210]  }
0x2ec: {  	v43 =	vld [tilespmem:s0+$0x1220]  }
0x2ed: {  	v44 =	vld [tilespmem:s0+$0x1230]  }
0x2ee: {  	v45 =	vld [tilespmem:s0+$0x1240]  }
0x2ef: {  	v46 =	vld [tilespmem:s0+$0x1250]  }
.Ltmp1:
0x2f0: {  	v47 =	vld [tilespmem:s0+$0x1260];
	(pc) =	sbr.rel @p0 .LBB2_4-.Ltmp1, $4  }
0x2f1: {  	v48 =	vld [tilespmem:s0+$0x1600]  }
0x2f2: {  	v50 =	vld [tilespmem:s0+$0x1610]  }
0x2f3: {  	v49 =	vld [tilespmem:s0+$0xD610]  }
0x2f4: {  	s13 =	sadd.s32 $0x1, s13;
	v51 =	vld [tilespmem:s0+$0xD630]  }
0x2f5: {  	v52 =	vld [tilespmem:s0+$0x1620]  }
0x2f6: {  	s1 =	sadd.s32 $0x1, s30;
	v53 =	vld [tilespmem:s0+$0x1630]  }
0x2f7: {  	s31 =	sadd.s32 $0x1, s31;
	v31 =	vld.msk [tilespmem:s1+$0x0 ss:$0x0], $0xffff  }
0x2f8: {  	v33 =	vld.msk [tilespmem:s31+$0x0 ss:$0x0], $0xffff  }
0x2f9: {  	v54 =	vld [tilespmem:s0+$0xD620];
	_ =	sdelay $0x1  }
0x2fa: {  	v55 =	vld [tilespmem:s0+$0xD600]  }
0x2fb: {  	v56 =	vld [tilespmem:s0+$0x1270]  }
0x2fc: {  	v58 =	vld [tilespmem:s0+$0xD260];
	v53 =	vmul.f32 v53, v31;
	v51 =	vmul.f32 v51, v33  }
0x2fd: {  	v57 =	vld [tilespmem:s0+$0xD270];
	v52 =	vmul.f32 v52, v31;
	v54 =	vmul.f32 v54, v33  }
0x2fe: {  	v59 =	vld [tilespmem:s0+$0xD250];
	v50 =	vmul.f32 v50, v31;
	v49 =	vmul.f32 v49, v33  }
0x2ff: {  	v60 =	vld [tilespmem:s0+$0xD240];
	v48 =	vmul.f32 v48, v31;
	v62 =	vmul.f32 v55, v33;
	v51 =	vadd.f32 v51, v53  }
0x300: {  	v61 =	vld [tilespmem:s0+$0xD220];
	v63 =	vmul.f32 v56, v31;
	v47 =	vmul.f32 v47, v31;
	v52 =	vadd.f32 v54, v52  }
0x301: {  	v58 =	vmul.f32 v58, v33;
	v55 =	vld [tilespmem:s0+$0xC660];
	v12 =	vmul.f32 v12, v31;
	v49 =	vadd.f32 v49, v50;
	[tilespmem:s0+$0x1630] =	vst v51  }
0x302: {  	v56 =	vld [tilespmem:s0+$0xC650];
	v11 =	vmul.f32 v11, v33;
	v10 =	vmul.f32 v10, v31;
	v48 =	vadd.f32 v62, v48;
	[tilespmem:s0+$0x1620] =	vst v52  }
0x303: {  	v9 =	vmul.f32 v9, v33;
	v8 =	vmul.f32 v8, v31;
	v53 =	vld [tilespmem:s0+$0xD230];
	v47 =	vadd.f32 v58, v47;
	[tilespmem:s0+$0x1610] =	vst v49  }
0x304: {  	v7 =	vmul.f32 v7, v33;
	v6 =	vmul.f32 v6, v31;
	v50 =	vld [tilespmem:s0+$0xD200];
	v11 =	vadd.f32 v11, v12;
	[tilespmem:s0+$0x1600] =	vst v48  }
0x305: {  	v5 =	vmul.f32 v5, v33;
	v3 =	vmul.f32 v3, v31;
	v58 =	vld [tilespmem:s0+$0xCE20];
	v9 =	vadd.f32 v9, v10;
	[tilespmem:s0+$0x1260] =	vst v47  }
0x306: {  	v4 =	vmul.f32 v4, v33;
	v62 =	vmul.f32 v59, v33;
	v59 =	vld [tilespmem:s0+$0xCE10];
	v7 =	vadd.f32 v7, v8;
	[tilespmem:s0+$0x250] =	vst v11  }
0x307: {  	v57 =	vmul.f32 v57, v33;
	v54 =	vld [tilespmem:s0+$0xC670];
	v5 =	vadd.f32 v5, v6;
	[tilespmem:s0+$0x240] =	vst v9  }
0x308: {  	v46 =	vmul.f32 v46, v31;
	v3 =	vadd.f32 v4, v3;
	v51 =	vld [tilespmem:s0+$0xD210];
	[tilespmem:s0+$0x230] =	vst v7  }
0x309: {  	v45 =	vmul.f32 v45, v31;
	v49 =	vld [tilespmem:s0+$0xCE70];
	v52 =	vadd.f32 v57, v63;
	v63 =	vmul.f32 v60, v33;
	[tilespmem:s0+$0x220] =	vst v5  }
0x30a: {  	v43 =	vmul.f32 v43, v31;
	v48 =	vld [tilespmem:s0+$0xCE60];
	v46 =	vadd.f32 v62, v46;
	v57 =	vmul.f32 v61, v33;
	[tilespmem:s0+$0x210] =	vst v3  }
0x30b: {  	v44 =	vmul.f32 v44, v31;
	v47 =	vld [tilespmem:s0+$0xCE40];
	[tilespmem:s0+$0x1270] =	vst v52;
	v45 =	vadd.f32 v63, v45;
	v53 =	vmul.f32 v53, v33  }
0x30c: {  	v41 =	vmul.f32 v41, v31;
	v60 =	vld [tilespmem:s0+$0xCE00];
	[tilespmem:s0+$0x1250] =	vst v46;
	v43 =	vadd.f32 v57, v43;
	v50 =	vmul.f32 v50, v33  }
0x30d: {  	v35 =	vmul.f32 v35, v31;
	v61 =	vld [tilespmem:s0+$0xCA70];
	[tilespmem:s0+$0x1240] =	vst v45;
	v45 =	vmul.f32 v58, v33;
	v44 =	vadd.f32 v53, v44  }
0x30e: {  	v42 =	vmul.f32 v42, v31;
	v52 =	vld [tilespmem:s0+$0xCE50];
	[tilespmem:s0+$0x1220] =	vst v43;
	v51 =	vmul.f32 v51, v33;
	v41 =	vadd.f32 v50, v41  }
0x30f: {  	v40 =	vmul.f32 v40, v31;
	v46 =	vld [tilespmem:s0+$0xCE30];
	v49 =	vmul.f32 v49, v33;
	v35 =	vadd.f32 v45, v35;
	[tilespmem:s0+$0x1230] =	vst v44  }
0x310: {  	v39 =	vmul.f32 v39, v31;
	v62 =	vld [tilespmem:s0+$0xCA60];
	v48 =	vmul.f32 v48, v33;
	v42 =	vadd.f32 v51, v42;
	[tilespmem:s0+$0x1200] =	vst v41  }
0x311: {  	v37 =	vmul.f32 v37, v31;
	v57 =	vld [tilespmem:s0+$0xC640];
	v47 =	vmul.f32 v47, v33;
	v40 =	vadd.f32 v49, v40;
	[tilespmem:s0+$0xE20] =	vst v35  }
0x312: {  	v32 =	vmul.f32 v32, v31;
	v58 =	vld [tilespmem:s0+$0xC630];
	v43 =	vmul.f32 v60, v33;
	v39 =	vadd.f32 v48, v39;
	[tilespmem:s0+$0x1210] =	vst v42  }
0x313: {  	v38 =	vmul.f32 v38, v31;
	v50 =	vld [tilespmem:s0+$0xCA30];
	v63 =	vmul.f32 v52, v33;
	v37 =	vadd.f32 v47, v37;
	[tilespmem:s0+$0xE70] =	vst v40  }
0x314: {  	v36 =	vmul.f32 v36, v31;
	v53 =	vld [tilespmem:s0+$0xCA00];
	v46 =	vmul.f32 v46, v33;
	v32 =	vadd.f32 v43, v32;
	[tilespmem:s0+$0xE60] =	vst v39  }
0x315: {  	v34 =	vmul.f32 v34, v31;
	v60 =	vld [tilespmem:s0+$0xC610];
	v44 =	vmul.f32 v59, v33;
	v38 =	vadd.f32 v63, v38;
	[tilespmem:s0+$0xE40] =	vst v37  }
0x316: {  	v29 =	vmul.f32 v29, v31;
	v45 =	vld [tilespmem:s0+$0x1640];
	v41 =	vmul.f32 v62, v33;
	v36 =	vadd.f32 v46, v36;
	[tilespmem:s0+$0xE00] =	vst v32  }
0x317: {  	v21 =	vmul.f32 v21, v31;
	v48 =	vld [tilespmem:s0+$0xCA50];
	v62 =	vmul.f32 v55, v33;
	v34 =	vadd.f32 v44, v34;
	[tilespmem:s0+$0xE50] =	vst v38  }
0x318: {  	v30 =	vmul.f32 v30, v31;
	v49 =	vld [tilespmem:s0+$0xCA40];
	v42 =	vmul.f32 v61, v33;
	v29 =	vadd.f32 v41, v29;
	[tilespmem:s0+$0xE30] =	vst v36  }
0x319: {  	v23 =	vmul.f32 v23, v31;
	v51 =	vld [tilespmem:s0+$0xCA20];
	v21 =	vadd.f32 v62, v21;
	v35 =	vmul.f32 v53, v33;
	[tilespmem:s0+$0xE10] =	vst v34  }
0x31a: {  	v16 =	vmul.f32 v16, v31;
	v52 =	vld [tilespmem:s0+$0xCA10];
	v41 =	vmul.f32 v60, v33;
	v30 =	vadd.f32 v42, v30;
	[tilespmem:s0+$0xA60] =	vst v29  }
0x31b: {  	v26 =	vmul.f32 v26, v31;
	v59 =	vld [tilespmem:s0+$0xC620];
	v38 =	vmul.f32 v50, v33;
	[tilespmem:s0+$0x660] =	vst v21;
	v23 =	vadd.f32 v35, v23  }
0x31c: {  	v22 =	vmul.f32 v22, v31;
	v43 =	vld [tilespmem:s0+$0xD670];
	v34 =	vmul.f32 v54, v33;
	v16 =	vadd.f32 v41, v16;
	[tilespmem:s0+$0xA70] =	vst v30  }
0x31d: {  	v28 =	vmul.f32 v28, v31;
	v61 =	vld [tilespmem:s0+$0xC600];
	v40 =	vmul.f32 v48, v33;
	v26 =	vadd.f32 v38, v26;
	[tilespmem:s0+$0xA00] =	vst v23  }
0x31e: {  	v27 =	vmul.f32 v27, v31;
	v63 =	vld [tilespmem:s0+$0xC270];
	v39 =	vmul.f32 v49, v33;
	v22 =	vadd.f32 v34, v22;
	[tilespmem:s0+$0x610] =	vst v16  }
0x31f: {  	v25 =	vmul.f32 v25, v31;
	v46 =	vld [tilespmem:s0+$0x1650];
	v37 =	vmul.f32 v51, v33;
	v28 =	vadd.f32 v40, v28;
	[tilespmem:s0+$0xA30] =	vst v26  }
0x320: {  	v24 =	vmul.f32 v24, v31;
	v50 =	vld [tilespmem:s0+$0xC200];
	v36 =	vmul.f32 v52, v33;
	v27 =	vadd.f32 v39, v27;
	[tilespmem:s0+$0x670] =	vst v22  }
0x321: {  	v19 =	vmul.f32 v19, v31;
	v35 =	vmul.f32 v57, v33;
	v48 =	vld [tilespmem:s0+$0x1660];
	v25 =	vadd.f32 v37, v25;
	[tilespmem:s0+$0xA50] =	vst v28  }
0x322: {  	v20 =	vmul.f32 v20, v31;
	v51 =	vld [tilespmem:s0+$0x200];
	v30 =	vmul.f32 v56, v33;
	v24 =	vadd.f32 v36, v24;
	[tilespmem:s0+$0xA40] =	vst v27  }
0x323: {  	v18 =	vmul.f32 v18, v31;
	v34 =	vld [tilespmem:s0+$0xC260];
	v37 =	vmul.f32 v58, v33;
	v19 =	vadd.f32 v35, v19;
	[tilespmem:s0+$0xA20] =	vst v25  }
0x324: {  	v17 =	vmul.f32 v17, v31;
	v38 =	vld [tilespmem:s0+$0xD650];
	v39 =	vmul.f32 v59, v33;
	v20 =	vadd.f32 v30, v20;
	[tilespmem:s0+$0xA10] =	vst v24  }
0x325: {  	v15 =	vmul.f32 v15, v31;
	v36 =	vld [tilespmem:s0+$0xD640];
	v42 =	vmul.f32 v61, v33;
	v18 =	vadd.f32 v37, v18;
	[tilespmem:s0+$0x640] =	vst v19  }
0x326: {  	v14 =	vmul.f32 v14, v31;
	v40 =	vld [tilespmem:s0+$0xD660];
	v44 =	vmul.f32 v63, v33;
	v17 =	vadd.f32 v39, v17;
	[tilespmem:s0+$0x650] =	vst v20  }
0x327: {  	v49 =	vld [tilespmem:s0+$0x1670];
	v15 =	vadd.f32 v42, v15;
	v10 =	vmul.f32 v50, v33;
	v61 =	vmul.f32 v51, v31;
	[tilespmem:s0+$0x630] =	vst v18  }
0x328: {  	v13 =	vmul.f32 v13, v31;
	v14 =	vadd.f32 v44, v14;
	[tilespmem:s0+$0x620] =	vst v17;
	v47 =	vmul.f32 v34, v33  }
0x329: {  	v54 =	vmul.f32 v46, v31;
	[tilespmem:s0+$0x600] =	vst v15;
	v55 =	vmul.f32 v38, v33;
	v63 =	vadd.f32 v10, v61  }
0x32a: {  	v52 =	vmul.f32 v45, v31;
	[tilespmem:s0+$0x270] =	vst v14;
	v53 =	vmul.f32 v36, v33;
	v13 =	vadd.f32 v47, v13  }
0x32b: {  	v56 =	vmul.f32 v48, v31;
	v58 =	vmul.f32 v40, v33;
	v3 =	vadd.f32 v55, v54;
	[tilespmem:s0+$0x200] =	vst v63  }
0x32c: {  	v60 =	vmul.f32 v43, v33;
	v59 =	vmul.f32 v49, v31;
	v57 =	vadd.f32 v53, v52;
	[tilespmem:s0+$0x260] =	vst v13  }
0x32d: {  	v62 =	vadd.f32 v58, v56;
	[tilespmem:s0+$0x1650] =	vst v3  }
0x32e: {  	s29 =	sadd.s32 $0x1, s29;
	v3 =	vadd.f32 v60, v59;
	[tilespmem:s0+$0x1640] =	vst v57  }
0x32f: {  	p0 =	sne.s32 s29, s11;
	[tilespmem:s0+$0x1660] =	vst v62  }
.Ltmp2:
0x330: {  	[tilespmem:s0+$0x1670] =	vst v3;
	(pc) =	sbr.rel @p0 .LBB2_1-.Ltmp2, $4  }
0x331: {  	[hbm4b:s10+s2] =	stream.linear.scatter [tilespmem:s14], [sflag:$0x5], $0xC000, $0x38;
	[tilespmem:$0x18200] =	vst v63  }
0x332: {  	_ =	swait.ge [sflag:s12], $0xC000  }
0x333: {  	[sflag:s12] =	ssyncset.done $0x0  }
0x334: {  	[sflag:s12] =	ssyncadd.s32 $0xFFFF4000  }
0x335: {  	_ =	sfence.sel $0x180000  }
0x336: {  	[bflag:$0x0] =	sbarrier.arrive $0xFFFF  }
0x337: {  	_ =	strace $0x9000004A  }
0x338: {  	s0 =	stileid.u32;
	[bflag:$0x2] =	sbarrier.arrive $0xFFFF  }
0x339: {  	p0 =	sne.s32 s0, $0x0;
	s0 =	rddreg [dreg:$0x2]  }
0x33a: {  	s0 =	sadd.s32 @!p0 $0x100000, s0  }
0x33b: {  	[sflag:s0] =	ssyncadd.tile.s32 @!p0 $0x1;
	_ =	shalt  }
.Lfunc_end2:
_tile_overlayer_lowered:
.L_overlay_start_2:
0x33c: {  	(tag) =	ssettag $0x2  }
0x33d: {  	s0 =	rddreg [dreg:$0x0];
	s2 =	stileid.u32  }
0x33e: {  	s1 =	rddreg [dreg:$0x1];
	p0 =	sne.s32 s2, $0x0  }
0x33f: {  	s3 =	rddreg [dreg:$0x2];
	[bflag:$0x3] =	sbarrier.arrive $0xFFFF;
	s2 =	simm.s32 @!p0 $0x1C05  }
0x340: {  	[timem:s3], [sflag:s2] =	dma.local @!p0 [hbm:s0], s1  }
0x341: {  	s0 =	simm.s32 @!p0 $0x5  }
0x342: {  	_ =	swait.ge @!p0 [sflag:s0], s1  }
0x343: {  	s1 =	ssub.s32 @!p0 $0x0, s1;
	[sflag:s0] =	ssyncset.done @!p0 $0x0  }
0x344: {  	[sflag:s0] =	ssyncadd.s32 @!p0 s1  }
0x345: {  	[bflag:$0x3] =	sbarrier.arrive $0xFFFF  }
0x346: {  	_ =	shalt  }

</sc_bundles>
